<compile_context>
chip_gen: v7x
topology: tpu7x:2x2x1
jax: 0.10.2.dev20260603
libtpu: 0.0.44.dev20260713+nightly
codegen_flags: <defaults>
</compile_context>

<pallas_src>
import functools

import jax
import jax.numpy as jnp
from jax import lax
from jax.experimental import pallas as pl
from jax.experimental.pallas import tpu as pltpu
from jax.experimental.pallas import tpu_sc as plsc

NUM_ROWS = 400
EMB = 32
FEAT = 16
OUT_D = 78
OUT_P = 128
LANES = 16

NC = 2
NS = 16
NW = NC * NS

CHUNK = 320
SOFF = CHUNK + 8


def _sc_embed(x_flat, w_flat, *, num_tokens):
    tok_per_w = num_tokens // NW
    n_chunks = tok_per_w // CHUNK
    assert n_chunks % 2 == 0

    mesh = plsc.VectorSubcoreMesh(core_axis_name="c", subcore_axis_name="s")

    @functools.partial(
        pl.kernel,
        out_type=jax.ShapeDtypeStruct((num_tokens * OUT_P,), jnp.float32),
        mesh=mesh,
        scratch_types=[
            pltpu.VMEM((NUM_ROWS * EMB,), jnp.float32),
            pltpu.VMEM((CHUNK * FEAT,), jnp.float32),
            pltpu.VMEM((CHUNK * FEAT,), jnp.float32),
            pltpu.VMEM((2 * CHUNK + 8,), jnp.float32),
            pltpu.VMEM((CHUNK * OUT_P,), jnp.float32),
            pltpu.VMEM((CHUNK * OUT_P,), jnp.float32),
            pltpu.SemaphoreType.DMA,
            pltpu.SemaphoreType.DMA,
            pltpu.SemaphoreType.DMA,
            pltpu.SemaphoreType.DMA,
        ],
        compiler_params=pltpu.CompilerParams(
            needs_layout_passes=False, disable_bounds_checks=True
        ),
    )
    def k(x_hbm, w_hbm, out_hbm, w_v, xraw0, xraw1, stg_v, out0, out1,
          isem0, isem1, osem0, osem1):
        wid = lax.axis_index("s") * NC + lax.axis_index("c")
        base_tok = wid * tok_per_w
        iota = lax.iota(jnp.int32, LANES)

        pltpu.sync_copy(w_hbm, w_v)

        opmap = jnp.where(iota < 8, iota + (EMB - 1), iota + (2 * EMB - 2))
        smask = (iota == 0) | (iota == 8)
        pmask = ~smask
        smap = jnp.where(iota == 8, SOFF, 0)

        def x_window(ci):
            return x_hbm.at[pl.ds((base_tok + ci * CHUNK) * FEAT, CHUNK * FEAT)]

        def out_window(ci):
            return out_hbm.at[pl.ds((base_tok + ci * CHUNK) * OUT_P, CHUNK * OUT_P)]

        def compute(xraw, out_v):
            @plsc.parallel_loop(0, CHUNK, step=4)
            def tok_body(ti):
                for u in range(4):
                    t = ti + u
                    v = xraw[pl.ds(t * FEAT, LANES)]
                    plsc.store_scatter(out_v, [opmap + t * OUT_P], v, mask=pmask)
                    plsc.store_scatter(stg_v, [smap + t], v, mask=smask)

            @plsc.parallel_loop(0, CHUNK // LANES, step=1)
            def group_body(g):
                tvec = iota + g * LANES
                obase = tvec * OUT_P

                fa = stg_v[pl.ds(g * LANES, LANES)]
                fo = stg_v[pl.ds(SOFF + g * LANES, LANES)]
                ia = jnp.clip(fa, 0.0, float(NUM_ROWS - 1)).astype(jnp.int32)
                io = jnp.clip(fo, 0.0, float(NUM_ROWS - 1)).astype(jnp.int32)
                pa = ia * EMB
                po = io * EMB
                ob_o = obase + (EMB + 7)

                for c in range(EMB):
                    cd = (iota + c) & (EMB - 1)
                    va = plsc.load_gather(w_v, [pa + cd])
                    plsc.store_scatter(out_v, [obase + cd], va)
                    vo = plsc.load_gather(w_v, [po + cd])
                    plsc.store_scatter(out_v, [ob_o + cd], vo)

        def step(ci, j, xraw_cur, xraw_nxt, isem_cur, isem_nxt, out_v, osem):
            @pl.when(ci + 1 < n_chunks)
            def _():
                pltpu.async_copy(x_window(ci + 1), xraw_nxt, isem_nxt)

            pltpu.make_async_copy(x_window(ci), xraw_cur, isem_cur).wait()

            @pl.when(j >= 1)
            def _():
                pltpu.make_async_copy(out_v, out_window(ci - 2), osem).wait()

            compute(xraw_cur, out_v)
            pltpu.async_copy(out_v, out_window(ci), osem)

        pltpu.async_copy(x_window(0), xraw0, isem0)

        def pair_body(j, _):
            step(2 * j, j, xraw0, xraw1, isem0, isem1, out0, osem0)
            step(2 * j + 1, j, xraw1, xraw0, isem1, isem0, out1, osem1)
            return 0

        lax.fori_loop(0, n_chunks // 2, pair_body, 0)
        pltpu.make_async_copy(out0, out_window(n_chunks - 2), osem0).wait()
        pltpu.make_async_copy(out1, out_window(n_chunks - 1), osem1).wait()

    return k(x_flat, w_flat)


def kernel(x, W):
    b, t, f = x.shape
    num_tokens = b * t
    out_flat = _sc_embed(x.reshape(-1), W.reshape(-1), num_tokens=num_tokens)
    return out_flat.reshape(num_tokens, OUT_P)[:, :OUT_D].reshape(b, t, OUT_D)

# --- scband reference (transcript-rebuilt; emitter-appended) ---
"""Pipeline reference for scband-observation-embedding-10110353015328 (READ-ONLY COPY).

The authoritative reference and input builder live on the scoring server;
editing this copy changes nothing except your own understanding.
"""

import jax, jax.numpy as jnp
import numpy as np

NUM_EMB = 400
EMB_DIM = 32

def setup_inputs(seed: int = 0) -> dict:
    key = jax.random.key(seed)
    k1, k2 = jax.random.split(key)
    x = jax.random.normal(k1, (16384, 200, 16), dtype=jnp.float32)
    # learned embedding table (torch inits to zero, but use small random for a nontrivial check)
    W = jax.random.normal(k2, (NUM_EMB, EMB_DIM), dtype=jnp.float32) * 0.02
    return {"x": x, "W": W}

def _embed(h, W):
    a = h[..., :1]
    s = h[..., 1:]
    idx = jnp.clip(a.astype(jnp.int32), 0, NUM_EMB - 1)
    actionstate = jnp.take(W, idx, axis=0)  # [..., 1, EMB_DIM]
    actionstate = jnp.squeeze(actionstate, axis=-2)  # [..., EMB_DIM]
    return jnp.concatenate([actionstate, s], axis=-1)

def reference(x, W):
    agent, opponent = jnp.split(x, 2, axis=-1)
    agent_e = _embed(agent, W)
    opponent_e = _embed(opponent, W)
    return jnp.concatenate([agent_e, opponent_e], axis=-1)

if __name__ == "__main__":
    import jax
    _d = setup_inputs()
    print(jax.jit(kernel)(*tuple(_d.values())))

</pallas_src>

<mosaic_0001>
#map = affine_map<(d0, d1) -> (0)>
module attributes {stable_mosaic.version = 14 : i64} {
  func.func @k(%arg0: i32, %arg1: i32, %arg2: memref<52428800xf32, #tpu.memory_space<hbm>>, %arg3: memref<12800xf32, #tpu.memory_space<hbm>>, %arg4: memref<419430400xf32, #tpu.memory_space<hbm>>, %arg5: memref<12800xf32, #tpu.memory_space<vmem>>, %arg6: memref<5120xf32, #tpu.memory_space<vmem>>, %arg7: memref<5120xf32, #tpu.memory_space<vmem>>, %arg8: memref<648xf32, #tpu.memory_space<vmem>>, %arg9: memref<40960xf32, #tpu.memory_space<vmem>>, %arg10: memref<40960xf32, #tpu.memory_space<vmem>>, %arg11: memref<!tpu.dma_semaphore, #tpu.memory_space<semaphore_mem>>, %arg12: memref<!tpu.dma_semaphore, #tpu.memory_space<semaphore_mem>>, %arg13: memref<!tpu.dma_semaphore, #tpu.memory_space<semaphore_mem>>, %arg14: memref<!tpu.dma_semaphore, #tpu.memory_space<semaphore_mem>>) attributes {dimension_semantics = [#tpu.dimension_semantics<core_parallel>, #tpu.dimension_semantics<subcore_parallel>], iteration_bounds = array<i64: 2, 16>, scalar_prefetch = 0 : i64, scratch_operands = 10 : i64, tpu.core_type = #tpu.core_type<sc_vector_subcore>, window_params = [{transform_indices = #map}, {transform_indices = #map}, {transform_indices = #map}]} {
    %mul3A = arith.constant 2 : i32
    %mul3A_0 = arith.muli %arg1, %mul3A : i32
    %add3A = arith.addi %mul3A_0, %arg0 : i32
    %mul3A_1 = arith.constant 102400 : i32
    %mul3A_2 = arith.muli %add3A, %mul3A_1 : i32
    %iota3A = tpu.iota {dimensions = array<i32: 0>} : vector<16xi32>
    "tpu.region"() ({
      %run_scoped3A = tpu.sem_alloc : memref<!tpu.dma_semaphore, #tpu.memory_space<semaphore_mem>>
      tpu.enqueue_dma source(%arg3 : memref<12800xf32, #tpu.memory_space<hbm>>) target(%arg5 : memref<12800xf32, #tpu.memory_space<vmem>>) target_semaphore(%run_scoped3A : memref<!tpu.dma_semaphore, #tpu.memory_space<semaphore_mem>>)
      tpu.wait_dma2 semaphore(%run_scoped3A : memref<!tpu.dma_semaphore, #tpu.memory_space<semaphore_mem>>) src(%arg3 : memref<12800xf32, #tpu.memory_space<hbm>>) dst(%arg5 : memref<12800xf32, #tpu.memory_space<vmem>>)
      tpu.yield
    }) : () -> ()
    %lt3A = arith.constant 8 : i32
    %lt3A_3 = vector.broadcast %lt3A : i32 to vector<16xi32>
    %lt3A_4 = arith.cmpi slt, %iota3A, %lt3A_3 : vector<16xi32>
    %add3A_5 = arith.constant 31 : i32
    %add3A_6 = vector.broadcast %add3A_5 : i32 to vector<16xi32>
    %add3A_7 = arith.addi %iota3A, %add3A_6 : vector<16xi32>
    %add3A_8 = arith.constant 62 : i32
    %add3A_9 = vector.broadcast %add3A_8 : i32 to vector<16xi32>
    %add3A_10 = arith.addi %iota3A, %add3A_9 : vector<16xi32>
    %select_n3A = arith.select %lt3A_4, %add3A_7, %add3A_10 : vector<16xi1>, vector<16xi32>
    %eq3A = arith.constant 0 : i32
    %eq3A_11 = vector.broadcast %eq3A : i32 to vector<16xi32>
    %eq3A_12 = arith.cmpi eq, %iota3A, %eq3A_11 : vector<16xi32>
    %eq3A_13 = arith.constant 8 : i32
    %eq3A_14 = vector.broadcast %eq3A_13 : i32 to vector<16xi32>
    %eq3A_15 = arith.cmpi eq, %iota3A, %eq3A_14 : vector<16xi32>
    %or3A = arith.ori %eq3A_12, %eq3A_15 : vector<16xi1>
    %not3A = arith.constant dense<true> : vector<16xi1>
    %not3A_16 = arith.xori %or3A, %not3A : vector<16xi1>
    %eq3A_17 = arith.constant 8 : i32
    %eq3A_18 = vector.broadcast %eq3A_17 : i32 to vector<16xi32>
    %eq3A_19 = arith.cmpi eq, %iota3A, %eq3A_18 : vector<16xi32>
    %jit3A = arith.constant 328 : i32
    %jit3A_20 = arith.constant 0 : i32
    %broadcast_in_dim3A = vector.broadcast %jit3A : i32 to vector<16xi32>
    %broadcast_in_dim3A_21 = vector.broadcast %jit3A_20 : i32 to vector<16xi32>
    %select_n3A_22 = arith.select %eq3A_19, %broadcast_in_dim3A, %broadcast_in_dim3A_21 : vector<16xi1>, vector<16xi32>
    %add3A_23 = arith.constant 0 : i32
    %add3A_24 = arith.addi %mul3A_2, %add3A_23 : i32
    %mul3A_25 = arith.constant 16 : i32
    %mul3A_26 = arith.muli %add3A_24, %mul3A_25 : i32
    %dma_start3A = tpu.memref_slice %arg2[%mul3A_26] : memref<52428800xf32, #tpu.memory_space<hbm>> -> memref<5120xf32, #tpu.memory_space<hbm>>
    %dma_start3A_27 = tpu.memref_slice %arg2[%mul3A_26] : memref<52428800xf32, #tpu.memory_space<hbm>> -> memref<5120xf32, #tpu.memory_space<hbm>>
    tpu.enqueue_dma source(%dma_start3A_27 : memref<5120xf32, #tpu.memory_space<hbm>>) target(%arg6 : memref<5120xf32, #tpu.memory_space<vmem>>) target_semaphore(%arg11 : memref<!tpu.dma_semaphore, #tpu.memory_space<semaphore_mem>>)
    %scan3A = arith.constant 0 : i32
    %scan3A_28 = arith.constant 0 : i32
    %scan3A_29 = arith.constant 160 : i32
    %scan3A_30 = arith.addi %scan3A_28, %scan3A_29 : i32
    %scan3A_31 = arith.constant 1 : i32
    %scan3A_32 = scf.for %scan3A_45 = %scan3A_28 to %scan3A_30 step %scan3A_31 iter_args(%scan3A_46 = %scan3A) -> (i32)  : i32 {
      %mul3A_47 = arith.constant 2 : i32
      %mul3A_48 = arith.muli %mul3A_47, %scan3A_45 : i32
      %add3A_49 = arith.constant 1 : i32
      %add3A_50 = arith.addi %mul3A_48, %add3A_49 : i32
      %lt3A_51 = arith.constant 320 : i32
      %lt3A_52 = arith.cmpi slt, %add3A_50, %lt3A_51 : i32
      %convert_element_type3A = arith.extui %lt3A_52 : i1 to i32
      %cond3A = arith.constant 0 : i32
      %cond3A_53 = arith.cmpi ne, %convert_element_type3A, %cond3A : i32
      scf.if %cond3A_53 {
        %add3A_114 = arith.constant 1 : i32
        %add3A_115 = arith.addi %mul3A_48, %add3A_114 : i32
        %mul3A_116 = arith.constant 320 : i32
        %mul3A_117 = arith.muli %add3A_115, %mul3A_116 : i32
        %add3A_118 = arith.addi %mul3A_2, %mul3A_117 : i32
        %mul3A_119 = arith.constant 16 : i32
        %mul3A_120 = arith.muli %add3A_118, %mul3A_119 : i32
        %dma_start3A_121 = tpu.memref_slice %arg2[%mul3A_120] : memref<52428800xf32, #tpu.memory_space<hbm>> -> memref<5120xf32, #tpu.memory_space<hbm>>
        %dma_start3A_122 = tpu.memref_slice %arg2[%mul3A_120] : memref<52428800xf32, #tpu.memory_space<hbm>> -> memref<5120xf32, #tpu.memory_space<hbm>>
        tpu.enqueue_dma source(%dma_start3A_122 : memref<5120xf32, #tpu.memory_space<hbm>>) target(%arg7 : memref<5120xf32, #tpu.memory_space<vmem>>) target_semaphore(%arg12 : memref<!tpu.dma_semaphore, #tpu.memory_space<semaphore_mem>>)
      } else {
      }
      %mul3A_54 = arith.constant 320 : i32
      %mul3A_55 = arith.muli %mul3A_48, %mul3A_54 : i32
      %add3A_56 = arith.addi %mul3A_2, %mul3A_55 : i32
      %mul3A_57 = arith.constant 16 : i32
      %mul3A_58 = arith.muli %add3A_56, %mul3A_57 : i32
      %dma_wait3A_59 = tpu.memref_slice %arg2[%mul3A_58] : memref<52428800xf32, #tpu.memory_space<hbm>> -> memref<5120xf32, #tpu.memory_space<hbm>>
      %dma_wait3A_60 = tpu.memref_slice %arg2[%mul3A_58] : memref<52428800xf32, #tpu.memory_space<hbm>> -> memref<5120xf32, #tpu.memory_space<hbm>>
      tpu.wait_dma2 semaphore(%arg11 : memref<!tpu.dma_semaphore, #tpu.memory_space<semaphore_mem>>) src(%dma_wait3A_60 : memref<5120xf32, #tpu.memory_space<hbm>>) dst(%arg6 : memref<5120xf32, #tpu.memory_space<vmem>>)
      %ge3A = arith.constant 1 : i32
      %ge3A_61 = arith.cmpi sge, %scan3A_45, %ge3A : i32
      %convert_element_type3A_62 = arith.extui %ge3A_61 : i1 to i32
      %cond3A_63 = arith.constant 0 : i32
      %cond3A_64 = arith.cmpi ne, %convert_element_type3A_62, %cond3A_63 : i32
      scf.if %cond3A_64 {
        %sub3A = arith.constant 2 : i32
        %sub3A_114 = arith.subi %mul3A_48, %sub3A : i32
        %mul3A_115 = arith.constant 320 : i32
        %mul3A_116 = arith.muli %sub3A_114, %mul3A_115 : i32
        %add3A_117 = arith.addi %mul3A_2, %mul3A_116 : i32
        %mul3A_118 = arith.constant 128 : i32
        %mul3A_119 = arith.muli %add3A_117, %mul3A_118 : i32
        %dma_wait3A_120 = tpu.memref_slice %arg4[%mul3A_119] : memref<419430400xf32, #tpu.memory_space<hbm>> -> memref<40960xf32, #tpu.memory_space<hbm>>
        %dma_wait3A_121 = tpu.memref_slice %arg4[%mul3A_119] : memref<419430400xf32, #tpu.memory_space<hbm>> -> memref<40960xf32, #tpu.memory_space<hbm>>
        tpu.wait_dma2 semaphore(%arg13 : memref<!tpu.dma_semaphore, #tpu.memory_space<semaphore_mem>>) src(%arg9 : memref<40960xf32, #tpu.memory_space<vmem>>) dst(%dma_wait3A_121 : memref<40960xf32, #tpu.memory_space<hbm>>)
      } else {
      }
      %parallel_loop3A = arith.constant 0 : i32
      %parallel_loop3A_65 = arith.constant 320 : i32
      %parallel_loop3A_66 = arith.constant 4 : i32
      scf.for %parallel_loop3A_114 = %parallel_loop3A to %parallel_loop3A_65 step %parallel_loop3A_66  : i32 {
        %parallel_loop3A_115 = arith.constant 0 : i32
        %parallel_loop3A_116 = arith.addi %parallel_loop3A_114, %parallel_loop3A_115 : i32
        %parallel_loop3A_117 = arith.constant 16 : i32
        %parallel_loop3A_118 = arith.muli %parallel_loop3A_116, %parallel_loop3A_117 : i32
        %parallel_loop3A_119 = arith.index_cast %parallel_loop3A_118 : i32 to index
        %parallel_loop3A_120 = tpu.vector_load %arg6[%parallel_loop3A_119] {strides = array<i32>} : memref<5120xf32, #tpu.memory_space<vmem>>, vector<16xf32>,
        %parallel_loop3A_121 = arith.constant 128 : i32
        %parallel_loop3A_122 = arith.muli %parallel_loop3A_116, %parallel_loop3A_121 : i32
        %parallel_loop3A_123 = vector.broadcast %parallel_loop3A_122 : i32 to vector<16xi32>
        %parallel_loop3A_124 = arith.addi %select_n3A, %parallel_loop3A_123 : vector<16xi32>
        tpu.vector_store_idx %arg9[%parallel_loop3A_124], %parallel_loop3A_120 masked %not3A_16 : memref<40960xf32, #tpu.memory_space<vmem>>[vector<16xi32>], vector<16xf32>, vector<16xi1>
        %parallel_loop3A_125 = vector.broadcast %parallel_loop3A_116 : i32 to vector<16xi32>
        %parallel_loop3A_126 = arith.addi %select_n3A_22, %parallel_loop3A_125 : vector<16xi32>
        tpu.vector_store_idx %arg8[%parallel_loop3A_126], %parallel_loop3A_120 masked %or3A : memref<648xf32, #tpu.memory_space<vmem>>[vector<16xi32>], vector<16xf32>, vector<16xi1>
        %parallel_loop3A_127 = arith.constant 1 : i32
        %parallel_loop3A_128 = arith.addi %parallel_loop3A_114, %parallel_loop3A_127 : i32
        %parallel_loop3A_129 = arith.constant 16 : i32
        %parallel_loop3A_130 = arith.muli %parallel_loop3A_128, %parallel_loop3A_129 : i32
        %parallel_loop3A_131 = arith.index_cast %parallel_loop3A_130 : i32 to index
        %parallel_loop3A_132 = tpu.vector_load %arg6[%parallel_loop3A_131] {strides = array<i32>} : memref<5120xf32, #tpu.memory_space<vmem>>, vector<16xf32>,
        %parallel_loop3A_133 = arith.constant 128 : i32
        %parallel_loop3A_134 = arith.muli %parallel_loop3A_128, %parallel_loop3A_133 : i32
        %parallel_loop3A_135 = vector.broadcast %parallel_loop3A_134 : i32 to vector<16xi32>
        %parallel_loop3A_136 = arith.addi %select_n3A, %parallel_loop3A_135 : vector<16xi32>
        tpu.vector_store_idx %arg9[%parallel_loop3A_136], %parallel_loop3A_132 masked %not3A_16 : memref<40960xf32, #tpu.memory_space<vmem>>[vector<16xi32>], vector<16xf32>, vector<16xi1>
        %parallel_loop3A_137 = vector.broadcast %parallel_loop3A_128 : i32 to vector<16xi32>
        %parallel_loop3A_138 = arith.addi %select_n3A_22, %parallel_loop3A_137 : vector<16xi32>
        tpu.vector_store_idx %arg8[%parallel_loop3A_138], %parallel_loop3A_132 masked %or3A : memref<648xf32, #tpu.memory_space<vmem>>[vector<16xi32>], vector<16xf32>, vector<16xi1>
        %parallel_loop3A_139 = arith.constant 2 : i32
        %parallel_loop3A_140 = arith.addi %parallel_loop3A_114, %parallel_loop3A_139 : i32
        %parallel_loop3A_141 = arith.constant 16 : i32
        %parallel_loop3A_142 = arith.muli %parallel_loop3A_140, %parallel_loop3A_141 : i32
        %parallel_loop3A_143 = arith.index_cast %parallel_loop3A_142 : i32 to index
        %parallel_loop3A_144 = tpu.vector_load %arg6[%parallel_loop3A_143] {strides = array<i32>} : memref<5120xf32, #tpu.memory_space<vmem>>, vector<16xf32>,
        %parallel_loop3A_145 = arith.constant 128 : i32
        %parallel_loop3A_146 = arith.muli %parallel_loop3A_140, %parallel_loop3A_145 : i32
        %parallel_loop3A_147 = vector.broadcast %parallel_loop3A_146 : i32 to vector<16xi32>
        %parallel_loop3A_148 = arith.addi %select_n3A, %parallel_loop3A_147 : vector<16xi32>
        tpu.vector_store_idx %arg9[%parallel_loop3A_148], %parallel_loop3A_144 masked %not3A_16 : memref<40960xf32, #tpu.memory_space<vmem>>[vector<16xi32>], vector<16xf32>, vector<16xi1>
        %parallel_loop3A_149 = vector.broadcast %parallel_loop3A_140 : i32 to vector<16xi32>
        %parallel_loop3A_150 = arith.addi %select_n3A_22, %parallel_loop3A_149 : vector<16xi32>
        tpu.vector_store_idx %arg8[%parallel_loop3A_150], %parallel_loop3A_144 masked %or3A : memref<648xf32, #tpu.memory_space<vmem>>[vector<16xi32>], vector<16xf32>, vector<16xi1>
        %parallel_loop3A_151 = arith.constant 3 : i32
        %parallel_loop3A_152 = arith.addi %parallel_loop3A_114, %parallel_loop3A_151 : i32
        %parallel_loop3A_153 = arith.constant 16 : i32
        %parallel_loop3A_154 = arith.muli %parallel_loop3A_152, %parallel_loop3A_153 : i32
        %parallel_loop3A_155 = arith.index_cast %parallel_loop3A_154 : i32 to index
        %parallel_loop3A_156 = tpu.vector_load %arg6[%parallel_loop3A_155] {strides = array<i32>} : memref<5120xf32, #tpu.memory_space<vmem>>, vector<16xf32>,
        %parallel_loop3A_157 = arith.constant 128 : i32
        %parallel_loop3A_158 = arith.muli %parallel_loop3A_152, %parallel_loop3A_157 : i32
        %parallel_loop3A_159 = vector.broadcast %parallel_loop3A_158 : i32 to vector<16xi32>
        %parallel_loop3A_160 = arith.addi %select_n3A, %parallel_loop3A_159 : vector<16xi32>
        tpu.vector_store_idx %arg9[%parallel_loop3A_160], %parallel_loop3A_156 masked %not3A_16 : memref<40960xf32, #tpu.memory_space<vmem>>[vector<16xi32>], vector<16xf32>, vector<16xi1>
        %parallel_loop3A_161 = vector.broadcast %parallel_loop3A_152 : i32 to vector<16xi32>
        %parallel_loop3A_162 = arith.addi %select_n3A_22, %parallel_loop3A_161 : vector<16xi32>
        tpu.vector_store_idx %arg8[%parallel_loop3A_162], %parallel_loop3A_156 masked %or3A : memref<648xf32, #tpu.memory_space<vmem>>[vector<16xi32>], vector<16xf32>, vector<16xi1>
      } {sc.loop_unroll_factor = 1 : i64, sc.parallel_access}
      %parallel_loop3A_67 = arith.constant 0 : i32
      %parallel_loop3A_68 = arith.constant 20 : i32
      %parallel_loop3A_69 = arith.constant 1 : i32
      scf.for %parallel_loop3A_114 = %parallel_loop3A_67 to %parallel_loop3A_68 step %parallel_loop3A_69  : i32 {
        %parallel_loop3A_115 = arith.constant 16 : i32
        %parallel_loop3A_116 = arith.muli %parallel_loop3A_114, %parallel_loop3A_115 : i32
        %parallel_loop3A_117 = vector.broadcast %parallel_loop3A_116 : i32 to vector<16xi32>
        %parallel_loop3A_118 = arith.addi %iota3A, %parallel_loop3A_117 : vector<16xi32>
        %parallel_loop3A_119 = arith.constant 128 : i32
        %parallel_loop3A_120 = vector.broadcast %parallel_loop3A_119 : i32 to vector<16xi32>
        %parallel_loop3A_121 = arith.muli %parallel_loop3A_118, %parallel_loop3A_120 : vector<16xi32>
        %parallel_loop3A_122 = arith.constant 16 : i32
        %parallel_loop3A_123 = arith.muli %parallel_loop3A_114, %parallel_loop3A_122 : i32
        %parallel_loop3A_124 = arith.index_cast %parallel_loop3A_123 : i32 to index
        %parallel_loop3A_125 = tpu.vector_load %arg8[%parallel_loop3A_124] {strides = array<i32>} : memref<648xf32, #tpu.memory_space<vmem>>, vector<16xf32>,
        %parallel_loop3A_126 = arith.constant 16 : i32
        %parallel_loop3A_127 = arith.muli %parallel_loop3A_114, %parallel_loop3A_126 : i32
        %parallel_loop3A_128 = arith.constant 328 : i32
        %parallel_loop3A_129 = arith.addi %parallel_loop3A_128, %parallel_loop3A_127 : i32
        %parallel_loop3A_130 = arith.index_cast %parallel_loop3A_129 : i32 to index
        %parallel_loop3A_131 = tpu.vector_load %arg8[%parallel_loop3A_130] {strides = array<i32>} : memref<648xf32, #tpu.memory_space<vmem>>, vector<16xf32>,
        %parallel_loop3A_132 = arith.constant 0.000000e+00 : f32
        %parallel_loop3A_133 = arith.constant 3.990000e+02 : f32
        %parallel_loop3A_134 = vector.broadcast %parallel_loop3A_132 : f32 to vector<16xf32>
        %parallel_loop3A_135 = arith.maximumf %parallel_loop3A_134, %parallel_loop3A_125 : vector<16xf32>
        %parallel_loop3A_136 = vector.broadcast %parallel_loop3A_133 : f32 to vector<16xf32>
        %parallel_loop3A_137 = arith.minimumf %parallel_loop3A_136, %parallel_loop3A_135 : vector<16xf32>
        %parallel_loop3A_138 = arith.fptosi %parallel_loop3A_137 : vector<16xf32> to vector<16xi32>
        %parallel_loop3A_139 = arith.constant 0.000000e+00 : f32
        %parallel_loop3A_140 = arith.constant 3.990000e+02 : f32
        %parallel_loop3A_141 = vector.broadcast %parallel_loop3A_139 : f32 to vector<16xf32>
        %parallel_loop3A_142 = arith.maximumf %parallel_loop3A_141, %parallel_loop3A_131 : vector<16xf32>
        %parallel_loop3A_143 = vector.broadcast %parallel_loop3A_140 : f32 to vector<16xf32>
        %parallel_loop3A_144 = arith.minimumf %parallel_loop3A_143, %parallel_loop3A_142 : vector<16xf32>
        %parallel_loop3A_145 = arith.fptosi %parallel_loop3A_144 : vector<16xf32> to vector<16xi32>
        %parallel_loop3A_146 = arith.constant 32 : i32
        %parallel_loop3A_147 = vector.broadcast %parallel_loop3A_146 : i32 to vector<16xi32>
        %parallel_loop3A_148 = arith.muli %parallel_loop3A_138, %parallel_loop3A_147 : vector<16xi32>
        %parallel_loop3A_149 = arith.constant 32 : i32
        %parallel_loop3A_150 = vector.broadcast %parallel_loop3A_149 : i32 to vector<16xi32>
        %parallel_loop3A_151 = arith.muli %parallel_loop3A_145, %parallel_loop3A_150 : vector<16xi32>
        %parallel_loop3A_152 = arith.constant 39 : i32
        %parallel_loop3A_153 = vector.broadcast %parallel_loop3A_152 : i32 to vector<16xi32>
        %parallel_loop3A_154 = arith.addi %parallel_loop3A_121, %parallel_loop3A_153 : vector<16xi32>
        %parallel_loop3A_155 = arith.constant 0 : i32
        %parallel_loop3A_156 = vector.broadcast %parallel_loop3A_155 : i32 to vector<16xi32>
        %parallel_loop3A_157 = arith.addi %iota3A, %parallel_loop3A_156 : vector<16xi32>
        %parallel_loop3A_158 = arith.constant 31 : i32
        %parallel_loop3A_159 = vector.broadcast %parallel_loop3A_158 : i32 to vector<16xi32>
        %parallel_loop3A_160 = arith.andi %parallel_loop3A_157, %parallel_loop3A_159 : vector<16xi32>
        %parallel_loop3A_161 = arith.addi %parallel_loop3A_148, %parallel_loop3A_160 : vector<16xi32>
        %parallel_loop3A_162 = tpu.vector_load_idx %arg5[%parallel_loop3A_161] : memref<12800xf32, #tpu.memory_space<vmem>>[vector<16xi32>], vector<16xf32>,
        %parallel_loop3A_163 = arith.addi %parallel_loop3A_121, %parallel_loop3A_160 : vector<16xi32>
        tpu.vector_store_idx %arg9[%parallel_loop3A_163], %parallel_loop3A_162 : memref<40960xf32, #tpu.memory_space<vmem>>[vector<16xi32>], vector<16xf32>,
        %parallel_loop3A_164 = arith.addi %parallel_loop3A_151, %parallel_loop3A_160 : vector<16xi32>
        %parallel_loop3A_165 = tpu.vector_load_idx %arg5[%parallel_loop3A_164] : memref<12800xf32, #tpu.memory_space<vmem>>[vector<16xi32>], vector<16xf32>,
        %parallel_loop3A_166 = arith.addi %parallel_loop3A_154, %parallel_loop3A_160 : vector<16xi32>
        tpu.vector_store_idx %arg9[%parallel_loop3A_166], %parallel_loop3A_165 : memref<40960xf32, #tpu.memory_space<vmem>>[vector<16xi32>], vector<16xf32>,
        %parallel_loop3A_167 = arith.constant 1 : i32
        %parallel_loop3A_168 = vector.broadcast %parallel_loop3A_167 : i32 to vector<16xi32>
        %parallel_loop3A_169 = arith.addi %iota3A, %parallel_loop3A_168 : vector<16xi32>
        %parallel_loop3A_170 = arith.constant 31 : i32
        %parallel_loop3A_171 = vector.broadcast %parallel_loop3A_170 : i32 to vector<16xi32>
        %parallel_loop3A_172 = arith.andi %parallel_loop3A_169, %parallel_loop3A_171 : vector<16xi32>
        %parallel_loop3A_173 = arith.addi %parallel_loop3A_148, %parallel_loop3A_172 : vector<16xi32>
        %parallel_loop3A_174 = tpu.vector_load_idx %arg5[%parallel_loop3A_173] : memref<12800xf32, #tpu.memory_space<vmem>>[vector<16xi32>], vector<16xf32>,
        %parallel_loop3A_175 = arith.addi %parallel_loop3A_121, %parallel_loop3A_172 : vector<16xi32>
        tpu.vector_store_idx %arg9[%parallel_loop3A_175], %parallel_loop3A_174 : memref<40960xf32, #tpu.memory_space<vmem>>[vector<16xi32>], vector<16xf32>,
        %parallel_loop3A_176 = arith.addi %parallel_loop3A_151, %parallel_loop3A_172 : vector<16xi32>
        %parallel_loop3A_177 = tpu.vector_load_idx %arg5[%parallel_loop3A_176] : memref<12800xf32, #tpu.memory_space<vmem>>[vector<16xi32>], vector<16xf32>,
        %parallel_loop3A_178 = arith.addi %parallel_loop3A_154, %parallel_loop3A_172 : vector<16xi32>
        tpu.vector_store_idx %arg9[%parallel_loop3A_178], %parallel_loop3A_177 : memref<40960xf32, #tpu.memory_space<vmem>>[vector<16xi32>], vector<16xf32>,
        %parallel_loop3A_179 = arith.constant 2 : i32
        %parallel_loop3A_180 = vector.broadcast %parallel_loop3A_179 : i32 to vector<16xi32>
        %parallel_loop3A_181 = arith.addi %iota3A, %parallel_loop3A_180 : vector<16xi32>
        %parallel_loop3A_182 = arith.constant 31 : i32
        %parallel_loop3A_183 = vector.broadcast %parallel_loop3A_182 : i32 to vector<16xi32>
        %parallel_loop3A_184 = arith.andi %parallel_loop3A_181, %parallel_loop3A_183 : vector<16xi32>
        %parallel_loop3A_185 = arith.addi %parallel_loop3A_148, %parallel_loop3A_184 : vector<16xi32>
        %parallel_loop3A_186 = tpu.vector_load_idx %arg5[%parallel_loop3A_185] : memref<12800xf32, #tpu.memory_space<vmem>>[vector<16xi32>], vector<16xf32>,
        %parallel_loop3A_187 = arith.addi %parallel_loop3A_121, %parallel_loop3A_184 : vector<16xi32>
        tpu.vector_store_idx %arg9[%parallel_loop3A_187], %parallel_loop3A_186 : memref<40960xf32, #tpu.memory_space<vmem>>[vector<16xi32>], vector<16xf32>,
        %parallel_loop3A_188 = arith.addi %parallel_loop3A_151, %parallel_loop3A_184 : vector<16xi32>
        %parallel_loop3A_189 = tpu.vector_load_idx %arg5[%parallel_loop3A_188] : memref<12800xf32, #tpu.memory_space<vmem>>[vector<16xi32>], vector<16xf32>,
        %parallel_loop3A_190 = arith.addi %parallel_loop3A_154, %parallel_loop3A_184 : vector<16xi32>
        tpu.vector_store_idx %arg9[%parallel_loop3A_190], %parallel_loop3A_189 : memref<40960xf32, #tpu.memory_space<vmem>>[vector<16xi32>], vector<16xf32>,
        %parallel_loop3A_191 = arith.constant 3 : i32
        %parallel_loop3A_192 = vector.broadcast %parallel_loop3A_191 : i32 to vector<16xi32>
        %parallel_loop3A_193 = arith.addi %iota3A, %parallel_loop3A_192 : vector<16xi32>
        %parallel_loop3A_194 = arith.constant 31 : i32
        %parallel_loop3A_195 = vector.broadcast %parallel_loop3A_194 : i32 to vector<16xi32>
        %parallel_loop3A_196 = arith.andi %parallel_loop3A_193, %parallel_loop3A_195 : vector<16xi32>
        %parallel_loop3A_197 = arith.addi %parallel_loop3A_148, %parallel_loop3A_196 : vector<16xi32>
        %parallel_loop3A_198 = tpu.vector_load_idx %arg5[%parallel_loop3A_197] : memref<12800xf32, #tpu.memory_space<vmem>>[vector<16xi32>], vector<16xf32>,
        %parallel_loop3A_199 = arith.addi %parallel_loop3A_121, %parallel_loop3A_196 : vector<16xi32>
        tpu.vector_store_idx %arg9[%parallel_loop3A_199], %parallel_loop3A_198 : memref<40960xf32, #tpu.memory_space<vmem>>[vector<16xi32>], vector<16xf32>,
        %parallel_loop3A_200 = arith.addi %parallel_loop3A_151, %parallel_loop3A_196 : vector<16xi32>
        %parallel_loop3A_201 = tpu.vector_load_idx %arg5[%parallel_loop3A_200] : memref<12800xf32, #tpu.memory_space<vmem>>[vector<16xi32>], vector<16xf32>,
        %parallel_loop3A_202 = arith.addi %parallel_loop3A_154, %parallel_loop3A_196 : vector<16xi32>
        tpu.vector_store_idx %arg9[%parallel_loop3A_202], %parallel_loop3A_201 : memref<40960xf32, #tpu.memory_space<vmem>>[vector<16xi32>], vector<16xf32>,
        %parallel_loop3A_203 = arith.constant 4 : i32
        %parallel_loop3A_204 = vector.broadcast %parallel_loop3A_203 : i32 to vector<16xi32>
        %parallel_loop3A_205 = arith.addi %iota3A, %parallel_loop3A_204 : vector<16xi32>
        %parallel_loop3A_206 = arith.constant 31 : i32
        %parallel_loop3A_207 = vector.broadcast %parallel_loop3A_206 : i32 to vector<16xi32>
        %parallel_loop3A_208 = arith.andi %parallel_loop3A_205, %parallel_loop3A_207 : vector<16xi32>
        %parallel_loop3A_209 = arith.addi %parallel_loop3A_148, %parallel_loop3A_208 : vector<16xi32>
        %parallel_loop3A_210 = tpu.vector_load_idx %arg5[%parallel_loop3A_209] : memref<12800xf32, #tpu.memory_space<vmem>>[vector<16xi32>], vector<16xf32>,
        %parallel_loop3A_211 = arith.addi %parallel_loop3A_121, %parallel_loop3A_208 : vector<16xi32>
        tpu.vector_store_idx %arg9[%parallel_loop3A_211], %parallel_loop3A_210 : memref<40960xf32, #tpu.memory_space<vmem>>[vector<16xi32>], vector<16xf32>,
        %parallel_loop3A_212 = arith.addi %parallel_loop3A_151, %parallel_loop3A_208 : vector<16xi32>
        %parallel_loop3A_213 = tpu.vector_load_idx %arg5[%parallel_loop3A_212] : memref<12800xf32, #tpu.memory_space<vmem>>[vector<16xi32>], vector<16xf32>,
        %parallel_loop3A_214 = arith.addi %parallel_loop3A_154, %parallel_loop3A_208 : vector<16xi32>
        tpu.vector_store_idx %arg9[%parallel_loop3A_214], %parallel_loop3A_213 : memref<40960xf32, #tpu.memory_space<vmem>>[vector<16xi32>], vector<16xf32>,
        %parallel_loop3A_215 = arith.constant 5 : i32
        %parallel_loop3A_216 = vector.broadcast %parallel_loop3A_215 : i32 to vector<16xi32>
        %parallel_loop3A_217 = arith.addi %iota3A, %parallel_loop3A_216 : vector<16xi32>
        %parallel_loop3A_218 = arith.constant 31 : i32
        %parallel_loop3A_219 = vector.broadcast %parallel_loop3A_218 : i32 to vector<16xi32>
        %parallel_loop3A_220 = arith.andi %parallel_loop3A_217, %parallel_loop3A_219 : vector<16xi32>
        %parallel_loop3A_221 = arith.addi %parallel_loop3A_148, %parallel_loop3A_220 : vector<16xi32>
        %parallel_loop3A_222 = tpu.vector_load_idx %arg5[%parallel_loop3A_221] : memref<12800xf32, #tpu.memory_space<vmem>>[vector<16xi32>], vector<16xf32>,
        %parallel_loop3A_223 = arith.addi %parallel_loop3A_121, %parallel_loop3A_220 : vector<16xi32>
        tpu.vector_store_idx %arg9[%parallel_loop3A_223], %parallel_loop3A_222 : memref<40960xf32, #tpu.memory_space<vmem>>[vector<16xi32>], vector<16xf32>,
        %parallel_loop3A_224 = arith.addi %parallel_loop3A_151, %parallel_loop3A_220 : vector<16xi32>
        %parallel_loop3A_225 = tpu.vector_load_idx %arg5[%parallel_loop3A_224] : memref<12800xf32, #tpu.memory_space<vmem>>[vector<16xi32>], vector<16xf32>,
        %parallel_loop3A_226 = arith.addi %parallel_loop3A_154, %parallel_loop3A_220 : vector<16xi32>
        tpu.vector_store_idx %arg9[%parallel_loop3A_226], %parallel_loop3A_225 : memref<40960xf32, #tpu.memory_space<vmem>>[vector<16xi32>], vector<16xf32>,
        %parallel_loop3A_227 = arith.constant 6 : i32
        %parallel_loop3A_228 = vector.broadcast %parallel_loop3A_227 : i32 to vector<16xi32>
        %parallel_loop3A_229 = arith.addi %iota3A, %parallel_loop3A_228 : vector<16xi32>
        %parallel_loop3A_230 = arith.constant 31 : i32
        %parallel_loop3A_231 = vector.broadcast %parallel_loop3A_230 : i32 to vector<16xi32>
        %parallel_loop3A_232 = arith.andi %parallel_loop3A_229, %parallel_loop3A_231 : vector<16xi32>
        %parallel_loop3A_233 = arith.addi %parallel_loop3A_148, %parallel_loop3A_232 : vector<16xi32>
        %parallel_loop3A_234 = tpu.vector_load_idx %arg5[%parallel_loop3A_233] : memref<12800xf32, #tpu.memory_space<vmem>>[vector<16xi32>], vector<16xf32>,
        %parallel_loop3A_235 = arith.addi %parallel_loop3A_121, %parallel_loop3A_232 : vector<16xi32>
        tpu.vector_store_idx %arg9[%parallel_loop3A_235], %parallel_loop3A_234 : memref<40960xf32, #tpu.memory_space<vmem>>[vector<16xi32>], vector<16xf32>,
        %parallel_loop3A_236 = arith.addi %parallel_loop3A_151, %parallel_loop3A_232 : vector<16xi32>
        %parallel_loop3A_237 = tpu.vector_load_idx %arg5[%parallel_loop3A_236] : memref<12800xf32, #tpu.memory_space<vmem>>[vector<16xi32>], vector<16xf32>,
        %parallel_loop3A_238 = arith.addi %parallel_loop3A_154, %parallel_loop3A_232 : vector<16xi32>
        tpu.vector_store_idx %arg9[%parallel_loop3A_238], %parallel_loop3A_237 : memref<40960xf32, #tpu.memory_space<vmem>>[vector<16xi32>], vector<16xf32>,
        %parallel_loop3A_239 = arith.constant 7 : i32
        %parallel_loop3A_240 = vector.broadcast %parallel_loop3A_239 : i32 to vector<16xi32>
        %parallel_loop3A_241 = arith.addi %iota3A, %parallel_loop3A_240 : vector<16xi32>
        %parallel_loop3A_242 = arith.constant 31 : i32
        %parallel_loop3A_243 = vector.broadcast %parallel_loop3A_242 : i32 to vector<16xi32>
        %parallel_loop3A_244 = arith.andi %parallel_loop3A_241, %parallel_loop3A_243 : vector<16xi32>
        %parallel_loop3A_245 = arith.addi %parallel_loop3A_148, %parallel_loop3A_244 : vector<16xi32>
        %parallel_loop3A_246 = tpu.vector_load_idx %arg5[%parallel_loop3A_245] : memref<12800xf32, #tpu.memory_space<vmem>>[vector<16xi32>], vector<16xf32>,
        %parallel_loop3A_247 = arith.addi %parallel_loop3A_121, %parallel_loop3A_244 : vector<16xi32>
        tpu.vector_store_idx %arg9[%parallel_loop3A_247], %parallel_loop3A_246 : memref<40960xf32, #tpu.memory_space<vmem>>[vector<16xi32>], vector<16xf32>,
        %parallel_loop3A_248 = arith.addi %parallel_loop3A_151, %parallel_loop3A_244 : vector<16xi32>
        %parallel_loop3A_249 = tpu.vector_load_idx %arg5[%parallel_loop3A_248] : memref<12800xf32, #tpu.memory_space<vmem>>[vector<16xi32>], vector<16xf32>,
        %parallel_loop3A_250 = arith.addi %parallel_loop3A_154, %parallel_loop3A_244 : vector<16xi32>
        tpu.vector_store_idx %arg9[%parallel_loop3A_250], %parallel_loop3A_249 : memref<40960xf32, #tpu.memory_space<vmem>>[vector<16xi32>], vector<16xf32>,
        %parallel_loop3A_251 = arith.constant 8 : i32
        %parallel_loop3A_252 = vector.broadcast %parallel_loop3A_251 : i32 to vector<16xi32>
        %parallel_loop3A_253 = arith.addi %iota3A, %parallel_loop3A_252 : vector<16xi32>
        %parallel_loop3A_254 = arith.constant 31 : i32
        %parallel_loop3A_255 = vector.broadcast %parallel_loop3A_254 : i32 to vector<16xi32>
        %parallel_loop3A_256 = arith.andi %parallel_loop3A_253, %parallel_loop3A_255 : vector<16xi32>
        %parallel_loop3A_257 = arith.addi %parallel_loop3A_148, %parallel_loop3A_256 : vector<16xi32>
        %parallel_loop3A_258 = tpu.vector_load_idx %arg5[%parallel_loop3A_257] : memref<12800xf32, #tpu.memory_space<vmem>>[vector<16xi32>], vector<16xf32>,
        %parallel_loop3A_259 = arith.addi %parallel_loop3A_121, %parallel_loop3A_256 : vector<16xi32>
        tpu.vector_store_idx %arg9[%parallel_loop3A_259], %parallel_loop3A_258 : memref<40960xf32, #tpu.memory_space<vmem>>[vector<16xi32>], vector<16xf32>,
        %parallel_loop3A_260 = arith.addi %parallel_loop3A_151, %parallel_loop3A_256 : vector<16xi32>
        %parallel_loop3A_261 = tpu.vector_load_idx %arg5[%parallel_loop3A_260] : memref<12800xf32, #tpu.memory_space<vmem>>[vector<16xi32>], vector<16xf32>,
        %parallel_loop3A_262 = arith.addi %parallel_loop3A_154, %parallel_loop3A_256 : vector<16xi32>
        tpu.vector_store_idx %arg9[%parallel_loop3A_262], %parallel_loop3A_261 : memref<40960xf32, #tpu.memory_space<vmem>>[vector<16xi32>], vector<16xf32>,
        %parallel_loop3A_263 = arith.constant 9 : i32
        %parallel_loop3A_264 = vector.broadcast %parallel_loop3A_263 : i32 to vector<16xi32>
        %parallel_loop3A_265 = arith.addi %iota3A, %parallel_loop3A_264 : vector<16xi32>
        %parallel_loop3A_266 = arith.constant 31 : i32
        %parallel_loop3A_267 = vector.broadcast %parallel_loop3A_266 : i32 to vector<16xi32>
        %parallel_loop3A_268 = arith.andi %parallel_loop3A_265, %parallel_loop3A_267 : vector<16xi32>
        %parallel_loop3A_269 = arith.addi %parallel_loop3A_148, %parallel_loop3A_268 : vector<16xi32>
        %parallel_loop3A_270 = tpu.vector_load_idx %arg5[%parallel_loop3A_269] : memref<12800xf32, #tpu.memory_space<vmem>>[vector<16xi32>], vector<16xf32>,
        %parallel_loop3A_271 = arith.addi %parallel_loop3A_121, %parallel_loop3A_268 : vector<16xi32>
        tpu.vector_store_idx %arg9[%parallel_loop3A_271], %parallel_loop3A_270 : memref<40960xf32, #tpu.memory_space<vmem>>[vector<16xi32>], vector<16xf32>,
        %parallel_loop3A_272 = arith.addi %parallel_loop3A_151, %parallel_loop3A_268 : vector<16xi32>
        %parallel_loop3A_273 = tpu.vector_load_idx %arg5[%parallel_loop3A_272] : memref<12800xf32, #tpu.memory_space<vmem>>[vector<16xi32>], vector<16xf32>,
        %parallel_loop3A_274 = arith.addi %parallel_loop3A_154, %parallel_loop3A_268 : vector<16xi32>
        tpu.vector_store_idx %arg9[%parallel_loop3A_274], %parallel_loop3A_273 : memref<40960xf32, #tpu.memory_space<vmem>>[vector<16xi32>], vector<16xf32>,
        %parallel_loop3A_275 = arith.constant 10 : i32
        %parallel_loop3A_276 = vector.broadcast %parallel_loop3A_275 : i32 to vector<16xi32>
        %parallel_loop3A_277 = arith.addi %iota3A, %parallel_loop3A_276 : vector<16xi32>
        %parallel_loop3A_278 = arith.constant 31 : i32
        %parallel_loop3A_279 = vector.broadcast %parallel_loop3A_278 : i32 to vector<16xi32>
        %parallel_loop3A_280 = arith.andi %parallel_loop3A_277, %parallel_loop3A_279 : vector<16xi32>
        %parallel_loop3A_281 = arith.addi %parallel_loop3A_148, %parallel_loop3A_280 : vector<16xi32>
        %parallel_loop3A_282 = tpu.vector_load_idx %arg5[%parallel_loop3A_281] : memref<12800xf32, #tpu.memory_space<vmem>>[vector<16xi32>], vector<16xf32>,
        %parallel_loop3A_283 = arith.addi %parallel_loop3A_121, %parallel_loop3A_280 : vector<16xi32>
        tpu.vector_store_idx %arg9[%parallel_loop3A_283], %parallel_loop3A_282 : memref<40960xf32, #tpu.memory_space<vmem>>[vector<16xi32>], vector<16xf32>,
        %parallel_loop3A_284 = arith.addi %parallel_loop3A_151, %parallel_loop3A_280 : vector<16xi32>
        %parallel_loop3A_285 = tpu.vector_load_idx %arg5[%parallel_loop3A_284] : memref<12800xf32, #tpu.memory_space<vmem>>[vector<16xi32>], vector<16xf32>,
        %parallel_loop3A_286 = arith.addi %parallel_loop3A_154, %parallel_loop3A_280 : vector<16xi32>
        tpu.vector_store_idx %arg9[%parallel_loop3A_286], %parallel_loop3A_285 : memref<40960xf32, #tpu.memory_space<vmem>>[vector<16xi32>], vector<16xf32>,
        %parallel_loop3A_287 = arith.constant 11 : i32
        %parallel_loop3A_288 = vector.broadcast %parallel_loop3A_287 : i32 to vector<16xi32>
        %parallel_loop3A_289 = arith.addi %iota3A, %parallel_loop3A_288 : vector<16xi32>
        %parallel_loop3A_290 = arith.constant 31 : i32
        %parallel_loop3A_291 = vector.broadcast %parallel_loop3A_290 : i32 to vector<16xi32>
        %parallel_loop3A_292 = arith.andi %parallel_loop3A_289, %parallel_loop3A_291 : vector<16xi32>
        %parallel_loop3A_293 = arith.addi %parallel_loop3A_148, %parallel_loop3A_292 : vector<16xi32>
        %parallel_loop3A_294 = tpu.vector_load_idx %arg5[%parallel_loop3A_293] : memref<12800xf32, #tpu.memory_space<vmem>>[vector<16xi32>], vector<16xf32>,
        %parallel_loop3A_295 = arith.addi %parallel_loop3A_121, %parallel_loop3A_292 : vector<16xi32>
        tpu.vector_store_idx %arg9[%parallel_loop3A_295], %parallel_loop3A_294 : memref<40960xf32, #tpu.memory_space<vmem>>[vector<16xi32>], vector<16xf32>,
        %parallel_loop3A_296 = arith.addi %parallel_loop3A_151, %parallel_loop3A_292 : vector<16xi32>
        %parallel_loop3A_297 = tpu.vector_load_idx %arg5[%parallel_loop3A_296] : memref<12800xf32, #tpu.memory_space<vmem>>[vector<16xi32>], vector<16xf32>,
        %parallel_loop3A_298 = arith.addi %parallel_loop3A_154, %parallel_loop3A_292 : vector<16xi32>
        tpu.vector_store_idx %arg9[%parallel_loop3A_298], %parallel_loop3A_297 : memref<40960xf32, #tpu.memory_space<vmem>>[vector<16xi32>], vector<16xf32>,
        %parallel_loop3A_299 = arith.constant 12 : i32
        %parallel_loop3A_300 = vector.broadcast %parallel_loop3A_299 : i32 to vector<16xi32>
        %parallel_loop3A_301 = arith.addi %iota3A, %parallel_loop3A_300 : vector<16xi32>
        %parallel_loop3A_302 = arith.constant 31 : i32
        %parallel_loop3A_303 = vector.broadcast %parallel_loop3A_302 : i32 to vector<16xi32>
        %parallel_loop3A_304 = arith.andi %parallel_loop3A_301, %parallel_loop3A_303 : vector<16xi32>
        %parallel_loop3A_305 = arith.addi %parallel_loop3A_148, %parallel_loop3A_304 : vector<16xi32>
        %parallel_loop3A_306 = tpu.vector_load_idx %arg5[%parallel_loop3A_305] : memref<12800xf32, #tpu.memory_space<vmem>>[vector<16xi32>], vector<16xf32>,
        %parallel_loop3A_307 = arith.addi %parallel_loop3A_121, %parallel_loop3A_304 : vector<16xi32>
        tpu.vector_store_idx %arg9[%parallel_loop3A_307], %parallel_loop3A_306 : memref<40960xf32, #tpu.memory_space<vmem>>[vector<16xi32>], vector<16xf32>,
        %parallel_loop3A_308 = arith.addi %parallel_loop3A_151, %parallel_loop3A_304 : vector<16xi32>
        %parallel_loop3A_309 = tpu.vector_load_idx %arg5[%parallel_loop3A_308] : memref<12800xf32, #tpu.memory_space<vmem>>[vector<16xi32>], vector<16xf32>,
        %parallel_loop3A_310 = arith.addi %parallel_loop3A_154, %parallel_loop3A_304 : vector<16xi32>
        tpu.vector_store_idx %arg9[%parallel_loop3A_310], %parallel_loop3A_309 : memref<40960xf32, #tpu.memory_space<vmem>>[vector<16xi32>], vector<16xf32>,
        %parallel_loop3A_311 = arith.constant 13 : i32
        %parallel_loop3A_312 = vector.broadcast %parallel_loop3A_311 : i32 to vector<16xi32>
        %parallel_loop3A_313 = arith.addi %iota3A, %parallel_loop3A_312 : vector<16xi32>
        %parallel_loop3A_314 = arith.constant 31 : i32
        %parallel_loop3A_315 = vector.broadcast %parallel_loop3A_314 : i32 to vector<16xi32>
        %parallel_loop3A_316 = arith.andi %parallel_loop3A_313, %parallel_loop3A_315 : vector<16xi32>
        %parallel_loop3A_317 = arith.addi %parallel_loop3A_148, %parallel_loop3A_316 : vector<16xi32>
        %parallel_loop3A_318 = tpu.vector_load_idx %arg5[%parallel_loop3A_317] : memref<12800xf32, #tpu.memory_space<vmem>>[vector<16xi32>], vector<16xf32>,
        %parallel_loop3A_319 = arith.addi %parallel_loop3A_121, %parallel_loop3A_316 : vector<16xi32>
        tpu.vector_store_idx %arg9[%parallel_loop3A_319], %parallel_loop3A_318 : memref<40960xf32, #tpu.memory_space<vmem>>[vector<16xi32>], vector<16xf32>,
        %parallel_loop3A_320 = arith.addi %parallel_loop3A_151, %parallel_loop3A_316 : vector<16xi32>
        %parallel_loop3A_321 = tpu.vector_load_idx %arg5[%parallel_loop3A_320] : memref<12800xf32, #tpu.memory_space<vmem>>[vector<16xi32>], vector<16xf32>,
        %parallel_loop3A_322 = arith.addi %parallel_loop3A_154, %parallel_loop3A_316 : vector<16xi32>
        tpu.vector_store_idx %arg9[%parallel_loop3A_322], %parallel_loop3A_321 : memref<40960xf32, #tpu.memory_space<vmem>>[vector<16xi32>], vector<16xf32>,
        %parallel_loop3A_323 = arith.constant 14 : i32
        %parallel_loop3A_324 = vector.broadcast %parallel_loop3A_323 : i32 to vector<16xi32>
        %parallel_loop3A_325 = arith.addi %iota3A, %parallel_loop3A_324 : vector<16xi32>
        %parallel_loop3A_326 = arith.constant 31 : i32
        %parallel_loop3A_327 = vector.broadcast %parallel_loop3A_326 : i32 to vector<16xi32>
        %parallel_loop3A_328 = arith.andi %parallel_loop3A_325, %parallel_loop3A_327 : vector<16xi32>
        %parallel_loop3A_329 = arith.addi %parallel_loop3A_148, %parallel_loop3A_328 : vector<16xi32>
        %parallel_loop3A_330 = tpu.vector_load_idx %arg5[%parallel_loop3A_329] : memref<12800xf32, #tpu.memory_space<vmem>>[vector<16xi32>], vector<16xf32>,
        %parallel_loop3A_331 = arith.addi %parallel_loop3A_121, %parallel_loop3A_328 : vector<16xi32>
        tpu.vector_store_idx %arg9[%parallel_loop3A_331], %parallel_loop3A_330 : memref<40960xf32, #tpu.memory_space<vmem>>[vector<16xi32>], vector<16xf32>,
        %parallel_loop3A_332 = arith.addi %parallel_loop3A_151, %parallel_loop3A_328 : vector<16xi32>
        %parallel_loop3A_333 = tpu.vector_load_idx %arg5[%parallel_loop3A_332] : memref<12800xf32, #tpu.memory_space<vmem>>[vector<16xi32>], vector<16xf32>,
        %parallel_loop3A_334 = arith.addi %parallel_loop3A_154, %parallel_loop3A_328 : vector<16xi32>
        tpu.vector_store_idx %arg9[%parallel_loop3A_334], %parallel_loop3A_333 : memref<40960xf32, #tpu.memory_space<vmem>>[vector<16xi32>], vector<16xf32>,
        %parallel_loop3A_335 = arith.constant 15 : i32
        %parallel_loop3A_336 = vector.broadcast %parallel_loop3A_335 : i32 to vector<16xi32>
        %parallel_loop3A_337 = arith.addi %iota3A, %parallel_loop3A_336 : vector<16xi32>
        %parallel_loop3A_338 = arith.constant 31 : i32
        %parallel_loop3A_339 = vector.broadcast %parallel_loop3A_338 : i32 to vector<16xi32>
        %parallel_loop3A_340 = arith.andi %parallel_loop3A_337, %parallel_loop3A_339 : vector<16xi32>
        %parallel_loop3A_341 = arith.addi %parallel_loop3A_148, %parallel_loop3A_340 : vector<16xi32>
        %parallel_loop3A_342 = tpu.vector_load_idx %arg5[%parallel_loop3A_341] : memref<12800xf32, #tpu.memory_space<vmem>>[vector<16xi32>], vector<16xf32>,
        %parallel_loop3A_343 = arith.addi %parallel_loop3A_121, %parallel_loop3A_340 : vector<16xi32>
        tpu.vector_store_idx %arg9[%parallel_loop3A_343], %parallel_loop3A_342 : memref<40960xf32, #tpu.memory_space<vmem>>[vector<16xi32>], vector<16xf32>,
        %parallel_loop3A_344 = arith.addi %parallel_loop3A_151, %parallel_loop3A_340 : vector<16xi32>
        %parallel_loop3A_345 = tpu.vector_load_idx %arg5[%parallel_loop3A_344] : memref<12800xf32, #tpu.memory_space<vmem>>[vector<16xi32>], vector<16xf32>,
        %parallel_loop3A_346 = arith.addi %parallel_loop3A_154, %parallel_loop3A_340 : vector<16xi32>
        tpu.vector_store_idx %arg9[%parallel_loop3A_346], %parallel_loop3A_345 : memref<40960xf32, #tpu.memory_space<vmem>>[vector<16xi32>], vector<16xf32>,
        %parallel_loop3A_347 = arith.constant 16 : i32
        %parallel_loop3A_348 = vector.broadcast %parallel_loop3A_347 : i32 to vector<16xi32>
        %parallel_loop3A_349 = arith.addi %iota3A, %parallel_loop3A_348 : vector<16xi32>
        %parallel_loop3A_350 = arith.constant 31 : i32
        %parallel_loop3A_351 = vector.broadcast %parallel_loop3A_350 : i32 to vector<16xi32>
        %parallel_loop3A_352 = arith.andi %parallel_loop3A_349, %parallel_loop3A_351 : vector<16xi32>
        %parallel_loop3A_353 = arith.addi %parallel_loop3A_148, %parallel_loop3A_352 : vector<16xi32>
        %parallel_loop3A_354 = tpu.vector_load_idx %arg5[%parallel_loop3A_353] : memref<12800xf32, #tpu.memory_space<vmem>>[vector<16xi32>], vector<16xf32>,
        %parallel_loop3A_355 = arith.addi %parallel_loop3A_121, %parallel_loop3A_352 : vector<16xi32>
        tpu.vector_store_idx %arg9[%parallel_loop3A_355], %parallel_loop3A_354 : memref<40960xf32, #tpu.memory_space<vmem>>[vector<16xi32>], vector<16xf32>,
        %parallel_loop3A_356 = arith.addi %parallel_loop3A_151, %parallel_loop3A_352 : vector<16xi32>
        %parallel_loop3A_357 = tpu.vector_load_idx %arg5[%parallel_loop3A_356] : memref<12800xf32, #tpu.memory_space<vmem>>[vector<16xi32>], vector<16xf32>,
        %parallel_loop3A_358 = arith.addi %parallel_loop3A_154, %parallel_loop3A_352 : vector<16xi32>
        tpu.vector_store_idx %arg9[%parallel_loop3A_358], %parallel_loop3A_357 : memref<40960xf32, #tpu.memory_space<vmem>>[vector<16xi32>], vector<16xf32>,
        %parallel_loop3A_359 = arith.constant 17 : i32
        %parallel_loop3A_360 = vector.broadcast %parallel_loop3A_359 : i32 to vector<16xi32>
        %parallel_loop3A_361 = arith.addi %iota3A, %parallel_loop3A_360 : vector<16xi32>
        %parallel_loop3A_362 = arith.constant 31 : i32
        %parallel_loop3A_363 = vector.broadcast %parallel_loop3A_362 : i32 to vector<16xi32>
        %parallel_loop3A_364 = arith.andi %parallel_loop3A_361, %parallel_loop3A_363 : vector<16xi32>
        %parallel_loop3A_365 = arith.addi %parallel_loop3A_148, %parallel_loop3A_364 : vector<16xi32>
        %parallel_loop3A_366 = tpu.vector_load_idx %arg5[%parallel_loop3A_365] : memref<12800xf32, #tpu.memory_space<vmem>>[vector<16xi32>], vector<16xf32>,
        %parallel_loop3A_367 = arith.addi %parallel_loop3A_121, %parallel_loop3A_364 : vector<16xi32>
        tpu.vector_store_idx %arg9[%parallel_loop3A_367], %parallel_loop3A_366 : memref<40960xf32, #tpu.memory_space<vmem>>[vector<16xi32>], vector<16xf32>,
        %parallel_loop3A_368 = arith.addi %parallel_loop3A_151, %parallel_loop3A_364 : vector<16xi32>
        %parallel_loop3A_369 = tpu.vector_load_idx %arg5[%parallel_loop3A_368] : memref<12800xf32, #tpu.memory_space<vmem>>[vector<16xi32>], vector<16xf32>,
        %parallel_loop3A_370 = arith.addi %parallel_loop3A_154, %parallel_loop3A_364 : vector<16xi32>
        tpu.vector_store_idx %arg9[%parallel_loop3A_370], %parallel_loop3A_369 : memref<40960xf32, #tpu.memory_space<vmem>>[vector<16xi32>], vector<16xf32>,
        %parallel_loop3A_371 = arith.constant 18 : i32
        %parallel_loop3A_372 = vector.broadcast %parallel_loop3A_371 : i32 to vector<16xi32>
        %parallel_loop3A_373 = arith.addi %iota3A, %parallel_loop3A_372 : vector<16xi32>
        %parallel_loop3A_374 = arith.constant 31 : i32
        %parallel_loop3A_375 = vector.broadcast %parallel_loop3A_374 : i32 to vector<16xi32>
        %parallel_loop3A_376 = arith.andi %parallel_loop3A_373, %parallel_loop3A_375 : vector<16xi32>
        %parallel_loop3A_377 = arith.addi %parallel_loop3A_148, %parallel_loop3A_376 : vector<16xi32>
        %parallel_loop3A_378 = tpu.vector_load_idx %arg5[%parallel_loop3A_377] : memref<12800xf32, #tpu.memory_space<vmem>>[vector<16xi32>], vector<16xf32>,
        %parallel_loop3A_379 = arith.addi %parallel_loop3A_121, %parallel_loop3A_376 : vector<16xi32>
        tpu.vector_store_idx %arg9[%parallel_loop3A_379], %parallel_loop3A_378 : memref<40960xf32, #tpu.memory_space<vmem>>[vector<16xi32>], vector<16xf32>,
        %parallel_loop3A_380 = arith.addi %parallel_loop3A_151, %parallel_loop3A_376 : vector<16xi32>
        %parallel_loop3A_381 = tpu.vector_load_idx %arg5[%parallel_loop3A_380] : memref<12800xf32, #tpu.memory_space<vmem>>[vector<16xi32>], vector<16xf32>,
        %parallel_loop3A_382 = arith.addi %parallel_loop3A_154, %parallel_loop3A_376 : vector<16xi32>
        tpu.vector_store_idx %arg9[%parallel_loop3A_382], %parallel_loop3A_381 : memref<40960xf32, #tpu.memory_space<vmem>>[vector<16xi32>], vector<16xf32>,
        %parallel_loop3A_383 = arith.constant 19 : i32
        %parallel_loop3A_384 = vector.broadcast %parallel_loop3A_383 : i32 to vector<16xi32>
        %parallel_loop3A_385 = arith.addi %iota3A, %parallel_loop3A_384 : vector<16xi32>
        %parallel_loop3A_386 = arith.constant 31 : i32
        %parallel_loop3A_387 = vector.broadcast %parallel_loop3A_386 : i32 to vector<16xi32>
        %parallel_loop3A_388 = arith.andi %parallel_loop3A_385, %parallel_loop3A_387 : vector<16xi32>
        %parallel_loop3A_389 = arith.addi %parallel_loop3A_148, %parallel_loop3A_388 : vector<16xi32>
        %parallel_loop3A_390 = tpu.vector_load_idx %arg5[%parallel_loop3A_389] : memref<12800xf32, #tpu.memory_space<vmem>>[vector<16xi32>], vector<16xf32>,
        %parallel_loop3A_391 = arith.addi %parallel_loop3A_121, %parallel_loop3A_388 : vector<16xi32>
        tpu.vector_store_idx %arg9[%parallel_loop3A_391], %parallel_loop3A_390 : memref<40960xf32, #tpu.memory_space<vmem>>[vector<16xi32>], vector<16xf32>,
        %parallel_loop3A_392 = arith.addi %parallel_loop3A_151, %parallel_loop3A_388 : vector<16xi32>
        %parallel_loop3A_393 = tpu.vector_load_idx %arg5[%parallel_loop3A_392] : memref<12800xf32, #tpu.memory_space<vmem>>[vector<16xi32>], vector<16xf32>,
        %parallel_loop3A_394 = arith.addi %parallel_loop3A_154, %parallel_loop3A_388 : vector<16xi32>
        tpu.vector_store_idx %arg9[%parallel_loop3A_394], %parallel_loop3A_393 : memref<40960xf32, #tpu.memory_space<vmem>>[vector<16xi32>], vector<16xf32>,
        %parallel_loop3A_395 = arith.constant 20 : i32
        %parallel_loop3A_396 = vector.broadcast %parallel_loop3A_395 : i32 to vector<16xi32>
        %parallel_loop3A_397 = arith.addi %iota3A, %parallel_loop3A_396 : vector<16xi32>
        %parallel_loop3A_398 = arith.constant 31 : i32
        %parallel_loop3A_399 = vector.broadcast %parallel_loop3A_398 : i32 to vector<16xi32>
        %parallel_loop3A_400 = arith.andi %parallel_loop3A_397, %parallel_loop3A_399 : vector<16xi32>
        %parallel_loop3A_401 = arith.addi %parallel_loop3A_148, %parallel_loop3A_400 : vector<16xi32>
        %parallel_loop3A_402 = tpu.vector_load_idx %arg5[%parallel_loop3A_401] : memref<12800xf32, #tpu.memory_space<vmem>>[vector<16xi32>], vector<16xf32>,
        %parallel_loop3A_403 = arith.addi %parallel_loop3A_121, %parallel_loop3A_400 : vector<16xi32>
        tpu.vector_store_idx %arg9[%parallel_loop3A_403], %parallel_loop3A_402 : memref<40960xf32, #tpu.memory_space<vmem>>[vector<16xi32>], vector<16xf32>,
        %parallel_loop3A_404 = arith.addi %parallel_loop3A_151, %parallel_loop3A_400 : vector<16xi32>
        %parallel_loop3A_405 = tpu.vector_load_idx %arg5[%parallel_loop3A_404] : memref<12800xf32, #tpu.memory_space<vmem>>[vector<16xi32>], vector<16xf32>,
        %parallel_loop3A_406 = arith.addi %parallel_loop3A_154, %parallel_loop3A_400 : vector<16xi32>
        tpu.vector_store_idx %arg9[%parallel_loop3A_406], %parallel_loop3A_405 : memref<40960xf32, #tpu.memory_space<vmem>>[vector<16xi32>], vector<16xf32>,
        %parallel_loop3A_407 = arith.constant 21 : i32
        %parallel_loop3A_408 = vector.broadcast %parallel_loop3A_407 : i32 to vector<16xi32>
        %parallel_loop3A_409 = arith.addi %iota3A, %parallel_loop3A_408 : vector<16xi32>
        %parallel_loop3A_410 = arith.constant 31 : i32
        %parallel_loop3A_411 = vector.broadcast %parallel_loop3A_410 : i32 to vector<16xi32>
        %parallel_loop3A_412 = arith.andi %parallel_loop3A_409, %parallel_loop3A_411 : vector<16xi32>
        %parallel_loop3A_413 = arith.addi %parallel_loop3A_148, %parallel_loop3A_412 : vector<16xi32>
        %parallel_loop3A_414 = tpu.vector_load_idx %arg5[%parallel_loop3A_413] : memref<12800xf32, #tpu.memory_space<vmem>>[vector<16xi32>], vector<16xf32>,
        %parallel_loop3A_415 = arith.addi %parallel_loop3A_121, %parallel_loop3A_412 : vector<16xi32>
        tpu.vector_store_idx %arg9[%parallel_loop3A_415], %parallel_loop3A_414 : memref<40960xf32, #tpu.memory_space<vmem>>[vector<16xi32>], vector<16xf32>,
        %parallel_loop3A_416 = arith.addi %parallel_loop3A_151, %parallel_loop3A_412 : vector<16xi32>
        %parallel_loop3A_417 = tpu.vector_load_idx %arg5[%parallel_loop3A_416] : memref<12800xf32, #tpu.memory_space<vmem>>[vector<16xi32>], vector<16xf32>,
        %parallel_loop3A_418 = arith.addi %parallel_loop3A_154, %parallel_loop3A_412 : vector<16xi32>
        tpu.vector_store_idx %arg9[%parallel_loop3A_418], %parallel_loop3A_417 : memref<40960xf32, #tpu.memory_space<vmem>>[vector<16xi32>], vector<16xf32>,
        %parallel_loop3A_419 = arith.constant 22 : i32
        %parallel_loop3A_420 = vector.broadcast %parallel_loop3A_419 : i32 to vector<16xi32>
        %parallel_loop3A_421 = arith.addi %iota3A, %parallel_loop3A_420 : vector<16xi32>
        %parallel_loop3A_422 = arith.constant 31 : i32
        %parallel_loop3A_423 = vector.broadcast %parallel_loop3A_422 : i32 to vector<16xi32>
        %parallel_loop3A_424 = arith.andi %parallel_loop3A_421, %parallel_loop3A_423 : vector<16xi32>
        %parallel_loop3A_425 = arith.addi %parallel_loop3A_148, %parallel_loop3A_424 : vector<16xi32>
        %parallel_loop3A_426 = tpu.vector_load_idx %arg5[%parallel_loop3A_425] : memref<12800xf32, #tpu.memory_space<vmem>>[vector<16xi32>], vector<16xf32>,
        %parallel_loop3A_427 = arith.addi %parallel_loop3A_121, %parallel_loop3A_424 : vector<16xi32>
        tpu.vector_store_idx %arg9[%parallel_loop3A_427], %parallel_loop3A_426 : memref<40960xf32, #tpu.memory_space<vmem>>[vector<16xi32>], vector<16xf32>,
        %parallel_loop3A_428 = arith.addi %parallel_loop3A_151, %parallel_loop3A_424 : vector<16xi32>
        %parallel_loop3A_429 = tpu.vector_load_idx %arg5[%parallel_loop3A_428] : memref<12800xf32, #tpu.memory_space<vmem>>[vector<16xi32>], vector<16xf32>,
        %parallel_loop3A_430 = arith.addi %parallel_loop3A_154, %parallel_loop3A_424 : vector<16xi32>
        tpu.vector_store_idx %arg9[%parallel_loop3A_430], %parallel_loop3A_429 : memref<40960xf32, #tpu.memory_space<vmem>>[vector<16xi32>], vector<16xf32>,
        %parallel_loop3A_431 = arith.constant 23 : i32
        %parallel_loop3A_432 = vector.broadcast %parallel_loop3A_431 : i32 to vector<16xi32>
        %parallel_loop3A_433 = arith.addi %iota3A, %parallel_loop3A_432 : vector<16xi32>
        %parallel_loop3A_434 = arith.constant 31 : i32
        %parallel_loop3A_435 = vector.broadcast %parallel_loop3A_434 : i32 to vector<16xi32>
        %parallel_loop3A_436 = arith.andi %parallel_loop3A_433, %parallel_loop3A_435 : vector<16xi32>
        %parallel_loop3A_437 = arith.addi %parallel_loop3A_148, %parallel_loop3A_436 : vector<16xi32>
        %parallel_loop3A_438 = tpu.vector_load_idx %arg5[%parallel_loop3A_437] : memref<12800xf32, #tpu.memory_space<vmem>>[vector<16xi32>], vector<16xf32>,
        %parallel_loop3A_439 = arith.addi %parallel_loop3A_121, %parallel_loop3A_436 : vector<16xi32>
        tpu.vector_store_idx %arg9[%parallel_loop3A_439], %parallel_loop3A_438 : memref<40960xf32, #tpu.memory_space<vmem>>[vector<16xi32>], vector<16xf32>,
        %parallel_loop3A_440 = arith.addi %parallel_loop3A_151, %parallel_loop3A_436 : vector<16xi32>
        %parallel_loop3A_441 = tpu.vector_load_idx %arg5[%parallel_loop3A_440] : memref<12800xf32, #tpu.memory_space<vmem>>[vector<16xi32>], vector<16xf32>,
        %parallel_loop3A_442 = arith.addi %parallel_loop3A_154, %parallel_loop3A_436 : vector<16xi32>
        tpu.vector_store_idx %arg9[%parallel_loop3A_442], %parallel_loop3A_441 : memref<40960xf32, #tpu.memory_space<vmem>>[vector<16xi32>], vector<16xf32>,
        %parallel_loop3A_443 = arith.constant 24 : i32
        %parallel_loop3A_444 = vector.broadcast %parallel_loop3A_443 : i32 to vector<16xi32>
        %parallel_loop3A_445 = arith.addi %iota3A, %parallel_loop3A_444 : vector<16xi32>
        %parallel_loop3A_446 = arith.constant 31 : i32
        %parallel_loop3A_447 = vector.broadcast %parallel_loop3A_446 : i32 to vector<16xi32>
        %parallel_loop3A_448 = arith.andi %parallel_loop3A_445, %parallel_loop3A_447 : vector<16xi32>
        %parallel_loop3A_449 = arith.addi %parallel_loop3A_148, %parallel_loop3A_448 : vector<16xi32>
        %parallel_loop3A_450 = tpu.vector_load_idx %arg5[%parallel_loop3A_449] : memref<12800xf32, #tpu.memory_space<vmem>>[vector<16xi32>], vector<16xf32>,
        %parallel_loop3A_451 = arith.addi %parallel_loop3A_121, %parallel_loop3A_448 : vector<16xi32>
        tpu.vector_store_idx %arg9[%parallel_loop3A_451], %parallel_loop3A_450 : memref<40960xf32, #tpu.memory_space<vmem>>[vector<16xi32>], vector<16xf32>,
        %parallel_loop3A_452 = arith.addi %parallel_loop3A_151, %parallel_loop3A_448 : vector<16xi32>
        %parallel_loop3A_453 = tpu.vector_load_idx %arg5[%parallel_loop3A_452] : memref<12800xf32, #tpu.memory_space<vmem>>[vector<16xi32>], vector<16xf32>,
        %parallel_loop3A_454 = arith.addi %parallel_loop3A_154, %parallel_loop3A_448 : vector<16xi32>
        tpu.vector_store_idx %arg9[%parallel_loop3A_454], %parallel_loop3A_453 : memref<40960xf32, #tpu.memory_space<vmem>>[vector<16xi32>], vector<16xf32>,
        %parallel_loop3A_455 = arith.constant 25 : i32
        %parallel_loop3A_456 = vector.broadcast %parallel_loop3A_455 : i32 to vector<16xi32>
        %parallel_loop3A_457 = arith.addi %iota3A, %parallel_loop3A_456 : vector<16xi32>
        %parallel_loop3A_458 = arith.constant 31 : i32
        %parallel_loop3A_459 = vector.broadcast %parallel_loop3A_458 : i32 to vector<16xi32>
        %parallel_loop3A_460 = arith.andi %parallel_loop3A_457, %parallel_loop3A_459 : vector<16xi32>
        %parallel_loop3A_461 = arith.addi %parallel_loop3A_148, %parallel_loop3A_460 : vector<16xi32>
        %parallel_loop3A_462 = tpu.vector_load_idx %arg5[%parallel_loop3A_461] : memref<12800xf32, #tpu.memory_space<vmem>>[vector<16xi32>], vector<16xf32>,
        %parallel_loop3A_463 = arith.addi %parallel_loop3A_121, %parallel_loop3A_460 : vector<16xi32>
        tpu.vector_store_idx %arg9[%parallel_loop3A_463], %parallel_loop3A_462 : memref<40960xf32, #tpu.memory_space<vmem>>[vector<16xi32>], vector<16xf32>,
        %parallel_loop3A_464 = arith.addi %parallel_loop3A_151, %parallel_loop3A_460 : vector<16xi32>
        %parallel_loop3A_465 = tpu.vector_load_idx %arg5[%parallel_loop3A_464] : memref<12800xf32, #tpu.memory_space<vmem>>[vector<16xi32>], vector<16xf32>,
        %parallel_loop3A_466 = arith.addi %parallel_loop3A_154, %parallel_loop3A_460 : vector<16xi32>
        tpu.vector_store_idx %arg9[%parallel_loop3A_466], %parallel_loop3A_465 : memref<40960xf32, #tpu.memory_space<vmem>>[vector<16xi32>], vector<16xf32>,
        %parallel_loop3A_467 = arith.constant 26 : i32
        %parallel_loop3A_468 = vector.broadcast %parallel_loop3A_467 : i32 to vector<16xi32>
        %parallel_loop3A_469 = arith.addi %iota3A, %parallel_loop3A_468 : vector<16xi32>
        %parallel_loop3A_470 = arith.constant 31 : i32
        %parallel_loop3A_471 = vector.broadcast %parallel_loop3A_470 : i32 to vector<16xi32>
        %parallel_loop3A_472 = arith.andi %parallel_loop3A_469, %parallel_loop3A_471 : vector<16xi32>
        %parallel_loop3A_473 = arith.addi %parallel_loop3A_148, %parallel_loop3A_472 : vector<16xi32>
        %parallel_loop3A_474 = tpu.vector_load_idx %arg5[%parallel_loop3A_473] : memref<12800xf32, #tpu.memory_space<vmem>>[vector<16xi32>], vector<16xf32>,
        %parallel_loop3A_475 = arith.addi %parallel_loop3A_121, %parallel_loop3A_472 : vector<16xi32>
        tpu.vector_store_idx %arg9[%parallel_loop3A_475], %parallel_loop3A_474 : memref<40960xf32, #tpu.memory_space<vmem>>[vector<16xi32>], vector<16xf32>,
        %parallel_loop3A_476 = arith.addi %parallel_loop3A_151, %parallel_loop3A_472 : vector<16xi32>
        %parallel_loop3A_477 = tpu.vector_load_idx %arg5[%parallel_loop3A_476] : memref<12800xf32, #tpu.memory_space<vmem>>[vector<16xi32>], vector<16xf32>,
        %parallel_loop3A_478 = arith.addi %parallel_loop3A_154, %parallel_loop3A_472 : vector<16xi32>
        tpu.vector_store_idx %arg9[%parallel_loop3A_478], %parallel_loop3A_477 : memref<40960xf32, #tpu.memory_space<vmem>>[vector<16xi32>], vector<16xf32>,
        %parallel_loop3A_479 = arith.constant 27 : i32
        %parallel_loop3A_480 = vector.broadcast %parallel_loop3A_479 : i32 to vector<16xi32>
        %parallel_loop3A_481 = arith.addi %iota3A, %parallel_loop3A_480 : vector<16xi32>
        %parallel_loop3A_482 = arith.constant 31 : i32
        %parallel_loop3A_483 = vector.broadcast %parallel_loop3A_482 : i32 to vector<16xi32>
        %parallel_loop3A_484 = arith.andi %parallel_loop3A_481, %parallel_loop3A_483 : vector<16xi32>
        %parallel_loop3A_485 = arith.addi %parallel_loop3A_148, %parallel_loop3A_484 : vector<16xi32>
        %parallel_loop3A_486 = tpu.vector_load_idx %arg5[%parallel_loop3A_485] : memref<12800xf32, #tpu.memory_space<vmem>>[vector<16xi32>], vector<16xf32>,
        %parallel_loop3A_487 = arith.addi %parallel_loop3A_121, %parallel_loop3A_484 : vector<16xi32>
        tpu.vector_store_idx %arg9[%parallel_loop3A_487], %parallel_loop3A_486 : memref<40960xf32, #tpu.memory_space<vmem>>[vector<16xi32>], vector<16xf32>,
        %parallel_loop3A_488 = arith.addi %parallel_loop3A_151, %parallel_loop3A_484 : vector<16xi32>
        %parallel_loop3A_489 = tpu.vector_load_idx %arg5[%parallel_loop3A_488] : memref<12800xf32, #tpu.memory_space<vmem>>[vector<16xi32>], vector<16xf32>,
        %parallel_loop3A_490 = arith.addi %parallel_loop3A_154, %parallel_loop3A_484 : vector<16xi32>
        tpu.vector_store_idx %arg9[%parallel_loop3A_490], %parallel_loop3A_489 : memref<40960xf32, #tpu.memory_space<vmem>>[vector<16xi32>], vector<16xf32>,
        %parallel_loop3A_491 = arith.constant 28 : i32
        %parallel_loop3A_492 = vector.broadcast %parallel_loop3A_491 : i32 to vector<16xi32>
        %parallel_loop3A_493 = arith.addi %iota3A, %parallel_loop3A_492 : vector<16xi32>
        %parallel_loop3A_494 = arith.constant 31 : i32
        %parallel_loop3A_495 = vector.broadcast %parallel_loop3A_494 : i32 to vector<16xi32>
        %parallel_loop3A_496 = arith.andi %parallel_loop3A_493, %parallel_loop3A_495 : vector<16xi32>
        %parallel_loop3A_497 = arith.addi %parallel_loop3A_148, %parallel_loop3A_496 : vector<16xi32>
        %parallel_loop3A_498 = tpu.vector_load_idx %arg5[%parallel_loop3A_497] : memref<12800xf32, #tpu.memory_space<vmem>>[vector<16xi32>], vector<16xf32>,
        %parallel_loop3A_499 = arith.addi %parallel_loop3A_121, %parallel_loop3A_496 : vector<16xi32>
        tpu.vector_store_idx %arg9[%parallel_loop3A_499], %parallel_loop3A_498 : memref<40960xf32, #tpu.memory_space<vmem>>[vector<16xi32>], vector<16xf32>,
        %parallel_loop3A_500 = arith.addi %parallel_loop3A_151, %parallel_loop3A_496 : vector<16xi32>
        %parallel_loop3A_501 = tpu.vector_load_idx %arg5[%parallel_loop3A_500] : memref<12800xf32, #tpu.memory_space<vmem>>[vector<16xi32>], vector<16xf32>,
        %parallel_loop3A_502 = arith.addi %parallel_loop3A_154, %parallel_loop3A_496 : vector<16xi32>
        tpu.vector_store_idx %arg9[%parallel_loop3A_502], %parallel_loop3A_501 : memref<40960xf32, #tpu.memory_space<vmem>>[vector<16xi32>], vector<16xf32>,
        %parallel_loop3A_503 = arith.constant 29 : i32
        %parallel_loop3A_504 = vector.broadcast %parallel_loop3A_503 : i32 to vector<16xi32>
        %parallel_loop3A_505 = arith.addi %iota3A, %parallel_loop3A_504 : vector<16xi32>
        %parallel_loop3A_506 = arith.constant 31 : i32
        %parallel_loop3A_507 = vector.broadcast %parallel_loop3A_506 : i32 to vector<16xi32>
        %parallel_loop3A_508 = arith.andi %parallel_loop3A_505, %parallel_loop3A_507 : vector<16xi32>
        %parallel_loop3A_509 = arith.addi %parallel_loop3A_148, %parallel_loop3A_508 : vector<16xi32>
        %parallel_loop3A_510 = tpu.vector_load_idx %arg5[%parallel_loop3A_509] : memref<12800xf32, #tpu.memory_space<vmem>>[vector<16xi32>], vector<16xf32>,
        %parallel_loop3A_511 = arith.addi %parallel_loop3A_121, %parallel_loop3A_508 : vector<16xi32>
        tpu.vector_store_idx %arg9[%parallel_loop3A_511], %parallel_loop3A_510 : memref<40960xf32, #tpu.memory_space<vmem>>[vector<16xi32>], vector<16xf32>,
        %parallel_loop3A_512 = arith.addi %parallel_loop3A_151, %parallel_loop3A_508 : vector<16xi32>
        %parallel_loop3A_513 = tpu.vector_load_idx %arg5[%parallel_loop3A_512] : memref<12800xf32, #tpu.memory_space<vmem>>[vector<16xi32>], vector<16xf32>,
        %parallel_loop3A_514 = arith.addi %parallel_loop3A_154, %parallel_loop3A_508 : vector<16xi32>
        tpu.vector_store_idx %arg9[%parallel_loop3A_514], %parallel_loop3A_513 : memref<40960xf32, #tpu.memory_space<vmem>>[vector<16xi32>], vector<16xf32>,
        %parallel_loop3A_515 = arith.constant 30 : i32
        %parallel_loop3A_516 = vector.broadcast %parallel_loop3A_515 : i32 to vector<16xi32>
        %parallel_loop3A_517 = arith.addi %iota3A, %parallel_loop3A_516 : vector<16xi32>
        %parallel_loop3A_518 = arith.constant 31 : i32
        %parallel_loop3A_519 = vector.broadcast %parallel_loop3A_518 : i32 to vector<16xi32>
        %parallel_loop3A_520 = arith.andi %parallel_loop3A_517, %parallel_loop3A_519 : vector<16xi32>
        %parallel_loop3A_521 = arith.addi %parallel_loop3A_148, %parallel_loop3A_520 : vector<16xi32>
        %parallel_loop3A_522 = tpu.vector_load_idx %arg5[%parallel_loop3A_521] : memref<12800xf32, #tpu.memory_space<vmem>>[vector<16xi32>], vector<16xf32>,
        %parallel_loop3A_523 = arith.addi %parallel_loop3A_121, %parallel_loop3A_520 : vector<16xi32>
        tpu.vector_store_idx %arg9[%parallel_loop3A_523], %parallel_loop3A_522 : memref<40960xf32, #tpu.memory_space<vmem>>[vector<16xi32>], vector<16xf32>,
        %parallel_loop3A_524 = arith.addi %parallel_loop3A_151, %parallel_loop3A_520 : vector<16xi32>
        %parallel_loop3A_525 = tpu.vector_load_idx %arg5[%parallel_loop3A_524] : memref<12800xf32, #tpu.memory_space<vmem>>[vector<16xi32>], vector<16xf32>,
        %parallel_loop3A_526 = arith.addi %parallel_loop3A_154, %parallel_loop3A_520 : vector<16xi32>
        tpu.vector_store_idx %arg9[%parallel_loop3A_526], %parallel_loop3A_525 : memref<40960xf32, #tpu.memory_space<vmem>>[vector<16xi32>], vector<16xf32>,
        %parallel_loop3A_527 = arith.constant 31 : i32
        %parallel_loop3A_528 = vector.broadcast %parallel_loop3A_527 : i32 to vector<16xi32>
        %parallel_loop3A_529 = arith.addi %iota3A, %parallel_loop3A_528 : vector<16xi32>
        %parallel_loop3A_530 = arith.constant 31 : i32
        %parallel_loop3A_531 = vector.broadcast %parallel_loop3A_530 : i32 to vector<16xi32>
        %parallel_loop3A_532 = arith.andi %parallel_loop3A_529, %parallel_loop3A_531 : vector<16xi32>
        %parallel_loop3A_533 = arith.addi %parallel_loop3A_148, %parallel_loop3A_532 : vector<16xi32>
        %parallel_loop3A_534 = tpu.vector_load_idx %arg5[%parallel_loop3A_533] : memref<12800xf32, #tpu.memory_space<vmem>>[vector<16xi32>], vector<16xf32>,
        %parallel_loop3A_535 = arith.addi %parallel_loop3A_121, %parallel_loop3A_532 : vector<16xi32>
        tpu.vector_store_idx %arg9[%parallel_loop3A_535], %parallel_loop3A_534 : memref<40960xf32, #tpu.memory_space<vmem>>[vector<16xi32>], vector<16xf32>,
        %parallel_loop3A_536 = arith.addi %parallel_loop3A_151, %parallel_loop3A_532 : vector<16xi32>
        %parallel_loop3A_537 = tpu.vector_load_idx %arg5[%parallel_loop3A_536] : memref<12800xf32, #tpu.memory_space<vmem>>[vector<16xi32>], vector<16xf32>,
        %parallel_loop3A_538 = arith.addi %parallel_loop3A_154, %parallel_loop3A_532 : vector<16xi32>
        tpu.vector_store_idx %arg9[%parallel_loop3A_538], %parallel_loop3A_537 : memref<40960xf32, #tpu.memory_space<vmem>>[vector<16xi32>], vector<16xf32>,
      } {sc.loop_unroll_factor = 1 : i64, sc.parallel_access}
      %mul3A_70 = arith.constant 320 : i32
      %mul3A_71 = arith.muli %mul3A_48, %mul3A_70 : i32
      %add3A_72 = arith.addi %mul3A_2, %mul3A_71 : i32
      %mul3A_73 = arith.constant 128 : i32
      %mul3A_74 = arith.muli %add3A_72, %mul3A_73 : i32
      %dma_start3A_75 = tpu.memref_slice %arg4[%mul3A_74] : memref<419430400xf32, #tpu.memory_space<hbm>> -> memref<40960xf32, #tpu.memory_space<hbm>>
      %dma_start3A_76 = tpu.memref_slice %arg4[%mul3A_74] : memref<419430400xf32, #tpu.memory_space<hbm>> -> memref<40960xf32, #tpu.memory_space<hbm>>
      tpu.enqueue_dma source(%arg9 : memref<40960xf32, #tpu.memory_space<vmem>>) target(%dma_start3A_76 : memref<40960xf32, #tpu.memory_space<hbm>>) target_semaphore(%arg13 : memref<!tpu.dma_semaphore, #tpu.memory_space<semaphore_mem>>)
      %mul3A_77 = arith.constant 2 : i32
      %mul3A_78 = arith.muli %mul3A_77, %scan3A_45 : i32
      %add3A_79 = arith.constant 1 : i32
      %add3A_80 = arith.addi %mul3A_78, %add3A_79 : i32
      %add3A_81 = arith.constant 1 : i32
      %add3A_82 = arith.addi %add3A_80, %add3A_81 : i32
      %lt3A_83 = arith.constant 320 : i32
      %lt3A_84 = arith.cmpi slt, %add3A_82, %lt3A_83 : i32
      %convert_element_type3A_85 = arith.extui %lt3A_84 : i1 to i32
      %cond3A_86 = arith.constant 0 : i32
      %cond3A_87 = arith.cmpi ne, %convert_element_type3A_85, %cond3A_86 : i32
      scf.if %cond3A_87 {
        %add3A_114 = arith.constant 1 : i32
        %add3A_115 = arith.addi %add3A_80, %add3A_114 : i32
        %mul3A_116 = arith.constant 320 : i32
        %mul3A_117 = arith.muli %add3A_115, %mul3A_116 : i32
        %add3A_118 = arith.addi %mul3A_2, %mul3A_117 : i32
        %mul3A_119 = arith.constant 16 : i32
        %mul3A_120 = arith.muli %add3A_118, %mul3A_119 : i32
        %dma_start3A_121 = tpu.memref_slice %arg2[%mul3A_120] : memref<52428800xf32, #tpu.memory_space<hbm>> -> memref<5120xf32, #tpu.memory_space<hbm>>
        %dma_start3A_122 = tpu.memref_slice %arg2[%mul3A_120] : memref<52428800xf32, #tpu.memory_space<hbm>> -> memref<5120xf32, #tpu.memory_space<hbm>>
        tpu.enqueue_dma source(%dma_start3A_122 : memref<5120xf32, #tpu.memory_space<hbm>>) target(%arg6 : memref<5120xf32, #tpu.memory_space<vmem>>) target_semaphore(%arg11 : memref<!tpu.dma_semaphore, #tpu.memory_space<semaphore_mem>>)
      } else {
      }
      %mul3A_88 = arith.constant 320 : i32
      %mul3A_89 = arith.muli %add3A_80, %mul3A_88 : i32
      %add3A_90 = arith.addi %mul3A_2, %mul3A_89 : i32
      %mul3A_91 = arith.constant 16 : i32
      %mul3A_92 = arith.muli %add3A_90, %mul3A_91 : i32
      %dma_wait3A_93 = tpu.memref_slice %arg2[%mul3A_92] : memref<52428800xf32, #tpu.memory_space<hbm>> -> memref<5120xf32, #tpu.memory_space<hbm>>
      %dma_wait3A_94 = tpu.memref_slice %arg2[%mul3A_92] : memref<52428800xf32, #tpu.memory_space<hbm>> -> memref<5120xf32, #tpu.memory_space<hbm>>
      tpu.wait_dma2 semaphore(%arg12 : memref<!tpu.dma_semaphore, #tpu.memory_space<semaphore_mem>>) src(%dma_wait3A_94 : memref<5120xf32, #tpu.memory_space<hbm>>) dst(%arg7 : memref<5120xf32, #tpu.memory_space<vmem>>)
      %ge3A_95 = arith.constant 1 : i32
      %ge3A_96 = arith.cmpi sge, %scan3A_45, %ge3A_95 : i32
      %convert_element_type3A_97 = arith.extui %ge3A_96 : i1 to i32
      %cond3A_98 = arith.constant 0 : i32
      %cond3A_99 = arith.cmpi ne, %convert_element_type3A_97, %cond3A_98 : i32
      scf.if %cond3A_99 {
        %sub3A = arith.constant 2 : i32
        %sub3A_114 = arith.subi %add3A_80, %sub3A : i32
        %mul3A_115 = arith.constant 320 : i32
        %mul3A_116 = arith.muli %sub3A_114, %mul3A_115 : i32
        %add3A_117 = arith.addi %mul3A_2, %mul3A_116 : i32
        %mul3A_118 = arith.constant 128 : i32
        %mul3A_119 = arith.muli %add3A_117, %mul3A_118 : i32
        %dma_wait3A_120 = tpu.memref_slice %arg4[%mul3A_119] : memref<419430400xf32, #tpu.memory_space<hbm>> -> memref<40960xf32, #tpu.memory_space<hbm>>
        %dma_wait3A_121 = tpu.memref_slice %arg4[%mul3A_119] : memref<419430400xf32, #tpu.memory_space<hbm>> -> memref<40960xf32, #tpu.memory_space<hbm>>
        tpu.wait_dma2 semaphore(%arg14 : memref<!tpu.dma_semaphore, #tpu.memory_space<semaphore_mem>>) src(%arg10 : memref<40960xf32, #tpu.memory_space<vmem>>) dst(%dma_wait3A_121 : memref<40960xf32, #tpu.memory_space<hbm>>)
      } else {
      }
      %parallel_loop3A_100 = arith.constant 0 : i32
      %parallel_loop3A_101 = arith.constant 320 : i32
      %parallel_loop3A_102 = arith.constant 4 : i32
      scf.for %parallel_loop3A_114 = %parallel_loop3A_100 to %parallel_loop3A_101 step %parallel_loop3A_102  : i32 {
        %parallel_loop3A_115 = arith.constant 0 : i32
        %parallel_loop3A_116 = arith.addi %parallel_loop3A_114, %parallel_loop3A_115 : i32
        %parallel_loop3A_117 = arith.constant 16 : i32
        %parallel_loop3A_118 = arith.muli %parallel_loop3A_116, %parallel_loop3A_117 : i32
        %parallel_loop3A_119 = arith.index_cast %parallel_loop3A_118 : i32 to index
        %parallel_loop3A_120 = tpu.vector_load %arg7[%parallel_loop3A_119] {strides = array<i32>} : memref<5120xf32, #tpu.memory_space<vmem>>, vector<16xf32>,
        %parallel_loop3A_121 = arith.constant 128 : i32
        %parallel_loop3A_122 = arith.muli %parallel_loop3A_116, %parallel_loop3A_121 : i32
        %parallel_loop3A_123 = vector.broadcast %parallel_loop3A_122 : i32 to vector<16xi32>
        %parallel_loop3A_124 = arith.addi %select_n3A, %parallel_loop3A_123 : vector<16xi32>
        tpu.vector_store_idx %arg10[%parallel_loop3A_124], %parallel_loop3A_120 masked %not3A_16 : memref<40960xf32, #tpu.memory_space<vmem>>[vector<16xi32>], vector<16xf32>, vector<16xi1>
        %parallel_loop3A_125 = vector.broadcast %parallel_loop3A_116 : i32 to vector<16xi32>
        %parallel_loop3A_126 = arith.addi %select_n3A_22, %parallel_loop3A_125 : vector<16xi32>
        tpu.vector_store_idx %arg8[%parallel_loop3A_126], %parallel_loop3A_120 masked %or3A : memref<648xf32, #tpu.memory_space<vmem>>[vector<16xi32>], vector<16xf32>, vector<16xi1>
        %parallel_loop3A_127 = arith.constant 1 : i32
        %parallel_loop3A_128 = arith.addi %parallel_loop3A_114, %parallel_loop3A_127 : i32
        %parallel_loop3A_129 = arith.constant 16 : i32
        %parallel_loop3A_130 = arith.muli %parallel_loop3A_128, %parallel_loop3A_129 : i32
        %parallel_loop3A_131 = arith.index_cast %parallel_loop3A_130 : i32 to index
        %parallel_loop3A_132 = tpu.vector_load %arg7[%parallel_loop3A_131] {strides = array<i32>} : memref<5120xf32, #tpu.memory_space<vmem>>, vector<16xf32>,
        %parallel_loop3A_133 = arith.constant 128 : i32
        %parallel_loop3A_134 = arith.muli %parallel_loop3A_128, %parallel_loop3A_133 : i32
        %parallel_loop3A_135 = vector.broadcast %parallel_loop3A_134 : i32 to vector<16xi32>
        %parallel_loop3A_136 = arith.addi %select_n3A, %parallel_loop3A_135 : vector<16xi32>
        tpu.vector_store_idx %arg10[%parallel_loop3A_136], %parallel_loop3A_132 masked %not3A_16 : memref<40960xf32, #tpu.memory_space<vmem>>[vector<16xi32>], vector<16xf32>, vector<16xi1>
        %parallel_loop3A_137 = vector.broadcast %parallel_loop3A_128 : i32 to vector<16xi32>
        %parallel_loop3A_138 = arith.addi %select_n3A_22, %parallel_loop3A_137 : vector<16xi32>
        tpu.vector_store_idx %arg8[%parallel_loop3A_138], %parallel_loop3A_132 masked %or3A : memref<648xf32, #tpu.memory_space<vmem>>[vector<16xi32>], vector<16xf32>, vector<16xi1>
        %parallel_loop3A_139 = arith.constant 2 : i32
        %parallel_loop3A_140 = arith.addi %parallel_loop3A_114, %parallel_loop3A_139 : i32
        %parallel_loop3A_141 = arith.constant 16 : i32
        %parallel_loop3A_142 = arith.muli %parallel_loop3A_140, %parallel_loop3A_141 : i32
        %parallel_loop3A_143 = arith.index_cast %parallel_loop3A_142 : i32 to index
        %parallel_loop3A_144 = tpu.vector_load %arg7[%parallel_loop3A_143] {strides = array<i32>} : memref<5120xf32, #tpu.memory_space<vmem>>, vector<16xf32>,
        %parallel_loop3A_145 = arith.constant 128 : i32
        %parallel_loop3A_146 = arith.muli %parallel_loop3A_140, %parallel_loop3A_145 : i32
        %parallel_loop3A_147 = vector.broadcast %parallel_loop3A_146 : i32 to vector<16xi32>
        %parallel_loop3A_148 = arith.addi %select_n3A, %parallel_loop3A_147 : vector<16xi32>
        tpu.vector_store_idx %arg10[%parallel_loop3A_148], %parallel_loop3A_144 masked %not3A_16 : memref<40960xf32, #tpu.memory_space<vmem>>[vector<16xi32>], vector<16xf32>, vector<16xi1>
        %parallel_loop3A_149 = vector.broadcast %parallel_loop3A_140 : i32 to vector<16xi32>
        %parallel_loop3A_150 = arith.addi %select_n3A_22, %parallel_loop3A_149 : vector<16xi32>
        tpu.vector_store_idx %arg8[%parallel_loop3A_150], %parallel_loop3A_144 masked %or3A : memref<648xf32, #tpu.memory_space<vmem>>[vector<16xi32>], vector<16xf32>, vector<16xi1>
        %parallel_loop3A_151 = arith.constant 3 : i32
        %parallel_loop3A_152 = arith.addi %parallel_loop3A_114, %parallel_loop3A_151 : i32
        %parallel_loop3A_153 = arith.constant 16 : i32
        %parallel_loop3A_154 = arith.muli %parallel_loop3A_152, %parallel_loop3A_153 : i32
        %parallel_loop3A_155 = arith.index_cast %parallel_loop3A_154 : i32 to index
        %parallel_loop3A_156 = tpu.vector_load %arg7[%parallel_loop3A_155] {strides = array<i32>} : memref<5120xf32, #tpu.memory_space<vmem>>, vector<16xf32>,
        %parallel_loop3A_157 = arith.constant 128 : i32
        %parallel_loop3A_158 = arith.muli %parallel_loop3A_152, %parallel_loop3A_157 : i32
        %parallel_loop3A_159 = vector.broadcast %parallel_loop3A_158 : i32 to vector<16xi32>
        %parallel_loop3A_160 = arith.addi %select_n3A, %parallel_loop3A_159 : vector<16xi32>
        tpu.vector_store_idx %arg10[%parallel_loop3A_160], %parallel_loop3A_156 masked %not3A_16 : memref<40960xf32, #tpu.memory_space<vmem>>[vector<16xi32>], vector<16xf32>, vector<16xi1>
        %parallel_loop3A_161 = vector.broadcast %parallel_loop3A_152 : i32 to vector<16xi32>
        %parallel_loop3A_162 = arith.addi %select_n3A_22, %parallel_loop3A_161 : vector<16xi32>
        tpu.vector_store_idx %arg8[%parallel_loop3A_162], %parallel_loop3A_156 masked %or3A : memref<648xf32, #tpu.memory_space<vmem>>[vector<16xi32>], vector<16xf32>, vector<16xi1>
      } {sc.loop_unroll_factor = 1 : i64, sc.parallel_access}
      %parallel_loop3A_103 = arith.constant 0 : i32
      %parallel_loop3A_104 = arith.constant 20 : i32
      %parallel_loop3A_105 = arith.constant 1 : i32
      scf.for %parallel_loop3A_114 = %parallel_loop3A_103 to %parallel_loop3A_104 step %parallel_loop3A_105  : i32 {
        %parallel_loop3A_115 = arith.constant 16 : i32
        %parallel_loop3A_116 = arith.muli %parallel_loop3A_114, %parallel_loop3A_115 : i32
        %parallel_loop3A_117 = vector.broadcast %parallel_loop3A_116 : i32 to vector<16xi32>
        %parallel_loop3A_118 = arith.addi %iota3A, %parallel_loop3A_117 : vector<16xi32>
        %parallel_loop3A_119 = arith.constant 128 : i32
        %parallel_loop3A_120 = vector.broadcast %parallel_loop3A_119 : i32 to vector<16xi32>
        %parallel_loop3A_121 = arith.muli %parallel_loop3A_118, %parallel_loop3A_120 : vector<16xi32>
        %parallel_loop3A_122 = arith.constant 16 : i32
        %parallel_loop3A_123 = arith.muli %parallel_loop3A_114, %parallel_loop3A_122 : i32
        %parallel_loop3A_124 = arith.index_cast %parallel_loop3A_123 : i32 to index
        %parallel_loop3A_125 = tpu.vector_load %arg8[%parallel_loop3A_124] {strides = array<i32>} : memref<648xf32, #tpu.memory_space<vmem>>, vector<16xf32>,
        %parallel_loop3A_126 = arith.constant 16 : i32
        %parallel_loop3A_127 = arith.muli %parallel_loop3A_114, %parallel_loop3A_126 : i32
        %parallel_loop3A_128 = arith.constant 328 : i32
        %parallel_loop3A_129 = arith.addi %parallel_loop3A_128, %parallel_loop3A_127 : i32
        %parallel_loop3A_130 = arith.index_cast %parallel_loop3A_129 : i32 to index
        %parallel_loop3A_131 = tpu.vector_load %arg8[%parallel_loop3A_130] {strides = array<i32>} : memref<648xf32, #tpu.memory_space<vmem>>, vector<16xf32>,
        %parallel_loop3A_132 = arith.constant 0.000000e+00 : f32
        %parallel_loop3A_133 = arith.constant 3.990000e+02 : f32
        %parallel_loop3A_134 = vector.broadcast %parallel_loop3A_132 : f32 to vector<16xf32>
        %parallel_loop3A_135 = arith.maximumf %parallel_loop3A_134, %parallel_loop3A_125 : vector<16xf32>
        %parallel_loop3A_136 = vector.broadcast %parallel_loop3A_133 : f32 to vector<16xf32>
        %parallel_loop3A_137 = arith.minimumf %parallel_loop3A_136, %parallel_loop3A_135 : vector<16xf32>
        %parallel_loop3A_138 = arith.fptosi %parallel_loop3A_137 : vector<16xf32> to vector<16xi32>
        %parallel_loop3A_139 = arith.constant 0.000000e+00 : f32
        %parallel_loop3A_140 = arith.constant 3.990000e+02 : f32
        %parallel_loop3A_141 = vector.broadcast %parallel_loop3A_139 : f32 to vector<16xf32>
        %parallel_loop3A_142 = arith.maximumf %parallel_loop3A_141, %parallel_loop3A_131 : vector<16xf32>
        %parallel_loop3A_143 = vector.broadcast %parallel_loop3A_140 : f32 to vector<16xf32>
        %parallel_loop3A_144 = arith.minimumf %parallel_loop3A_143, %parallel_loop3A_142 : vector<16xf32>
        %parallel_loop3A_145 = arith.fptosi %parallel_loop3A_144 : vector<16xf32> to vector<16xi32>
        %parallel_loop3A_146 = arith.constant 32 : i32
        %parallel_loop3A_147 = vector.broadcast %parallel_loop3A_146 : i32 to vector<16xi32>
        %parallel_loop3A_148 = arith.muli %parallel_loop3A_138, %parallel_loop3A_147 : vector<16xi32>
        %parallel_loop3A_149 = arith.constant 32 : i32
        %parallel_loop3A_150 = vector.broadcast %parallel_loop3A_149 : i32 to vector<16xi32>
        %parallel_loop3A_151 = arith.muli %parallel_loop3A_145, %parallel_loop3A_150 : vector<16xi32>
        %parallel_loop3A_152 = arith.constant 39 : i32
        %parallel_loop3A_153 = vector.broadcast %parallel_loop3A_152 : i32 to vector<16xi32>
        %parallel_loop3A_154 = arith.addi %parallel_loop3A_121, %parallel_loop3A_153 : vector<16xi32>
        %parallel_loop3A_155 = arith.constant 0 : i32
        %parallel_loop3A_156 = vector.broadcast %parallel_loop3A_155 : i32 to vector<16xi32>
        %parallel_loop3A_157 = arith.addi %iota3A, %parallel_loop3A_156 : vector<16xi32>
        %parallel_loop3A_158 = arith.constant 31 : i32
        %parallel_loop3A_159 = vector.broadcast %parallel_loop3A_158 : i32 to vector<16xi32>
        %parallel_loop3A_160 = arith.andi %parallel_loop3A_157, %parallel_loop3A_159 : vector<16xi32>
        %parallel_loop3A_161 = arith.addi %parallel_loop3A_148, %parallel_loop3A_160 : vector<16xi32>
        %parallel_loop3A_162 = tpu.vector_load_idx %arg5[%parallel_loop3A_161] : memref<12800xf32, #tpu.memory_space<vmem>>[vector<16xi32>], vector<16xf32>,
        %parallel_loop3A_163 = arith.addi %parallel_loop3A_121, %parallel_loop3A_160 : vector<16xi32>
        tpu.vector_store_idx %arg10[%parallel_loop3A_163], %parallel_loop3A_162 : memref<40960xf32, #tpu.memory_space<vmem>>[vector<16xi32>], vector<16xf32>,
        %parallel_loop3A_164 = arith.addi %parallel_loop3A_151, %parallel_loop3A_160 : vector<16xi32>
        %parallel_loop3A_165 = tpu.vector_load_idx %arg5[%parallel_loop3A_164] : memref<12800xf32, #tpu.memory_space<vmem>>[vector<16xi32>], vector<16xf32>,
        %parallel_loop3A_166 = arith.addi %parallel_loop3A_154, %parallel_loop3A_160 : vector<16xi32>
        tpu.vector_store_idx %arg10[%parallel_loop3A_166], %parallel_loop3A_165 : memref<40960xf32, #tpu.memory_space<vmem>>[vector<16xi32>], vector<16xf32>,
        %parallel_loop3A_167 = arith.constant 1 : i32
        %parallel_loop3A_168 = vector.broadcast %parallel_loop3A_167 : i32 to vector<16xi32>
        %parallel_loop3A_169 = arith.addi %iota3A, %parallel_loop3A_168 : vector<16xi32>
        %parallel_loop3A_170 = arith.constant 31 : i32
        %parallel_loop3A_171 = vector.broadcast %parallel_loop3A_170 : i32 to vector<16xi32>
        %parallel_loop3A_172 = arith.andi %parallel_loop3A_169, %parallel_loop3A_171 : vector<16xi32>
        %parallel_loop3A_173 = arith.addi %parallel_loop3A_148, %parallel_loop3A_172 : vector<16xi32>
        %parallel_loop3A_174 = tpu.vector_load_idx %arg5[%parallel_loop3A_173] : memref<12800xf32, #tpu.memory_space<vmem>>[vector<16xi32>], vector<16xf32>,
        %parallel_loop3A_175 = arith.addi %parallel_loop3A_121, %parallel_loop3A_172 : vector<16xi32>
        tpu.vector_store_idx %arg10[%parallel_loop3A_175], %parallel_loop3A_174 : memref<40960xf32, #tpu.memory_space<vmem>>[vector<16xi32>], vector<16xf32>,
        %parallel_loop3A_176 = arith.addi %parallel_loop3A_151, %parallel_loop3A_172 : vector<16xi32>
        %parallel_loop3A_177 = tpu.vector_load_idx %arg5[%parallel_loop3A_176] : memref<12800xf32, #tpu.memory_space<vmem>>[vector<16xi32>], vector<16xf32>,
        %parallel_loop3A_178 = arith.addi %parallel_loop3A_154, %parallel_loop3A_172 : vector<16xi32>
        tpu.vector_store_idx %arg10[%parallel_loop3A_178], %parallel_loop3A_177 : memref<40960xf32, #tpu.memory_space<vmem>>[vector<16xi32>], vector<16xf32>,
        %parallel_loop3A_179 = arith.constant 2 : i32
        %parallel_loop3A_180 = vector.broadcast %parallel_loop3A_179 : i32 to vector<16xi32>
        %parallel_loop3A_181 = arith.addi %iota3A, %parallel_loop3A_180 : vector<16xi32>
        %parallel_loop3A_182 = arith.constant 31 : i32
        %parallel_loop3A_183 = vector.broadcast %parallel_loop3A_182 : i32 to vector<16xi32>
        %parallel_loop3A_184 = arith.andi %parallel_loop3A_181, %parallel_loop3A_183 : vector<16xi32>
        %parallel_loop3A_185 = arith.addi %parallel_loop3A_148, %parallel_loop3A_184 : vector<16xi32>
        %parallel_loop3A_186 = tpu.vector_load_idx %arg5[%parallel_loop3A_185] : memref<12800xf32, #tpu.memory_space<vmem>>[vector<16xi32>], vector<16xf32>,
        %parallel_loop3A_187 = arith.addi %parallel_loop3A_121, %parallel_loop3A_184 : vector<16xi32>
        tpu.vector_store_idx %arg10[%parallel_loop3A_187], %parallel_loop3A_186 : memref<40960xf32, #tpu.memory_space<vmem>>[vector<16xi32>], vector<16xf32>,
        %parallel_loop3A_188 = arith.addi %parallel_loop3A_151, %parallel_loop3A_184 : vector<16xi32>
        %parallel_loop3A_189 = tpu.vector_load_idx %arg5[%parallel_loop3A_188] : memref<12800xf32, #tpu.memory_space<vmem>>[vector<16xi32>], vector<16xf32>,
        %parallel_loop3A_190 = arith.addi %parallel_loop3A_154, %parallel_loop3A_184 : vector<16xi32>
        tpu.vector_store_idx %arg10[%parallel_loop3A_190], %parallel_loop3A_189 : memref<40960xf32, #tpu.memory_space<vmem>>[vector<16xi32>], vector<16xf32>,
        %parallel_loop3A_191 = arith.constant 3 : i32
        %parallel_loop3A_192 = vector.broadcast %parallel_loop3A_191 : i32 to vector<16xi32>
        %parallel_loop3A_193 = arith.addi %iota3A, %parallel_loop3A_192 : vector<16xi32>
        %parallel_loop3A_194 = arith.constant 31 : i32
        %parallel_loop3A_195 = vector.broadcast %parallel_loop3A_194 : i32 to vector<16xi32>
        %parallel_loop3A_196 = arith.andi %parallel_loop3A_193, %parallel_loop3A_195 : vector<16xi32>
        %parallel_loop3A_197 = arith.addi %parallel_loop3A_148, %parallel_loop3A_196 : vector<16xi32>
        %parallel_loop3A_198 = tpu.vector_load_idx %arg5[%parallel_loop3A_197] : memref<12800xf32, #tpu.memory_space<vmem>>[vector<16xi32>], vector<16xf32>,
        %parallel_loop3A_199 = arith.addi %parallel_loop3A_121, %parallel_loop3A_196 : vector<16xi32>
        tpu.vector_store_idx %arg10[%parallel_loop3A_199], %parallel_loop3A_198 : memref<40960xf32, #tpu.memory_space<vmem>>[vector<16xi32>], vector<16xf32>,
        %parallel_loop3A_200 = arith.addi %parallel_loop3A_151, %parallel_loop3A_196 : vector<16xi32>
        %parallel_loop3A_201 = tpu.vector_load_idx %arg5[%parallel_loop3A_200] : memref<12800xf32, #tpu.memory_space<vmem>>[vector<16xi32>], vector<16xf32>,
        %parallel_loop3A_202 = arith.addi %parallel_loop3A_154, %parallel_loop3A_196 : vector<16xi32>
        tpu.vector_store_idx %arg10[%parallel_loop3A_202], %parallel_loop3A_201 : memref<40960xf32, #tpu.memory_space<vmem>>[vector<16xi32>], vector<16xf32>,
        %parallel_loop3A_203 = arith.constant 4 : i32
        %parallel_loop3A_204 = vector.broadcast %parallel_loop3A_203 : i32 to vector<16xi32>
        %parallel_loop3A_205 = arith.addi %iota3A, %parallel_loop3A_204 : vector<16xi32>
        %parallel_loop3A_206 = arith.constant 31 : i32
        %parallel_loop3A_207 = vector.broadcast %parallel_loop3A_206 : i32 to vector<16xi32>
        %parallel_loop3A_208 = arith.andi %parallel_loop3A_205, %parallel_loop3A_207 : vector<16xi32>
        %parallel_loop3A_209 = arith.addi %parallel_loop3A_148, %parallel_loop3A_208 : vector<16xi32>
        %parallel_loop3A_210 = tpu.vector_load_idx %arg5[%parallel_loop3A_209] : memref<12800xf32, #tpu.memory_space<vmem>>[vector<16xi32>], vector<16xf32>,
        %parallel_loop3A_211 = arith.addi %parallel_loop3A_121, %parallel_loop3A_208 : vector<16xi32>
        tpu.vector_store_idx %arg10[%parallel_loop3A_211], %parallel_loop3A_210 : memref<40960xf32, #tpu.memory_space<vmem>>[vector<16xi32>], vector<16xf32>,
        %parallel_loop3A_212 = arith.addi %parallel_loop3A_151, %parallel_loop3A_208 : vector<16xi32>
        %parallel_loop3A_213 = tpu.vector_load_idx %arg5[%parallel_loop3A_212] : memref<12800xf32, #tpu.memory_space<vmem>>[vector<16xi32>], vector<16xf32>,
        %parallel_loop3A_214 = arith.addi %parallel_loop3A_154, %parallel_loop3A_208 : vector<16xi32>
        tpu.vector_store_idx %arg10[%parallel_loop3A_214], %parallel_loop3A_213 : memref<40960xf32, #tpu.memory_space<vmem>>[vector<16xi32>], vector<16xf32>,
        %parallel_loop3A_215 = arith.constant 5 : i32
        %parallel_loop3A_216 = vector.broadcast %parallel_loop3A_215 : i32 to vector<16xi32>
        %parallel_loop3A_217 = arith.addi %iota3A, %parallel_loop3A_216 : vector<16xi32>
        %parallel_loop3A_218 = arith.constant 31 : i32
        %parallel_loop3A_219 = vector.broadcast %parallel_loop3A_218 : i32 to vector<16xi32>
        %parallel_loop3A_220 = arith.andi %parallel_loop3A_217, %parallel_loop3A_219 : vector<16xi32>
        %parallel_loop3A_221 = arith.addi %parallel_loop3A_148, %parallel_loop3A_220 : vector<16xi32>
        %parallel_loop3A_222 = tpu.vector_load_idx %arg5[%parallel_loop3A_221] : memref<12800xf32, #tpu.memory_space<vmem>>[vector<16xi32>], vector<16xf32>,
        %parallel_loop3A_223 = arith.addi %parallel_loop3A_121, %parallel_loop3A_220 : vector<16xi32>
        tpu.vector_store_idx %arg10[%parallel_loop3A_223], %parallel_loop3A_222 : memref<40960xf32, #tpu.memory_space<vmem>>[vector<16xi32>], vector<16xf32>,
        %parallel_loop3A_224 = arith.addi %parallel_loop3A_151, %parallel_loop3A_220 : vector<16xi32>
        %parallel_loop3A_225 = tpu.vector_load_idx %arg5[%parallel_loop3A_224] : memref<12800xf32, #tpu.memory_space<vmem>>[vector<16xi32>], vector<16xf32>,
        %parallel_loop3A_226 = arith.addi %parallel_loop3A_154, %parallel_loop3A_220 : vector<16xi32>
        tpu.vector_store_idx %arg10[%parallel_loop3A_226], %parallel_loop3A_225 : memref<40960xf32, #tpu.memory_space<vmem>>[vector<16xi32>], vector<16xf32>,
        %parallel_loop3A_227 = arith.constant 6 : i32
        %parallel_loop3A_228 = vector.broadcast %parallel_loop3A_227 : i32 to vector<16xi32>
        %parallel_loop3A_229 = arith.addi %iota3A, %parallel_loop3A_228 : vector<16xi32>
        %parallel_loop3A_230 = arith.constant 31 : i32
        %parallel_loop3A_231 = vector.broadcast %parallel_loop3A_230 : i32 to vector<16xi32>
        %parallel_loop3A_232 = arith.andi %parallel_loop3A_229, %parallel_loop3A_231 : vector<16xi32>
        %parallel_loop3A_233 = arith.addi %parallel_loop3A_148, %parallel_loop3A_232 : vector<16xi32>
        %parallel_loop3A_234 = tpu.vector_load_idx %arg5[%parallel_loop3A_233] : memref<12800xf32, #tpu.memory_space<vmem>>[vector<16xi32>], vector<16xf32>,
        %parallel_loop3A_235 = arith.addi %parallel_loop3A_121, %parallel_loop3A_232 : vector<16xi32>
        tpu.vector_store_idx %arg10[%parallel_loop3A_235], %parallel_loop3A_234 : memref<40960xf32, #tpu.memory_space<vmem>>[vector<16xi32>], vector<16xf32>,
        %parallel_loop3A_236 = arith.addi %parallel_loop3A_151, %parallel_loop3A_232 : vector<16xi32>
        %parallel_loop3A_237 = tpu.vector_load_idx %arg5[%parallel_loop3A_236] : memref<12800xf32, #tpu.memory_space<vmem>>[vector<16xi32>], vector<16xf32>,
        %parallel_loop3A_238 = arith.addi %parallel_loop3A_154, %parallel_loop3A_232 : vector<16xi32>
        tpu.vector_store_idx %arg10[%parallel_loop3A_238], %parallel_loop3A_237 : memref<40960xf32, #tpu.memory_space<vmem>>[vector<16xi32>], vector<16xf32>,
        %parallel_loop3A_239 = arith.constant 7 : i32
        %parallel_loop3A_240 = vector.broadcast %parallel_loop3A_239 : i32 to vector<16xi32>
        %parallel_loop3A_241 = arith.addi %iota3A, %parallel_loop3A_240 : vector<16xi32>
        %parallel_loop3A_242 = arith.constant 31 : i32
        %parallel_loop3A_243 = vector.broadcast %parallel_loop3A_242 : i32 to vector<16xi32>
        %parallel_loop3A_244 = arith.andi %parallel_loop3A_241, %parallel_loop3A_243 : vector<16xi32>
        %parallel_loop3A_245 = arith.addi %parallel_loop3A_148, %parallel_loop3A_244 : vector<16xi32>
        %parallel_loop3A_246 = tpu.vector_load_idx %arg5[%parallel_loop3A_245] : memref<12800xf32, #tpu.memory_space<vmem>>[vector<16xi32>], vector<16xf32>,
        %parallel_loop3A_247 = arith.addi %parallel_loop3A_121, %parallel_loop3A_244 : vector<16xi32>
        tpu.vector_store_idx %arg10[%parallel_loop3A_247], %parallel_loop3A_246 : memref<40960xf32, #tpu.memory_space<vmem>>[vector<16xi32>], vector<16xf32>,
        %parallel_loop3A_248 = arith.addi %parallel_loop3A_151, %parallel_loop3A_244 : vector<16xi32>
        %parallel_loop3A_249 = tpu.vector_load_idx %arg5[%parallel_loop3A_248] : memref<12800xf32, #tpu.memory_space<vmem>>[vector<16xi32>], vector<16xf32>,
        %parallel_loop3A_250 = arith.addi %parallel_loop3A_154, %parallel_loop3A_244 : vector<16xi32>
        tpu.vector_store_idx %arg10[%parallel_loop3A_250], %parallel_loop3A_249 : memref<40960xf32, #tpu.memory_space<vmem>>[vector<16xi32>], vector<16xf32>,
        %parallel_loop3A_251 = arith.constant 8 : i32
        %parallel_loop3A_252 = vector.broadcast %parallel_loop3A_251 : i32 to vector<16xi32>
        %parallel_loop3A_253 = arith.addi %iota3A, %parallel_loop3A_252 : vector<16xi32>
        %parallel_loop3A_254 = arith.constant 31 : i32
        %parallel_loop3A_255 = vector.broadcast %parallel_loop3A_254 : i32 to vector<16xi32>
        %parallel_loop3A_256 = arith.andi %parallel_loop3A_253, %parallel_loop3A_255 : vector<16xi32>
        %parallel_loop3A_257 = arith.addi %parallel_loop3A_148, %parallel_loop3A_256 : vector<16xi32>
        %parallel_loop3A_258 = tpu.vector_load_idx %arg5[%parallel_loop3A_257] : memref<12800xf32, #tpu.memory_space<vmem>>[vector<16xi32>], vector<16xf32>,
        %parallel_loop3A_259 = arith.addi %parallel_loop3A_121, %parallel_loop3A_256 : vector<16xi32>
        tpu.vector_store_idx %arg10[%parallel_loop3A_259], %parallel_loop3A_258 : memref<40960xf32, #tpu.memory_space<vmem>>[vector<16xi32>], vector<16xf32>,
        %parallel_loop3A_260 = arith.addi %parallel_loop3A_151, %parallel_loop3A_256 : vector<16xi32>
        %parallel_loop3A_261 = tpu.vector_load_idx %arg5[%parallel_loop3A_260] : memref<12800xf32, #tpu.memory_space<vmem>>[vector<16xi32>], vector<16xf32>,
        %parallel_loop3A_262 = arith.addi %parallel_loop3A_154, %parallel_loop3A_256 : vector<16xi32>
        tpu.vector_store_idx %arg10[%parallel_loop3A_262], %parallel_loop3A_261 : memref<40960xf32, #tpu.memory_space<vmem>>[vector<16xi32>], vector<16xf32>,
        %parallel_loop3A_263 = arith.constant 9 : i32
        %parallel_loop3A_264 = vector.broadcast %parallel_loop3A_263 : i32 to vector<16xi32>
        %parallel_loop3A_265 = arith.addi %iota3A, %parallel_loop3A_264 : vector<16xi32>
        %parallel_loop3A_266 = arith.constant 31 : i32
        %parallel_loop3A_267 = vector.broadcast %parallel_loop3A_266 : i32 to vector<16xi32>
        %parallel_loop3A_268 = arith.andi %parallel_loop3A_265, %parallel_loop3A_267 : vector<16xi32>
        %parallel_loop3A_269 = arith.addi %parallel_loop3A_148, %parallel_loop3A_268 : vector<16xi32>
        %parallel_loop3A_270 = tpu.vector_load_idx %arg5[%parallel_loop3A_269] : memref<12800xf32, #tpu.memory_space<vmem>>[vector<16xi32>], vector<16xf32>,
        %parallel_loop3A_271 = arith.addi %parallel_loop3A_121, %parallel_loop3A_268 : vector<16xi32>
        tpu.vector_store_idx %arg10[%parallel_loop3A_271], %parallel_loop3A_270 : memref<40960xf32, #tpu.memory_space<vmem>>[vector<16xi32>], vector<16xf32>,
        %parallel_loop3A_272 = arith.addi %parallel_loop3A_151, %parallel_loop3A_268 : vector<16xi32>
        %parallel_loop3A_273 = tpu.vector_load_idx %arg5[%parallel_loop3A_272] : memref<12800xf32, #tpu.memory_space<vmem>>[vector<16xi32>], vector<16xf32>,
        %parallel_loop3A_274 = arith.addi %parallel_loop3A_154, %parallel_loop3A_268 : vector<16xi32>
        tpu.vector_store_idx %arg10[%parallel_loop3A_274], %parallel_loop3A_273 : memref<40960xf32, #tpu.memory_space<vmem>>[vector<16xi32>], vector<16xf32>,
        %parallel_loop3A_275 = arith.constant 10 : i32
        %parallel_loop3A_276 = vector.broadcast %parallel_loop3A_275 : i32 to vector<16xi32>
        %parallel_loop3A_277 = arith.addi %iota3A, %parallel_loop3A_276 : vector<16xi32>
        %parallel_loop3A_278 = arith.constant 31 : i32
        %parallel_loop3A_279 = vector.broadcast %parallel_loop3A_278 : i32 to vector<16xi32>
        %parallel_loop3A_280 = arith.andi %parallel_loop3A_277, %parallel_loop3A_279 : vector<16xi32>
        %parallel_loop3A_281 = arith.addi %parallel_loop3A_148, %parallel_loop3A_280 : vector<16xi32>
        %parallel_loop3A_282 = tpu.vector_load_idx %arg5[%parallel_loop3A_281] : memref<12800xf32, #tpu.memory_space<vmem>>[vector<16xi32>], vector<16xf32>,
        %parallel_loop3A_283 = arith.addi %parallel_loop3A_121, %parallel_loop3A_280 : vector<16xi32>
        tpu.vector_store_idx %arg10[%parallel_loop3A_283], %parallel_loop3A_282 : memref<40960xf32, #tpu.memory_space<vmem>>[vector<16xi32>], vector<16xf32>,
        %parallel_loop3A_284 = arith.addi %parallel_loop3A_151, %parallel_loop3A_280 : vector<16xi32>
        %parallel_loop3A_285 = tpu.vector_load_idx %arg5[%parallel_loop3A_284] : memref<12800xf32, #tpu.memory_space<vmem>>[vector<16xi32>], vector<16xf32>,
        %parallel_loop3A_286 = arith.addi %parallel_loop3A_154, %parallel_loop3A_280 : vector<16xi32>
        tpu.vector_store_idx %arg10[%parallel_loop3A_286], %parallel_loop3A_285 : memref<40960xf32, #tpu.memory_space<vmem>>[vector<16xi32>], vector<16xf32>,
        %parallel_loop3A_287 = arith.constant 11 : i32
        %parallel_loop3A_288 = vector.broadcast %parallel_loop3A_287 : i32 to vector<16xi32>
        %parallel_loop3A_289 = arith.addi %iota3A, %parallel_loop3A_288 : vector<16xi32>
        %parallel_loop3A_290 = arith.constant 31 : i32
        %parallel_loop3A_291 = vector.broadcast %parallel_loop3A_290 : i32 to vector<16xi32>
        %parallel_loop3A_292 = arith.andi %parallel_loop3A_289, %parallel_loop3A_291 : vector<16xi32>
        %parallel_loop3A_293 = arith.addi %parallel_loop3A_148, %parallel_loop3A_292 : vector<16xi32>
        %parallel_loop3A_294 = tpu.vector_load_idx %arg5[%parallel_loop3A_293] : memref<12800xf32, #tpu.memory_space<vmem>>[vector<16xi32>], vector<16xf32>,
        %parallel_loop3A_295 = arith.addi %parallel_loop3A_121, %parallel_loop3A_292 : vector<16xi32>
        tpu.vector_store_idx %arg10[%parallel_loop3A_295], %parallel_loop3A_294 : memref<40960xf32, #tpu.memory_space<vmem>>[vector<16xi32>], vector<16xf32>,
        %parallel_loop3A_296 = arith.addi %parallel_loop3A_151, %parallel_loop3A_292 : vector<16xi32>
        %parallel_loop3A_297 = tpu.vector_load_idx %arg5[%parallel_loop3A_296] : memref<12800xf32, #tpu.memory_space<vmem>>[vector<16xi32>], vector<16xf32>,
        %parallel_loop3A_298 = arith.addi %parallel_loop3A_154, %parallel_loop3A_292 : vector<16xi32>
        tpu.vector_store_idx %arg10[%parallel_loop3A_298], %parallel_loop3A_297 : memref<40960xf32, #tpu.memory_space<vmem>>[vector<16xi32>], vector<16xf32>,
        %parallel_loop3A_299 = arith.constant 12 : i32
        %parallel_loop3A_300 = vector.broadcast %parallel_loop3A_299 : i32 to vector<16xi32>
        %parallel_loop3A_301 = arith.addi %iota3A, %parallel_loop3A_300 : vector<16xi32>
        %parallel_loop3A_302 = arith.constant 31 : i32
        %parallel_loop3A_303 = vector.broadcast %parallel_loop3A_302 : i32 to vector<16xi32>
        %parallel_loop3A_304 = arith.andi %parallel_loop3A_301, %parallel_loop3A_303 : vector<16xi32>
        %parallel_loop3A_305 = arith.addi %parallel_loop3A_148, %parallel_loop3A_304 : vector<16xi32>
        %parallel_loop3A_306 = tpu.vector_load_idx %arg5[%parallel_loop3A_305] : memref<12800xf32, #tpu.memory_space<vmem>>[vector<16xi32>], vector<16xf32>,
        %parallel_loop3A_307 = arith.addi %parallel_loop3A_121, %parallel_loop3A_304 : vector<16xi32>
        tpu.vector_store_idx %arg10[%parallel_loop3A_307], %parallel_loop3A_306 : memref<40960xf32, #tpu.memory_space<vmem>>[vector<16xi32>], vector<16xf32>,
        %parallel_loop3A_308 = arith.addi %parallel_loop3A_151, %parallel_loop3A_304 : vector<16xi32>
        %parallel_loop3A_309 = tpu.vector_load_idx %arg5[%parallel_loop3A_308] : memref<12800xf32, #tpu.memory_space<vmem>>[vector<16xi32>], vector<16xf32>,
        %parallel_loop3A_310 = arith.addi %parallel_loop3A_154, %parallel_loop3A_304 : vector<16xi32>
        tpu.vector_store_idx %arg10[%parallel_loop3A_310], %parallel_loop3A_309 : memref<40960xf32, #tpu.memory_space<vmem>>[vector<16xi32>], vector<16xf32>,
        %parallel_loop3A_311 = arith.constant 13 : i32
        %parallel_loop3A_312 = vector.broadcast %parallel_loop3A_311 : i32 to vector<16xi32>
        %parallel_loop3A_313 = arith.addi %iota3A, %parallel_loop3A_312 : vector<16xi32>
        %parallel_loop3A_314 = arith.constant 31 : i32
        %parallel_loop3A_315 = vector.broadcast %parallel_loop3A_314 : i32 to vector<16xi32>
        %parallel_loop3A_316 = arith.andi %parallel_loop3A_313, %parallel_loop3A_315 : vector<16xi32>
        %parallel_loop3A_317 = arith.addi %parallel_loop3A_148, %parallel_loop3A_316 : vector<16xi32>
        %parallel_loop3A_318 = tpu.vector_load_idx %arg5[%parallel_loop3A_317] : memref<12800xf32, #tpu.memory_space<vmem>>[vector<16xi32>], vector<16xf32>,
        %parallel_loop3A_319 = arith.addi %parallel_loop3A_121, %parallel_loop3A_316 : vector<16xi32>
        tpu.vector_store_idx %arg10[%parallel_loop3A_319], %parallel_loop3A_318 : memref<40960xf32, #tpu.memory_space<vmem>>[vector<16xi32>], vector<16xf32>,
        %parallel_loop3A_320 = arith.addi %parallel_loop3A_151, %parallel_loop3A_316 : vector<16xi32>
        %parallel_loop3A_321 = tpu.vector_load_idx %arg5[%parallel_loop3A_320] : memref<12800xf32, #tpu.memory_space<vmem>>[vector<16xi32>], vector<16xf32>,
        %parallel_loop3A_322 = arith.addi %parallel_loop3A_154, %parallel_loop3A_316 : vector<16xi32>
        tpu.vector_store_idx %arg10[%parallel_loop3A_322], %parallel_loop3A_321 : memref<40960xf32, #tpu.memory_space<vmem>>[vector<16xi32>], vector<16xf32>,
        %parallel_loop3A_323 = arith.constant 14 : i32
        %parallel_loop3A_324 = vector.broadcast %parallel_loop3A_323 : i32 to vector<16xi32>
        %parallel_loop3A_325 = arith.addi %iota3A, %parallel_loop3A_324 : vector<16xi32>
        %parallel_loop3A_326 = arith.constant 31 : i32
        %parallel_loop3A_327 = vector.broadcast %parallel_loop3A_326 : i32 to vector<16xi32>
        %parallel_loop3A_328 = arith.andi %parallel_loop3A_325, %parallel_loop3A_327 : vector<16xi32>
        %parallel_loop3A_329 = arith.addi %parallel_loop3A_148, %parallel_loop3A_328 : vector<16xi32>
        %parallel_loop3A_330 = tpu.vector_load_idx %arg5[%parallel_loop3A_329] : memref<12800xf32, #tpu.memory_space<vmem>>[vector<16xi32>], vector<16xf32>,
        %parallel_loop3A_331 = arith.addi %parallel_loop3A_121, %parallel_loop3A_328 : vector<16xi32>
        tpu.vector_store_idx %arg10[%parallel_loop3A_331], %parallel_loop3A_330 : memref<40960xf32, #tpu.memory_space<vmem>>[vector<16xi32>], vector<16xf32>,
        %parallel_loop3A_332 = arith.addi %parallel_loop3A_151, %parallel_loop3A_328 : vector<16xi32>
        %parallel_loop3A_333 = tpu.vector_load_idx %arg5[%parallel_loop3A_332] : memref<12800xf32, #tpu.memory_space<vmem>>[vector<16xi32>], vector<16xf32>,
        %parallel_loop3A_334 = arith.addi %parallel_loop3A_154, %parallel_loop3A_328 : vector<16xi32>
        tpu.vector_store_idx %arg10[%parallel_loop3A_334], %parallel_loop3A_333 : memref<40960xf32, #tpu.memory_space<vmem>>[vector<16xi32>], vector<16xf32>,
        %parallel_loop3A_335 = arith.constant 15 : i32
        %parallel_loop3A_336 = vector.broadcast %parallel_loop3A_335 : i32 to vector<16xi32>
        %parallel_loop3A_337 = arith.addi %iota3A, %parallel_loop3A_336 : vector<16xi32>
        %parallel_loop3A_338 = arith.constant 31 : i32
        %parallel_loop3A_339 = vector.broadcast %parallel_loop3A_338 : i32 to vector<16xi32>
        %parallel_loop3A_340 = arith.andi %parallel_loop3A_337, %parallel_loop3A_339 : vector<16xi32>
        %parallel_loop3A_341 = arith.addi %parallel_loop3A_148, %parallel_loop3A_340 : vector<16xi32>
        %parallel_loop3A_342 = tpu.vector_load_idx %arg5[%parallel_loop3A_341] : memref<12800xf32, #tpu.memory_space<vmem>>[vector<16xi32>], vector<16xf32>,
        %parallel_loop3A_343 = arith.addi %parallel_loop3A_121, %parallel_loop3A_340 : vector<16xi32>
        tpu.vector_store_idx %arg10[%parallel_loop3A_343], %parallel_loop3A_342 : memref<40960xf32, #tpu.memory_space<vmem>>[vector<16xi32>], vector<16xf32>,
        %parallel_loop3A_344 = arith.addi %parallel_loop3A_151, %parallel_loop3A_340 : vector<16xi32>
        %parallel_loop3A_345 = tpu.vector_load_idx %arg5[%parallel_loop3A_344] : memref<12800xf32, #tpu.memory_space<vmem>>[vector<16xi32>], vector<16xf32>,
        %parallel_loop3A_346 = arith.addi %parallel_loop3A_154, %parallel_loop3A_340 : vector<16xi32>
        tpu.vector_store_idx %arg10[%parallel_loop3A_346], %parallel_loop3A_345 : memref<40960xf32, #tpu.memory_space<vmem>>[vector<16xi32>], vector<16xf32>,
        %parallel_loop3A_347 = arith.constant 16 : i32
        %parallel_loop3A_348 = vector.broadcast %parallel_loop3A_347 : i32 to vector<16xi32>
        %parallel_loop3A_349 = arith.addi %iota3A, %parallel_loop3A_348 : vector<16xi32>
        %parallel_loop3A_350 = arith.constant 31 : i32
        %parallel_loop3A_351 = vector.broadcast %parallel_loop3A_350 : i32 to vector<16xi32>
        %parallel_loop3A_352 = arith.andi %parallel_loop3A_349, %parallel_loop3A_351 : vector<16xi32>
        %parallel_loop3A_353 = arith.addi %parallel_loop3A_148, %parallel_loop3A_352 : vector<16xi32>
        %parallel_loop3A_354 = tpu.vector_load_idx %arg5[%parallel_loop3A_353] : memref<12800xf32, #tpu.memory_space<vmem>>[vector<16xi32>], vector<16xf32>,
        %parallel_loop3A_355 = arith.addi %parallel_loop3A_121, %parallel_loop3A_352 : vector<16xi32>
        tpu.vector_store_idx %arg10[%parallel_loop3A_355], %parallel_loop3A_354 : memref<40960xf32, #tpu.memory_space<vmem>>[vector<16xi32>], vector<16xf32>,
        %parallel_loop3A_356 = arith.addi %parallel_loop3A_151, %parallel_loop3A_352 : vector<16xi32>
        %parallel_loop3A_357 = tpu.vector_load_idx %arg5[%parallel_loop3A_356] : memref<12800xf32, #tpu.memory_space<vmem>>[vector<16xi32>], vector<16xf32>,
        %parallel_loop3A_358 = arith.addi %parallel_loop3A_154, %parallel_loop3A_352 : vector<16xi32>
        tpu.vector_store_idx %arg10[%parallel_loop3A_358], %parallel_loop3A_357 : memref<40960xf32, #tpu.memory_space<vmem>>[vector<16xi32>], vector<16xf32>,
        %parallel_loop3A_359 = arith.constant 17 : i32
        %parallel_loop3A_360 = vector.broadcast %parallel_loop3A_359 : i32 to vector<16xi32>
        %parallel_loop3A_361 = arith.addi %iota3A, %parallel_loop3A_360 : vector<16xi32>
        %parallel_loop3A_362 = arith.constant 31 : i32
        %parallel_loop3A_363 = vector.broadcast %parallel_loop3A_362 : i32 to vector<16xi32>
        %parallel_loop3A_364 = arith.andi %parallel_loop3A_361, %parallel_loop3A_363 : vector<16xi32>
        %parallel_loop3A_365 = arith.addi %parallel_loop3A_148, %parallel_loop3A_364 : vector<16xi32>
        %parallel_loop3A_366 = tpu.vector_load_idx %arg5[%parallel_loop3A_365] : memref<12800xf32, #tpu.memory_space<vmem>>[vector<16xi32>], vector<16xf32>,
        %parallel_loop3A_367 = arith.addi %parallel_loop3A_121, %parallel_loop3A_364 : vector<16xi32>
        tpu.vector_store_idx %arg10[%parallel_loop3A_367], %parallel_loop3A_366 : memref<40960xf32, #tpu.memory_space<vmem>>[vector<16xi32>], vector<16xf32>,
        %parallel_loop3A_368 = arith.addi %parallel_loop3A_151, %parallel_loop3A_364 : vector<16xi32>
        %parallel_loop3A_369 = tpu.vector_load_idx %arg5[%parallel_loop3A_368] : memref<12800xf32, #tpu.memory_space<vmem>>[vector<16xi32>], vector<16xf32>,
        %parallel_loop3A_370 = arith.addi %parallel_loop3A_154, %parallel_loop3A_364 : vector<16xi32>
        tpu.vector_store_idx %arg10[%parallel_loop3A_370], %parallel_loop3A_369 : memref<40960xf32, #tpu.memory_space<vmem>>[vector<16xi32>], vector<16xf32>,
        %parallel_loop3A_371 = arith.constant 18 : i32
        %parallel_loop3A_372 = vector.broadcast %parallel_loop3A_371 : i32 to vector<16xi32>
        %parallel_loop3A_373 = arith.addi %iota3A, %parallel_loop3A_372 : vector<16xi32>
        %parallel_loop3A_374 = arith.constant 31 : i32
        %parallel_loop3A_375 = vector.broadcast %parallel_loop3A_374 : i32 to vector<16xi32>
        %parallel_loop3A_376 = arith.andi %parallel_loop3A_373, %parallel_loop3A_375 : vector<16xi32>
        %parallel_loop3A_377 = arith.addi %parallel_loop3A_148, %parallel_loop3A_376 : vector<16xi32>
        %parallel_loop3A_378 = tpu.vector_load_idx %arg5[%parallel_loop3A_377] : memref<12800xf32, #tpu.memory_space<vmem>>[vector<16xi32>], vector<16xf32>,
        %parallel_loop3A_379 = arith.addi %parallel_loop3A_121, %parallel_loop3A_376 : vector<16xi32>
        tpu.vector_store_idx %arg10[%parallel_loop3A_379], %parallel_loop3A_378 : memref<40960xf32, #tpu.memory_space<vmem>>[vector<16xi32>], vector<16xf32>,
        %parallel_loop3A_380 = arith.addi %parallel_loop3A_151, %parallel_loop3A_376 : vector<16xi32>
        %parallel_loop3A_381 = tpu.vector_load_idx %arg5[%parallel_loop3A_380] : memref<12800xf32, #tpu.memory_space<vmem>>[vector<16xi32>], vector<16xf32>,
        %parallel_loop3A_382 = arith.addi %parallel_loop3A_154, %parallel_loop3A_376 : vector<16xi32>
        tpu.vector_store_idx %arg10[%parallel_loop3A_382], %parallel_loop3A_381 : memref<40960xf32, #tpu.memory_space<vmem>>[vector<16xi32>], vector<16xf32>,
        %parallel_loop3A_383 = arith.constant 19 : i32
        %parallel_loop3A_384 = vector.broadcast %parallel_loop3A_383 : i32 to vector<16xi32>
        %parallel_loop3A_385 = arith.addi %iota3A, %parallel_loop3A_384 : vector<16xi32>
        %parallel_loop3A_386 = arith.constant 31 : i32
        %parallel_loop3A_387 = vector.broadcast %parallel_loop3A_386 : i32 to vector<16xi32>
        %parallel_loop3A_388 = arith.andi %parallel_loop3A_385, %parallel_loop3A_387 : vector<16xi32>
        %parallel_loop3A_389 = arith.addi %parallel_loop3A_148, %parallel_loop3A_388 : vector<16xi32>
        %parallel_loop3A_390 = tpu.vector_load_idx %arg5[%parallel_loop3A_389] : memref<12800xf32, #tpu.memory_space<vmem>>[vector<16xi32>], vector<16xf32>,
        %parallel_loop3A_391 = arith.addi %parallel_loop3A_121, %parallel_loop3A_388 : vector<16xi32>
        tpu.vector_store_idx %arg10[%parallel_loop3A_391], %parallel_loop3A_390 : memref<40960xf32, #tpu.memory_space<vmem>>[vector<16xi32>], vector<16xf32>,
        %parallel_loop3A_392 = arith.addi %parallel_loop3A_151, %parallel_loop3A_388 : vector<16xi32>
        %parallel_loop3A_393 = tpu.vector_load_idx %arg5[%parallel_loop3A_392] : memref<12800xf32, #tpu.memory_space<vmem>>[vector<16xi32>], vector<16xf32>,
        %parallel_loop3A_394 = arith.addi %parallel_loop3A_154, %parallel_loop3A_388 : vector<16xi32>
        tpu.vector_store_idx %arg10[%parallel_loop3A_394], %parallel_loop3A_393 : memref<40960xf32, #tpu.memory_space<vmem>>[vector<16xi32>], vector<16xf32>,
        %parallel_loop3A_395 = arith.constant 20 : i32
        %parallel_loop3A_396 = vector.broadcast %parallel_loop3A_395 : i32 to vector<16xi32>
        %parallel_loop3A_397 = arith.addi %iota3A, %parallel_loop3A_396 : vector<16xi32>
        %parallel_loop3A_398 = arith.constant 31 : i32
        %parallel_loop3A_399 = vector.broadcast %parallel_loop3A_398 : i32 to vector<16xi32>
        %parallel_loop3A_400 = arith.andi %parallel_loop3A_397, %parallel_loop3A_399 : vector<16xi32>
        %parallel_loop3A_401 = arith.addi %parallel_loop3A_148, %parallel_loop3A_400 : vector<16xi32>
        %parallel_loop3A_402 = tpu.vector_load_idx %arg5[%parallel_loop3A_401] : memref<12800xf32, #tpu.memory_space<vmem>>[vector<16xi32>], vector<16xf32>,
        %parallel_loop3A_403 = arith.addi %parallel_loop3A_121, %parallel_loop3A_400 : vector<16xi32>
        tpu.vector_store_idx %arg10[%parallel_loop3A_403], %parallel_loop3A_402 : memref<40960xf32, #tpu.memory_space<vmem>>[vector<16xi32>], vector<16xf32>,
        %parallel_loop3A_404 = arith.addi %parallel_loop3A_151, %parallel_loop3A_400 : vector<16xi32>
        %parallel_loop3A_405 = tpu.vector_load_idx %arg5[%parallel_loop3A_404] : memref<12800xf32, #tpu.memory_space<vmem>>[vector<16xi32>], vector<16xf32>,
        %parallel_loop3A_406 = arith.addi %parallel_loop3A_154, %parallel_loop3A_400 : vector<16xi32>
        tpu.vector_store_idx %arg10[%parallel_loop3A_406], %parallel_loop3A_405 : memref<40960xf32, #tpu.memory_space<vmem>>[vector<16xi32>], vector<16xf32>,
        %parallel_loop3A_407 = arith.constant 21 : i32
        %parallel_loop3A_408 = vector.broadcast %parallel_loop3A_407 : i32 to vector<16xi32>
        %parallel_loop3A_409 = arith.addi %iota3A, %parallel_loop3A_408 : vector<16xi32>
        %parallel_loop3A_410 = arith.constant 31 : i32
        %parallel_loop3A_411 = vector.broadcast %parallel_loop3A_410 : i32 to vector<16xi32>
        %parallel_loop3A_412 = arith.andi %parallel_loop3A_409, %parallel_loop3A_411 : vector<16xi32>
        %parallel_loop3A_413 = arith.addi %parallel_loop3A_148, %parallel_loop3A_412 : vector<16xi32>
        %parallel_loop3A_414 = tpu.vector_load_idx %arg5[%parallel_loop3A_413] : memref<12800xf32, #tpu.memory_space<vmem>>[vector<16xi32>], vector<16xf32>,
        %parallel_loop3A_415 = arith.addi %parallel_loop3A_121, %parallel_loop3A_412 : vector<16xi32>
        tpu.vector_store_idx %arg10[%parallel_loop3A_415], %parallel_loop3A_414 : memref<40960xf32, #tpu.memory_space<vmem>>[vector<16xi32>], vector<16xf32>,
        %parallel_loop3A_416 = arith.addi %parallel_loop3A_151, %parallel_loop3A_412 : vector<16xi32>
        %parallel_loop3A_417 = tpu.vector_load_idx %arg5[%parallel_loop3A_416] : memref<12800xf32, #tpu.memory_space<vmem>>[vector<16xi32>], vector<16xf32>,
        %parallel_loop3A_418 = arith.addi %parallel_loop3A_154, %parallel_loop3A_412 : vector<16xi32>
        tpu.vector_store_idx %arg10[%parallel_loop3A_418], %parallel_loop3A_417 : memref<40960xf32, #tpu.memory_space<vmem>>[vector<16xi32>], vector<16xf32>,
        %parallel_loop3A_419 = arith.constant 22 : i32
        %parallel_loop3A_420 = vector.broadcast %parallel_loop3A_419 : i32 to vector<16xi32>
        %parallel_loop3A_421 = arith.addi %iota3A, %parallel_loop3A_420 : vector<16xi32>
        %parallel_loop3A_422 = arith.constant 31 : i32
        %parallel_loop3A_423 = vector.broadcast %parallel_loop3A_422 : i32 to vector<16xi32>
        %parallel_loop3A_424 = arith.andi %parallel_loop3A_421, %parallel_loop3A_423 : vector<16xi32>
        %parallel_loop3A_425 = arith.addi %parallel_loop3A_148, %parallel_loop3A_424 : vector<16xi32>
        %parallel_loop3A_426 = tpu.vector_load_idx %arg5[%parallel_loop3A_425] : memref<12800xf32, #tpu.memory_space<vmem>>[vector<16xi32>], vector<16xf32>,
        %parallel_loop3A_427 = arith.addi %parallel_loop3A_121, %parallel_loop3A_424 : vector<16xi32>
        tpu.vector_store_idx %arg10[%parallel_loop3A_427], %parallel_loop3A_426 : memref<40960xf32, #tpu.memory_space<vmem>>[vector<16xi32>], vector<16xf32>,
        %parallel_loop3A_428 = arith.addi %parallel_loop3A_151, %parallel_loop3A_424 : vector<16xi32>
        %parallel_loop3A_429 = tpu.vector_load_idx %arg5[%parallel_loop3A_428] : memref<12800xf32, #tpu.memory_space<vmem>>[vector<16xi32>], vector<16xf32>,
        %parallel_loop3A_430 = arith.addi %parallel_loop3A_154, %parallel_loop3A_424 : vector<16xi32>
        tpu.vector_store_idx %arg10[%parallel_loop3A_430], %parallel_loop3A_429 : memref<40960xf32, #tpu.memory_space<vmem>>[vector<16xi32>], vector<16xf32>,
        %parallel_loop3A_431 = arith.constant 23 : i32
        %parallel_loop3A_432 = vector.broadcast %parallel_loop3A_431 : i32 to vector<16xi32>
        %parallel_loop3A_433 = arith.addi %iota3A, %parallel_loop3A_432 : vector<16xi32>
        %parallel_loop3A_434 = arith.constant 31 : i32
        %parallel_loop3A_435 = vector.broadcast %parallel_loop3A_434 : i32 to vector<16xi32>
        %parallel_loop3A_436 = arith.andi %parallel_loop3A_433, %parallel_loop3A_435 : vector<16xi32>
        %parallel_loop3A_437 = arith.addi %parallel_loop3A_148, %parallel_loop3A_436 : vector<16xi32>
        %parallel_loop3A_438 = tpu.vector_load_idx %arg5[%parallel_loop3A_437] : memref<12800xf32, #tpu.memory_space<vmem>>[vector<16xi32>], vector<16xf32>,
        %parallel_loop3A_439 = arith.addi %parallel_loop3A_121, %parallel_loop3A_436 : vector<16xi32>
        tpu.vector_store_idx %arg10[%parallel_loop3A_439], %parallel_loop3A_438 : memref<40960xf32, #tpu.memory_space<vmem>>[vector<16xi32>], vector<16xf32>,
        %parallel_loop3A_440 = arith.addi %parallel_loop3A_151, %parallel_loop3A_436 : vector<16xi32>
        %parallel_loop3A_441 = tpu.vector_load_idx %arg5[%parallel_loop3A_440] : memref<12800xf32, #tpu.memory_space<vmem>>[vector<16xi32>], vector<16xf32>,
        %parallel_loop3A_442 = arith.addi %parallel_loop3A_154, %parallel_loop3A_436 : vector<16xi32>
        tpu.vector_store_idx %arg10[%parallel_loop3A_442], %parallel_loop3A_441 : memref<40960xf32, #tpu.memory_space<vmem>>[vector<16xi32>], vector<16xf32>,
        %parallel_loop3A_443 = arith.constant 24 : i32
        %parallel_loop3A_444 = vector.broadcast %parallel_loop3A_443 : i32 to vector<16xi32>
        %parallel_loop3A_445 = arith.addi %iota3A, %parallel_loop3A_444 : vector<16xi32>
        %parallel_loop3A_446 = arith.constant 31 : i32
        %parallel_loop3A_447 = vector.broadcast %parallel_loop3A_446 : i32 to vector<16xi32>
        %parallel_loop3A_448 = arith.andi %parallel_loop3A_445, %parallel_loop3A_447 : vector<16xi32>
        %parallel_loop3A_449 = arith.addi %parallel_loop3A_148, %parallel_loop3A_448 : vector<16xi32>
        %parallel_loop3A_450 = tpu.vector_load_idx %arg5[%parallel_loop3A_449] : memref<12800xf32, #tpu.memory_space<vmem>>[vector<16xi32>], vector<16xf32>,
        %parallel_loop3A_451 = arith.addi %parallel_loop3A_121, %parallel_loop3A_448 : vector<16xi32>
        tpu.vector_store_idx %arg10[%parallel_loop3A_451], %parallel_loop3A_450 : memref<40960xf32, #tpu.memory_space<vmem>>[vector<16xi32>], vector<16xf32>,
        %parallel_loop3A_452 = arith.addi %parallel_loop3A_151, %parallel_loop3A_448 : vector<16xi32>
        %parallel_loop3A_453 = tpu.vector_load_idx %arg5[%parallel_loop3A_452] : memref<12800xf32, #tpu.memory_space<vmem>>[vector<16xi32>], vector<16xf32>,
        %parallel_loop3A_454 = arith.addi %parallel_loop3A_154, %parallel_loop3A_448 : vector<16xi32>
        tpu.vector_store_idx %arg10[%parallel_loop3A_454], %parallel_loop3A_453 : memref<40960xf32, #tpu.memory_space<vmem>>[vector<16xi32>], vector<16xf32>,
        %parallel_loop3A_455 = arith.constant 25 : i32
        %parallel_loop3A_456 = vector.broadcast %parallel_loop3A_455 : i32 to vector<16xi32>
        %parallel_loop3A_457 = arith.addi %iota3A, %parallel_loop3A_456 : vector<16xi32>
        %parallel_loop3A_458 = arith.constant 31 : i32
        %parallel_loop3A_459 = vector.broadcast %parallel_loop3A_458 : i32 to vector<16xi32>
        %parallel_loop3A_460 = arith.andi %parallel_loop3A_457, %parallel_loop3A_459 : vector<16xi32>
        %parallel_loop3A_461 = arith.addi %parallel_loop3A_148, %parallel_loop3A_460 : vector<16xi32>
        %parallel_loop3A_462 = tpu.vector_load_idx %arg5[%parallel_loop3A_461] : memref<12800xf32, #tpu.memory_space<vmem>>[vector<16xi32>], vector<16xf32>,
        %parallel_loop3A_463 = arith.addi %parallel_loop3A_121, %parallel_loop3A_460 : vector<16xi32>
        tpu.vector_store_idx %arg10[%parallel_loop3A_463], %parallel_loop3A_462 : memref<40960xf32, #tpu.memory_space<vmem>>[vector<16xi32>], vector<16xf32>,
        %parallel_loop3A_464 = arith.addi %parallel_loop3A_151, %parallel_loop3A_460 : vector<16xi32>
        %parallel_loop3A_465 = tpu.vector_load_idx %arg5[%parallel_loop3A_464] : memref<12800xf32, #tpu.memory_space<vmem>>[vector<16xi32>], vector<16xf32>,
        %parallel_loop3A_466 = arith.addi %parallel_loop3A_154, %parallel_loop3A_460 : vector<16xi32>
        tpu.vector_store_idx %arg10[%parallel_loop3A_466], %parallel_loop3A_465 : memref<40960xf32, #tpu.memory_space<vmem>>[vector<16xi32>], vector<16xf32>,
        %parallel_loop3A_467 = arith.constant 26 : i32
        %parallel_loop3A_468 = vector.broadcast %parallel_loop3A_467 : i32 to vector<16xi32>
        %parallel_loop3A_469 = arith.addi %iota3A, %parallel_loop3A_468 : vector<16xi32>
        %parallel_loop3A_470 = arith.constant 31 : i32
        %parallel_loop3A_471 = vector.broadcast %parallel_loop3A_470 : i32 to vector<16xi32>
        %parallel_loop3A_472 = arith.andi %parallel_loop3A_469, %parallel_loop3A_471 : vector<16xi32>
        %parallel_loop3A_473 = arith.addi %parallel_loop3A_148, %parallel_loop3A_472 : vector<16xi32>
        %parallel_loop3A_474 = tpu.vector_load_idx %arg5[%parallel_loop3A_473] : memref<12800xf32, #tpu.memory_space<vmem>>[vector<16xi32>], vector<16xf32>,
        %parallel_loop3A_475 = arith.addi %parallel_loop3A_121, %parallel_loop3A_472 : vector<16xi32>
        tpu.vector_store_idx %arg10[%parallel_loop3A_475], %parallel_loop3A_474 : memref<40960xf32, #tpu.memory_space<vmem>>[vector<16xi32>], vector<16xf32>,
        %parallel_loop3A_476 = arith.addi %parallel_loop3A_151, %parallel_loop3A_472 : vector<16xi32>
        %parallel_loop3A_477 = tpu.vector_load_idx %arg5[%parallel_loop3A_476] : memref<12800xf32, #tpu.memory_space<vmem>>[vector<16xi32>], vector<16xf32>,
        %parallel_loop3A_478 = arith.addi %parallel_loop3A_154, %parallel_loop3A_472 : vector<16xi32>
        tpu.vector_store_idx %arg10[%parallel_loop3A_478], %parallel_loop3A_477 : memref<40960xf32, #tpu.memory_space<vmem>>[vector<16xi32>], vector<16xf32>,
        %parallel_loop3A_479 = arith.constant 27 : i32
        %parallel_loop3A_480 = vector.broadcast %parallel_loop3A_479 : i32 to vector<16xi32>
        %parallel_loop3A_481 = arith.addi %iota3A, %parallel_loop3A_480 : vector<16xi32>
        %parallel_loop3A_482 = arith.constant 31 : i32
        %parallel_loop3A_483 = vector.broadcast %parallel_loop3A_482 : i32 to vector<16xi32>
        %parallel_loop3A_484 = arith.andi %parallel_loop3A_481, %parallel_loop3A_483 : vector<16xi32>
        %parallel_loop3A_485 = arith.addi %parallel_loop3A_148, %parallel_loop3A_484 : vector<16xi32>
        %parallel_loop3A_486 = tpu.vector_load_idx %arg5[%parallel_loop3A_485] : memref<12800xf32, #tpu.memory_space<vmem>>[vector<16xi32>], vector<16xf32>,
        %parallel_loop3A_487 = arith.addi %parallel_loop3A_121, %parallel_loop3A_484 : vector<16xi32>
        tpu.vector_store_idx %arg10[%parallel_loop3A_487], %parallel_loop3A_486 : memref<40960xf32, #tpu.memory_space<vmem>>[vector<16xi32>], vector<16xf32>,
        %parallel_loop3A_488 = arith.addi %parallel_loop3A_151, %parallel_loop3A_484 : vector<16xi32>
        %parallel_loop3A_489 = tpu.vector_load_idx %arg5[%parallel_loop3A_488] : memref<12800xf32, #tpu.memory_space<vmem>>[vector<16xi32>], vector<16xf32>,
        %parallel_loop3A_490 = arith.addi %parallel_loop3A_154, %parallel_loop3A_484 : vector<16xi32>
        tpu.vector_store_idx %arg10[%parallel_loop3A_490], %parallel_loop3A_489 : memref<40960xf32, #tpu.memory_space<vmem>>[vector<16xi32>], vector<16xf32>,
        %parallel_loop3A_491 = arith.constant 28 : i32
        %parallel_loop3A_492 = vector.broadcast %parallel_loop3A_491 : i32 to vector<16xi32>
        %parallel_loop3A_493 = arith.addi %iota3A, %parallel_loop3A_492 : vector<16xi32>
        %parallel_loop3A_494 = arith.constant 31 : i32
        %parallel_loop3A_495 = vector.broadcast %parallel_loop3A_494 : i32 to vector<16xi32>
        %parallel_loop3A_496 = arith.andi %parallel_loop3A_493, %parallel_loop3A_495 : vector<16xi32>
        %parallel_loop3A_497 = arith.addi %parallel_loop3A_148, %parallel_loop3A_496 : vector<16xi32>
        %parallel_loop3A_498 = tpu.vector_load_idx %arg5[%parallel_loop3A_497] : memref<12800xf32, #tpu.memory_space<vmem>>[vector<16xi32>], vector<16xf32>,
        %parallel_loop3A_499 = arith.addi %parallel_loop3A_121, %parallel_loop3A_496 : vector<16xi32>
        tpu.vector_store_idx %arg10[%parallel_loop3A_499], %parallel_loop3A_498 : memref<40960xf32, #tpu.memory_space<vmem>>[vector<16xi32>], vector<16xf32>,
        %parallel_loop3A_500 = arith.addi %parallel_loop3A_151, %parallel_loop3A_496 : vector<16xi32>
        %parallel_loop3A_501 = tpu.vector_load_idx %arg5[%parallel_loop3A_500] : memref<12800xf32, #tpu.memory_space<vmem>>[vector<16xi32>], vector<16xf32>,
        %parallel_loop3A_502 = arith.addi %parallel_loop3A_154, %parallel_loop3A_496 : vector<16xi32>
        tpu.vector_store_idx %arg10[%parallel_loop3A_502], %parallel_loop3A_501 : memref<40960xf32, #tpu.memory_space<vmem>>[vector<16xi32>], vector<16xf32>,
        %parallel_loop3A_503 = arith.constant 29 : i32
        %parallel_loop3A_504 = vector.broadcast %parallel_loop3A_503 : i32 to vector<16xi32>
        %parallel_loop3A_505 = arith.addi %iota3A, %parallel_loop3A_504 : vector<16xi32>
        %parallel_loop3A_506 = arith.constant 31 : i32
        %parallel_loop3A_507 = vector.broadcast %parallel_loop3A_506 : i32 to vector<16xi32>
        %parallel_loop3A_508 = arith.andi %parallel_loop3A_505, %parallel_loop3A_507 : vector<16xi32>
        %parallel_loop3A_509 = arith.addi %parallel_loop3A_148, %parallel_loop3A_508 : vector<16xi32>
        %parallel_loop3A_510 = tpu.vector_load_idx %arg5[%parallel_loop3A_509] : memref<12800xf32, #tpu.memory_space<vmem>>[vector<16xi32>], vector<16xf32>,
        %parallel_loop3A_511 = arith.addi %parallel_loop3A_121, %parallel_loop3A_508 : vector<16xi32>
        tpu.vector_store_idx %arg10[%parallel_loop3A_511], %parallel_loop3A_510 : memref<40960xf32, #tpu.memory_space<vmem>>[vector<16xi32>], vector<16xf32>,
        %parallel_loop3A_512 = arith.addi %parallel_loop3A_151, %parallel_loop3A_508 : vector<16xi32>
        %parallel_loop3A_513 = tpu.vector_load_idx %arg5[%parallel_loop3A_512] : memref<12800xf32, #tpu.memory_space<vmem>>[vector<16xi32>], vector<16xf32>,
        %parallel_loop3A_514 = arith.addi %parallel_loop3A_154, %parallel_loop3A_508 : vector<16xi32>
        tpu.vector_store_idx %arg10[%parallel_loop3A_514], %parallel_loop3A_513 : memref<40960xf32, #tpu.memory_space<vmem>>[vector<16xi32>], vector<16xf32>,
        %parallel_loop3A_515 = arith.constant 30 : i32
        %parallel_loop3A_516 = vector.broadcast %parallel_loop3A_515 : i32 to vector<16xi32>
        %parallel_loop3A_517 = arith.addi %iota3A, %parallel_loop3A_516 : vector<16xi32>
        %parallel_loop3A_518 = arith.constant 31 : i32
        %parallel_loop3A_519 = vector.broadcast %parallel_loop3A_518 : i32 to vector<16xi32>
        %parallel_loop3A_520 = arith.andi %parallel_loop3A_517, %parallel_loop3A_519 : vector<16xi32>
        %parallel_loop3A_521 = arith.addi %parallel_loop3A_148, %parallel_loop3A_520 : vector<16xi32>
        %parallel_loop3A_522 = tpu.vector_load_idx %arg5[%parallel_loop3A_521] : memref<12800xf32, #tpu.memory_space<vmem>>[vector<16xi32>], vector<16xf32>,
        %parallel_loop3A_523 = arith.addi %parallel_loop3A_121, %parallel_loop3A_520 : vector<16xi32>
        tpu.vector_store_idx %arg10[%parallel_loop3A_523], %parallel_loop3A_522 : memref<40960xf32, #tpu.memory_space<vmem>>[vector<16xi32>], vector<16xf32>,
        %parallel_loop3A_524 = arith.addi %parallel_loop3A_151, %parallel_loop3A_520 : vector<16xi32>
        %parallel_loop3A_525 = tpu.vector_load_idx %arg5[%parallel_loop3A_524] : memref<12800xf32, #tpu.memory_space<vmem>>[vector<16xi32>], vector<16xf32>,
        %parallel_loop3A_526 = arith.addi %parallel_loop3A_154, %parallel_loop3A_520 : vector<16xi32>
        tpu.vector_store_idx %arg10[%parallel_loop3A_526], %parallel_loop3A_525 : memref<40960xf32, #tpu.memory_space<vmem>>[vector<16xi32>], vector<16xf32>,
        %parallel_loop3A_527 = arith.constant 31 : i32
        %parallel_loop3A_528 = vector.broadcast %parallel_loop3A_527 : i32 to vector<16xi32>
        %parallel_loop3A_529 = arith.addi %iota3A, %parallel_loop3A_528 : vector<16xi32>
        %parallel_loop3A_530 = arith.constant 31 : i32
        %parallel_loop3A_531 = vector.broadcast %parallel_loop3A_530 : i32 to vector<16xi32>
        %parallel_loop3A_532 = arith.andi %parallel_loop3A_529, %parallel_loop3A_531 : vector<16xi32>
        %parallel_loop3A_533 = arith.addi %parallel_loop3A_148, %parallel_loop3A_532 : vector<16xi32>
        %parallel_loop3A_534 = tpu.vector_load_idx %arg5[%parallel_loop3A_533] : memref<12800xf32, #tpu.memory_space<vmem>>[vector<16xi32>], vector<16xf32>,
        %parallel_loop3A_535 = arith.addi %parallel_loop3A_121, %parallel_loop3A_532 : vector<16xi32>
        tpu.vector_store_idx %arg10[%parallel_loop3A_535], %parallel_loop3A_534 : memref<40960xf32, #tpu.memory_space<vmem>>[vector<16xi32>], vector<16xf32>,
        %parallel_loop3A_536 = arith.addi %parallel_loop3A_151, %parallel_loop3A_532 : vector<16xi32>
        %parallel_loop3A_537 = tpu.vector_load_idx %arg5[%parallel_loop3A_536] : memref<12800xf32, #tpu.memory_space<vmem>>[vector<16xi32>], vector<16xf32>,
        %parallel_loop3A_538 = arith.addi %parallel_loop3A_154, %parallel_loop3A_532 : vector<16xi32>
        tpu.vector_store_idx %arg10[%parallel_loop3A_538], %parallel_loop3A_537 : memref<40960xf32, #tpu.memory_space<vmem>>[vector<16xi32>], vector<16xf32>,
      } {sc.loop_unroll_factor = 1 : i64, sc.parallel_access}
      %mul3A_106 = arith.constant 320 : i32
      %mul3A_107 = arith.muli %add3A_80, %mul3A_106 : i32
      %add3A_108 = arith.addi %mul3A_2, %mul3A_107 : i32
      %mul3A_109 = arith.constant 128 : i32
      %mul3A_110 = arith.muli %add3A_108, %mul3A_109 : i32
      %dma_start3A_111 = tpu.memref_slice %arg4[%mul3A_110] : memref<419430400xf32, #tpu.memory_space<hbm>> -> memref<40960xf32, #tpu.memory_space<hbm>>
      %dma_start3A_112 = tpu.memref_slice %arg4[%mul3A_110] : memref<419430400xf32, #tpu.memory_space<hbm>> -> memref<40960xf32, #tpu.memory_space<hbm>>
      tpu.enqueue_dma source(%arg10 : memref<40960xf32, #tpu.memory_space<vmem>>) target(%dma_start3A_112 : memref<40960xf32, #tpu.memory_space<hbm>>) target_semaphore(%arg14 : memref<!tpu.dma_semaphore, #tpu.memory_space<semaphore_mem>>)
      %scan3A_113 = arith.constant 0 : i32
      scf.yield %scan3A_113 : i32
    }
    %scan3A_33 = arith.constant 160 : i32
    %add3A_34 = arith.constant 101760 : i32
    %add3A_35 = arith.addi %mul3A_2, %add3A_34 : i32
    %mul3A_36 = arith.constant 128 : i32
    %mul3A_37 = arith.muli %add3A_35, %mul3A_36 : i32
    %dma_wait3A = tpu.memref_slice %arg4[%mul3A_37] : memref<419430400xf32, #tpu.memory_space<hbm>> -> memref<40960xf32, #tpu.memory_space<hbm>>
    %dma_wait3A_38 = tpu.memref_slice %arg4[%mul3A_37] : memref<419430400xf32, #tpu.memory_space<hbm>> -> memref<40960xf32, #tpu.memory_space<hbm>>
    tpu.wait_dma2 semaphore(%arg13 : memref<!tpu.dma_semaphore, #tpu.memory_space<semaphore_mem>>) src(%arg9 : memref<40960xf32, #tpu.memory_space<vmem>>) dst(%dma_wait3A_38 : memref<40960xf32, #tpu.memory_space<hbm>>)
    %add3A_39 = arith.constant 102080 : i32
    %add3A_40 = arith.addi %mul3A_2, %add3A_39 : i32
    %mul3A_41 = arith.constant 128 : i32
    %mul3A_42 = arith.muli %add3A_40, %mul3A_41 : i32
    %dma_wait3A_43 = tpu.memref_slice %arg4[%mul3A_42] : memref<419430400xf32, #tpu.memory_space<hbm>> -> memref<40960xf32, #tpu.memory_space<hbm>>
    %dma_wait3A_44 = tpu.memref_slice %arg4[%mul3A_42] : memref<419430400xf32, #tpu.memory_space<hbm>> -> memref<40960xf32, #tpu.memory_space<hbm>>
    tpu.wait_dma2 semaphore(%arg14 : memref<!tpu.dma_semaphore, #tpu.memory_space<semaphore_mem>>) src(%arg10 : memref<40960xf32, #tpu.memory_space<vmem>>) dst(%dma_wait3A_44 : memref<40960xf32, #tpu.memory_space<hbm>>)
    return
  }
}

</mosaic_0001>

<sc_bundles>
// kernel: kernel.3.cloned.1.call-start
scs
__scs_entry_jumppad:
0x0: {  	(pc) =	sbr.rel $0x88, $3  }
0x1: {  	(tag) =	ssettag $0x0;
	lr =	simm.s32 $0x1  }
0x2: {  	[smem:$0x3F9F] =	sst lr;
	_ =	strace $0xD0000000  }
0x3: {  	_ = 	snop  }
0x4: {  	_ = 	snop  }
0x5: {  	_ = 	snop  }
0x6: {  	_ = 	snop  }
0x7: {  	_ = 	snop  }
__scs_overlays_trampoline_lowered:
0x8: {  	[smem:$0x3FAE] =	sst s0  }
0x9: {  	[smem:$0x3FAF] =	sst s1  }
0xa: {  	[smem:$0x3FB0] =	sst s2  }
0xb: {  	[smem:$0x3FB1] =	sst s3  }
0xc: {  	[smem:$0x3FB2] =	sst s4  }
0xd: {  	[smem:$0x3FB3] =	sst s5  }
0xe: {  	[smem:$0x3FB4] =	sst s6  }
0xf: {  	[smem:$0x3FB5] =	sst s7  }
0x10: {  	[smem:$0x3FB6] =	sst s8  }
0x11: {  	[smem:$0x3FB7] =	sst s9;
	s0 =	simm.s32 @!p0 $0x0  }
0x12: {  	s1 =	sld [smem:$0x3F9D];
	s0 =	simm.s32 @p0 $0x1  }
0x13: {  	[smem:$0x3FB8] =	sst s0;
	s0 =	simm.s32 @!p1 $0x0  }
0x14: {  	s2 =	sld [smem:$0x3F9C];
	s0 =	simm.s32 @p1 $0x1  }
0x15: {  	[smem:$0x3FB9] =	sst s0;
	s0 =	simm.s32 @!p2 $0x0  }
0x16: {  	s3 =	sld [smem:$0x3FDB];
	s0 =	simm.s32 @p2 $0x1  }
0x17: {  	s4 =	simm.s32 $0x1BF5;
	[smem:$0x3FBB] =	sst s0  }
0x18: {  	s0 =	sld [smem:$0x3F9E];
	_ =	swait.ge [sflag:s4], $0x0  }
0x19: {  	s7 =	sld [smem:$0x3F9F]  }
0x1a: {  	s8 =	sadd.s32 $0xFFFFE003, lr  }
0x1b: {  	s9 =	sadd.s32 $0xFFFFFEF7, lr;
	s5 =	simm.s32 $0xFFFFFFFF;
	p2 =	slt.u32 s8, $0xFFFFF086  }
0x1c: {  	p1 =	slt.u32 s9, $0xF7A;
	s5 =	simm.s32 @!p2 $0x0  }
0x1d: {  	s5 =	simm.s32 @p1 $0x1;
	p0 =	seq.s32 s7, s2  }
0x1e: {  	s7 =	smul.u32 @!p0 $0xF7A, s2;
	p2 =	seq.s32 @!p0 s5, $0x0  }
0x1f: {  	s9 =	smul.u32 $0xF7A, s1;
	s8 =	simm.s32 @!p0 $0x1BF5;
	p2 =	por !p2, p0  }
0x20: {  	[sflag:s8] =	ssyncset.s32 @!p0 $0xFFFFF086;
	s6 =	sadd.s32 @!p0 s3, s7;
	s7 =	simm.s32 @!p0 $0x108  }
0x21: {  	s3 =	sadd.s32 s3, s9;
	s6 =	sadd.s32 @!p0 $0x88, s6;
	s7 =	simm.s32 @p2 $0x1082  }
0x22: {  	[simem:s7], [sflag:s8] =	dma.local @!p0 [hbm:s6], $0xF7A  }
0x23: {  	s9 =	sor.u32 $0xD0000000, s2;
	s6 =	simm.s32 $0x108;
	_ =	swait.ge @!p0 [sflag:s8], $0x0  }
0x24: {  	s3 =	sadd.s32 $0x88, s3;
	s6 =	simm.s32 @!p1 $0x1082;
	[sflag:s4] =	ssyncset.s32 $0xFFFFF086  }
0x25: {  	[simem:s6], [sflag:s4] =	dma.local [hbm:s3], $0xF7A  }
0x26: {  	[smem:$0x3F9F] =	sst s1;
	(tag) =	ssettag s2;
	_ =	strace s9  }
0x27: {  	s1 =	sld [smem:$0x3FAF]  }
0x28: {  	s2 =	sld [smem:$0x3FB0]  }
0x29: {  	s4 =	sld [smem:$0x3FB2]  }
0x2a: {  	p0 =	seq.s32 s5, $0x0;
	s5 =	sld [smem:$0x3FB3]  }
0x2b: {  	s6 =	sld [smem:$0x3FB4]  }
0x2c: {  	s7 =	sld [smem:$0x3FB5]  }
0x2d: {  	s3 =	simm.s32 $0x108;
	s8 =	sld [smem:$0x3FB6]  }
0x2e: {  	s3 =	simm.s32 @!p0 $0x1082;
	s9 =	sld [smem:$0x3FB7]  }
0x2f: {  	lr =	sadd.s32 s0, s3;
	s0 =	sld [smem:$0x3FAE]  }
0x30: {  	s3 =	sld [smem:$0x3FB1]  }
0x31: {  	[smem:$0x3FBA] =	sst s10  }
0x32: {  	s10 =	sld [smem:$0x3FB8];
	_ =	sdelay $0x3  }
0x33: {  	p0 =	seq.s32 s10, $0x1;
	s10 =	sld [smem:$0x3FBA];
	_ =	sdelay $0x3  }
0x34: {  	[smem:$0x3FBA] =	sst s10  }
0x35: {  	s10 =	sld [smem:$0x3FB9];
	_ =	sdelay $0x3  }
0x36: {  	p1 =	seq.s32 s10, $0x1;
	s10 =	sld [smem:$0x3FBA];
	_ =	sdelay $0x3  }
0x37: {  	[smem:$0x3FBA] =	sst s10  }
0x38: {  	s10 =	sld [smem:$0x3FBB]  }
0x39: {  	_ = 	snop;
	(pc) =	sbr.ind lr, $3  }
0x3a: {  	_ = 	snop  }
0x3b: {  	_ = 	snop  }
0x3c: {  	p2 =	seq.s32 s10, $0x1;
	s10 =	sld [smem:$0x3FBA]  }
0x3d: {  	_ =	shalt  }
0x3e: {  	_ =	shalt  }
0x3f: {  	_ =	shalt  }
0x40: {  	_ =	shalt  }
0x41: {  	_ =	shalt  }
0x42: {  	_ =	shalt  }
0x43: {  	_ =	shalt  }
0x44: {  	_ =	shalt  }
0x45: {  	_ =	shalt  }
0x46: {  	_ =	shalt  }
0x47: {  	_ =	shalt  }
0x48: {  	_ =	shalt  }
0x49: {  	_ =	shalt  }
0x4a: {  	_ =	shalt  }
0x4b: {  	_ =	shalt  }
0x4c: {  	_ =	shalt  }
0x4d: {  	_ =	shalt  }
0x4e: {  	_ =	shalt  }
0x4f: {  	_ =	shalt  }
0x50: {  	_ =	shalt  }
0x51: {  	_ =	shalt  }
0x52: {  	_ =	shalt  }
0x53: {  	_ =	shalt  }
0x54: {  	_ =	shalt  }
0x55: {  	_ =	shalt  }
0x56: {  	_ =	shalt  }
0x57: {  	_ =	shalt  }
0x58: {  	_ =	shalt  }
0x59: {  	_ =	shalt  }
0x5a: {  	_ =	shalt  }
0x5b: {  	_ =	shalt  }
0x5c: {  	_ =	shalt  }
0x5d: {  	_ =	shalt  }
0x5e: {  	_ =	shalt  }
0x5f: {  	_ =	shalt  }
0x60: {  	_ =	shalt  }
0x61: {  	_ =	shalt  }
0x62: {  	_ =	shalt  }
0x63: {  	_ =	shalt  }
0x64: {  	_ =	shalt  }
0x65: {  	_ =	shalt  }
0x66: {  	_ =	shalt  }
0x67: {  	_ =	shalt  }
0x68: {  	_ =	shalt  }
0x69: {  	_ =	shalt  }
0x6a: {  	_ =	shalt  }
0x6b: {  	_ =	shalt  }
0x6c: {  	_ =	shalt  }
0x6d: {  	_ =	shalt  }
0x6e: {  	_ =	shalt  }
0x6f: {  	_ =	shalt  }
0x70: {  	_ =	shalt  }
0x71: {  	_ =	shalt  }
0x72: {  	_ =	shalt  }
0x73: {  	_ =	shalt  }
0x74: {  	_ =	shalt  }
0x75: {  	_ =	shalt  }
0x76: {  	_ =	shalt  }
0x77: {  	_ =	shalt  }
0x78: {  	_ =	shalt  }
0x79: {  	_ =	shalt  }
0x7a: {  	_ =	shalt  }
0x7b: {  	_ =	shalt  }
0x7c: {  	_ =	shalt  }
0x7d: {  	_ =	shalt  }
0x7e: {  	_ =	shalt  }
0x7f: {  	_ =	shalt  }
0x80: {  	_ =	shalt  }
0x81: {  	_ =	shalt  }
0x82: {  	_ =	shalt  }
0x83: {  	_ =	shalt  }
0x84: {  	_ =	shalt  }
0x85: {  	_ =	shalt  }
0x86: {  	_ =	shalt  }
0x87: {  	_ =	shalt  }
.Lfunc_end0:
.L_simem_size_0:
called_computation.1_lowered:
.L_overlay_start_0:
0x88: {  	s2 =	sld [smem:$0x3FD9]  }
0x89: {  	s3 =	sld [smem:$0x3FFE];
	_ =	sdelay $0x1  }
0x8a: {  	s1 =	srdreg.scid  }
0x8b: {  	s0 =	sand.u32 $0x1, s1  }
0x8c: {  	s17 =	sshll.u32 s0, $0xA;
	s2 =	sadd.s32 s3, s2  }
0x8d: {  	s2 =	sadd.s32 s2, s17  }
0x8e: {  	[smem:$0x3FC6] =	sst s2  }
0x8f: {  	_ = 	snop  }
0x90: {  	s2 =	sld [smem:$0x3FD0];
	(tm) =	ssettm $0x1  }
0x91: {  	s18 =	sld [smem:$0x3FFB];
	_ =	sdelay $0x3  }
0x92: {  	_ =	strace s18  }
0x93: {  	s3 =	sld [smem:$0x3FFC];
	_ =	sdelay $0x3  }
0x94: {  	_ =	strace s3  }
0x95: {  	s3 =	sld [smem:$0x3FFD];
	_ =	sdelay $0x3  }
0x96: {  	_ =	strace s3  }
0x97: {  	_ =	strace $0x8FFFFFFF  }
0x98: {  	s19 =	sld [smem:$0x3FDB];
	_ =	sdelay $0x1  }
0x99: {  	s4 =	simm.s32 $_scs_section_size  }
0x9a: {  	s5 =	simm.s32 $_size__tile_overlayer_lowered;
	s6 =	simm.s32 $_tile_overlayer_lowered  }
0x9b: {  	s22 =	simm.s32 $0x1BFF;
	s21 =	sshll.u32 s6, $0x1;
	s3 =	sadd.s32 s4, s19  }
0x9c: {  	s7 =	simm.s32 $0x0;
	s20 =	sshll.u32 s5, $0x1;
	s5 =	sadd.s32 s21, s3  }
0x9d: {  	[timem:s7], [sflag:s22] =	dma.local [hbm:s5], s20  }
0x9e: {  	_ =	swait.ge [sflag:s22], s20  }
0x9f: {  	s4 =	ssub.s32 $0x0, s20;
	[sflag:s22] =	ssyncset.done $0x0  }
0xa0: {  	[sflag:s22] =	ssyncadd.s32 s4;
	_ =	sdelay $0x1  }
0xa1: {  	s23 =	simm.s32 $0x1B8B  }
0xa2: {  	_ =	swait.ge [sflag:s23], $0x1  }
0xa3: {  	[sflag:s23] =	ssyncset.done $0x0  }
0xa4: {  	s25 =	simm.s32 $0x1B8E;
	s24 =	sld [smem:$0x3FFE];
	[sflag:s23] =	ssyncadd.s32 $0xFFFFFFFF  }
0xa5: {  	s26 =	simm.s32 $execute0_lowered;
	[smem:$0x3FD2] =	sst s25  }
0xa6: {  	s5 =	sshll.u32 s26, $0x1;
	_ =	strace $0x80000046;
	[dreg:$0x1] =	wrdreg $0xFFFFFFFF  }
0xa7: {  	s28 =	simm.s32 $_size_execute0_lowered;
	s3 =	sadd.s32 s3, s5;
	[dreg:$0x0] =	wrdreg $0x0  }
0xa8: {  	s5 =	sshll.u32 s28, $0x1;
	[dreg:$0x2] =	wrdreg s3  }
0xa9: {  	[dreg:$0x3] =	wrdreg s5  }
0xaa: {  	[dreg:$0x4] =	wrdreg $0xC0  }
0xab: {  	_ =	task [dreg:s7], $0x5FFFF  }
0xac: {  	[dreg:$0x1] =	wrdreg $0xFFFFFFFF  }
0xad: {  	[dreg:$0x0] =	wrdreg $0x60  }
0xae: {  	[dreg:$0x2] =	wrdreg s2  }
0xaf: {  	[dreg:$0x3] =	wrdreg s24  }
0xb0: {  	[dreg:$0x4] =	wrdreg $0x9  }
0xb1: {  	_ =	task.clear_ibuf [dreg:s7], $0x5FFFF;
	_ =	strace $0x90000046  }
0xb2: {  	s29 =	simm.s32 $0x9;
	_ =	strace $0x80000048  }
0xb3: {  	_ =	swait.ge [sflag:s29], $0x1  }
0xb4: {  	[sflag:s29] =	ssyncadd.s32 $0xFFFFFFFF  }
0xb5: {  	_ =	strace $0x90000048  }
0xb6: {  	_ =	sfence  }
0xb7: {  	s30 =	sld [smem:$0x0];
	_ =	sdelay $0x2  }
0xb8: {  	s31 =	sshll.u32 s1, $0xD;
	s1 =	sshrl.u32 s1, $0x2  }
0xb9: {  	s3 =	sand.u32 $0x4000, s31;
	s1 =	sadd.s32 s1, s30  }
0xba: {  	s0 =	sor.u32 s3, s0;
	s1 =	sshll.u32 s1, $0x11  }
0xbb: {  	s0 =	sor.u32 s1, s0  }
0xbc: {  	s0 =	sadd.s32 $0x8F2B, s0  }
0xbd: {  	[sflag:s0] =	ssyncadd.remote.s32 $0x1  }
0xbe: {  	_ =	sfence.sel $0xFFFF  }
0xbf: {  	[dreg:$0x0] =	wrdreg $0xFFFFFFFF;
	(pc) =	sbr.abs _section_cstart, $3  }
0xc0: {  	[dreg:$0x1] =	wrdreg $0xFFFFFFFF  }
0xc1: {  	_ =	task.clear_ibuf [dreg:s7], $0x2FFFF;
	_ =	strace $0x9FFFFFFF  }
0xc2: {  	(tm) =	ssettm $0x7FFFFFFF  }
0xc3: {  	_ =	shalt  }
tec
execute0_lowered:
.L_overlay_start_1:
0x0: {  	(tag) =	ssettag $0x1  }
0x1: {  	v0 =	vimm.s32 $0x49484746;
	v2 =	vimm.s32 $0x2221201F  }
0x2: {  	v3 =	vimm.s32 $0x26252423;
	vm2 =	vcmask $0x300;
	v5 =	vimm.s32 $0x0  }
0x3: {  	vm0 =	vcmask $0x1F10;
	vm4 =	vcmask $0x2320;
	v25 =	vlaneseq.u32  }
0x4: {  	v6 =	vimm.s32 $0x1F1E1D;
	v8 =	vimm.s32 $0x43424140;
	v9 =	vimm.s32 $0x19181716  }
0x5: {  	v36 =	vimm.s32 $0x403F3E3D;
	v37 =	vimm.s32 $0x44434241;
	v1 =	vunpack.c.0.s8.s32 v0  }
0x6: {  	v0 =	vimm.s32 $0x4D4C4B4A;
	v2 =	vunpack.c.0.s8.s32 v2;
	v3 =	vunpack.c.0.s8.s32 v3  }
0x7: {  	v38 =	vimm.s32 $0x28274645;
	v11 =	vunpack.c.0.s8.s32 v8;
	v4 =	vunpack.c.0.s8.s32 v0  }
0x8: {  	v8 =	vimm.s32 $0x15141312;
	v2 =	vsel vm0, v3, v2;
	v3 =	vimm.s32 $0x14131211  }
0x9: {  	v21 =	vunpack.c.0.s8.s32 v36;
	v1 =	vsel vm0, v4, v1;
	v4 =	vunpack.c.0.s8.s32 v3  }
0xa: {  	v3 =	vimm.s32 $0x18171615;
	v20 =	vcombine.low v2, v1;
	v1 =	vmul.u32 $0x80, v25  }
0xb: {  	v0 =	vsel vm2, $0x7, v5;
	[tilespmem:$0x1FAF0] =	vst v11;
	v2 =	vsel vm4, $0x148, v5;
	v7 =	vunpack.c.0.s8.s32 v3  }
0xc: {  	v5 =	vimm.s32 $0x1C1B1A19;
	v3 =	vunpack.c.0.s8.s32 v6;
	v6 =	vimm.s32 $0x3B3A3938;
	[tilespmem:$0x1FA60] =	vst v1  }
0xd: {  	v5 =	vunpack.c.0.s8.s32 v5;
	v6 =	vunpack.c.0.s8.s32 v6;
	v1 =	vadd.s32 $0x27, v25;
	[tilespmem:$0x1FAC0] =	vst v7  }
0xe: {  	v4 =	vsel vm0, v7, v4;
	v7 =	vimm.s32 $0x3F3E3D3C;
	[tilespmem:$0x1FA70] =	vst v1;
	v1 =	vadd.s32 $0x1, v25  }
0xf: {  	[tilespmem:$0x1FAD0] =	vst v5;
	v5 =	vsel vm0, v3, v5;
	v10 =	vunpack.c.0.s8.s32 v7;
	v7 =	vimm.s32 $0x27464544  }
0x10: {  	[tilespmem:$0x1FA80] =	vst v1;
	v1 =	vadd.s32 $0x28, v25;
	v12 =	vunpack.c.0.s8.s32 v7;
	v7 =	vunpack.c.0.s8.s32 v8  }
0x11: {  	v8 =	vunpack.c.0.s8.s32 v9;
	v45 =	vcombine.low v4, v5;
	v9 =	vunpack.c.0.s8.s32 v37;
	[tilespmem:$0x1FA90] =	vst v1  }
0x12: {  	v1 =	vadd.s32 $0x2, v25;
	[tilespmem:$0x1FAE0] =	vst v10;
	v4 =	vsel vm0, v10, v6;
	v10 =	vunpack.c.0.s8.s32 v38  }
0x13: {  	[tilespmem:$0x1FAA0] =	vst v1;
	v1 =	vadd.s32 $0x29, v25;
	v6 =	vsel vm0, v8, v7;
	v7 =	vimm.s32 $0x1D1C1B1A  }
0x14: {  	[tilespmem:$0x1FB10] =	vst v8;
	v8 =	vimm.s32 $0x3C3B3A39;
	v35 =	vunpack.c.0.s8.s32 v7;
	v7 =	vimm.s32 $0x1001F1E  }
0x15: {  	[tilespmem:$0x1FB00] =	vst v12;
	v12 =	vsel vm0, v12, v11;
	v8 =	vunpack.c.0.s8.s32 v8;
	v7 =	vunpack.c.0.s8.s32 v7  }
0x16: {  	[tilespmem:$0x1FAB0] =	vst v1;
	v1 =	vcombine.low v4, v12  }
0x17: {  	[tilespmem:$0x1FB50] =	vst v9;
	v9 =	vsel vm0, v10, v9;
	v4 =	vsel vm0, v21, v8;
	v11 =	vsel vm0, v7, v35  }
0x18: {  	v8 =	vimm.s32 $0x1A191817;
	v41 =	vcombine.low v6, v11;
	v6 =	vimm.s32 $0x16151413  }
0x19: {  	v23 =	vcombine.low v4, v9;
	v22 =	vunpack.c.0.s8.s32 v8;
	v4 =	vunpack.c.0.s8.s32 v6  }
0x1a: {  	v40 =	vimm.s32 $0x41403F3E  }
0x1b: {  	[tilespmem:$0x1FB70] =	vst v9;
	v8 =	vimm.s32 $0x3D3C3B3A;
	v6 =	vimm.s32 $0x1E1D1C1B;
	v4 =	vsel vm0, v22, v4  }
0x1c: {  	v9 =	vunpack.c.0.s8.s32 v40;
	v8 =	vunpack.c.0.s8.s32 v8;
	[tilespmem:$0x1FB80] =	vst v4;
	v4 =	vunpack.c.0.s8.s32 v6;
	_ =	sdelay $0x1  }
0x1d: {  	[tilespmem:$0x1FB90] =	vst v4;
	v4 =	vsel vm0, v9, v8  }
0x1e: {  	[tilespmem:$0x1FBB0] =	vst v4;
	v4 =	vimm.s32 $0x45444342  }
0x1f: {  	v4 =	vunpack.c.0.s8.s32 v4  }
0x20: {  	v6 =	vimm.s32 $0x3020100  }
0x21: {  	[tilespmem:$0x1FBC0] =	vst v4;
	v4 =	vunpack.c.0.s8.s32 v6;
	v6 =	vimm.s32 $0x1F1E1D1C  }
0x22: {  	v8 =	vimm.s32 $0x1B1A1918;
	v13 =	vunpack.c.0.s8.s32 v6;
	v6 =	vimm.s32 $0x17161514  }
0x23: {  	v14 =	vunpack.c.0.s8.s32 v8;
	v6 =	vunpack.c.0.s8.s32 v6;
	_ =	sdelay $0x1  }
0x24: {  	v4 =	vsel vm0, v4, v13;
	v6 =	vsel vm0, v14, v6  }
0x25: {  	[tilespmem:$0x1FB40] =	vst v1;
	v1 =	vcombine.low v6, v4;
	v4 =	vimm.s32 $0x46454443  }
0x26: {  	v44 =	vimm.s32 $0x4241403F;
	v8 =	vimm.s32 $0x3E3D3C3B;
	v4 =	vunpack.c.0.s8.s32 v4  }
0x27: {  	[tilespmem:$0x1FB60] =	vst v10;
	v10 =	vunpack.c.0.s8.s32 v44;
	v8 =	vunpack.c.0.s8.s32 v8  }
0x28: {  	[tilespmem:$0x1FC20] =	vst v4;
	v4 =	vimm.s32 $0x4030201  }
0x29: {  	v6 =	vsel vm0, v10, v8;
	v4 =	vunpack.c.0.s8.s32 v4  }
0x2a: {  	[tilespmem:$0x1FC10] =	vst v6;
	v6 =	vimm.s32 $0x2A292827  }
0x2b: {  	v6 =	vunpack.c.0.s8.s32 v6;
	v4 =	vsel vm0, v4, v3  }
0x2c: {  	v8 =	vimm.s32 $0x5040302;
	[tilespmem:$0x1FC40] =	vst v4;
	v4 =	vimm.s32 $0x2B2A2928  }
0x2d: {  	vm1 =	vcmask $0x3F24;
	[tilespmem:$0x1FC30] =	vst v6;
	v6 =	vunpack.c.0.s8.s32 v8;
	v4 =	vunpack.c.0.s8.s32 v4  }
0x2e: {  	v42 =	vimm.s32 $0x201001F;
	v43 =	vimm.s32 $0x29282746;
	v46 =	vimm.s32 $0x2E2D2C2B  }
0x2f: {  	v47 =	vimm.s32 $0x32107654;
	v48 =	vimm.s32 $0x2F2E2D2C;
	[tilespmem:$0x1FC50] =	vst v4;
	v4 =	vsel vm0, v6, v7  }
0x30: {  	vm3 =	vcmask $0x1F04;
	v49 =	vimm.s32 $0xB0A0908;
	[tilespmem:$0x1FC60] =	vst v4;
	v4 =	vimm.s32 $0x2C2B2A29  }
0x31: {  	v50 =	vimm.s32 $0x43218765;
	v51 =	vimm.s32 $0x54329876;
	v4 =	vunpack.c.0.s8.s32 v4  }
0x32: {  	v52 =	vimm.s32 $0xC0B0A09;
	v53 =	vimm.s32 $0x6543A987;
	v56 =	vimm.s32 $0xE0D0C0B  }
0x33: {  	vm15 =	vcmask $0x3F30;
	v8 =	vimm.s32 $0x6050403;
	[tilespmem:$0x1FC70] =	vst v4;
	v4 =	vimm.s32 $0x87654321  }
0x34: {  	[tilespmem:$0x1FB30] =	vst v12;
	v12 =	vunpack.c.0.s8.s32 v42;
	v8 =	vunpack.c.0.s8.s32 v8;
	v4 =	vunpack.c.l.s4.s8 v4  }
0x35: {  	v58 =	vimm.s32 $0x33323130;
	vm1 =	vmor vm3, vm1;
	[tilespmem:$0x1FBA0] =	vst v9;
	v9 =	vunpack.c.0.s8.s32 v43  }
0x36: {  	v54 =	vsel vm0, v8, v12;
	v8 =	vimm.s32 $0x98765432;
	v4 =	vunpack.c.0.s8.s32 v4  }
0x37: {  	v16 =	vunpack.c.0.s8.s32 v48;
	[tilespmem:$0x1FC00] =	vst v10;
	v8 =	vunpack.c.l.s4.s8 v8;
	v6 =	vimm.s32 $0x2D2C2B2A  }
0x38: {  	[tilespmem:$0x1FBE0] =	vst v9;
	v9 =	vunpack.c.l.s4.s8 v47;
	v6 =	vunpack.c.0.s8.s32 v6;
	v4 =	vand.u32 $0xF, v4  }
0x39: {  	vm3 =	vcmask $0x2F10;
	[tilespmem:$0x1FBD0] =	vst v14;
	v8 =	vunpack.c.0.s8.s32 v8;
	v4 =	vcombine.low v5, v4  }
0x3a: {  	v57 =	vunpack.c.0.s8.s32 v56;
	v9 =	vunpack.c.0.s8.s32 v9;
	v14 =	vunpack.c.0.s8.s32 v46;
	[tilespmem:$0x1FC80] =	vst v6  }
0x3b: {  	v10 =	vunpack.c.l.s4.s8 v50;
	v6 =	vimm.s32 $0x76543210;
	[tilespmem:$0x1FC90] =	vst v4;
	v4 =	vand.u32 $0xF, v8  }
0x3c: {  	v5 =	vimm.s32 $0x302F2E2D;
	v8 =	vimm.s32 $0xA9876543;
	v32 =	vcombine.low v11, v4  }
0x3d: {  	v4 =	vunpack.c.l.s4.s8 v8;
	v8 =	vand.u32 $0xF, v9;
	v9 =	vunpack.c.0.s8.s32 v49  }
0x3e: {  	v6 =	vunpack.c.l.s4.s8 v6;
	v17 =	vunpack.c.0.s8.s32 v5;
	v8 =	vsel vm3, v8, v13  }
0x3f: {  	v5 =	vimm.s32 $0x31302F2E;
	v18 =	vsel vm15, v9, v8;
	v8 =	vunpack.c.0.s8.s32 v10  }
0x40: {  	[tilespmem:$0x1FCA0] =	vst v13;
	v11 =	vunpack.c.l.s4.s8 v53;
	v13 =	vunpack.c.0.s8.s32 v5;
	v9 =	vunpack.c.l.s4.s8 v51  }
0x41: {  	v5 =	vimm.s32 $0x3231302F;
	v10 =	vunpack.c.0.s8.s32 v52;
	v8 =	vand.u32 $0xF, v8  }
0x42: {  	[tilespmem:$0x1FCE0] =	vst v16;
	v4 =	vunpack.c.0.s8.s32 v4;
	v3 =	vsel vm3, v8, v3;
	v8 =	vunpack.c.0.s8.s32 v9  }
0x43: {  	[tilespmem:$0x1FB20] =	vst v35;
	v5 =	vunpack.c.0.s8.s32 v5;
	v46 =	vsel vm15, v10, v3;
	v3 =	vimm.s32 $0xD0C0B0A  }
0x44: {  	[tilespmem:$0x1FCB0] =	vst v12;
	v55 =	vunpack.c.0.s8.s32 v11;
	v8 =	vand.u32 $0xF, v8;
	v3 =	vunpack.c.0.s8.s32 v3  }
0x45: {  	[tilespmem:$0x1FCC0] =	vst v14;
	v59 =	vunpack.c.0.s8.s32 v6;
	v6 =	vand.u32 $0xF, v4;
	v7 =	vsel vm3, v8, v7  }
0x46: {  	[tilespmem:$0x1FBF0] =	vst v1;
	v4 =	vsel vm0, v5, v14;
	v8 =	vand.u32 $0xF, v55;
	v36 =	vsel vm15, v3, v7  }
0x47: {  	[tilespmem:$0x1FD00] =	vst v17;
	v3 =	vsel vm3, v8, v12;
	v7 =	vimm.s32 $0x34333231;
	v8 =	vunpack.c.0.s8.s32 v58  }
0x48: {  	[tilespmem:$0x1FD20] =	vst v13;
	v55 =	vsel vm15, v57, v3;
	v3 =	vimm.s32 $0x35343332;
	v7 =	vunpack.c.0.s8.s32 v7  }
0x49: {  	[tilespmem:$0x1FCD0] =	vst v4;
	v3 =	vunpack.c.0.s8.s32 v3;
	v4 =	vsel vm0, v8, v16  }
0x4a: {  	[tilespmem:$0x1FCF0] =	vst v4;
	v4 =	vsel vm0, v7, v17  }
0x4b: {  	[tilespmem:$0x1FD10] =	vst v4;
	v3 =	vsel vm0, v3, v13  }
0x4c: {  	[tilespmem:$0x1FD30] =	vst v3;
	v3 =	vadd.s32 $0x2A, v25  }
0x4d: {  	[tilespmem:$0x1FD40] =	vst v3;
	v3 =	vadd.s32 $0x2B, v25  }
0x4e: {  	s4 =	rddreg [dreg:$0x0];
	s3 =	simm.s32 $0x0;
	[tilespmem:$0x1FD50] =	vst v3;
	v3 =	vadd.s32 $0x2C, v25  }
0x4f: {  	[smem:$0x7FF] =	sst s3;
	[tilespmem:$0x1FD60] =	vst v3;
	v3 =	vadd.s32 $0x2E, v25  }
0x50: {  	s1 =	rddreg [dreg:$0x1];
	_ =	strace $0x80000047;
	[tilespmem:$0x1FD70] =	vst v3  }
0x51: {  	[tilespmem:$0x1FE10] =	vst v21  }
0x52: {  	[tilespmem:$0x1FE20] =	vst v22  }
0x53: {  	[tilespmem:$0x1FE30] =	vst v54  }
0x54: {  	[tilespmem:$0x1FE40] =	vst v46  }
0x55: {  	[tilespmem:$0x1FE50] =	vst v36  }
0x56: {  	[tilespmem:$0x1FE60] =	vst v55  }
0x57: {  	[tilespmem:$0x1FE70] =	vst v59  }
0x58: {  	[tilespmem:$0x1FE80] =	vst v6  }
0x59: {  	[tilespmem:$0x1FE90] =	vst v23  }
0x5a: {  	[tilespmem:$0x1FEA0] =	vst v0  }
0x5b: {  	[tilespmem:$0x1FEB0] =	vst v20  }
0x5c: {  	[tilespmem:$0x1FEC0] =	vst v45  }
0x5d: {  	v38 =	vadd.s32 $0x2D, v25;
	[tilespmem:$0x1FED0] =	vst v2  }
0x5e: {  	v19 =	vadd.s32 $0x6, v25;
	[tilespmem:$0x1FEE0] =	vst v38  }
0x5f: {  	v52 =	vadd.s32 $0x32, v25;
	[tilespmem:$0x1FEF0] =	vst v19  }
0x60: {  	v7 =	vadd.s32 $0xD, v25;
	[tilespmem:$0x1FF00] =	vst v52  }
0x61: {  	v49 =	vadd.s32 $0xB, v25;
	[tilespmem:$0x1FF10] =	vst v7  }
0x62: {  	v27 =	vadd.s32 $0xF, v25;
	[tilespmem:$0x1FF20] =	vst v49  }
0x63: {  	v61 =	vadd.s32 $0x37, v25;
	[tilespmem:$0x1FF30] =	vst v27  }
0x64: {  	[tilespmem:$0x1FF40] =	vst v61  }
0x65: {  	[tilespmem:$0x1FF50] =	vst v18  }
0x66: {  	v48 =	vadd.s32 $0x8, v25;
	[tilespmem:$0x1FF60] =	vst v32  }
0x67: {  	v42 =	vadd.s32 $0x4, v25;
	[tilespmem:$0x1FF70] =	vst v48  }
0x68: {  	v40 =	vor.u32 $0x30, v25;
	[tilespmem:$0x1FF80] =	vst v42  }
0x69: {  	v1 =	vadd.s32 $0x5, v25;
	[tilespmem:$0x1FF90] =	vst v40  }
0x6a: {  	v15 =	vadd.s32 $0xA, v25;
	[tilespmem:$0x1FFA0] =	vst v1  }
0x6b: {  	v47 =	vadd.s32 $0x7, v25;
	[tilespmem:$0x1FFB0] =	vst v15  }
0x6c: {  	v44 =	vadd.s32 $0x35, v25;
	[tilespmem:$0x1FFC0] =	vst v47  }
0x6d: {  	s0 =	srdreg.scid;
	s2 =	stileid.u32;
	v39 =	vadd.s32 $0x3, v25;
	[tilespmem:$0x1FFD0] =	vst v44  }
0x6e: {  	s0 =	sand.u32 $0x1, s0;
	s2 =	sshll.u32 s2, $0x1;
	[tilespmem:$0x1FFE0] =	vst v39  }
0x6f: {  	s2 =	sor.u32 s0, s2;
	v3 =	vadd.s32 $0x2F, v25;
	[tilespmem:$0x1FFF0] =	vst v41  }
0x70: {  	s7 =	smul.u32 $0x19000, s2;
	[tilespmem:$0x1FD80] =	vst v3;
	v3 =	vadd.s32 $0x9, v25  }
0x71: {  	s14 =	simm.s32 $0x1;
	s2 =	smul.u32 $0x32000, s2;
	[tilespmem:$0x1FD90] =	vst v3;
	v3 =	vadd.s32 $0x31, v25  }
0x72: {  	s15 =	simm.s32 $0x5D00;
	s16 =	simm.s32 $0x5A00;
	s6 =	sadd.s32 $0x800, s1;
	[tilespmem:$0x1FDA0] =	vst v3;
	v3 =	vadd.s32 $0xC, v25  }
0x73: {  	s17 =	simm.s32 $0x2;
	s29 =	sadd.s32 s4, s2;
	[dreg:$0x4] =	wrdreg s6;
	[tilespmem:$0x1FDB0] =	vst v3;
	v3 =	vadd.s32 $0x33, v25  }
0x74: {  	s0 =	ssub.s32 $0x2, s0;
	s30 =	sor.u32 $0x140, s7;
	[dreg:$0x5] =	wrdreg s29;
	[tilespmem:$0x1FDC0] =	vst v3;
	v3 =	vadd.s32 $0x34, v25  }
0x75: {  	s18 =	simm.s32 $0x4;
	s5 =	sshrl.u32 s0, $0x1;
	[dreg:$0x6] =	wrdreg s30;
	[tilespmem:$0x1FDD0] =	vst v3;
	v3 =	vadd.s32 $0xE, v25  }
0x76: {  	vm2 =	vmor vm2, vm4;
	s0 =	ssub.s32 s0, s5;
	s31 =	sor.u32 $0x280, s7;
	[dreg:$0x3] =	wrdreg s7;
	[tilespmem:$0x1FDE0] =	vst v3;
	v3 =	vadd.s32 $0x36, v25  }
0x77: {  	s19 =	simm.s32 $0xFD00;
	s0 =	smax.u32 s0, $0x1;
	[dreg:$0x7] =	wrdreg s31;
	[tilespmem:$0x1FDF0] =	vst v3;
	v3 =	vor.u32 $0x10, v25  }
0x78: {  	s6 =	sadd.s32 $0x1000, s1;
	[dreg:$0x8] =	wrdreg s0;
	s1 =	simm.s32 $0x0;
	[tilespmem:$0x1FE00] =	vst v3  }
.LBB2_1:
0x79: {  	[dreg:$0x9] =	wrdreg s1  }
0x7a: {  	s0 =	rddreg [dreg:$0x4];
	s29 =	simm.s32 $0x5  }
0x7b: {  	[tilespmem:s3], [sflag:$0x5] =	stream.linear.gather [hbm4b:s0+s3], $0x3200, $0x38;
	[tilespmem:$0x19D00] =	vst v63  }
0x7c: {  	_ =	swait.ge [sflag:s29], $0x3200  }
0x7d: {  	s31 =	simm.s32 $0x3200;
	[sflag:s29] =	ssyncset.done $0x0  }
0x7e: {  	s22 =	simm.s32 $0x0;
	s30 =	rddreg [dreg:$0x5];
	[sflag:s29] =	ssyncadd.s32 $0xFFFFCE00  }
0x7f: {  	[tilespmem:s31], [sflag:$0x1] =	stream.linear.gather [hbm4b:s30+s3], $0x1400, $0x38;
	[tilespmem:$0x19D00] =	vst v63  }
.LBB2_2:
0x80: {  	s0 =	rddreg [dreg:$0x6]  }
0x81: {  	s24 =	smul.u32 $0x280, s22;
	s1 =	simm.s32 $0x0;
	s2 =	rddreg [dreg:$0x0]  }
0x82: {  	s8 =	simm.s32 $0x80;
	s9 =	simm.s32 $0x4600;
	s10 =	simm.s32 $0x100  }
0x83: {  	s26 =	simm.s32 $0x0;
	s11 =	simm.s32 $0x200;
	s23 =	sadd.s32 s24, s0  }
0x84: {  	s12 =	simm.s32 $0x280;
	s13 =	simm.s32 $0x300;
	s0 =	sshll.u32 s23, $0x1  }
0x85: {  	s28 =	simm.s32 $0x4;
	s29 =	simm.s32 $0x8;
	v3 =	vmov s1;
	v4 =	vmov s8;
	s0 =	sand.u32 $0x1FFFFF80, s0  }
0x86: {  	s25 =	simm.s32 $0x500;
	s7 =	simm.s32 $0x2;
	v5 =	vmov s10;
	v6 =	vadd.s32 s26, v2;
	v8 =	vmov s11;
	s0 =	sadd.s32 s2, s0  }
0x87: {  	v9 =	vmov s12;
	v10 =	vmov s13;
	v11 =	vadd.s32 s28, v2;
	[tilespmem:s9], [sflag:$0x2] =	stream.linear.gather [hbm4b:s0+s3], $0x1400, $0x38;
	[tilespmem:$0x19D00] =	vst v63  }
0x88: {  	v17 =	vadd.s32 s29, v2;
	v18 =	vmov s25;
	v29 =	vadd.s32 s7, v2;
	_ =	swait.ge [sflag:s14], $0x1400  }
0x89: {  	p0 =	seq.s32 s22, $0x0;
	v3 =	vshrl.u32 v3, $0x7;
	v4 =	vshrl.u32 v4, $0x7;
	v5 =	vshrl.u32 v5, $0x7;
	[sflag:s14] =	ssyncset.done $0x0  }
0x8a: {  	s8 =	simm.s32 $0x700;
	v8 =	vshrl.u32 v8, $0x7;
	v9 =	vshrl.u32 v9, $0x7;
	v10 =	vshrl.u32 v10, $0x7;
	s0 =	simm.s32 @!p0 $0x3;
	[sflag:s14] =	ssyncadd.s32 $0xFFFFEC00  }
0x8b: {  	v18 =	vshrl.u32 v18, $0x7;
	v24 =	vmov s8;
	v3 =	vshll.u32 v3, v0;
	_ =	swait.ge @!p0 [sflag:s0], $0xA000  }
0x8c: {  	v4 =	vshll.u32 v4, v0;
	v5 =	vshll.u32 v5, v0;
	v3 =	vbroadcast v3, $0x0;
	[sflag:s0] =	ssyncset.done @!p0 $0x0  }
0x8d: {  	s1 =	simm.s32 $0x3220;
	v8 =	vshll.u32 v8, v0;
	v9 =	vshll.u32 v9, v0;
	v10 =	vshll.u32 v10, v0;
	[sflag:s0] =	ssyncadd.s32 @!p0 $0xFFFF6000  }
0x8e: {  	s20 =	simm.s32 $0x400;
	v18 =	vshll.u32 v18, v0;
	v4 =	vbroadcast v4, $0x0;
	v3 =	vor.u32 v20, v3;
	v12 =	vld [tilespmem:s1+$0xFFFFFFE0]  }
0x8f: {  	v8 =	vbroadcast v8, $0x0;
	v14 =	vbroadcast v10, $0x0;
	v10 =	vmov s20  }
0x90: {  	s21 =	simm.s32 $0x480;
	s31 =	simm.s32 $0x3260;
	v5 =	vbroadcast v5, $0x0;
	v16 =	vor.u32 v20, v4;
	v4 =	vshrl.u32 v10, $0x7  }
0x91: {  	v8 =	vor.u32 v20, v8;
	v10 =	vmov s21;
	v4 =	vshll.u32 v4, v0;
	v22 =	vld [tilespmem:s31+$0xFFFFFFE0]  }
0x92: {  	v9 =	vbroadcast v9, $0x0;
	s2 =	simm.s32 $0x1;
	v10 =	vshrl.u32 v10, $0x7;
	v4 =	vbroadcast v4, $0x0  }
0x93: {  	v21 =	vadd.s32 s2, v2;
	v30 =	vor.u32 v20, v5;
	v10 =	vshll.u32 v10, v0;
	[tilespmem:v3+s15+$0x0] =	vst.idx.msk vm1, v12  }
0x94: {  	s4 =	simm.s32 $0x600;
	s5 =	simm.s32 $0x680;
	v10 =	vbroadcast v10, $0x0;
	v23 =	vor.u32 v20, v4;
	v3 =	vbroadcast v18, $0x0;
	[tilespmem:v6+s16+$0x0] =	vst.idx.msk vm2, v12  }
0x95: {  	s30 =	simm.s32 $0xC;
	v12 =	vor.u32 v20, v9;
	v6 =	vmov s4;
	v9 =	vmov s5;
	v18 =	vld [tilespmem:s1+$0xFFFFFFF0]  }
0x96: {  	v4 =	vadd.s32 s30, v2;
	[tilespmem:v8+s15+$0x0] =	vst.idx.msk vm1, v22;
	s5 =	simm.s32 $0x32A0;
	v6 =	vshrl.u32 v6, $0x7;
	v9 =	vshrl.u32 v9, $0x7  }
0x97: {  	[tilespmem:v11+s16+$0x0] =	vst.idx.msk vm2, v22;
	v22 =	vld [tilespmem:s5+$0xFFFFFFE0];
	v6 =	vshll.u32 v6, v0;
	v8 =	vshll.u32 v9, v0;
	v9 =	vshrl.u32 v24, $0x7  }
0x98: {  	s9 =	simm.s32 $0x5;
	v26 =	vld [tilespmem:s31+$0xFFFFFFF0];
	v6 =	vbroadcast v6, $0x0;
	v28 =	vbroadcast v8, $0x0;
	v8 =	vshll.u32 v9, v0  }
0x99: {  	s10 =	simm.s32 $0x180;
	s2 =	simm.s32 $0x10;
	v10 =	vor.u32 v20, v10;
	v24 =	vadd.s32 s9, v2;
	v5 =	vbroadcast v8, $0x0  }
0x9a: {  	s11 =	simm.s32 $0x6;
	s7 =	simm.s32 $0x800;
	v8 =	vadd.s32 s2, v2;
	v9 =	vor.u32 v20, v6;
	v6 =	vmov s10;
	[tilespmem:v16+s15+$0x0] =	vst.idx.msk vm1, v18  }
0x9b: {  	s9 =	simm.s32 $0x880;
	v11 =	vshrl.u32 v6, $0x7;
	v6 =	vadd.s32 s11, v2;
	v16 =	vmov s7;
	[tilespmem:v21+s16+$0x0] =	vst.idx.msk vm2, v18  }
0x9c: {  	s12 =	simm.s32 $0x9;
	[tilespmem:v23+s15+$0x0] =	vst.idx.msk vm1, v22;
	v11 =	vshll.u32 v11, v0;
	v18 =	vmov s9;
	v16 =	vshrl.u32 v16, $0x7;
	v31 =	vld [tilespmem:s1+$0x0]  }
0x9d: {  	s13 =	simm.s32 $0x900;
	[tilespmem:v12+s15+$0x0] =	vst.idx.msk vm1, v26;
	s7 =	simm.s32 $0x32E0;
	v33 =	vbroadcast v11, $0x0;
	v18 =	vshrl.u32 v18, $0x7;
	v11 =	vadd.s32 s12, v2  }
0x9e: {  	[tilespmem:v17+s16+$0x0] =	vst.idx.msk vm2, v22;
	v17 =	vld [tilespmem:s7+$0xFFFFFFE0];
	v12 =	vshll.u32 v16, v0;
	v16 =	vshll.u32 v18, v0;
	v18 =	vmov s13  }
0x9f: {  	s20 =	simm.s32 $0x3;
	s4 =	rddreg [dreg:$0x3];
	[tilespmem:v24+s16+$0x0] =	vst.idx.msk vm2, v26;
	v23 =	vbroadcast v12, $0x0;
	v22 =	vbroadcast v16, $0x0;
	v12 =	vshrl.u32 v18, $0x7  }
0xa0: {  	s21 =	simm.s32 $0x580;
	s10 =	simm.s32 $0x380;
	s11 =	simm.s32 $0x980;
	v21 =	vld [tilespmem:s5+$0xFFFFFFF0];
	v16 =	vor.u32 v20, v14;
	v18 =	vor.u32 v20, v33;
	v24 =	vshll.u32 v12, v0  }
0xa1: {  	s9 =	simm.s32 $0x14;
	s12 =	simm.s32 $0xB80;
	s25 =	sadd.s32 s4, s24;
	v12 =	vadd.s32 s20, v2;
	v26 =	vor.u32 v20, v23;
	[tilespmem:v30+s15+$0x0] =	vst.idx.msk vm1, v31;
	v30 =	vmov s10  }
0xa2: {  	s13 =	simm.s32 $0xA;
	v14 =	vld [tilespmem:s31+$0x0];
	s20 =	simm.s32 $0x780;
	v23 =	vbroadcast v24, $0x0;
	v24 =	vor.u32 v20, v28;
	s10 =	simm.s32 $0x3320;
	v28 =	vshrl.u32 v30, $0x7;
	[tilespmem:v29+s16+$0x0] =	vst.idx.msk vm2, v31  }
.LBB2_3:
0xa3: {  	s4 =	sadd.s32 $0xFFFFFE80, s12;
	v29 =	vadd.s32 s9, v2;
	s8 =	sadd.s32 $0xFFFFFF00, s12;
	[tilespmem:v9+s15+$0x0] =	vst.idx.msk vm1, v17;
	v30 =	vadd.s32 s13, v2;
	s13 =	smov.u32 s9  }
0xa4: {  	v28 =	vshll.u32 v28, v0;
	v31 =	vld [tilespmem:s1+$0x10];
	v33 =	vmovc v22;
	v9 =	vmovc v26;
	v26 =	vmov v3;
	v3 =	vmov v5;
	s0 =	sadd.s32 $0x4, s9;
	s1 =	smov.u32 s31;
	s31 =	smov.u32 s5  }
0xa5: {  	p1 =	slt.u32 s9, $0x13C;
	s5 =	sadd.s32 $0x1, s30;
	v22 =	vmov s4;
	v35 =	vmov s8;
	s4 =	sadd.s32 $0xFFFFFF80, s12;
	[tilespmem:v10+s15+$0x0] =	vst.idx.msk vm1, v21;
	v28 =	vbroadcast v28, $0x0;
	v5 =	vmovc v23;
	v10 =	vmovc v24  }
0xa6: {  	v24 =	vadd.s32 s5, v2;
	s5 =	smov.u32 s7;
	s7 =	smov.u32 s10;
	v22 =	vshrl.u32 v22, $0x7;
	v23 =	vshrl.u32 v35, $0x7;
	[tilespmem:v4+s16+$0x0] =	vst.idx.msk vm2, v17;
	v4 =	vmovc v8;
	v8 =	vmovc v29  }
.Ltmp0:
0xa7: {  	v13 =	vmov s4;
	v22 =	vshll.u32 v22, v0;
	v23 =	vshll.u32 v23, v0;
	v17 =	vld [tilespmem:s10+$0xFFFFFFE0];
	[tilespmem:v11+s16+$0x0] =	vst.idx.msk vm2, v21;
	v11 =	vmovc v24;
	(pc) =	sbr.rel @p1 .LBB2_3-.Ltmp0, $4  }
0xa8: {  	s4 =	sadd.s32 $0x3, s28;
	s28 =	smov.u32 s29;
	s29 =	smov.u32 s30;
	v29 =	vmovc v14;
	v24 =	vbroadcast v22, $0x0;
	v22 =	vbroadcast v23, $0x0;
	v23 =	vshrl.u32 v13, $0x7;
	v21 =	vld [tilespmem:s5+$0xFFFFFFF0];
	[tilespmem:v16+s15+$0x0] =	vst.idx.msk vm1, v14  }
0xa9: {  	s30 =	smov.u32 s2;
	s2 =	smov.u32 s13;
	s10 =	sadd.s32 $0x40, s10;
	v35 =	vadd.s32 s4, v2;
	v16 =	vor.u32 v20, v26;
	v23 =	vshll.u32 v23, v0;
	[tilespmem:v18+s15+$0x0] =	vst.idx.msk vm1, v31  }
0xaa: {  	v37 =	vmov s21;
	s21 =	smov.u32 s20;
	s20 =	smov.u32 s11;
	s11 =	smov.u32 s12;
	v18 =	vor.u32 v20, v28;
	v26 =	vor.u32 v20, v24;
	v14 =	vld [tilespmem:s31+$0x0];
	[tilespmem:v12+s16+$0x0] =	vst.idx.msk vm2, v31;
	v12 =	vmovc v35  }
0xab: {  	s12 =	sadd.s32 $0x200, s12;
	s9 =	smov.u32 s0;
	s13 =	sadd.s32 $0x2, s29;
	v28 =	vshrl.u32 v37, $0x7;
	v23 =	vbroadcast v23, $0x0;
	v24 =	vor.u32 v20, v33;
	[tilespmem:v6+s16+$0x0] =	vst.idx.msk vm2, v29;
	v6 =	vmovc v30  }
0xac: {  	_ =	sdelay $0x4  }
0xad: {  	[tilespmem:v9+s15+$0x0] =	vst.idx.msk vm1, v17;
	v9 =	vld [tilespmem:s10+$0xFFFFFFE0]  }
0xae: {  	[tilespmem:v10+s15+$0x0] =	vst.idx.msk vm1, v21  }
0xaf: {  	v10 =	vld [tilespmem:s1+$0x10];
	[tilespmem:v4+s16+$0x0] =	vst.idx.msk vm2, v17  }
0xb0: {  	[tilespmem:v11+s16+$0x0] =	vst.idx.msk vm2, v21  }
0xb1: {  	[tilespmem:v16+s15+$0x0] =	vst.idx.msk vm1, v14  }
0xb2: {  	s0 =	sadd.s32 $0x1, s30;
	v4 =	vld [tilespmem:s7+$0xFFFFFFF0];
	[tilespmem:v26+s15+$0x0] =	vst.idx.msk vm1, v9  }
0xb3: {  	v11 =	vadd.s32 s0, v2;
	[tilespmem:v8+s16+$0x0] =	vst.idx.msk vm2, v9  }
0xb4: {  	s12 =	sadd.s32 $0x1, s2;
	v8 =	vshll.u32 v28, v0;
	[tilespmem:v18+s15+$0x0] =	vst.idx.msk vm1, v10;
	v9 =	vor.u32 v20, v22;
	v16 =	vld [tilespmem:s10+$0xFFFFFFF0]  }
0xb5: {  	v8 =	vbroadcast v8, $0x0;
	[tilespmem:v12+s16+$0x0] =	vst.idx.msk vm2, v10;
	v10 =	vadd.s32 s12, v2  }
0xb6: {  	v3 =	vor.u32 v20, v3;
	[tilespmem:v6+s16+$0x0] =	vst.idx.msk vm2, v14;
	v12 =	vld [tilespmem:s5+$0x0]  }
0xb7: {  	[tilespmem:v24+s15+$0x0] =	vst.idx.msk vm1, v4;
	v6 =	vor.u32 v20, v8;
	v8 =	vld [tilespmem:s31+$0x10]  }
0xb8: {  	v14 =	vadd.s32 s13, v2;
	[tilespmem:v11+s16+$0x0] =	vst.idx.msk vm2, v4  }
0xb9: {  	v5 =	vor.u32 v20, v5;
	s13 =	sadd.s32 $0x2, s30;
	v4 =	vmov s21;
	v11 =	vld [tilespmem:s7+$0x0];
	[tilespmem:v9+s15+$0x0] =	vst.idx.msk vm1, v16  }
0xba: {  	v4 =	vshrl.u32 v4, $0x7;
	v9 =	vadd.s32 s13, v2;
	[tilespmem:v10+s16+$0x0] =	vst.idx.msk vm2, v16  }
0xbb: {  	s21 =	sadd.s32 $0x2, s2;
	v4 =	vshll.u32 v4, v0;
	[tilespmem:v3+s15+$0x0] =	vst.idx.msk vm1, v12;
	v3 =	vmov s20;
	v10 =	vor.u32 v20, v23;
	v16 =	vld [tilespmem:s10+$0x0]  }
0xbc: {  	s31 =	sadd.s32 $0x3, s28;
	v4 =	vbroadcast v4, $0x0;
	v3 =	vshrl.u32 v3, $0x7;
	[tilespmem:v6+s15+$0x0] =	vst.idx.msk vm1, v8;
	v6 =	vadd.s32 s21, v2  }
0xbd: {  	v17 =	vadd.s32 s31, v2;
	[tilespmem:v14+s16+$0x0] =	vst.idx.msk vm2, v12;
	v12 =	vmov s11;
	v3 =	vshll.u32 v3, v0  }
0xbe: {  	s4 =	sadd.s32 $0x3, s29;
	v4 =	vor.u32 v20, v4;
	v14 =	vld [tilespmem:s5+$0x10];
	[tilespmem:v5+s15+$0x0] =	vst.idx.msk vm1, v11;
	v5 =	vshrl.u32 v12, $0x7;
	v3 =	vbroadcast v3, $0x0  }
0xbf: {  	v12 =	vadd.s32 s4, v2;
	v5 =	vshll.u32 v5, v0;
	[tilespmem:v9+s16+$0x0] =	vst.idx.msk vm2, v11  }
0xc0: {  	s8 =	sadd.s32 $0x3, s30;
	v5 =	vbroadcast v5, $0x0;
	v3 =	vor.u32 v20, v3;
	v9 =	vld [tilespmem:s7+$0x10];
	[tilespmem:v10+s15+$0x0] =	vst.idx.msk vm1, v16  }
0xc1: {  	v10 =	vadd.s32 s8, v2;
	[tilespmem:v6+s16+$0x0] =	vst.idx.msk vm2, v16  }
0xc2: {  	s9 =	sadd.s32 $0x3, s2;
	[tilespmem:v17+s16+$0x0] =	vst.idx.msk vm2, v8;
	v5 =	vor.u32 v20, v5;
	v6 =	vld [tilespmem:s10+$0x10]  }
0xc3: {  	[tilespmem:v4+s15+$0x0] =	vst.idx.msk vm1, v14;
	v4 =	vadd.s32 s9, v2  }
0xc4: {  	[tilespmem:v12+s16+$0x0] =	vst.idx.msk vm2, v14  }
0xc5: {  	[tilespmem:v3+s15+$0x0] =	vst.idx.msk vm1, v9  }
0xc6: {  	[tilespmem:v10+s16+$0x0] =	vst.idx.msk vm2, v9  }
0xc7: {  	[tilespmem:v5+s15+$0x0] =	vst.idx.msk vm1, v6  }
0xc8: {  	s10 =	simm.s32 $0x5B48;
	[tilespmem:v4+s16+$0x0] =	vst.idx.msk vm2, v6  }
0xc9: {  	v3 =	vld [tilespmem:s10+$0xFFFFFEB8];
	_ =	sdelay $0x4  }
0xca: {  	v3 =	vmax.f32 v3, $0.0e+00  }
0xcb: {  	v3 =	vmin.f32 v3, $3.990000000e+02  }
0xcc: {  	v3 =	vtrunc.f32 v3  }
0xcd: {  	v3 =	vcvt.f32.s32 v3;
	_ =	sdelay $0x1  }
0xce: {  	v63 =	vld [tilespmem:$0x1FA60];
	v60 =	vshll.u32 v3, $0x5  }
0xcf: {  	v4 =	vld [tilespmem:s10+$0x0];
	v3 =	vor.u32 v25, v60;
	_ =	sdelay $0x1  }
0xd0: {  	v5 =	vmov s26  }
0xd1: {  	v5 =	vshll.u32 v5, $0x7  }
0xd2: {  	v58 =	vor.u32 v63, v5  }
0xd3: {  	v4 =	vmax.f32 v4, $0.0e+00;
	v5 =	vor.u32 v25, v58;
	v3 =	vld.idx.msk [tilespmem:v3+s3+$0x0], $0xffff  }
0xd4: {  	v4 =	vmin.f32 v4, $3.990000000e+02  }
0xd5: {  	v4 =	vtrunc.f32 v4  }
0xd6: {  	v4 =	vcvt.f32.s32 v4;
	_ =	sdelay $0x1  }
0xd7: {  	v59 =	vshll.u32 v4, $0x5;
	[tilespmem:v5+s15+$0x0] =	vst.idx.msk $0xffff, v3  }
0xd8: {  	v4 =	vor.u32 v25, v59;
	v34 =	vld [tilespmem:$0x1FA70]  }
0xd9: {  	v56 =	vld [tilespmem:$0x1FA80];
	_ =	sdelay $0x3  }
0xda: {  	v3 =	vld.idx.msk [tilespmem:v4+s3+$0x0], $0xffff;
	v4 =	vor.u32 v34, v58  }
0xdb: {  	v5 =	vor.u32 v56, v60;
	_ =	sdelay $0x3  }
0xdc: {  	[tilespmem:v4+s15+$0x0] =	vst.idx.msk $0xffff, v3  }
0xdd: {  	v4 =	vor.u32 v56, v58;
	v3 =	vld.idx.msk [tilespmem:v5+s3+$0x0], $0xffff;
	_ =	sdelay $0x4  }
0xde: {  	[tilespmem:v4+s15+$0x0] =	vst.idx.msk $0xffff, v3  }
0xdf: {  	v5 =	vor.u32 v56, v59;
	v22 =	vld [tilespmem:$0x1FA90]  }
0xe0: {  	v43 =	vld [tilespmem:$0x1FAA0];
	_ =	sdelay $0x3  }
0xe1: {  	v3 =	vld.idx.msk [tilespmem:v5+s3+$0x0], $0xffff;
	v4 =	vor.u32 v22, v58  }
0xe2: {  	v5 =	vor.u32 v43, v60;
	_ =	sdelay $0x3  }
0xe3: {  	[tilespmem:v4+s15+$0x0] =	vst.idx.msk $0xffff, v3  }
0xe4: {  	v4 =	vor.u32 v43, v58;
	v3 =	vld.idx.msk [tilespmem:v5+s3+$0x0], $0xffff;
	_ =	sdelay $0x4  }
0xe5: {  	[tilespmem:v4+s15+$0x0] =	vst.idx.msk $0xffff, v3  }
0xe6: {  	v5 =	vor.u32 v43, v59;
	v35 =	vld [tilespmem:$0x1FAB0];
	_ =	sdelay $0x4  }
0xe7: {  	v3 =	vld.idx.msk [tilespmem:v5+s3+$0x0], $0xffff;
	v4 =	vor.u32 v35, v58  }
0xe8: {  	v5 =	vor.u32 v39, v60;
	_ =	sdelay $0x3  }
0xe9: {  	[tilespmem:v4+s15+$0x0] =	vst.idx.msk $0xffff, v3  }
0xea: {  	v4 =	vor.u32 v39, v58;
	v3 =	vld.idx.msk [tilespmem:v5+s3+$0x0], $0xffff;
	_ =	sdelay $0x4  }
0xeb: {  	[tilespmem:v4+s15+$0x0] =	vst.idx.msk $0xffff, v3  }
0xec: {  	v5 =	vor.u32 v39, v59;
	v57 =	vld [tilespmem:$0x1FD40];
	_ =	sdelay $0x4  }
0xed: {  	v3 =	vld.idx.msk [tilespmem:v5+s3+$0x0], $0xffff;
	v4 =	vor.u32 v57, v58  }
0xee: {  	v5 =	vor.u32 v42, v60;
	_ =	sdelay $0x3  }
0xef: {  	[tilespmem:v4+s15+$0x0] =	vst.idx.msk $0xffff, v3  }
0xf0: {  	v4 =	vor.u32 v42, v58;
	v3 =	vld.idx.msk [tilespmem:v5+s3+$0x0], $0xffff;
	_ =	sdelay $0x4  }
0xf1: {  	[tilespmem:v4+s15+$0x0] =	vst.idx.msk $0xffff, v3  }
0xf2: {  	v5 =	vor.u32 v42, v59;
	v0 =	vld [tilespmem:$0x1FD50];
	_ =	sdelay $0x4  }
0xf3: {  	v3 =	vld.idx.msk [tilespmem:v5+s3+$0x0], $0xffff;
	v4 =	vor.u32 v0, v58  }
0xf4: {  	v5 =	vor.u32 v1, v60;
	_ =	sdelay $0x2  }
0xf5: {  	s11 =	simm.s32 $0x5B58  }
0xf6: {  	v6 =	vld [tilespmem:s11+$0xFFFFFEB8];
	[tilespmem:v4+s15+$0x0] =	vst.idx.msk $0xffff, v3  }
0xf7: {  	v4 =	vld.idx.msk [tilespmem:v5+s3+$0x0], $0xffff;
	v5 =	vor.u32 v1, v58;
	_ =	sdelay $0x4  }
0xf8: {  	v8 =	vld [tilespmem:s11+$0x0];
	v6 =	vmax.f32 v6, $0.0e+00;
	[tilespmem:v5+s15+$0x0] =	vst.idx.msk $0xffff, v4  }
0xf9: {  	v3 =	vmin.f32 v6, $3.990000000e+02;
	v6 =	vor.u32 v1, v59;
	v28 =	vld [tilespmem:$0x1FD60]  }
0xfa: {  	v3 =	vtrunc.f32 v3  }
0xfb: {  	v3 =	vcvt.f32.s32 v3;
	_ =	sdelay $0x1  }
0xfc: {  	v50 =	vlaneseq.u32;
	v8 =	vmax.f32 v8, $0.0e+00;
	v9 =	vshll.u32 v3, $0x5  }
0xfd: {  	v3 =	vor.u32 v50, v9;
	v4 =	vmin.f32 v8, $3.990000000e+02;
	v6 =	vld.idx.msk [tilespmem:v6+s3+$0x0], $0xffff;
	v8 =	vor.u32 v28, v58  }
0xfe: {  	s12 =	simm.s32 $0x10;
	v10 =	vor.u32 v19, v60  }
0xff: {  	v5 =	vmov s12;
	v4 =	vtrunc.f32 v4  }
0x100: {  	v5 =	vshll.u32 v5, $0x7;
	v4 =	vcvt.f32.s32 v4  }
0x101: {  	v23 =	vor.u32 v63, v5  }
0x102: {  	v5 =	vor.u32 v50, v23;
	v3 =	vld.idx.msk [tilespmem:v3+s3+$0x0], $0xffff;
	v4 =	vshll.u32 v4, $0x5;
	[tilespmem:v8+s15+$0x0] =	vst.idx.msk $0xffff, v6  }
0x103: {  	v11 =	vor.u32 v50, v4;
	v8 =	vor.u32 v19, v58;
	v6 =	vld.idx.msk [tilespmem:v10+s3+$0x0], $0xffff  }
0x104: {  	v10 =	vor.u32 v19, v59;
	_ =	sdelay $0x2  }
0x105: {  	[tilespmem:v5+s15+$0x0] =	vst.idx.msk $0xffff, v3  }
0x106: {  	v5 =	vor.u32 v34, v23;
	v3 =	vld.idx.msk [tilespmem:v11+s3+$0x0], $0xffff;
	[tilespmem:v8+s15+$0x0] =	vst.idx.msk $0xffff, v6  }
0x107: {  	v11 =	vor.u32 v56, v9;
	v8 =	vor.u32 v38, v58;
	v6 =	vld.idx.msk [tilespmem:v10+s3+$0x0], $0xffff  }
0x108: {  	v10 =	vor.u32 v47, v60;
	_ =	sdelay $0x2  }
0x109: {  	[tilespmem:v5+s15+$0x0] =	vst.idx.msk $0xffff, v3  }
0x10a: {  	v5 =	vor.u32 v56, v23;
	v3 =	vld.idx.msk [tilespmem:v11+s3+$0x0], $0xffff;
	[tilespmem:v8+s15+$0x0] =	vst.idx.msk $0xffff, v6  }
0x10b: {  	v8 =	vor.u32 v47, v58;
	v6 =	vld.idx.msk [tilespmem:v10+s3+$0x0], $0xffff;
	_ =	sdelay $0x3  }
0x10c: {  	[tilespmem:v5+s15+$0x0] =	vst.idx.msk $0xffff, v3  }
0x10d: {  	v11 =	vor.u32 v56, v4;
	[tilespmem:v8+s15+$0x0] =	vst.idx.msk $0xffff, v6  }
0x10e: {  	v10 =	vor.u32 v47, v59;
	v13 =	vld [tilespmem:$0x1FD70];
	_ =	sdelay $0x3  }
0x10f: {  	v5 =	vor.u32 v22, v23;
	v3 =	vld.idx.msk [tilespmem:v11+s3+$0x0], $0xffff  }
0x110: {  	v11 =	vor.u32 v43, v9;
	v6 =	vld.idx.msk [tilespmem:v10+s3+$0x0], $0xffff;
	v8 =	vor.u32 v13, v58  }
0x111: {  	v10 =	vor.u32 v48, v60;
	_ =	sdelay $0x2  }
0x112: {  	[tilespmem:v5+s15+$0x0] =	vst.idx.msk $0xffff, v3  }
0x113: {  	v5 =	vor.u32 v43, v23;
	v3 =	vld.idx.msk [tilespmem:v11+s3+$0x0], $0xffff;
	[tilespmem:v8+s15+$0x0] =	vst.idx.msk $0xffff, v6  }
0x114: {  	v8 =	vor.u32 v48, v58;
	v6 =	vld.idx.msk [tilespmem:v10+s3+$0x0], $0xffff;
	_ =	sdelay $0x3  }
0x115: {  	[tilespmem:v5+s15+$0x0] =	vst.idx.msk $0xffff, v3  }
0x116: {  	v11 =	vor.u32 v43, v4;
	[tilespmem:v8+s15+$0x0] =	vst.idx.msk $0xffff, v6  }
0x117: {  	v10 =	vor.u32 v48, v59;
	v62 =	vld [tilespmem:$0x1FD80]  }
0x118: {  	v53 =	vmov v42;
	v42 =	vld [tilespmem:$0x1FD90];
	_ =	sdelay $0x2  }
0x119: {  	v5 =	vor.u32 v35, v23;
	v3 =	vld.idx.msk [tilespmem:v11+s3+$0x0], $0xffff  }
0x11a: {  	v11 =	vor.u32 v39, v9;
	v6 =	vld.idx.msk [tilespmem:v10+s3+$0x0], $0xffff;
	v8 =	vor.u32 v62, v58  }
0x11b: {  	v10 =	vor.u32 v42, v60;
	_ =	sdelay $0x2  }
0x11c: {  	[tilespmem:v5+s15+$0x0] =	vst.idx.msk $0xffff, v3  }
0x11d: {  	v5 =	vor.u32 v39, v23;
	v3 =	vld.idx.msk [tilespmem:v11+s3+$0x0], $0xffff;
	[tilespmem:v8+s15+$0x0] =	vst.idx.msk $0xffff, v6  }
0x11e: {  	v11 =	vor.u32 v39, v4;
	v8 =	vor.u32 v42, v58;
	v6 =	vld.idx.msk [tilespmem:v10+s3+$0x0], $0xffff  }
0x11f: {  	v10 =	vor.u32 v42, v59;
	_ =	sdelay $0x2  }
0x120: {  	[tilespmem:v5+s15+$0x0] =	vst.idx.msk $0xffff, v3  }
0x121: {  	v5 =	vor.u32 v57, v23;
	v3 =	vld.idx.msk [tilespmem:v11+s3+$0x0], $0xffff;
	[tilespmem:v8+s15+$0x0] =	vst.idx.msk $0xffff, v6  }
0x122: {  	v11 =	vor.u32 v53, v9;
	v8 =	vor.u32 v40, v58;
	v6 =	vld.idx.msk [tilespmem:v10+s3+$0x0], $0xffff  }
0x123: {  	v10 =	vor.u32 v15, v60;
	_ =	sdelay $0x2  }
0x124: {  	[tilespmem:v5+s15+$0x0] =	vst.idx.msk $0xffff, v3  }
0x125: {  	v5 =	vor.u32 v53, v23;
	v3 =	vld.idx.msk [tilespmem:v11+s3+$0x0], $0xffff;
	[tilespmem:v8+s15+$0x0] =	vst.idx.msk $0xffff, v6  }
0x126: {  	v8 =	vor.u32 v15, v58;
	v6 =	vld.idx.msk [tilespmem:v10+s3+$0x0], $0xffff;
	_ =	sdelay $0x3  }
0x127: {  	v11 =	vor.u32 v53, v4;
	[tilespmem:v5+s15+$0x0] =	vst.idx.msk $0xffff, v3  }
0x128: {  	[tilespmem:v8+s15+$0x0] =	vst.idx.msk $0xffff, v6  }
0x129: {  	s13 =	simm.s32 $0x5B68;
	v12 =	vor.u32 v15, v59;
	v55 =	vld [tilespmem:$0x1FDA0]  }
0x12a: {  	v10 =	vld [tilespmem:s13+$0xFFFFFEB8];
	_ =	sdelay $0x1  }
0x12b: {  	v5 =	vor.u32 v0, v23;
	v3 =	vld.idx.msk [tilespmem:v11+s3+$0x0], $0xffff;
	_ =	sdelay $0x1  }
0x12c: {  	v11 =	vor.u32 v1, v9;
	v6 =	vld.idx.msk [tilespmem:v12+s3+$0x0], $0xffff;
	v8 =	vor.u32 v55, v58  }
0x12d: {  	v16 =	vor.u32 v49, v60;
	v10 =	vmax.f32 v10, $0.0e+00  }
0x12e: {  	v10 =	vmin.f32 v10, $3.990000000e+02  }
0x12f: {  	[tilespmem:v5+s15+$0x0] =	vst.idx.msk $0xffff, v3;
	v3 =	vtrunc.f32 v10  }
0x130: {  	v14 =	vld [tilespmem:s13+$0x0];
	v3 =	vcvt.f32.s32 v3  }
0x131: {  	v5 =	vld.idx.msk [tilespmem:v11+s3+$0x0], $0xffff;
	v10 =	vor.u32 v1, v23;
	[tilespmem:v8+s15+$0x0] =	vst.idx.msk $0xffff, v6  }
0x132: {  	v12 =	vshll.u32 v3, $0x5;
	v8 =	vor.u32 v49, v58;
	v3 =	vld.idx.msk [tilespmem:v16+s3+$0x0], $0xffff;
	_ =	sdelay $0x2  }
0x133: {  	v11 =	vor.u32 v1, v4  }
0x134: {  	v14 =	vmax.f32 v14, $0.0e+00;
	[tilespmem:v10+s15+$0x0] =	vst.idx.msk $0xffff, v5;
	v6 =	vor.u32 v50, v12  }
0x135: {  	s20 =	simm.s32 $0x20;
	v14 =	vmin.f32 v14, $3.990000000e+02;
	v16 =	vor.u32 v49, v59;
	[tilespmem:v8+s15+$0x0] =	vst.idx.msk $0xffff, v3  }
0x136: {  	v17 =	vmov s20;
	v5 =	vtrunc.f32 v14;
	v20 =	vld [tilespmem:$0x1FDB0]  }
0x137: {  	v10 =	vshll.u32 v17, $0x7;
	v5 =	vcvt.f32.s32 v5  }
0x138: {  	v17 =	vor.u32 v28, v23;
	v14 =	vld.idx.msk [tilespmem:v11+s3+$0x0], $0xffff;
	v11 =	vor.u32 v63, v10  }
0x139: {  	v10 =	vor.u32 v19, v9;
	v21 =	vor.u32 v50, v11;
	v18 =	vld.idx.msk [tilespmem:v6+s3+$0x0], $0xffff;
	v6 =	vshll.u32 v5, $0x5  }
0x13a: {  	v5 =	vor.u32 v50, v6;
	v8 =	vor.u32 v52, v58;
	v3 =	vld.idx.msk [tilespmem:v16+s3+$0x0], $0xffff  }
0x13b: {  	v16 =	vor.u32 v20, v60;
	_ =	sdelay $0x1  }
0x13c: {  	[tilespmem:v17+s15+$0x0] =	vst.idx.msk $0xffff, v14  }
0x13d: {  	v14 =	vor.u32 v19, v23;
	v10 =	vld.idx.msk [tilespmem:v10+s3+$0x0], $0xffff;
	[tilespmem:v21+s15+$0x0] =	vst.idx.msk $0xffff, v18  }
0x13e: {  	v5 =	vld.idx.msk [tilespmem:v5+s3+$0x0], $0xffff;
	[tilespmem:v8+s15+$0x0] =	vst.idx.msk $0xffff, v3;
	v3 =	vor.u32 v34, v11  }
0x13f: {  	v18 =	vor.u32 v20, v58;
	v8 =	vld.idx.msk [tilespmem:v16+s3+$0x0], $0xffff;
	_ =	sdelay $0x2  }
0x140: {  	[tilespmem:v14+s15+$0x0] =	vst.idx.msk $0xffff, v10  }
0x141: {  	v17 =	vor.u32 v19, v4;
	[tilespmem:v3+s15+$0x0] =	vst.idx.msk $0xffff, v5  }
0x142: {  	v16 =	vor.u32 v56, v12;
	[tilespmem:v18+s15+$0x0] =	vst.idx.msk $0xffff, v8  }
0x143: {  	v21 =	vor.u32 v20, v59;
	v32 =	vld [tilespmem:$0x1FDC0];
	_ =	sdelay $0x2  }
0x144: {  	v14 =	vor.u32 v38, v23;
	v10 =	vld.idx.msk [tilespmem:v17+s3+$0x0], $0xffff  }
0x145: {  	v3 =	vor.u32 v47, v9;
	v5 =	vld.idx.msk [tilespmem:v16+s3+$0x0], $0xffff;
	v8 =	vor.u32 v56, v11  }
0x146: {  	v17 =	vor.u32 v56, v6;
	v16 =	vld.idx.msk [tilespmem:v21+s3+$0x0], $0xffff;
	v18 =	vor.u32 v32, v58  }
0x147: {  	v21 =	vor.u32 v7, v60;
	_ =	sdelay $0x1  }
0x148: {  	[tilespmem:v14+s15+$0x0] =	vst.idx.msk $0xffff, v10  }
0x149: {  	v10 =	vor.u32 v47, v23;
	v3 =	vld.idx.msk [tilespmem:v3+s3+$0x0], $0xffff;
	[tilespmem:v8+s15+$0x0] =	vst.idx.msk $0xffff, v5  }
0x14a: {  	v14 =	vor.u32 v22, v11;
	v8 =	vld.idx.msk [tilespmem:v17+s3+$0x0], $0xffff;
	[tilespmem:v18+s15+$0x0] =	vst.idx.msk $0xffff, v16  }
0x14b: {  	v18 =	vor.u32 v7, v58;
	v16 =	vld.idx.msk [tilespmem:v21+s3+$0x0], $0xffff;
	_ =	sdelay $0x2  }
0x14c: {  	[tilespmem:v10+s15+$0x0] =	vst.idx.msk $0xffff, v3  }
0x14d: {  	v5 =	vor.u32 v47, v4;
	[tilespmem:v14+s15+$0x0] =	vst.idx.msk $0xffff, v8  }
0x14e: {  	v17 =	vor.u32 v43, v12;
	[tilespmem:v18+s15+$0x0] =	vst.idx.msk $0xffff, v16  }
0x14f: {  	v21 =	vor.u32 v7, v59;
	v31 =	vld [tilespmem:$0x1FDD0]  }
0x150: {  	v25 =	vmov v52;
	v52 =	vmov v39;
	v39 =	vld [tilespmem:$0x1FDE0];
	_ =	sdelay $0x1  }
0x151: {  	v3 =	vld.idx.msk [tilespmem:v5+s3+$0x0], $0xffff;
	v5 =	vor.u32 v13, v23  }
0x152: {  	v8 =	vor.u32 v48, v9;
	v14 =	vor.u32 v43, v11;
	v10 =	vld.idx.msk [tilespmem:v17+s3+$0x0], $0xffff  }
0x153: {  	v17 =	vor.u32 v43, v6;
	v16 =	vld.idx.msk [tilespmem:v21+s3+$0x0], $0xffff;
	v18 =	vor.u32 v31, v58  }
0x154: {  	v21 =	vor.u32 v39, v60;
	_ =	sdelay $0x1  }
0x155: {  	[tilespmem:v5+s15+$0x0] =	vst.idx.msk $0xffff, v3  }
0x156: {  	v5 =	vor.u32 v48, v23;
	[tilespmem:v14+s15+$0x0] =	vst.idx.msk $0xffff, v10;
	v3 =	vld.idx.msk [tilespmem:v8+s3+$0x0], $0xffff  }
0x157: {  	v14 =	vor.u32 v35, v11;
	v8 =	vor.u32 v48, v4;
	v10 =	vld.idx.msk [tilespmem:v17+s3+$0x0], $0xffff;
	[tilespmem:v18+s15+$0x0] =	vst.idx.msk $0xffff, v16  }
0x158: {  	v17 =	vor.u32 v52, v12;
	v18 =	vor.u32 v39, v58;
	v16 =	vld.idx.msk [tilespmem:v21+s3+$0x0], $0xffff  }
0x159: {  	v21 =	vor.u32 v39, v59;
	_ =	sdelay $0x1  }
0x15a: {  	[tilespmem:v5+s15+$0x0] =	vst.idx.msk $0xffff, v3  }
0x15b: {  	v5 =	vor.u32 v62, v23;
	[tilespmem:v14+s15+$0x0] =	vst.idx.msk $0xffff, v10;
	v3 =	vld.idx.msk [tilespmem:v8+s3+$0x0], $0xffff  }
0x15c: {  	v14 =	vor.u32 v52, v11;
	v8 =	vor.u32 v42, v9;
	v10 =	vld.idx.msk [tilespmem:v17+s3+$0x0], $0xffff;
	[tilespmem:v18+s15+$0x0] =	vst.idx.msk $0xffff, v16  }
0x15d: {  	v17 =	vor.u32 v52, v6;
	v18 =	vor.u32 v44, v58;
	v16 =	vld.idx.msk [tilespmem:v21+s3+$0x0], $0xffff  }
0x15e: {  	v21 =	vor.u32 v27, v60;
	_ =	sdelay $0x1  }
0x15f: {  	[tilespmem:v5+s15+$0x0] =	vst.idx.msk $0xffff, v3  }
0x160: {  	v5 =	vor.u32 v42, v23;
	[tilespmem:v14+s15+$0x0] =	vst.idx.msk $0xffff, v10;
	v3 =	vld.idx.msk [tilespmem:v8+s3+$0x0], $0xffff  }
0x161: {  	v14 =	vor.u32 v57, v11;
	v10 =	vld.idx.msk [tilespmem:v17+s3+$0x0], $0xffff;
	[tilespmem:v18+s15+$0x0] =	vst.idx.msk $0xffff, v16  }
0x162: {  	v18 =	vor.u32 v27, v58;
	v16 =	vld.idx.msk [tilespmem:v21+s3+$0x0], $0xffff;
	_ =	sdelay $0x2  }
0x163: {  	[tilespmem:v5+s15+$0x0] =	vst.idx.msk $0xffff, v3  }
0x164: {  	v8 =	vor.u32 v42, v4;
	[tilespmem:v14+s15+$0x0] =	vst.idx.msk $0xffff, v10  }
0x165: {  	v17 =	vor.u32 v53, v12;
	[tilespmem:v18+s15+$0x0] =	vst.idx.msk $0xffff, v16  }
0x166: {  	v21 =	vor.u32 v27, v59;
	v2 =	vld [tilespmem:$0x1FDF0]  }
0x167: {  	v37 =	vld [tilespmem:$0x1FE00];
	_ =	sdelay $0x1  }
0x168: {  	v5 =	vor.u32 v40, v23;
	v3 =	vld.idx.msk [tilespmem:v8+s3+$0x0], $0xffff  }
0x169: {  	v14 =	vor.u32 v53, v11;
	v8 =	vor.u32 v15, v9;
	v10 =	vld.idx.msk [tilespmem:v17+s3+$0x0], $0xffff  }
0x16a: {  	v17 =	vor.u32 v53, v6;
	v16 =	vld.idx.msk [tilespmem:v21+s3+$0x0], $0xffff;
	v18 =	vor.u32 v2, v58  }
0x16b: {  	v21 =	vor.u32 v37, v60;
	_ =	sdelay $0x1  }
0x16c: {  	[tilespmem:v5+s15+$0x0] =	vst.idx.msk $0xffff, v3  }
0x16d: {  	v5 =	vor.u32 v15, v23;
	[tilespmem:v14+s15+$0x0] =	vst.idx.msk $0xffff, v10;
	v3 =	vld.idx.msk [tilespmem:v8+s3+$0x0], $0xffff  }
0x16e: {  	v14 =	vld.idx.msk [tilespmem:v17+s3+$0x0], $0xffff;
	[tilespmem:v18+s15+$0x0] =	vst.idx.msk $0xffff, v16;
	v16 =	vor.u32 v0, v11  }
0x16f: {  	v17 =	vld.idx.msk [tilespmem:v21+s3+$0x0], $0xffff;
	v21 =	vor.u32 v37, v58;
	_ =	sdelay $0x1  }
0x170: {  	v10 =	vor.u32 v15, v4  }
0x171: {  	s21 =	simm.s32 $0x5B78;
	[tilespmem:v5+s15+$0x0] =	vst.idx.msk $0xffff, v3  }
0x172: {  	v8 =	vld [tilespmem:s21+$0xFFFFFEB8];
	v18 =	vor.u32 v1, v12;
	[tilespmem:v16+s15+$0x0] =	vst.idx.msk $0xffff, v14  }
0x173: {  	v36 =	vmov v22;
	v22 =	vor.u32 v37, v59;
	[tilespmem:v21+s15+$0x0] =	vst.idx.msk $0xffff, v17  }
0x174: {  	v33 =	vld [tilespmem:$0x1FEC0]  }
0x175: {  	v3 =	vld.idx.msk [tilespmem:v10+s3+$0x0], $0xffff  }
0x176: {  	v5 =	vor.u32 v55, v23;
	v10 =	vld [tilespmem:s21+$0x0]  }
0x177: {  	v8 =	vmax.f32 v8, $0.0e+00;
	v14 =	vor.u32 v49, v9;
	v16 =	vld.idx.msk [tilespmem:v18+s3+$0x0], $0xffff;
	v17 =	vor.u32 v1, v11  }
0x178: {  	v24 =	vor.u32 v61, v58;
	v8 =	vmin.f32 v8, $3.990000000e+02;
	v21 =	vld.idx.msk [tilespmem:v22+s3+$0x0], $0xffff;
	v22 =	vor.u32 v1, v6  }
0x179: {  	v8 =	vtrunc.f32 v8;
	v26 =	vor.u32 v33, v60  }
0x17a: {  	v8 =	vcvt.f32.s32 v8  }
0x17b: {  	[tilespmem:v5+s15+$0x0] =	vst.idx.msk $0xffff, v3  }
0x17c: {  	v10 =	vmax.f32 v10, $0.0e+00;
	v18 =	vshll.u32 v8, $0x5;
	v8 =	vor.u32 v49, v23;
	v3 =	vld.idx.msk [tilespmem:v14+s3+$0x0], $0xffff;
	[tilespmem:v17+s15+$0x0] =	vst.idx.msk $0xffff, v16  }
0x17d: {  	v5 =	vor.u32 v50, v18;
	v17 =	vld.idx.msk [tilespmem:v22+s3+$0x0], $0xffff;
	[tilespmem:v24+s15+$0x0] =	vst.idx.msk $0xffff, v21;
	v21 =	vor.u32 v28, v11  }
0x17e: {  	s26 =	simm.s32 $0x30;
	v10 =	vmin.f32 v10, $3.990000000e+02;
	v16 =	vor.u32 v49, v4;
	v28 =	vor.u32 v33, v58;
	v22 =	vld.idx.msk [tilespmem:v26+s3+$0x0], $0xffff  }
0x17f: {  	v10 =	vtrunc.f32 v10;
	v14 =	vmov s26  }
0x180: {  	v10 =	vcvt.f32.s32 v10;
	v14 =	vshll.u32 v14, $0x7  }
0x181: {  	v24 =	vor.u32 v19, v12;
	v14 =	vor.u32 v63, v14;
	[tilespmem:v8+s15+$0x0] =	vst.idx.msk $0xffff, v3  }
0x182: {  	v5 =	vld.idx.msk [tilespmem:v5+s3+$0x0], $0xffff;
	v30 =	vor.u32 v50, v14;
	v26 =	vshll.u32 v10, $0x5;
	[tilespmem:v21+s15+$0x0] =	vst.idx.msk $0xffff, v17  }
0x183: {  	v3 =	vld.idx.msk [tilespmem:v16+s3+$0x0], $0xffff;
	v10 =	vor.u32 v25, v23;
	v8 =	vor.u32 v50, v26;
	[tilespmem:v28+s15+$0x0] =	vst.idx.msk $0xffff, v22  }
0x184: {  	v29 =	vor.u32 v33, v59;
	v46 =	vld [tilespmem:$0x1FB40]  }
0x185: {  	v16 =	vor.u32 v20, v9;
	_ =	sdelay $0x1  }
0x186: {  	v21 =	vor.u32 v19, v11;
	v17 =	vld.idx.msk [tilespmem:v24+s3+$0x0], $0xffff;
	[tilespmem:v30+s15+$0x0] =	vst.idx.msk $0xffff, v5  }
0x187: {  	[tilespmem:v10+s15+$0x0] =	vst.idx.msk $0xffff, v3;
	v3 =	vor.u32 v34, v14;
	v8 =	vld.idx.msk [tilespmem:v8+s3+$0x0], $0xffff  }
0x188: {  	v24 =	vor.u32 v19, v6;
	v22 =	vld.idx.msk [tilespmem:v29+s3+$0x0], $0xffff;
	v28 =	vor.u32 v46, v58  }
0x189: {  	v5 =	vor.u32 v41, v60;
	v29 =	vor.u32 v20, v23;
	v10 =	vld.idx.msk [tilespmem:v16+s3+$0x0], $0xffff;
	_ =	sdelay $0x1  }
0x18a: {  	[tilespmem:v21+s15+$0x0] =	vst.idx.msk $0xffff, v17  }
0x18b: {  	[tilespmem:v3+s15+$0x0] =	vst.idx.msk $0xffff, v8  }
0x18c: {  	v21 =	vld.idx.msk [tilespmem:v24+s3+$0x0], $0xffff;
	[tilespmem:v28+s15+$0x0] =	vst.idx.msk $0xffff, v22  }
0x18d: {  	[tilespmem:v29+s15+$0x0] =	vst.idx.msk $0xffff, v10;
	v24 =	vld.idx.msk [tilespmem:v5+s3+$0x0], $0xffff  }
0x18e: {  	v25 =	vld [tilespmem:$0x1FB90]  }
0x18f: {  	v16 =	vor.u32 v56, v18;
	v5 =	vld [tilespmem:$0x1FCB0]  }
0x190: {  	v17 =	vor.u32 v20, v4  }
0x191: {  	v22 =	vor.u32 v38, v11  }
0x192: {  	v30 =	vor.u32 v41, v58;
	_ =	sdelay $0x1  }
0x193: {  	v51 =	vmov v40;
	v40 =	vmov v0;
	v8 =	vld.idx.msk [tilespmem:v16+s3+$0x0], $0xffff;
	v0 =	vsel vm0, v5, v25  }
0x194: {  	v16 =	vld.idx.msk [tilespmem:v17+s3+$0x0], $0xffff;
	[tilespmem:$0x1F9B0] =	vst v0  }
0x195: {  	[tilespmem:v22+s15+$0x0] =	vst.idx.msk $0xffff, v21  }
0x196: {  	[tilespmem:v30+s15+$0x0] =	vst.idx.msk $0xffff, v24  }
0x197: {  	v29 =	vor.u32 v32, v23;
	v32 =	vmov v7;
	v21 =	vor.u32 v7, v9;
	v7 =	vld [tilespmem:$0x1FB80]  }
0x198: {  	v45 =	vmov v47  }
0x199: {  	v10 =	vor.u32 v56, v14;
	v28 =	vor.u32 v45, v12  }
0x19a: {  	v17 =	vor.u32 v56, v26;
	_ =	sdelay $0x1  }
0x19b: {  	v3 =	vor.u32 v41, v59;
	v41 =	vcombine.low v7, v0;
	v0 =	vld [tilespmem:$0x1FE90];
	_ =	sdelay $0x1  }
0x19c: {  	v24 =	vor.u32 v45, v11;
	v22 =	vld.idx.msk [tilespmem:v28+s3+$0x0], $0xffff;
	[tilespmem:v10+s15+$0x0] =	vst.idx.msk $0xffff, v8  }
0x19d: {  	[tilespmem:v29+s15+$0x0] =	vst.idx.msk $0xffff, v16;
	v16 =	vor.u32 v36, v14;
	v10 =	vld.idx.msk [tilespmem:v17+s3+$0x0], $0xffff  }
0x19e: {  	v29 =	vor.u32 v32, v23;
	v17 =	vld.idx.msk [tilespmem:v21+s3+$0x0], $0xffff  }
0x19f: {  	v3 =	vld.idx.msk [tilespmem:v3+s3+$0x0], $0xffff;
	v30 =	vor.u32 v0, v58;
	_ =	sdelay $0x1  }
0x1a0: {  	[tilespmem:v24+s15+$0x0] =	vst.idx.msk $0xffff, v22  }
0x1a1: {  	[tilespmem:v16+s15+$0x0] =	vst.idx.msk $0xffff, v10  }
0x1a2: {  	v28 =	vor.u32 v45, v6;
	[tilespmem:v29+s15+$0x0] =	vst.idx.msk $0xffff, v17  }
0x1a3: {  	v47 =	vmov v44;
	[tilespmem:v30+s15+$0x0] =	vst.idx.msk $0xffff, v3  }
0x1a4: {  	v21 =	vor.u32 v43, v18;
	v29 =	vor.u32 v31, v23;
	v31 =	vmov v47;
	v47 =	vld [tilespmem:$0x1FBC0]  }
0x1a5: {  	v22 =	vor.u32 v32, v4;
	v5 =	vld [tilespmem:$0x1FBE0]  }
0x1a6: {  	v8 =	vor.u32 v41, v60  }
0x1a7: {  	v24 =	vld.idx.msk [tilespmem:v28+s3+$0x0], $0xffff;
	v3 =	vor.u32 v13, v11;
	_ =	sdelay $0x1  }
0x1a8: {  	v16 =	vld.idx.msk [tilespmem:v21+s3+$0x0], $0xffff  }
0x1a9: {  	v44 =	vmov v2;
	v0 =	vld.idx.msk [tilespmem:v22+s3+$0x0], $0xffff;
	v2 =	vsel vm0, v5, v47  }
0x1aa: {  	v8 =	vld.idx.msk [tilespmem:v8+s3+$0x0], $0xffff;
	[tilespmem:$0x1FA20] =	vst v2  }
0x1ab: {  	[tilespmem:v3+s15+$0x0] =	vst.idx.msk $0xffff, v24  }
0x1ac: {  	v7 =	vld [tilespmem:$0x1FBB0];
	_ =	sdelay $0x2  }
0x1ad: {  	v28 =	vor.u32 v48, v12;
	v30 =	vor.u32 v41, v58  }
0x1ae: {  	v10 =	vor.u32 v41, v59;
	v17 =	vor.u32 v43, v14  }
0x1af: {  	v2 =	vcombine.low v7, v2  }
0x1b0: {  	v22 =	vor.u32 v43, v26  }
0x1b1: {  	v3 =	vor.u32 v39, v9;
	[tilespmem:$0x1F980] =	vst v2  }
0x1b2: {  	v24 =	vld.idx.msk [tilespmem:v28+s3+$0x0], $0xffff;
	[tilespmem:v30+s15+$0x0] =	vst.idx.msk $0xffff, v8  }
0x1b3: {  	v8 =	vor.u32 v48, v11;
	[tilespmem:v17+s15+$0x0] =	vst.idx.msk $0xffff, v16;
	v10 =	vld.idx.msk [tilespmem:v10+s3+$0x0], $0xffff  }
0x1b4: {  	v30 =	vor.u32 v2, v58;
	v2 =	vld [tilespmem:$0x1FBF0]  }
0x1b5: {  	v17 =	vld.idx.msk [tilespmem:v22+s3+$0x0], $0xffff;
	[tilespmem:v29+s15+$0x0] =	vst.idx.msk $0xffff, v0;
	v0 =	vor.u32 v35, v14  }
0x1b6: {  	v29 =	vor.u32 v39, v23;
	v3 =	vld.idx.msk [tilespmem:v3+s3+$0x0], $0xffff;
	_ =	sdelay $0x1  }
0x1b7: {  	[tilespmem:v8+s15+$0x0] =	vst.idx.msk $0xffff, v24  }
0x1b8: {  	[tilespmem:v30+s15+$0x0] =	vst.idx.msk $0xffff, v10  }
0x1b9: {  	[tilespmem:v0+s15+$0x0] =	vst.idx.msk $0xffff, v17  }
0x1ba: {  	[tilespmem:v29+s15+$0x0] =	vst.idx.msk $0xffff, v3  }
0x1bb: {  	v28 =	vor.u32 v48, v6;
	v7 =	vld [tilespmem:$0x1FAC0]  }
0x1bc: {  	v13 =	vld [tilespmem:$0x1FAD0]  }
0x1bd: {  	v22 =	vor.u32 v52, v18;
	v34 =	vld [tilespmem:$0x1FC20]  }
0x1be: {  	v8 =	vor.u32 v39, v4;
	v0 =	vmov v49;
	v49 =	vld [tilespmem:$0x1FC30]  }
0x1bf: {  	v16 =	vor.u32 v2, v60  }
0x1c0: {  	v24 =	vld.idx.msk [tilespmem:v28+s3+$0x0], $0xffff;
	v10 =	vor.u32 v62, v11;
	_ =	sdelay $0x1  }
0x1c1: {  	v30 =	vor.u32 v2, v58;
	v17 =	vor.u32 v2, v59;
	v2 =	vld.idx.msk [tilespmem:v22+s3+$0x0], $0xffff  }
0x1c2: {  	v8 =	vld.idx.msk [tilespmem:v8+s3+$0x0], $0xffff;
	v22 =	vsel vm0, v13, v7;
	v13 =	vsel vm0, v49, v34  }
0x1c3: {  	v16 =	vld.idx.msk [tilespmem:v16+s3+$0x0], $0xffff;
	[tilespmem:$0x1FA10] =	vst v13  }
0x1c4: {  	[tilespmem:v10+s15+$0x0] =	vst.idx.msk $0xffff, v24  }
0x1c5: {  	v7 =	vld [tilespmem:$0x1FC10];
	_ =	sdelay $0x2  }
0x1c6: {  	v28 =	vor.u32 v42, v12;
	_ =	sdelay $0x1  }
0x1c7: {  	v3 =	vor.u32 v52, v14;
	v13 =	vcombine.low v7, v13  }
0x1c8: {  	v21 =	vmov v27;
	v31 =	vor.u32 v31, v23;
	v29 =	vor.u32 v52, v26  }
0x1c9: {  	v10 =	vor.u32 v21, v9;
	[tilespmem:$0x1F9A0] =	vst v13  }
0x1ca: {  	v24 =	vld.idx.msk [tilespmem:v28+s3+$0x0], $0xffff;
	[tilespmem:v30+s15+$0x0] =	vst.idx.msk $0xffff, v16  }
0x1cb: {  	v16 =	vor.u32 v42, v11;
	v7 =	vld [tilespmem:$0x1FC40]  }
0x1cc: {  	v28 =	vor.u32 v13, v58;
	v17 =	vld.idx.msk [tilespmem:v17+s3+$0x0], $0xffff;
	[tilespmem:v3+s15+$0x0] =	vst.idx.msk $0xffff, v2  }
0x1cd: {  	[tilespmem:v31+s15+$0x0] =	vst.idx.msk $0xffff, v8;
	v8 =	vor.u32 v57, v14;
	v2 =	vld.idx.msk [tilespmem:v29+s3+$0x0], $0xffff  }
0x1ce: {  	v10 =	vld.idx.msk [tilespmem:v10+s3+$0x0], $0xffff;
	v29 =	vor.u32 v21, v23;
	_ =	sdelay $0x1  }
0x1cf: {  	[tilespmem:v16+s15+$0x0] =	vst.idx.msk $0xffff, v24  }
0x1d0: {  	[tilespmem:v28+s15+$0x0] =	vst.idx.msk $0xffff, v17  }
0x1d1: {  	[tilespmem:v8+s15+$0x0] =	vst.idx.msk $0xffff, v2  }
0x1d2: {  	[tilespmem:v29+s15+$0x0] =	vst.idx.msk $0xffff, v10  }
0x1d3: {  	v35 =	vmov v51;
	v51 =	vcombine.low v22, v7;
	v7 =	vld [tilespmem:$0x1FB10]  }
0x1d4: {  	v10 =	vld [tilespmem:$0x1FB20];
	_ =	sdelay $0x2  }
0x1d5: {  	v30 =	vor.u32 v53, v18  }
0x1d6: {  	v13 =	vld [tilespmem:$0x1FAF0]  }
0x1d7: {  	v10 =	vsel vm0, v10, v7;
	v7 =	vld [tilespmem:$0x1FAE0];
	_ =	sdelay $0x1  }
0x1d8: {  	v22 =	vor.u32 v42, v6  }
0x1d9: {  	v3 =	vor.u32 v51, v60;
	v2 =	vld.idx.msk [tilespmem:v30+s3+$0x0], $0xffff  }
0x1da: {  	v36 =	vld [tilespmem:$0x1FC50]  }
0x1db: {  	v30 =	vsel vm0, v13, v7;
	v7 =	vld [tilespmem:$0x1FB00]  }
0x1dc: {  	v16 =	vor.u32 v21, v4  }
0x1dd: {  	v17 =	vor.u32 v35, v11;
	v22 =	vld.idx.msk [tilespmem:v22+s3+$0x0], $0xffff  }
0x1de: {  	v28 =	vor.u32 v51, v58;
	v3 =	vld.idx.msk [tilespmem:v3+s3+$0x0], $0xffff;
	_ =	sdelay $0x1  }
0x1df: {  	v7 =	vsel vm0, v36, v7  }
0x1e0: {  	v24 =	vor.u32 v15, v12;
	v16 =	vld.idx.msk [tilespmem:v16+s3+$0x0], $0xffff;
	[tilespmem:$0x1FA50] =	vst v7  }
0x1e1: {  	v29 =	vor.u32 v53, v14;
	[tilespmem:v17+s15+$0x0] =	vst.idx.msk $0xffff, v22  }
0x1e2: {  	[tilespmem:v28+s15+$0x0] =	vst.idx.msk $0xffff, v3  }
0x1e3: {  	v13 =	vcombine.low v30, v7;
	v7 =	vld [tilespmem:$0x1FC60];
	_ =	sdelay $0x1  }
0x1e4: {  	v8 =	vor.u32 v51, v59;
	v22 =	vld.idx.msk [tilespmem:v24+s3+$0x0], $0xffff;
	[tilespmem:$0x1F9F0] =	vst v13  }
0x1e5: {  	v31 =	vor.u32 v53, v26;
	[tilespmem:v29+s15+$0x0] =	vst.idx.msk $0xffff, v2  }
0x1e6: {  	v44 =	vor.u32 v44, v23;
	v2 =	vld [tilespmem:$0x1FE10]  }
0x1e7: {  	v57 =	vcombine.low v10, v7;
	v7 =	vld [tilespmem:$0x1FB50]  }
0x1e8: {  	v17 =	vor.u32 v37, v9  }
0x1e9: {  	v8 =	vld.idx.msk [tilespmem:v8+s3+$0x0], $0xffff  }
0x1ea: {  	s30 =	simm.s32 $0x5B88;
	v30 =	vld.idx.msk [tilespmem:v31+s3+$0x0], $0xffff  }
0x1eb: {  	v3 =	vor.u32 v15, v11;
	v10 =	vld [tilespmem:s30+$0xFFFFFEB8];
	[tilespmem:v44+s15+$0x0] =	vst.idx.msk $0xffff, v16  }
0x1ec: {  	v24 =	vor.u32 v15, v6;
	v28 =	vor.u32 v13, v58;
	v62 =	vsel vm0, v7, v2;
	v2 =	vld [tilespmem:$0x1FE20]  }
0x1ed: {  	v17 =	vld.idx.msk [tilespmem:v17+s3+$0x0], $0xffff;
	v29 =	vor.u32 v57, v60  }
0x1ee: {  	v16 =	vor.u32 v40, v14;
	v13 =	vld [tilespmem:$0x1FC70]  }
0x1ef: {  	v31 =	vor.u32 v1, v18;
	v40 =	vor.u32 v37, v23;
	v7 =	vld [tilespmem:$0x1FB60]  }
0x1f0: {  	[tilespmem:v3+s15+$0x0] =	vst.idx.msk $0xffff, v22;
	v3 =	vor.u32 v37, v4  }
0x1f1: {  	[tilespmem:v28+s15+$0x0] =	vst.idx.msk $0xffff, v8;
	v8 =	vor.u32 v55, v11;
	v22 =	vld.idx.msk [tilespmem:v24+s3+$0x0], $0xffff;
	v2 =	vsel vm0, v25, v2  }
0x1f2: {  	v10 =	vmax.f32 v10, $0.0e+00;
	v28 =	vor.u32 v0, v12;
	v24 =	vld.idx.msk [tilespmem:v29+s3+$0x0], $0xffff;
	v29 =	vor.u32 v57, v58;
	[tilespmem:$0x1F8D0] =	vst v2  }
0x1f3: {  	v27 =	vmov v38;
	v10 =	vmin.f32 v10, $3.990000000e+02;
	v38 =	vld [tilespmem:s30+$0x0];
	[tilespmem:v16+s15+$0x0] =	vst.idx.msk $0xffff, v30;
	v16 =	vor.u32 v57, v59  }
0x1f4: {  	v10 =	vtrunc.f32 v10;
	v25 =	vsel vm0, v13, v7;
	[tilespmem:v40+s15+$0x0] =	vst.idx.msk $0xffff, v17;
	v31 =	vld.idx.msk [tilespmem:v31+s3+$0x0], $0xffff  }
0x1f5: {  	v10 =	vcvt.f32.s32 v10;
	v44 =	vcombine.low v2, v54;
	v17 =	vor.u32 v1, v14;
	v3 =	vld.idx.msk [tilespmem:v3+s3+$0x0], $0xffff;
	[tilespmem:$0x1F8E0] =	vst v62  }
0x1f6: {  	v2 =	vcombine.low v62, v25;
	v40 =	vor.u32 v61, v23;
	[tilespmem:v8+s15+$0x0] =	vst.idx.msk $0xffff, v22  }
0x1f7: {  	v62 =	vshll.u32 v10, $0x5;
	[tilespmem:v29+s15+$0x0] =	vst.idx.msk $0xffff, v24;
	v10 =	vld.idx.msk [tilespmem:v28+s3+$0x0], $0xffff;
	v28 =	vor.u32 v0, v11  }
0x1f8: {  	v35 =	vor.u32 v1, v26;
	v16 =	vld.idx.msk [tilespmem:v16+s3+$0x0], $0xffff;
	[tilespmem:$0x1F8F0] =	vst v2;
	v2 =	vor.u32 v2, v58;
	_ =	sdelay $0x1  }
0x1f9: {  	s31 =	simm.s32 $0x40;
	v29 =	vmax.f32 v38, $0.0e+00;
	[tilespmem:v17+s15+$0x0] =	vst.idx.msk $0xffff, v31  }
0x1fa: {  	v30 =	vmov s31;
	v17 =	vmin.f32 v29, $3.990000000e+02;
	[tilespmem:v40+s15+$0x0] =	vst.idx.msk $0xffff, v3  }
0x1fb: {  	v30 =	vshll.u32 v30, $0x7;
	v8 =	vor.u32 v33, v9;
	v3 =	vtrunc.f32 v17;
	v13 =	vld [tilespmem:$0x1FD60];
	[tilespmem:v28+s15+$0x0] =	vst.idx.msk $0xffff, v10  }
0x1fc: {  	v22 =	vor.u32 v63, v30;
	v30 =	vld.idx.msk [tilespmem:v35+s3+$0x0], $0xffff;
	v3 =	vcvt.f32.s32 v3;
	[tilespmem:v2+s15+$0x0] =	vst.idx.msk $0xffff, v16  }
0x1fd: {  	v2 =	vld [tilespmem:$0x1FF00]  }
0x1fe: {  	v63 =	vshll.u32 v3, $0x5;
	v3 =	vld [tilespmem:$0x1FCA0]  }
0x1ff: {  	v7 =	vld [tilespmem:$0x1FBD0]  }
0x200: {  	v8 =	vld.idx.msk [tilespmem:v8+s3+$0x0], $0xffff;
	v35 =	vor.u32 v33, v23  }
0x201: {  	v17 =	vor.u32 v13, v14;
	_ =	sdelay $0x2  }
0x202: {  	v24 =	vor.u32 v50, v62;
	v16 =	vor.u32 v2, v11;
	v2 =	vsel vm0, v3, v7;
	v7 =	vld [tilespmem:$0x1FBA0]  }
0x203: {  	v38 =	vor.u32 v0, v6;
	v3 =	vld [tilespmem:$0x1FD70];
	[tilespmem:v35+s15+$0x0] =	vst.idx.msk $0xffff, v8  }
0x204: {  	[tilespmem:v17+s15+$0x0] =	vst.idx.msk $0xffff, v30  }
0x205: {  	v29 =	vor.u32 v44, v60;
	v13 =	vld [tilespmem:$0x1FC80]  }
0x206: {  	v31 =	vor.u32 v19, v18  }
0x207: {  	v40 =	vor.u32 v50, v22;
	v24 =	vld.idx.msk [tilespmem:v24+s3+$0x0], $0xffff  }
0x208: {  	v28 =	vld.idx.msk [tilespmem:v38+s3+$0x0], $0xffff;
	_ =	sdelay $0x1  }
0x209: {  	v10 =	vor.u32 v33, v4;
	v29 =	vld.idx.msk [tilespmem:v29+s3+$0x0], $0xffff;
	[tilespmem:$0x1F900] =	vst v44;
	v5 =	vsel vm0, v13, v5  }
0x20a: {  	v38 =	vor.u32 v50, v63;
	v30 =	vld.idx.msk [tilespmem:v31+s3+$0x0], $0xffff;
	[tilespmem:$0x1F910] =	vst v5  }
0x20b: {  	v61 =	vor.u32 v44, v58;
	[tilespmem:v40+s15+$0x0] =	vst.idx.msk $0xffff, v24  }
0x20c: {  	v17 =	vor.u32 v20, v12;
	v47 =	vsel vm0, v47, v7;
	[tilespmem:v16+s15+$0x0] =	vst.idx.msk $0xffff, v28  }
0x20d: {  	v5 =	vcombine.low v47, v5;
	v47 =	vld [tilespmem:$0x1FA70]  }
0x20e: {  	v8 =	vor.u32 v44, v59;
	v10 =	vld.idx.msk [tilespmem:v10+s3+$0x0], $0xffff  }
0x20f: {  	v31 =	vor.u32 v19, v14;
	v16 =	vld.idx.msk [tilespmem:v38+s3+$0x0], $0xffff  }
0x210: {  	v35 =	vor.u32 v46, v23;
	v7 =	vld [tilespmem:$0x1FFF0]  }
0x211: {  	[tilespmem:v61+s15+$0x0] =	vst.idx.msk $0xffff, v29;
	v17 =	vld.idx.msk [tilespmem:v17+s3+$0x0], $0xffff;
	v61 =	vor.u32 v20, v11  }
0x212: {  	v50 =	vld [tilespmem:$0x1FE70];
	[tilespmem:$0x1F920] =	vst v2;
	v38 =	vor.u32 v47, v22  }
0x213: {  	v8 =	vld.idx.msk [tilespmem:v8+s3+$0x0], $0xffff;
	[tilespmem:$0x1F930] =	vst v5;
	v47 =	vor.u32 v5, v58  }
0x214: {  	[tilespmem:v31+s15+$0x0] =	vst.idx.msk $0xffff, v30  }
0x215: {  	v24 =	vor.u32 v19, v26;
	[tilespmem:v35+s15+$0x0] =	vst.idx.msk $0xffff, v10  }
0x216: {  	v28 =	vor.u32 v7, v9;
	[tilespmem:v61+s15+$0x0] =	vst.idx.msk $0xffff, v17  }
0x217: {  	v44 =	vcombine.low v2, v50;
	v2 =	vor.u32 v20, v6;
	[tilespmem:v38+s15+$0x0] =	vst.idx.msk $0xffff, v16  }
0x218: {  	[tilespmem:v47+s15+$0x0] =	vst.idx.msk $0xffff, v8  }
0x219: {  	v31 =	vor.u32 v7, v23;
	v17 =	vor.u32 v7, v4;
	v7 =	vld [tilespmem:$0x1FCC0]  }
0x21a: {  	v24 =	vld.idx.msk [tilespmem:v24+s3+$0x0], $0xffff  }
0x21b: {  	v29 =	vor.u32 v56, v62;
	v10 =	vor.u32 v27, v14;
	v28 =	vld.idx.msk [tilespmem:v28+s3+$0x0], $0xffff  }
0x21c: {  	v30 =	vor.u32 v44, v60;
	v38 =	vld.idx.msk [tilespmem:v2+s3+$0x0], $0xffff  }
0x21d: {  	v2 =	vld [tilespmem:$0x1FDC0]  }
0x21e: {  	v16 =	vor.u32 v45, v18;
	v5 =	vsel vm0, v7, v49;
	v7 =	vld [tilespmem:$0x1FC00];
	_ =	sdelay $0x1  }
0x21f: {  	v35 =	vor.u32 v56, v22;
	v29 =	vld.idx.msk [tilespmem:v29+s3+$0x0], $0xffff;
	[tilespmem:v10+s15+$0x0] =	vst.idx.msk $0xffff, v24  }
0x220: {  	v30 =	vld.idx.msk [tilespmem:v30+s3+$0x0], $0xffff;
	[tilespmem:$0x1F940] =	vst v44  }
0x221: {  	[tilespmem:v31+s15+$0x0] =	vst.idx.msk $0xffff, v28  }
0x222: {  	v61 =	vor.u32 v2, v11;
	v16 =	vld.idx.msk [tilespmem:v16+s3+$0x0], $0xffff;
	[tilespmem:$0x1F960] =	vst v5;
	v2 =	vsel vm0, v34, v7  }
0x223: {  	[tilespmem:$0x1F950] =	vst v2  }
0x224: {  	[tilespmem:v35+s15+$0x0] =	vst.idx.msk $0xffff, v29  }
0x225: {  	v2 =	vcombine.low v2, v5;
	v5 =	vld [tilespmem:$0x1FE90];
	_ =	sdelay $0x2  }
0x226: {  	v8 =	vor.u32 v56, v63;
	v56 =	vor.u32 v32, v12  }
0x227: {  	[tilespmem:v61+s15+$0x0] =	vst.idx.msk $0xffff, v38  }
0x228: {  	v50 =	vor.u32 v44, v58;
	v29 =	vor.u32 v5, v23;
	v5 =	vld [tilespmem:$0x1FA90]  }
0x229: {  	v10 =	vor.u32 v44, v59  }
0x22a: {  	v24 =	vor.u32 v45, v14  }
0x22b: {  	v40 =	vor.u32 v32, v11;
	v38 =	vld.idx.msk [tilespmem:v56+s3+$0x0], $0xffff  }
0x22c: {  	v28 =	vor.u32 v45, v26;
	v17 =	vld.idx.msk [tilespmem:v17+s3+$0x0], $0xffff  }
0x22d: {  	v31 =	vor.u32 v41, v9;
	v8 =	vld.idx.msk [tilespmem:v8+s3+$0x0], $0xffff;
	[tilespmem:v50+s15+$0x0] =	vst.idx.msk $0xffff, v30;
	v35 =	vor.u32 v5, v22  }
0x22e: {  	v56 =	vor.u32 v2, v58;
	v30 =	vor.u32 v43, v62;
	v10 =	vld.idx.msk [tilespmem:v10+s3+$0x0], $0xffff;
	[tilespmem:$0x1F970] =	vst v2  }
0x22f: {  	[tilespmem:v24+s15+$0x0] =	vst.idx.msk $0xffff, v16  }
0x230: {  	v34 =	vld [tilespmem:$0x1FC90];
	[tilespmem:v40+s15+$0x0] =	vst.idx.msk $0xffff, v38  }
0x231: {  	v24 =	vld.idx.msk [tilespmem:v28+s3+$0x0], $0xffff;
	[tilespmem:v29+s15+$0x0] =	vst.idx.msk $0xffff, v17  }
0x232: {  	v28 =	vld.idx.msk [tilespmem:v31+s3+$0x0], $0xffff;
	[tilespmem:v35+s15+$0x0] =	vst.idx.msk $0xffff, v8  }
0x233: {  	v17 =	vor.u32 v3, v14;
	[tilespmem:v56+s15+$0x0] =	vst.idx.msk $0xffff, v10;
	v30 =	vld.idx.msk [tilespmem:v30+s3+$0x0], $0xffff  }
0x234: {  	v61 =	vor.u32 v32, v6;
	v29 =	vor.u32 v41, v23;
	v2 =	vld [tilespmem:$0x1FDD0]  }
0x235: {  	v35 =	vor.u32 v43, v22;
	v7 =	vld [tilespmem:$0x1FCE0];
	_ =	sdelay $0x1  }
0x236: {  	v31 =	vor.u32 v41, v4  }
0x237: {  	v16 =	vor.u32 v34, v60;
	[tilespmem:v17+s15+$0x0] =	vst.idx.msk $0xffff, v24  }
0x238: {  	v38 =	vld.idx.msk [tilespmem:v61+s3+$0x0], $0xffff;
	v8 =	vor.u32 v48, v18;
	[tilespmem:v29+s15+$0x0] =	vst.idx.msk $0xffff, v28;
	v61 =	vor.u32 v2, v11  }
0x239: {  	v56 =	vsel vm0, v7, v36;
	v7 =	vld [tilespmem:$0x1FB30];
	[tilespmem:v35+s15+$0x0] =	vst.idx.msk $0xffff, v30  }
0x23a: {  	v5 =	vld [tilespmem:$0x1F980]  }
0x23b: {  	v10 =	vor.u32 v43, v63;
	v28 =	vld.idx.msk [tilespmem:v31+s3+$0x0], $0xffff  }
0x23c: {  	v47 =	vor.u32 v39, v12;
	v50 =	vor.u32 v34, v58;
	v16 =	vld.idx.msk [tilespmem:v16+s3+$0x0], $0xffff  }
0x23d: {  	v17 =	vor.u32 v34, v59;
	v8 =	vld.idx.msk [tilespmem:v8+s3+$0x0], $0xffff;
	[tilespmem:v61+s15+$0x0] =	vst.idx.msk $0xffff, v38  }
0x23e: {  	v24 =	vor.u32 v48, v14;
	v3 =	vcombine.low v7, v56;
	v7 =	vld [tilespmem:$0x1FBF0]  }
0x23f: {  	v30 =	vor.u32 v5, v23;
	v5 =	vld [tilespmem:$0x1FAB0]  }
0x240: {  	v10 =	vld.idx.msk [tilespmem:v10+s3+$0x0], $0xffff  }
0x241: {  	v38 =	vld.idx.msk [tilespmem:v47+s3+$0x0], $0xffff;
	[tilespmem:v50+s15+$0x0] =	vst.idx.msk $0xffff, v16  }
0x242: {  	v17 =	vld.idx.msk [tilespmem:v17+s3+$0x0], $0xffff;
	[tilespmem:$0x1F990] =	vst v3  }
0x243: {  	v29 =	vor.u32 v48, v26;
	v36 =	vor.u32 v39, v11;
	[tilespmem:v24+s15+$0x0] =	vst.idx.msk $0xffff, v8  }
0x244: {  	v31 =	vor.u32 v7, v9;
	v61 =	vor.u32 v5, v22;
	v5 =	vld [tilespmem:$0x1FF60];
	[tilespmem:v30+s15+$0x0] =	vst.idx.msk $0xffff, v28  }
0x245: {  	v56 =	vor.u32 v3, v58;
	v3 =	vld [tilespmem:$0x1FD80]  }
0x246: {  	v16 =	vor.u32 v52, v62;
	_ =	sdelay $0x1  }
0x247: {  	v24 =	vld.idx.msk [tilespmem:v29+s3+$0x0], $0xffff  }
0x248: {  	v30 =	vor.u32 v7, v23;
	[tilespmem:v36+s15+$0x0] =	vst.idx.msk $0xffff, v38;
	v29 =	vld.idx.msk [tilespmem:v31+s3+$0x0], $0xffff  }
0x249: {  	[tilespmem:v61+s15+$0x0] =	vst.idx.msk $0xffff, v10;
	v28 =	vor.u32 v3, v14  }
0x24a: {  	[tilespmem:v56+s15+$0x0] =	vst.idx.msk $0xffff, v17;
	v61 =	vor.u32 v52, v22;
	v16 =	vld.idx.msk [tilespmem:v16+s3+$0x0], $0xffff  }
0x24b: {  	v3 =	vld [tilespmem:$0x1FFD0]  }
0x24c: {  	v44 =	vmov v53;
	v53 =	vor.u32 v39, v6  }
0x24d: {  	v8 =	vor.u32 v5, v60;
	[tilespmem:v30+s15+$0x0] =	vst.idx.msk $0xffff, v29  }
0x24e: {  	v31 =	vor.u32 v7, v4;
	[tilespmem:v28+s15+$0x0] =	vst.idx.msk $0xffff, v24  }
0x24f: {  	[tilespmem:v61+s15+$0x0] =	vst.idx.msk $0xffff, v16  }
0x250: {  	v17 =	vor.u32 v3, v11;
	v3 =	vld [tilespmem:$0x1F9A0]  }
0x251: {  	v38 =	vld.idx.msk [tilespmem:v53+s3+$0x0], $0xffff  }
0x252: {  	v8 =	vld.idx.msk [tilespmem:v8+s3+$0x0], $0xffff  }
0x253: {  	v30 =	vld.idx.msk [tilespmem:v31+s3+$0x0], $0xffff  }
0x254: {  	v7 =	vld [tilespmem:$0x1FD00]  }
0x255: {  	v50 =	vor.u32 v5, v58;
	v31 =	vor.u32 v3, v23;
	v3 =	vld [tilespmem:$0x1FC70];
	_ =	sdelay $0x1  }
0x256: {  	v10 =	vor.u32 v42, v18;
	_ =	sdelay $0x1  }
0x257: {  	v49 =	vor.u32 v52, v63;
	[tilespmem:v17+s15+$0x0] =	vst.idx.msk $0xffff, v38  }
0x258: {  	v24 =	vor.u32 v21, v12;
	v52 =	vsel vm0, v7, v3;
	v3 =	vld [tilespmem:$0x1FD40];
	[tilespmem:v50+s15+$0x0] =	vst.idx.msk $0xffff, v8  }
0x259: {  	v7 =	vld [tilespmem:$0x1FB70]  }
0x25a: {  	v29 =	vor.u32 v42, v14;
	v10 =	vld.idx.msk [tilespmem:v10+s3+$0x0], $0xffff  }
0x25b: {  	v28 =	vor.u32 v5, v59  }
0x25c: {  	v53 =	vld.idx.msk [tilespmem:v49+s3+$0x0], $0xffff  }
0x25d: {  	v8 =	vld.idx.msk [tilespmem:v24+s3+$0x0], $0xffff  }
0x25e: {  	v2 =	vmov v19;
	v19 =	vld [tilespmem:$0x1F9B0];
	v56 =	vor.u32 v3, v22;
	v3 =	vcombine.low v7, v52  }
0x25f: {  	v16 =	vor.u32 v42, v26;
	v7 =	vld [tilespmem:$0x1FE80];
	[tilespmem:v29+s15+$0x0] =	vst.idx.msk $0xffff, v10  }
0x260: {  	v17 =	vor.u32 v51, v9;
	v28 =	vld.idx.msk [tilespmem:v28+s3+$0x0], $0xffff;
	[tilespmem:$0x1F9C0] =	vst v3  }
0x261: {  	v61 =	vor.u32 v21, v11;
	[tilespmem:v31+s15+$0x0] =	vst.idx.msk $0xffff, v30  }
0x262: {  	v29 =	vor.u32 v3, v58;
	v3 =	vld [tilespmem:$0x1FF90];
	_ =	sdelay $0x1  }
0x263: {  	v24 =	vor.u32 v44, v62;
	v16 =	vld.idx.msk [tilespmem:v16+s3+$0x0], $0xffff;
	[tilespmem:v56+s15+$0x0] =	vst.idx.msk $0xffff, v53  }
0x264: {  	v17 =	vld.idx.msk [tilespmem:v17+s3+$0x0], $0xffff;
	v46 =	vcombine.low v19, v7;
	[tilespmem:$0x1F9D0] =	vst v51  }
0x265: {  	v50 =	vor.u32 v51, v23;
	v10 =	vor.u32 v21, v6;
	[tilespmem:v61+s15+$0x0] =	vst.idx.msk $0xffff, v8  }
0x266: {  	v30 =	vor.u32 v46, v60;
	[tilespmem:v29+s15+$0x0] =	vst.idx.msk $0xffff, v28;
	v31 =	vor.u32 v3, v14  }
0x267: {  	v47 =	vor.u32 v15, v18;
	v3 =	vld [tilespmem:$0x1FDF0]  }
0x268: {  	v52 =	vor.u32 v44, v22;
	v24 =	vld.idx.msk [tilespmem:v24+s3+$0x0], $0xffff;
	_ =	sdelay $0x1  }
0x269: {  	v53 =	vld.idx.msk [tilespmem:v10+s3+$0x0], $0xffff;
	[tilespmem:v50+s15+$0x0] =	vst.idx.msk $0xffff, v17  }
0x26a: {  	v19 =	vld.idx.msk [tilespmem:v30+s3+$0x0], $0xffff;
	[tilespmem:v31+s15+$0x0] =	vst.idx.msk $0xffff, v16  }
0x26b: {  	v29 =	vor.u32 v3, v11;
	v8 =	vld.idx.msk [tilespmem:v47+s3+$0x0], $0xffff;
	[tilespmem:$0x1F9E0] =	vst v46  }
0x26c: {  	v7 =	vld [tilespmem:$0x1FD20];
	[tilespmem:v52+s15+$0x0] =	vst.idx.msk $0xffff, v24  }
0x26d: {  	v3 =	vld [tilespmem:$0x1F9F0];
	_ =	sdelay $0x2  }
0x26e: {  	[tilespmem:v29+s15+$0x0] =	vst.idx.msk $0xffff, v53  }
0x26f: {  	v7 =	vsel vm0, v7, v13;
	v13 =	vld [tilespmem:$0x1FA10]  }
0x270: {  	v50 =	vor.u32 v3, v23;
	v3 =	vld [tilespmem:$0x1FCD0]  }
0x271: {  	v51 =	vor.u32 v51, v4;
	_ =	sdelay $0x1  }
0x272: {  	v28 =	vor.u32 v44, v63  }
0x273: {  	v30 =	vor.u32 v46, v58  }
0x274: {  	v35 =	vcombine.low v13, v3;
	v3 =	vld [tilespmem:$0x1FD50]  }
0x275: {  	s26 =	simm.s32 $0x5B98;
	v31 =	vld.idx.msk [tilespmem:v51+s3+$0x0], $0xffff  }
0x276: {  	v38 =	vld [tilespmem:s26+$0xFFFFFEB8]  }
0x277: {  	v56 =	vor.u32 v37, v12;
	v17 =	vld.idx.msk [tilespmem:v28+s3+$0x0], $0xffff;
	[tilespmem:$0x1FA00] =	vst v57  }
0x278: {  	[tilespmem:v30+s15+$0x0] =	vst.idx.msk $0xffff, v19  }
0x279: {  	v24 =	vor.u32 v3, v22;
	v3 =	vld [tilespmem:$0x1FA20];
	_ =	sdelay $0x2  }
0x27a: {  	v10 =	vor.u32 v15, v14;
	v29 =	vld.idx.msk [tilespmem:v56+s3+$0x0], $0xffff  }
0x27b: {  	v16 =	vor.u32 v15, v26;
	v47 =	vor.u32 v46, v59;
	v52 =	vmov v5;
	[tilespmem:$0x1FA30] =	vst v7;
	v61 =	vld [tilespmem:$0x1FA50]  }
0x27c: {  	s29 =	simm.s32 $0x60;
	s28 =	simm.s32 $0x50;
	v27 =	vlaneseq.u32;
	v28 =	vmovc v25;
	v53 =	vor.u32 v57, v9;
	[tilespmem:$0x1FA40] =	vst v25;
	v25 =	vmovc v33;
	v33 =	vld [tilespmem:$0x1FE50];
	v40 =	vcombine.low v3, v7  }
.LBB2_5:
0x27d: {  	v3 =	vld [tilespmem:$0x1F8D0];
	_ =	sdelay $0x4  }
0x27e: {  	v36 =	vmov s28;
	v51 =	vcombine.low v3, v54;
	v54 =	vld.idx.msk [tilespmem:v47+s3+$0x0], $0xffff  }
0x27f: {  	v47 =	vshll.u32 v36, $0x7;
	v36 =	vld [tilespmem:$0x1FA40]  }
0x280: {  	v3 =	vld [tilespmem:$0x1F8E0];
	_ =	sdelay $0x2  }
0x281: {  	v30 =	vor.u32 v1, v62;
	v5 =	vld [tilespmem:$0x1FF50]  }
0x282: {  	v49 =	vor.u32 v37, v11;
	v7 =	vld [tilespmem:$0x1FA60];
	[tilespmem:v10+s15+$0x0] =	vst.idx.msk $0xffff, v8;
	v10 =	vor.u32 v40, v58  }
0x283: {  	v40 =	vmovc v18;
	v18 =	vmov v62;
	v62 =	vor.u32 v55, v14;
	v55 =	vcombine.low v3, v36;
	v3 =	vld [tilespmem:$0x1FA00]  }
0x284: {  	v16 =	vld.idx.msk [tilespmem:v16+s3+$0x0], $0xffff;
	[tilespmem:v50+s15+$0x0] =	vst.idx.msk $0xffff, v31  }
0x285: {  	v8 =	vor.u32 v37, v6;
	v53 =	vld.idx.msk [tilespmem:v53+s3+$0x0], $0xffff  }
0x286: {  	v50 =	vor.u32 v5, v60;
	v56 =	vld [tilespmem:s26+$0x0];
	[tilespmem:v24+s15+$0x0] =	vst.idx.msk $0xffff, v17  }
0x287: {  	v38 =	vmax.f32 v38, $0.0e+00;
	v31 =	vor.u32 v7, v47;
	v17 =	vor.u32 v0, v40;
	v30 =	vld.idx.msk [tilespmem:v30+s3+$0x0], $0xffff  }
0x288: {  	v38 =	vmin.f32 v38, $3.990000000e+02;
	[tilespmem:v49+s15+$0x0] =	vst.idx.msk $0xffff, v29;
	v47 =	vmovc v59;
	v59 =	vmov v4;
	v29 =	vor.u32 v3, v4;
	v4 =	vld [tilespmem:$0x1FF40]  }
0x289: {  	v15 =	vld [tilespmem:$0x1F910];
	v38 =	vtrunc.f32 v38;
	v24 =	vor.u32 v3, v23  }
0x28a: {  	v46 =	vor.u32 v1, v22;
	v8 =	vld.idx.msk [tilespmem:v8+s3+$0x0], $0xffff;
	[tilespmem:v10+s15+$0x0] =	vst.idx.msk $0xffff, v54;
	v10 =	vcvt.f32.s32 v38  }
0x28b: {  	v38 =	vor.u32 v1, v63;
	v57 =	vld.idx.msk [tilespmem:v50+s3+$0x0], $0xffff;
	[tilespmem:v62+s15+$0x0] =	vst.idx.msk $0xffff, v16  }
0x28c: {  	v62 =	vshll.u32 v10, $0x5;
	v10 =	vld.idx.msk [tilespmem:v17+s3+$0x0], $0xffff  }
0x28d: {  	v7 =	vor.u32 v5, v58;
	v17 =	vor.u32 v5, v47;
	v5 =	vld [tilespmem:$0x1FD60];
	v54 =	vor.u32 v4, v11  }
0x28e: {  	v16 =	vor.u32 v25, v12;
	v50 =	vmov v15;
	v15 =	vld [tilespmem:$0x1FA20];
	[tilespmem:v24+s15+$0x0] =	vst.idx.msk $0xffff, v53  }
0x28f: {  	v19 =	vmax.f32 v56, $0.0e+00;
	v29 =	vld.idx.msk [tilespmem:v29+s3+$0x0], $0xffff;
	[tilespmem:v46+s15+$0x0] =	vst.idx.msk $0xffff, v30  }
0x290: {  	v4 =	vmov v6;
	v46 =	vmin.f32 v19, $3.990000000e+02;
	v38 =	vld.idx.msk [tilespmem:v38+s3+$0x0], $0xffff  }
0x291: {  	v6 =	vmovc v26;
	v26 =	vmovc v63;
	v24 =	vor.u32 v27, v62;
	v63 =	vor.u32 v0, v14;
	v19 =	vtrunc.f32 v46;
	v46 =	vld [tilespmem:$0x1FE40]  }
0x292: {  	v49 =	vor.u32 v0, v6;
	[tilespmem:v54+s15+$0x0] =	vst.idx.msk $0xffff, v8;
	v54 =	vor.u32 v5, v22;
	v5 =	vld [tilespmem:$0x1F9B0]  }
0x293: {  	v55 =	vor.u32 v55, v23;
	v16 =	vld.idx.msk [tilespmem:v16+s3+$0x0], $0xffff  }
0x294: {  	v8 =	vor.u32 v51, v9;
	[tilespmem:v7+s15+$0x0] =	vst.idx.msk $0xffff, v57;
	v7 =	vcvt.f32.s32 v19;
	v19 =	vld [tilespmem:$0x1FA10]  }
0x295: {  	v56 =	vor.u32 v2, v18;
	v17 =	vld.idx.msk [tilespmem:v17+s3+$0x0], $0xffff  }
0x296: {  	v57 =	vor.u32 v25, v11;
	v24 =	vld.idx.msk [tilespmem:v24+s3+$0x0], $0xffff;
	[tilespmem:v63+s15+$0x0] =	vst.idx.msk $0xffff, v10  }
0x297: {  	v63 =	vshll.u32 v7, $0x5;
	v7 =	vld.idx.msk [tilespmem:v49+s3+$0x0], $0xffff  }
0x298: {  	v13 =	vor.u32 v35, v58;
	v10 =	vor.u32 v25, v4;
	[tilespmem:v55+s15+$0x0] =	vst.idx.msk $0xffff, v29;
	v35 =	vmov v5;
	v5 =	vld [tilespmem:$0x1FF00]  }
0x299: {  	v30 =	vmov v15;
	v15 =	vor.u32 v27, v31;
	v8 =	vld.idx.msk [tilespmem:v8+s3+$0x0], $0xffff;
	[tilespmem:v54+s15+$0x0] =	vst.idx.msk $0xffff, v38  }
0x29a: {  	v49 =	vor.u32 v46, v60;
	v29 =	vmov v19;
	v19 =	vmov v28;
	v28 =	vld.idx.msk [tilespmem:v56+s3+$0x0], $0xffff  }
0x29b: {  	v53 =	vor.u32 v27, v63;
	[tilespmem:v57+s15+$0x0] =	vst.idx.msk $0xffff, v16;
	v57 =	vld [tilespmem:$0x1FA70]  }
0x29c: {  	v56 =	vld [tilespmem:$0x1FE70]  }
0x29d: {  	v10 =	vld.idx.msk [tilespmem:v10+s3+$0x0], $0xffff;
	[tilespmem:v13+s15+$0x0] =	vst.idx.msk $0xffff, v17;
	v55 =	vor.u32 v5, v14  }
0x29e: {  	v38 =	vor.u32 v20, v40;
	[tilespmem:v15+s15+$0x0] =	vst.idx.msk $0xffff, v24;
	v15 =	vld [tilespmem:$0x1FB40]  }
0x29f: {  	v54 =	vor.u32 v51, v23;
	v17 =	vld.idx.msk [tilespmem:v49+s3+$0x0], $0xffff  }
0x2a0: {  	v16 =	vor.u32 v51, v59;
	v24 =	vld.idx.msk [tilespmem:v53+s3+$0x0], $0xffff  }
0x2a1: {  	v51 =	vor.u32 v2, v22;
	v5 =	vld [tilespmem:$0x1FFF0]  }
0x2a2: {  	v13 =	vor.u32 v2, v26;
	v53 =	vor.u32 v57, v31;
	v57 =	vld [tilespmem:$0x1F920];
	[tilespmem:v55+s15+$0x0] =	vst.idx.msk $0xffff, v7  }
0x2a3: {  	v15 =	vor.u32 v15, v11;
	v38 =	vld.idx.msk [tilespmem:v38+s3+$0x0], $0xffff  }
0x2a4: {  	v49 =	vor.u32 v46, v58;
	[tilespmem:v54+s15+$0x0] =	vst.idx.msk $0xffff, v8;
	v8 =	vor.u32 v46, v47;
	v46 =	vld [tilespmem:$0x1FA80]  }
0x2a5: {  	v16 =	vld.idx.msk [tilespmem:v16+s3+$0x0], $0xffff  }
0x2a6: {  	v7 =	vor.u32 v5, v12;
	[tilespmem:v51+s15+$0x0] =	vst.idx.msk $0xffff, v28;
	v28 =	vld [tilespmem:$0x1F930]  }
0x2a7: {  	v13 =	vld.idx.msk [tilespmem:v13+s3+$0x0], $0xffff  }
0x2a8: {  	[tilespmem:v15+s15+$0x0] =	vst.idx.msk $0xffff, v10;
	v15 =	vld [tilespmem:$0x1FEE0];
	_ =	sdelay $0x1  }
0x2a9: {  	v54 =	vor.u32 v46, v62  }
0x2aa: {  	v55 =	vor.u32 v20, v14;
	v56 =	vcombine.low v57, v56;
	v7 =	vld.idx.msk [tilespmem:v7+s3+$0x0], $0xffff  }
0x2ab: {  	v51 =	vor.u32 v20, v6;
	[tilespmem:v49+s15+$0x0] =	vst.idx.msk $0xffff, v17;
	v17 =	vld [tilespmem:$0x1FCF0];
	v57 =	vor.u32 v28, v23  }
0x2ac: {  	v10 =	vor.u32 v56, v9;
	[tilespmem:v53+s15+$0x0] =	vst.idx.msk $0xffff, v24;
	v15 =	vor.u32 v15, v22  }
0x2ad: {  	v24 =	vor.u32 v45, v18;
	v8 =	vld.idx.msk [tilespmem:v8+s3+$0x0], $0xffff  }
0x2ae: {  	v49 =	vor.u32 v5, v11;
	v53 =	vld.idx.msk [tilespmem:v54+s3+$0x0], $0xffff  }
0x2af: {  	[tilespmem:v55+s15+$0x0] =	vst.idx.msk $0xffff, v38;
	v38 =	vor.u32 v5, v4;
	v5 =	vld [tilespmem:$0x1FDC0]  }
0x2b0: {  	v17 =	vcombine.low v61, v17;
	v51 =	vld.idx.msk [tilespmem:v51+s3+$0x0], $0xffff;
	[tilespmem:v57+s15+$0x0] =	vst.idx.msk $0xffff, v16  }
0x2b1: {  	v10 =	vld.idx.msk [tilespmem:v10+s3+$0x0], $0xffff;
	[tilespmem:v15+s15+$0x0] =	vst.idx.msk $0xffff, v13  }
0x2b2: {  	v17 =	vor.u32 v17, v58;
	v24 =	vld.idx.msk [tilespmem:v24+s3+$0x0], $0xffff  }
0x2b3: {  	v15 =	vor.u32 v56, v23;
	[tilespmem:v49+s15+$0x0] =	vst.idx.msk $0xffff, v7;
	v7 =	vor.u32 v56, v59;
	v56 =	vld [tilespmem:$0x1F960]  }
0x2b4: {  	v54 =	vor.u32 v46, v31;
	v57 =	vor.u32 v5, v14;
	v5 =	vld [tilespmem:$0x1F950]  }
0x2b5: {  	v16 =	vor.u32 v33, v60  }
0x2b6: {  	v55 =	vor.u32 v46, v63;
	_ =	sdelay $0x1  }
0x2b7: {  	v38 =	vld.idx.msk [tilespmem:v38+s3+$0x0], $0xffff;
	[tilespmem:v17+s15+$0x0] =	vst.idx.msk $0xffff, v8  }
0x2b8: {  	[tilespmem:v54+s15+$0x0] =	vst.idx.msk $0xffff, v53;
	v49 =	vcombine.low v5, v56;
	v5 =	vld [tilespmem:$0x1FE90]  }
0x2b9: {  	v13 =	vor.u32 v32, v40;
	v16 =	vld.idx.msk [tilespmem:v16+s3+$0x0], $0xffff  }
0x2ba: {  	v53 =	vld.idx.msk [tilespmem:v55+s3+$0x0], $0xffff  }
0x2bb: {  	[tilespmem:v57+s15+$0x0] =	vst.idx.msk $0xffff, v51;
	v57 =	vld [tilespmem:$0x1FA90]  }
0x2bc: {  	v46 =	vld [tilespmem:$0x1FA50];
	v56 =	vor.u32 v45, v22  }
0x2bd: {  	v8 =	vor.u32 v45, v26;
	v17 =	vor.u32 v5, v11  }
0x2be: {  	v51 =	vor.u32 v41, v12;
	v13 =	vld.idx.msk [tilespmem:v13+s3+$0x0], $0xffff  }
0x2bf: {  	v54 =	vor.u32 v33, v58;
	[tilespmem:v15+s15+$0x0] =	vst.idx.msk $0xffff, v10;
	v5 =	vld [tilespmem:$0x1FD10]  }
0x2c0: {  	v7 =	vld.idx.msk [tilespmem:v7+s3+$0x0], $0xffff;
	v55 =	vor.u32 v57, v31  }
0x2c1: {  	v61 =	vmov v46;
	v10 =	vor.u32 v33, v47;
	[tilespmem:v56+s15+$0x0] =	vst.idx.msk $0xffff, v24;
	v56 =	vld [tilespmem:$0x1FD70]  }
0x2c2: {  	v46 =	vor.u32 v32, v14;
	v15 =	vor.u32 v43, v62;
	v8 =	vld.idx.msk [tilespmem:v8+s3+$0x0], $0xffff;
	[tilespmem:v17+s15+$0x0] =	vst.idx.msk $0xffff, v38  }
0x2c3: {  	v24 =	vor.u32 v32, v6;
	v51 =	vld.idx.msk [tilespmem:v51+s3+$0x0], $0xffff  }
0x2c4: {  	v49 =	vor.u32 v49, v23;
	[tilespmem:v54+s15+$0x0] =	vst.idx.msk $0xffff, v16;
	v16 =	vcombine.low v19, v5;
	v5 =	vld [tilespmem:$0x1FE60]  }
0x2c5: {  	[tilespmem:v55+s15+$0x0] =	vst.idx.msk $0xffff, v53  }
0x2c6: {  	v10 =	vld.idx.msk [tilespmem:v10+s3+$0x0], $0xffff  }
0x2c7: {  	v15 =	vld.idx.msk [tilespmem:v15+s3+$0x0], $0xffff;
	[tilespmem:v46+s15+$0x0] =	vst.idx.msk $0xffff, v13  }
0x2c8: {  	v17 =	vor.u32 v34, v9;
	v38 =	vor.u32 v56, v22;
	v19 =	vor.u32 v48, v18;
	v24 =	vld.idx.msk [tilespmem:v24+s3+$0x0], $0xffff  }
0x2c9: {  	v53 =	vor.u32 v41, v11;
	[tilespmem:v49+s15+$0x0] =	vst.idx.msk $0xffff, v7;
	v7 =	vor.u32 v5, v60;
	v60 =	vld [tilespmem:$0x1FDD0]  }
0x2ca: {  	v13 =	vor.u32 v41, v4;
	v16 =	vor.u32 v16, v58  }
0x2cb: {  	v54 =	vor.u32 v43, v31;
	_ =	sdelay $0x1  }
0x2cc: {  	v49 =	vor.u32 v43, v63;
	v17 =	vld.idx.msk [tilespmem:v17+s3+$0x0], $0xffff;
	[tilespmem:v38+s15+$0x0] =	vst.idx.msk $0xffff, v8  }
0x2cd: {  	v46 =	vor.u32 v60, v14;
	v60 =	vmov v9;
	v9 =	vld.idx.msk [tilespmem:v19+s3+$0x0], $0xffff;
	[tilespmem:v53+s15+$0x0] =	vst.idx.msk $0xffff, v51  }
0x2ce: {  	v13 =	vld.idx.msk [tilespmem:v13+s3+$0x0], $0xffff;
	[tilespmem:v16+s15+$0x0] =	vst.idx.msk $0xffff, v10  }
0x2cf: {  	[tilespmem:v54+s15+$0x0] =	vst.idx.msk $0xffff, v15;
	v15 =	vld [tilespmem:$0x1F980]  }
0x2d0: {  	v8 =	vor.u32 v39, v40;
	v7 =	vld.idx.msk [tilespmem:v7+s3+$0x0], $0xffff  }
0x2d1: {  	v38 =	vor.u32 v34, v23;
	v16 =	vld.idx.msk [tilespmem:v49+s3+$0x0], $0xffff  }
0x2d2: {  	v19 =	vor.u32 v34, v59;
	[tilespmem:v46+s15+$0x0] =	vst.idx.msk $0xffff, v24;
	v46 =	vld [tilespmem:$0x1FBF0]  }
0x2d3: {  	v57 =	vor.u32 v48, v22;
	v56 =	vld [tilespmem:$0x1FAB0]  }
0x2d4: {  	v55 =	vld [tilespmem:$0x1FFE0];
	v10 =	vor.u32 v48, v26  }
0x2d5: {  	v8 =	vld.idx.msk [tilespmem:v8+s3+$0x0], $0xffff;
	v15 =	vor.u32 v15, v11  }
0x2d6: {  	v49 =	vor.u32 v5, v58;
	[tilespmem:v38+s15+$0x0] =	vst.idx.msk $0xffff, v17;
	v17 =	vor.u32 v5, v47;
	v5 =	vld [tilespmem:$0x1FD30]  }
0x2d7: {  	v19 =	vld.idx.msk [tilespmem:v19+s3+$0x0], $0xffff;
	v24 =	vor.u32 v46, v12  }
0x2d8: {  	[tilespmem:v57+s15+$0x0] =	vst.idx.msk $0xffff, v9;
	v9 =	vld [tilespmem:$0x1F990]  }
0x2d9: {  	v10 =	vld.idx.msk [tilespmem:v10+s3+$0x0], $0xffff  }
0x2da: {  	v53 =	vor.u32 v56, v31;
	[tilespmem:v15+s15+$0x0] =	vst.idx.msk $0xffff, v13;
	v13 =	vld [tilespmem:$0x1FD80];
	_ =	sdelay $0x1  }
0x2db: {  	v38 =	vor.u32 v55, v62;
	v47 =	vor.u32 v39, v14;
	v15 =	vld.idx.msk [tilespmem:v24+s3+$0x0], $0xffff  }
0x2dc: {  	[tilespmem:v49+s15+$0x0] =	vst.idx.msk $0xffff, v7;
	v7 =	vcombine.low v50, v5;
	v5 =	vld [tilespmem:$0x1FFD0]  }
0x2dd: {  	v28 =	vmov v36;
	v36 =	vld [tilespmem:$0x1FD40];
	v51 =	vor.u32 v39, v6;
	v57 =	vor.u32 v9, v23  }
0x2de: {  	v54 =	vld [tilespmem:$0x1F9D0];
	v9 =	vmov v12;
	v12 =	vor.u32 v52, v60;
	[tilespmem:v53+s15+$0x0] =	vst.idx.msk $0xffff, v16;
	v13 =	vor.u32 v13, v22  }
0x2df: {  	v24 =	vor.u32 v46, v11;
	v16 =	vor.u32 v42, v18;
	v17 =	vld.idx.msk [tilespmem:v17+s3+$0x0], $0xffff  }
0x2e0: {  	v38 =	vld.idx.msk [tilespmem:v38+s3+$0x0], $0xffff;
	[tilespmem:v47+s15+$0x0] =	vst.idx.msk $0xffff, v8;
	v8 =	vor.u32 v46, v4  }
0x2e1: {  	v7 =	vor.u32 v7, v58;
	v53 =	vor.u32 v5, v14;
	v5 =	vld [tilespmem:$0x1F9A0]  }
0x2e2: {  	v47 =	vor.u32 v55, v31;
	v49 =	vld.idx.msk [tilespmem:v51+s3+$0x0], $0xffff;
	[tilespmem:v57+s15+$0x0] =	vst.idx.msk $0xffff, v19  }
0x2e3: {  	v19 =	vor.u32 v55, v63;
	v12 =	vld.idx.msk [tilespmem:v12+s3+$0x0], $0xffff;
	[tilespmem:v13+s15+$0x0] =	vst.idx.msk $0xffff, v10  }
0x2e4: {  	v10 =	vor.u32 v21, v40;
	v13 =	vor.u32 v52, v23;
	v16 =	vld.idx.msk [tilespmem:v16+s3+$0x0], $0xffff;
	[tilespmem:v24+s15+$0x0] =	vst.idx.msk $0xffff, v15  }
0x2e5: {  	v58 =	vmov v23;
	v15 =	vor.u32 v52, v59;
	v8 =	vld.idx.msk [tilespmem:v8+s3+$0x0], $0xffff  }
0x2e6: {  	v23 =	vmov v11;
	v24 =	vor.u32 v42, v22;
	[tilespmem:v7+s15+$0x0] =	vst.idx.msk $0xffff, v17;
	v17 =	vor.u32 v5, v11;
	v11 =	vld [tilespmem:$0x1F9C0]  }
0x2e7: {  	[tilespmem:v47+s15+$0x0] =	vst.idx.msk $0xffff, v38;
	v5 =	vld [tilespmem:$0x1FE80]  }
0x2e8: {  	v19 =	vld.idx.msk [tilespmem:v19+s3+$0x0], $0xffff;
	[tilespmem:v53+s15+$0x0] =	vst.idx.msk $0xffff, v49  }
0x2e9: {  	v10 =	vld.idx.msk [tilespmem:v10+s3+$0x0], $0xffff;
	[tilespmem:v13+s15+$0x0] =	vst.idx.msk $0xffff, v12  }
0x2ea: {  	v7 =	vor.u32 v42, v26;
	v15 =	vld.idx.msk [tilespmem:v15+s3+$0x0], $0xffff  }
0x2eb: {  	v13 =	vor.u32 v21, v14;
	[tilespmem:v24+s15+$0x0] =	vst.idx.msk $0xffff, v16;
	v24 =	vor.u32 v11, v58;
	v11 =	vmov v14;
	v14 =	vld [tilespmem:$0x1FF90]  }
0x2ec: {  	v56 =	vor.u32 v36, v31;
	v50 =	vld [tilespmem:$0x1FFB0];
	v55 =	vor.u32 v54, v9;
	_ =	sdelay $0x1  }
0x2ed: {  	v12 =	vor.u32 v44, v62;
	v35 =	vcombine.low v35, v5  }
0x2ee: {  	v53 =	vor.u32 v3, v9;
	v3 =	vld [tilespmem:$0x1FCD0];
	v16 =	vor.u32 v21, v6  }
0x2ef: {  	v7 =	vld.idx.msk [tilespmem:v7+s3+$0x0], $0xffff;
	[tilespmem:v17+s15+$0x0] =	vst.idx.msk $0xffff, v8;
	v8 =	vor.u32 v35, v60;
	v17 =	vor.u32 v14, v22  }
0x2f0: {  	v38 =	vld.idx.msk [tilespmem:v55+s3+$0x0], $0xffff;
	[tilespmem:v56+s15+$0x0] =	vst.idx.msk $0xffff, v19;
	v19 =	vor.u32 v50, v18  }
0x2f1: {  	v47 =	vor.u32 v54, v23;
	v5 =	vld [tilespmem:$0x1FDF0]  }
0x2f2: {  	v12 =	vld.idx.msk [tilespmem:v12+s3+$0x0], $0xffff;
	[tilespmem:v13+s15+$0x0] =	vst.idx.msk $0xffff, v10;
	v13 =	vor.u32 v54, v4  }
0x2f3: {  	v51 =	vld.idx.msk [tilespmem:v16+s3+$0x0], $0xffff;
	[tilespmem:v24+s15+$0x0] =	vst.idx.msk $0xffff, v15  }
0x2f4: {  	v49 =	vor.u32 v44, v31;
	v54 =	vld.idx.msk [tilespmem:v8+s3+$0x0], $0xffff;
	[tilespmem:v17+s15+$0x0] =	vst.idx.msk $0xffff, v7  }
0x2f5: {  	v57 =	vor.u32 v35, v58;
	v8 =	vld.idx.msk [tilespmem:v19+s3+$0x0], $0xffff  }
0x2f6: {  	[tilespmem:v47+s15+$0x0] =	vst.idx.msk $0xffff, v38;
	v47 =	vor.u32 v35, v59;
	v35 =	vcombine.low v29, v3;
	v3 =	vld [tilespmem:$0x1FA30]  }
0x2f7: {  	s26 =	sadd.s32 $0x10, s26;
	v14 =	vmov v22;
	v22 =	vmov v31;
	v31 =	vld.idx.msk [tilespmem:v13+s3+$0x0], $0xffff  }
0x2f8: {  	v15 =	vor.u32 v44, v63;
	v24 =	vor.u32 v5, v11;
	v38 =	vld [tilespmem:s26+$0xFFFFFEB8]  }
0x2f9: {  	v7 =	vor.u32 v37, v40;
	[tilespmem:v49+s15+$0x0] =	vst.idx.msk $0xffff, v12;
	v12 =	vld [tilespmem:$0x1F9F0]  }
0x2fa: {  	p1 =	sne.s32 s29, $0x130;
	v13 =	vld [tilespmem:$0x1FD50]  }
.Ltmp1:
0x2fb: {  	_ = 	snop;
	(pc) =	sbr.rel @p1 .LBB2_5-.Ltmp1, $4  }
0x2fc: {  	v55 =	vld [tilespmem:$0x1FDA0]  }
0x2fd: {  	v17 =	vld.idx.msk [tilespmem:v15+s3+$0x0], $0xffff;
	[tilespmem:v24+s15+$0x0] =	vst.idx.msk $0xffff, v51  }
0x2fe: {  	v16 =	vor.u32 v50, v26;
	v10 =	vor.u32 v50, v14;
	v29 =	vld.idx.msk [tilespmem:v7+s3+$0x0], $0xffff;
	[tilespmem:v57+s15+$0x0] =	vst.idx.msk $0xffff, v54  }
0x2ff: {  	s28 =	smov.u32 s29;
	s29 =	sadd.s32 $0x10, s29;
	v54 =	vld [tilespmem:$0x1FE30];
	v50 =	vor.u32 v12, v23;
	v12 =	vmovc v40;
	v24 =	vor.u32 v13, v22;
	v40 =	vcombine.low v30, v3  }
0x300: {  	v3 =	vmax.f32 v38, $0.0e+00  }
0x301: {  	v3 =	vmin.f32 v3, $3.990000000e+02  }
0x302: {  	v3 =	vtrunc.f32 v3  }
0x303: {  	v3 =	vcvt.f32.s32 v3;
	_ =	sdelay $0x1  }
0x304: {  	v13 =	vld [tilespmem:$0x1FA60];
	v19 =	vshll.u32 v3, $0x5  }
0x305: {  	v5 =	vld [tilespmem:s26+$0x0];
	v3 =	vor.u32 v27, v19;
	_ =	sdelay $0x1  }
0x306: {  	v7 =	vmov s28  }
0x307: {  	v7 =	vshll.u32 v7, $0x7  }
0x308: {  	v57 =	vor.u32 v13, v7  }
0x309: {  	v5 =	vmax.f32 v5, $0.0e+00;
	v7 =	vor.u32 v27, v57;
	v3 =	vld.idx.msk [tilespmem:v3+s3+$0x0], $0xffff  }
0x30a: {  	v5 =	vmin.f32 v5, $3.990000000e+02  }
0x30b: {  	v5 =	vtrunc.f32 v5  }
0x30c: {  	v5 =	vcvt.f32.s32 v5;
	_ =	sdelay $0x1  }
0x30d: {  	v13 =	vshll.u32 v5, $0x5;
	[tilespmem:v7+s15+$0x0] =	vst.idx.msk $0xffff, v3  }
0x30e: {  	v5 =	vor.u32 v27, v13;
	v49 =	vld [tilespmem:$0x1FA70]  }
0x30f: {  	v15 =	vld [tilespmem:$0x1FA80];
	_ =	sdelay $0x3  }
0x310: {  	v3 =	vld.idx.msk [tilespmem:v5+s3+$0x0], $0xffff;
	v5 =	vor.u32 v49, v57  }
0x311: {  	v51 =	vor.u32 v15, v19;
	_ =	sdelay $0x3  }
0x312: {  	[tilespmem:v5+s15+$0x0] =	vst.idx.msk $0xffff, v3  }
0x313: {  	v56 =	vor.u32 v15, v57;
	v3 =	vld.idx.msk [tilespmem:v51+s3+$0x0], $0xffff;
	_ =	sdelay $0x4  }
0x314: {  	[tilespmem:v56+s15+$0x0] =	vst.idx.msk $0xffff, v3  }
0x315: {  	v15 =	vor.u32 v15, v13;
	v5 =	vld [tilespmem:$0x1FA90];
	_ =	sdelay $0x4  }
0x316: {  	v3 =	vld.idx.msk [tilespmem:v15+s3+$0x0], $0xffff;
	v5 =	vor.u32 v5, v57  }
0x317: {  	v27 =	vor.u32 v43, v19;
	_ =	sdelay $0x3  }
0x318: {  	[tilespmem:v5+s15+$0x0] =	vst.idx.msk $0xffff, v3  }
0x319: {  	v30 =	vor.u32 v43, v57;
	v3 =	vld.idx.msk [tilespmem:v27+s3+$0x0], $0xffff;
	_ =	sdelay $0x4  }
0x31a: {  	[tilespmem:v30+s15+$0x0] =	vst.idx.msk $0xffff, v3  }
0x31b: {  	v38 =	vor.u32 v43, v13;
	v5 =	vld [tilespmem:$0x1FAB0]  }
0x31c: {  	v51 =	vld [tilespmem:$0x1FFE0];
	_ =	sdelay $0x3  }
0x31d: {  	v3 =	vld.idx.msk [tilespmem:v38+s3+$0x0], $0xffff;
	v5 =	vor.u32 v5, v57  }
0x31e: {  	v41 =	vor.u32 v51, v19;
	_ =	sdelay $0x3  }
0x31f: {  	[tilespmem:v5+s15+$0x0] =	vst.idx.msk $0xffff, v3  }
0x320: {  	v43 =	vor.u32 v51, v57;
	v3 =	vld.idx.msk [tilespmem:v41+s3+$0x0], $0xffff  }
0x321: {  	v46 =	vor.u32 v51, v13;
	_ =	sdelay $0x3  }
0x322: {  	[tilespmem:v43+s15+$0x0] =	vst.idx.msk $0xffff, v3  }
0x323: {  	v49 =	vor.u32 v36, v57;
	v3 =	vld.idx.msk [tilespmem:v46+s3+$0x0], $0xffff  }
0x324: {  	v56 =	vor.u32 v44, v19;
	_ =	sdelay $0x3  }
0x325: {  	[tilespmem:v49+s15+$0x0] =	vst.idx.msk $0xffff, v3  }
0x326: {  	v15 =	vor.u32 v44, v57;
	v3 =	vld.idx.msk [tilespmem:v56+s3+$0x0], $0xffff;
	_ =	sdelay $0x4  }
0x327: {  	[tilespmem:v15+s15+$0x0] =	vst.idx.msk $0xffff, v3  }
0x328: {  	v27 =	vor.u32 v44, v13;
	v36 =	vld [tilespmem:$0x1FD50]  }
0x329: {  	v30 =	vor.u32 v1, v62;
	_ =	sdelay $0x3  }
0x32a: {  	v5 =	vld.idx.msk [tilespmem:v27+s3+$0x0], $0xffff;
	[tilespmem:v24+s15+$0x0] =	vst.idx.msk $0xffff, v17;
	v7 =	vor.u32 v36, v57  }
0x32b: {  	v38 =	vor.u32 v1, v19;
	v41 =	vor.u32 v1, v22;
	v3 =	vld.idx.msk [tilespmem:v30+s3+$0x0], $0xffff;
	_ =	sdelay $0x3  }
0x32c: {  	[tilespmem:v7+s15+$0x0] =	vst.idx.msk $0xffff, v5  }
0x32d: {  	v7 =	vld.idx.msk [tilespmem:v38+s3+$0x0], $0xffff;
	[tilespmem:v41+s15+$0x0] =	vst.idx.msk $0xffff, v3  }
0x32e: {  	v46 =	vor.u32 v1, v63;
	v24 =	vld [tilespmem:$0x1FD60];
	_ =	sdelay $0x3  }
0x32f: {  	v43 =	vmov v13;
	v49 =	vor.u32 v1, v57  }
0x330: {  	v56 =	vor.u32 v1, v43;
	v3 =	vld.idx.msk [tilespmem:v46+s3+$0x0], $0xffff;
	v27 =	vor.u32 v24, v22  }
0x331: {  	v30 =	vor.u32 v2, v62;
	_ =	sdelay $0x2  }
0x332: {  	[tilespmem:v49+s15+$0x0] =	vst.idx.msk $0xffff, v7  }
0x333: {  	v13 =	vld.idx.msk [tilespmem:v56+s3+$0x0], $0xffff;
	v36 =	vor.u32 v24, v57;
	[tilespmem:v27+s15+$0x0] =	vst.idx.msk $0xffff, v3  }
0x334: {  	v41 =	vor.u32 v2, v22;
	v3 =	vld.idx.msk [tilespmem:v30+s3+$0x0], $0xffff;
	_ =	sdelay $0x3  }
0x335: {  	[tilespmem:v36+s15+$0x0] =	vst.idx.msk $0xffff, v13  }
0x336: {  	v38 =	vor.u32 v2, v19;
	[tilespmem:v41+s15+$0x0] =	vst.idx.msk $0xffff, v3  }
0x337: {  	v46 =	vor.u32 v2, v63;
	v24 =	vld [tilespmem:$0x1FEE0];
	_ =	sdelay $0x3  }
0x338: {  	v49 =	vor.u32 v2, v57;
	v13 =	vld.idx.msk [tilespmem:v38+s3+$0x0], $0xffff  }
0x339: {  	v56 =	vor.u32 v2, v43;
	v3 =	vld.idx.msk [tilespmem:v46+s3+$0x0], $0xffff;
	v27 =	vor.u32 v24, v22  }
0x33a: {  	v30 =	vor.u32 v45, v62;
	_ =	sdelay $0x2  }
0x33b: {  	[tilespmem:v49+s15+$0x0] =	vst.idx.msk $0xffff, v13  }
0x33c: {  	v13 =	vld.idx.msk [tilespmem:v56+s3+$0x0], $0xffff;
	v36 =	vor.u32 v24, v57;
	[tilespmem:v27+s15+$0x0] =	vst.idx.msk $0xffff, v3  }
0x33d: {  	v41 =	vor.u32 v45, v22;
	v3 =	vld.idx.msk [tilespmem:v30+s3+$0x0], $0xffff;
	_ =	sdelay $0x3  }
0x33e: {  	[tilespmem:v36+s15+$0x0] =	vst.idx.msk $0xffff, v13  }
0x33f: {  	v38 =	vor.u32 v45, v19;
	[tilespmem:v41+s15+$0x0] =	vst.idx.msk $0xffff, v3  }
0x340: {  	v46 =	vor.u32 v45, v63;
	v24 =	vld [tilespmem:$0x1FD70];
	_ =	sdelay $0x3  }
0x341: {  	v49 =	vor.u32 v45, v57;
	v13 =	vld.idx.msk [tilespmem:v38+s3+$0x0], $0xffff  }
0x342: {  	v56 =	vor.u32 v45, v43;
	v3 =	vld.idx.msk [tilespmem:v46+s3+$0x0], $0xffff;
	v27 =	vor.u32 v24, v22  }
0x343: {  	v30 =	vor.u32 v48, v62;
	_ =	sdelay $0x2  }
0x344: {  	[tilespmem:v49+s15+$0x0] =	vst.idx.msk $0xffff, v13  }
0x345: {  	v13 =	vld.idx.msk [tilespmem:v56+s3+$0x0], $0xffff;
	v36 =	vor.u32 v24, v57;
	[tilespmem:v27+s15+$0x0] =	vst.idx.msk $0xffff, v3  }
0x346: {  	v38 =	vor.u32 v48, v19;
	v41 =	vor.u32 v48, v22;
	v3 =	vld.idx.msk [tilespmem:v30+s3+$0x0], $0xffff;
	_ =	sdelay $0x3  }
0x347: {  	[tilespmem:v36+s15+$0x0] =	vst.idx.msk $0xffff, v13  }
0x348: {  	v13 =	vld.idx.msk [tilespmem:v38+s3+$0x0], $0xffff;
	[tilespmem:v41+s15+$0x0] =	vst.idx.msk $0xffff, v3  }
0x349: {  	v45 =	vor.u32 v48, v63;
	v46 =	vor.u32 v48, v57;
	v56 =	vld [tilespmem:$0x1FD80]  }
0x34a: {  	v49 =	vor.u32 v48, v43;
	_ =	sdelay $0x3  }
0x34b: {  	v3 =	vld.idx.msk [tilespmem:v45+s3+$0x0], $0xffff;
	[tilespmem:v46+s15+$0x0] =	vst.idx.msk $0xffff, v13;
	v24 =	vor.u32 v56, v22  }
0x34c: {  	v27 =	vor.u32 v42, v62;
	v13 =	vld.idx.msk [tilespmem:v49+s3+$0x0], $0xffff;
	v30 =	vor.u32 v56, v57  }
0x34d: {  	v36 =	vor.u32 v42, v19;
	_ =	sdelay $0x2  }
0x34e: {  	[tilespmem:v24+s15+$0x0] =	vst.idx.msk $0xffff, v3  }
0x34f: {  	v38 =	vor.u32 v42, v22;
	[tilespmem:v30+s15+$0x0] =	vst.idx.msk $0xffff, v13;
	v3 =	vld.idx.msk [tilespmem:v27+s3+$0x0], $0xffff  }
0x350: {  	v45 =	vor.u32 v42, v57;
	v13 =	vld.idx.msk [tilespmem:v36+s3+$0x0], $0xffff;
	_ =	sdelay $0x3  }
0x351: {  	[tilespmem:v38+s15+$0x0] =	vst.idx.msk $0xffff, v3  }
0x352: {  	v41 =	vor.u32 v42, v63;
	v48 =	vld [tilespmem:$0x1FF90];
	[tilespmem:v45+s15+$0x0] =	vst.idx.msk $0xffff, v13  }
0x353: {  	v46 =	vor.u32 v42, v43;
	v56 =	vld [tilespmem:$0x1FFB0];
	_ =	sdelay $0x3  }
0x354: {  	v3 =	vld.idx.msk [tilespmem:v41+s3+$0x0], $0xffff;
	v24 =	vor.u32 v48, v22  }
0x355: {  	v13 =	vld.idx.msk [tilespmem:v46+s3+$0x0], $0xffff;
	v30 =	vor.u32 v48, v57;
	v27 =	vor.u32 v56, v62  }
0x356: {  	v36 =	vor.u32 v56, v19;
	_ =	sdelay $0x1  }
0x357: {  	[tilespmem:v10+s15+$0x0] =	vst.idx.msk $0xffff, v8  }
0x358: {  	v46 =	vor.u32 v55, v14;
	v8 =	vld.idx.msk [tilespmem:v16+s3+$0x0], $0xffff;
	[tilespmem:v24+s15+$0x0] =	vst.idx.msk $0xffff, v3  }
0x359: {  	v49 =	vor.u32 v0, v18;
	v38 =	vor.u32 v56, v22;
	[tilespmem:v30+s15+$0x0] =	vst.idx.msk $0xffff, v13;
	v3 =	vld.idx.msk [tilespmem:v27+s3+$0x0], $0xffff  }
0x35a: {  	v41 =	vor.u32 v56, v63;
	v42 =	vor.u32 v56, v57;
	v13 =	vld.idx.msk [tilespmem:v36+s3+$0x0], $0xffff  }
0x35b: {  	v45 =	vor.u32 v56, v43;
	_ =	sdelay $0x1  }
0x35c: {  	[tilespmem:v46+s15+$0x0] =	vst.idx.msk $0xffff, v8  }
0x35d: {  	[tilespmem:v38+s15+$0x0] =	vst.idx.msk $0xffff, v3;
	v3 =	vld.idx.msk [tilespmem:v49+s3+$0x0], $0xffff;
	v38 =	vor.u32 v0, v14  }
0x35e: {  	v24 =	vor.u32 v55, v22;
	[tilespmem:v42+s15+$0x0] =	vst.idx.msk $0xffff, v13;
	v5 =	vld.idx.msk [tilespmem:v41+s3+$0x0], $0xffff  }
0x35f: {  	v30 =	vor.u32 v55, v57;
	v15 =	vld.idx.msk [tilespmem:v45+s3+$0x0], $0xffff;
	_ =	sdelay $0x2  }
0x360: {  	[tilespmem:v38+s15+$0x0] =	vst.idx.msk $0xffff, v3  }
0x361: {  	v27 =	vor.u32 v0, v62;
	[tilespmem:v24+s15+$0x0] =	vst.idx.msk $0xffff, v5  }
0x362: {  	v36 =	vor.u32 v0, v19;
	[tilespmem:v30+s15+$0x0] =	vst.idx.msk $0xffff, v15  }
0x363: {  	v41 =	vor.u32 v0, v26;
	v55 =	vld [tilespmem:$0x1FF00];
	_ =	sdelay $0x2  }
0x364: {  	v42 =	vor.u32 v0, v22;
	v7 =	vld.idx.msk [tilespmem:v27+s3+$0x0], $0xffff  }
0x365: {  	v46 =	vor.u32 v0, v57;
	v45 =	vor.u32 v0, v63;
	v15 =	vld.idx.msk [tilespmem:v36+s3+$0x0], $0xffff  }
0x366: {  	v49 =	vor.u32 v0, v43;
	v3 =	vld.idx.msk [tilespmem:v41+s3+$0x0], $0xffff;
	v1 =	vor.u32 v55, v14  }
0x367: {  	v2 =	vor.u32 v20, v18;
	_ =	sdelay $0x1  }
0x368: {  	[tilespmem:v42+s15+$0x0] =	vst.idx.msk $0xffff, v7  }
0x369: {  	v27 =	vor.u32 v55, v22;
	[tilespmem:v46+s15+$0x0] =	vst.idx.msk $0xffff, v15;
	v24 =	vld.idx.msk [tilespmem:v45+s3+$0x0], $0xffff  }
0x36a: {  	v36 =	vor.u32 v55, v57;
	v15 =	vld.idx.msk [tilespmem:v49+s3+$0x0], $0xffff;
	[tilespmem:v1+s15+$0x0] =	vst.idx.msk $0xffff, v3  }
0x36b: {  	v41 =	vor.u32 v20, v14;
	v3 =	vld.idx.msk [tilespmem:v2+s3+$0x0], $0xffff;
	_ =	sdelay $0x2  }
0x36c: {  	[tilespmem:v27+s15+$0x0] =	vst.idx.msk $0xffff, v24  }
0x36d: {  	v38 =	vor.u32 v20, v19;
	v30 =	vor.u32 v20, v62;
	[tilespmem:v36+s15+$0x0] =	vst.idx.msk $0xffff, v15  }
0x36e: {  	v42 =	vor.u32 v20, v26;
	v46 =	vor.u32 v20, v63;
	[tilespmem:v41+s15+$0x0] =	vst.idx.msk $0xffff, v3  }
0x36f: {  	v55 =	vor.u32 v20, v43;
	v45 =	vor.u32 v20, v22;
	v49 =	vor.u32 v20, v57;
	v20 =	vld [tilespmem:$0x1FDC0];
	_ =	sdelay $0x2  }
0x370: {  	v8 =	vld.idx.msk [tilespmem:v30+s3+$0x0], $0xffff  }
0x371: {  	v15 =	vld.idx.msk [tilespmem:v38+s3+$0x0], $0xffff  }
0x372: {  	v3 =	vld.idx.msk [tilespmem:v42+s3+$0x0], $0xffff;
	v24 =	vor.u32 v20, v14  }
0x373: {  	v27 =	vor.u32 v32, v18;
	_ =	sdelay $0x1  }
0x374: {  	[tilespmem:v45+s15+$0x0] =	vst.idx.msk $0xffff, v8  }
0x375: {  	[tilespmem:v49+s15+$0x0] =	vst.idx.msk $0xffff, v15;
	v8 =	vld.idx.msk [tilespmem:v46+s3+$0x0], $0xffff;
	v30 =	vor.u32 v20, v22  }
0x376: {  	v15 =	vld.idx.msk [tilespmem:v55+s3+$0x0], $0xffff;
	v38 =	vor.u32 v20, v57;
	[tilespmem:v24+s15+$0x0] =	vst.idx.msk $0xffff, v3  }
0x377: {  	v42 =	vor.u32 v32, v14;
	v3 =	vld.idx.msk [tilespmem:v27+s3+$0x0], $0xffff;
	_ =	sdelay $0x2  }
0x378: {  	[tilespmem:v30+s15+$0x0] =	vst.idx.msk $0xffff, v8  }
0x379: {  	v36 =	vor.u32 v32, v62;
	[tilespmem:v38+s15+$0x0] =	vst.idx.msk $0xffff, v15  }
0x37a: {  	v41 =	vor.u32 v32, v19;
	[tilespmem:v42+s15+$0x0] =	vst.idx.msk $0xffff, v3  }
0x37b: {  	v45 =	vor.u32 v32, v26;
	v24 =	vld [tilespmem:$0x1FDD0];
	_ =	sdelay $0x2  }
0x37c: {  	v46 =	vor.u32 v32, v22;
	v8 =	vld.idx.msk [tilespmem:v36+s3+$0x0], $0xffff  }
0x37d: {  	v49 =	vor.u32 v32, v63;
	v55 =	vor.u32 v32, v57;
	v15 =	vld.idx.msk [tilespmem:v41+s3+$0x0], $0xffff  }
0x37e: {  	v20 =	vor.u32 v32, v43;
	v3 =	vld.idx.msk [tilespmem:v45+s3+$0x0], $0xffff;
	v27 =	vor.u32 v24, v14  }
0x37f: {  	v30 =	vor.u32 v39, v18;
	_ =	sdelay $0x1  }
0x380: {  	[tilespmem:v46+s15+$0x0] =	vst.idx.msk $0xffff, v8  }
0x381: {  	[tilespmem:v55+s15+$0x0] =	vst.idx.msk $0xffff, v15;
	v8 =	vld.idx.msk [tilespmem:v49+s3+$0x0], $0xffff;
	v32 =	vor.u32 v24, v22  }
0x382: {  	v15 =	vld.idx.msk [tilespmem:v20+s3+$0x0], $0xffff;
	v38 =	vor.u32 v24, v57;
	[tilespmem:v27+s15+$0x0] =	vst.idx.msk $0xffff, v3  }
0x383: {  	v42 =	vor.u32 v39, v14;
	v3 =	vld.idx.msk [tilespmem:v30+s3+$0x0], $0xffff;
	_ =	sdelay $0x2  }
0x384: {  	v36 =	vor.u32 v39, v62;
	[tilespmem:v32+s15+$0x0] =	vst.idx.msk $0xffff, v8  }
0x385: {  	v41 =	vor.u32 v39, v19;
	[tilespmem:v38+s15+$0x0] =	vst.idx.msk $0xffff, v15  }
0x386: {  	[tilespmem:v42+s15+$0x0] =	vst.idx.msk $0xffff, v3  }
0x387: {  	v45 =	vor.u32 v39, v26;
	v24 =	vld [tilespmem:$0x1FFD0];
	_ =	sdelay $0x1  }
0x388: {  	v46 =	vor.u32 v39, v22;
	v8 =	vld.idx.msk [tilespmem:v36+s3+$0x0], $0xffff  }
0x389: {  	v55 =	vor.u32 v39, v57;
	v49 =	vor.u32 v39, v63;
	v15 =	vld.idx.msk [tilespmem:v41+s3+$0x0], $0xffff  }
0x38a: {  	v20 =	vor.u32 v39, v43  }
0x38b: {  	v3 =	vld.idx.msk [tilespmem:v45+s3+$0x0], $0xffff;
	v27 =	vor.u32 v24, v14  }
0x38c: {  	v30 =	vor.u32 v21, v18  }
0x38d: {  	[tilespmem:v46+s15+$0x0] =	vst.idx.msk $0xffff, v8  }
0x38e: {  	[tilespmem:v55+s15+$0x0] =	vst.idx.msk $0xffff, v15;
	v8 =	vld.idx.msk [tilespmem:v49+s3+$0x0], $0xffff;
	v32 =	vor.u32 v24, v22  }
0x38f: {  	v36 =	vor.u32 v21, v62;
	v15 =	vld.idx.msk [tilespmem:v20+s3+$0x0], $0xffff;
	v38 =	vor.u32 v24, v57  }
0x390: {  	v39 =	vor.u32 v21, v19;
	[tilespmem:v27+s15+$0x0] =	vst.idx.msk $0xffff, v3  }
0x391: {  	v41 =	vor.u32 v21, v14;
	v3 =	vld.idx.msk [tilespmem:v30+s3+$0x0], $0xffff;
	_ =	sdelay $0x1  }
0x392: {  	[tilespmem:v32+s15+$0x0] =	vst.idx.msk $0xffff, v8  }
0x393: {  	v45 =	vor.u32 v21, v22;
	[tilespmem:v38+s15+$0x0] =	vst.idx.msk $0xffff, v15;
	v8 =	vld.idx.msk [tilespmem:v36+s3+$0x0], $0xffff  }
0x394: {  	v42 =	vor.u32 v21, v26;
	v46 =	vor.u32 v21, v63;
	v49 =	vor.u32 v21, v57;
	v15 =	vld.idx.msk [tilespmem:v39+s3+$0x0], $0xffff  }
0x395: {  	v55 =	vor.u32 v21, v43;
	v21 =	vor.u32 v37, v11;
	[tilespmem:v41+s15+$0x0] =	vst.idx.msk $0xffff, v3  }
0x396: {  	v32 =	vld [tilespmem:$0x1FDF0];
	_ =	sdelay $0x1  }
0x397: {  	[tilespmem:v45+s15+$0x0] =	vst.idx.msk $0xffff, v8  }
0x398: {  	[tilespmem:v49+s15+$0x0] =	vst.idx.msk $0xffff, v15  }
0x399: {  	v5 =	vld.idx.msk [tilespmem:v42+s3+$0x0], $0xffff;
	[tilespmem:v21+s15+$0x0] =	vst.idx.msk $0xffff, v29  }
0x39a: {  	v30 =	vor.u32 v37, v6;
	v0 =	vld [tilespmem:$0x1FF40];
	v36 =	vor.u32 v32, v14  }
0x39b: {  	v38 =	vor.u32 v37, v18;
	_ =	sdelay $0x1  }
0x39c: {  	v10 =	vld.idx.msk [tilespmem:v46+s3+$0x0], $0xffff;
	v39 =	vor.u32 v32, v22  }
0x39d: {  	v44 =	vmov v19;
	v41 =	vor.u32 v37, v62;
	v16 =	vld.idx.msk [tilespmem:v55+s3+$0x0], $0xffff;
	v42 =	vor.u32 v32, v57  }
0x39e: {  	v45 =	vor.u32 v37, v44;
	v3 =	vld.idx.msk [tilespmem:v30+s3+$0x0], $0xffff;
	v46 =	vor.u32 v0, v11;
	[tilespmem:v36+s15+$0x0] =	vst.idx.msk $0xffff, v5  }
0x39f: {  	v49 =	vor.u32 v25, v12;
	v55 =	vor.u32 v37, v14;
	v7 =	vld.idx.msk [tilespmem:v38+s3+$0x0], $0xffff  }
0x3a0: {  	v20 =	vor.u32 v37, v26  }
0x3a1: {  	[tilespmem:v39+s15+$0x0] =	vst.idx.msk $0xffff, v10  }
0x3a2: {  	v21 =	vor.u32 v37, v22;
	[tilespmem:v42+s15+$0x0] =	vst.idx.msk $0xffff, v16;
	v13 =	vld.idx.msk [tilespmem:v41+s3+$0x0], $0xffff  }
0x3a3: {  	v36 =	vor.u32 v37, v57;
	v17 =	vld.idx.msk [tilespmem:v45+s3+$0x0], $0xffff;
	[tilespmem:v46+s15+$0x0] =	vst.idx.msk $0xffff, v3  }
0x3a4: {  	v32 =	vor.u32 v37, v63;
	v38 =	vor.u32 v25, v11;
	v3 =	vld.idx.msk [tilespmem:v49+s3+$0x0], $0xffff;
	[tilespmem:v55+s15+$0x0] =	vst.idx.msk $0xffff, v7  }
0x3a5: {  	v41 =	vor.u32 v0, v14;
	v8 =	vld.idx.msk [tilespmem:v20+s3+$0x0], $0xffff;
	_ =	sdelay $0x1  }
0x3a6: {  	v37 =	vor.u32 v37, v43;
	[tilespmem:v21+s15+$0x0] =	vst.idx.msk $0xffff, v13  }
0x3a7: {  	[tilespmem:v36+s15+$0x0] =	vst.idx.msk $0xffff, v17  }
0x3a8: {  	v39 =	vor.u32 v25, v6;
	v15 =	vld.idx.msk [tilespmem:v32+s3+$0x0], $0xffff;
	[tilespmem:v38+s15+$0x0] =	vst.idx.msk $0xffff, v3  }
0x3a9: {  	v45 =	vor.u32 v0, v22;
	v55 =	vor.u32 v0, v57;
	v0 =	vld [tilespmem:$0x1FB40];
	[tilespmem:v41+s15+$0x0] =	vst.idx.msk $0xffff, v8  }
0x3aa: {  	v42 =	vor.u32 v25, v18;
	v20 =	vld [tilespmem:$0x1FFF0]  }
0x3ab: {  	v46 =	vor.u32 v25, v62;
	v49 =	vld.idx.msk [tilespmem:v37+s3+$0x0], $0xffff  }
0x3ac: {  	v32 =	vor.u32 v25, v44;
	_ =	sdelay $0x1  }
0x3ad: {  	v3 =	vld.idx.msk [tilespmem:v39+s3+$0x0], $0xffff;
	v36 =	vor.u32 v0, v11  }
0x3ae: {  	v38 =	vor.u32 v25, v14;
	v8 =	vld.idx.msk [tilespmem:v42+s3+$0x0], $0xffff;
	[tilespmem:v45+s15+$0x0] =	vst.idx.msk $0xffff, v15;
	v37 =	vor.u32 v20, v12  }
0x3af: {  	v39 =	vor.u32 v25, v26;
	v41 =	vor.u32 v25, v22;
	[tilespmem:v55+s15+$0x0] =	vst.idx.msk $0xffff, v49;
	v15 =	vld.idx.msk [tilespmem:v46+s3+$0x0], $0xffff  }
0x3b0: {  	v42 =	vor.u32 v25, v63;
	v45 =	vor.u32 v25, v57;
	v19 =	vld.idx.msk [tilespmem:v32+s3+$0x0], $0xffff;
	_ =	sdelay $0x1  }
0x3b1: {  	[tilespmem:v36+s15+$0x0] =	vst.idx.msk $0xffff, v3  }
0x3b2: {  	v46 =	vor.u32 v25, v43;
	v49 =	vor.u32 v20, v11;
	[tilespmem:v38+s15+$0x0] =	vst.idx.msk $0xffff, v8;
	v3 =	vld.idx.msk [tilespmem:v37+s3+$0x0], $0xffff  }
0x3b3: {  	v8 =	vld.idx.msk [tilespmem:v39+s3+$0x0], $0xffff;
	[tilespmem:v41+s15+$0x0] =	vst.idx.msk $0xffff, v15  }
0x3b4: {  	[tilespmem:v45+s15+$0x0] =	vst.idx.msk $0xffff, v19;
	v15 =	vld.idx.msk [tilespmem:v42+s3+$0x0], $0xffff  }
0x3b5: {  	v21 =	vor.u32 v0, v14;
	v55 =	vor.u32 v20, v6;
	v27 =	vld [tilespmem:$0x1FB90]  }
0x3b6: {  	v32 =	vor.u32 v20, v18;
	v36 =	vor.u32 v0, v22;
	v39 =	vld [tilespmem:$0x1FCB0]  }
0x3b7: {  	v38 =	vor.u32 v0, v57;
	v19 =	vld.idx.msk [tilespmem:v46+s3+$0x0], $0xffff;
	v37 =	vor.u32 v20, v62;
	[tilespmem:v49+s15+$0x0] =	vst.idx.msk $0xffff, v3  }
0x3b8: {  	v41 =	vor.u32 v20, v44;
	v3 =	vld [tilespmem:$0x1FB80]  }
0x3b9: {  	v1 =	vld [tilespmem:$0x1FE90]  }
0x3ba: {  	v42 =	vld.idx.msk [tilespmem:v55+s3+$0x0], $0xffff;
	[tilespmem:v21+s15+$0x0] =	vst.idx.msk $0xffff, v8  }
0x3bb: {  	v2 =	vsel vm0, v39, v27;
	v49 =	vor.u32 v20, v14;
	[tilespmem:v36+s15+$0x0] =	vst.idx.msk $0xffff, v15;
	v10 =	vld.idx.msk [tilespmem:v32+s3+$0x0], $0xffff  }
0x3bc: {  	v55 =	vor.u32 v20, v26;
	v21 =	vor.u32 v20, v22;
	[tilespmem:v38+s15+$0x0] =	vst.idx.msk $0xffff, v19;
	v16 =	vld.idx.msk [tilespmem:v37+s3+$0x0], $0xffff  }
0x3bd: {  	v36 =	vor.u32 v20, v63;
	v24 =	vld.idx.msk [tilespmem:v41+s3+$0x0], $0xffff;
	v37 =	vor.u32 v20, v57;
	v0 =	vcombine.low v3, v2  }
0x3be: {  	v30 =	vor.u32 v20, v43;
	v45 =	vor.u32 v1, v11  }
0x3bf: {  	v46 =	vor.u32 v0, v12  }
0x3c0: {  	[tilespmem:v49+s15+$0x0] =	vst.idx.msk $0xffff, v10  }
0x3c1: {  	[tilespmem:v21+s15+$0x0] =	vst.idx.msk $0xffff, v16;
	v10 =	vld.idx.msk [tilespmem:v55+s3+$0x0], $0xffff  }
0x3c2: {  	[tilespmem:v37+s15+$0x0] =	vst.idx.msk $0xffff, v24;
	v16 =	vld.idx.msk [tilespmem:v36+s3+$0x0], $0xffff  }
0x3c3: {  	v41 =	vor.u32 v1, v14;
	v55 =	vld.idx.msk [tilespmem:v30+s3+$0x0], $0xffff;
	[tilespmem:v45+s15+$0x0] =	vst.idx.msk $0xffff, v42  }
0x3c4: {  	v38 =	vor.u32 v0, v11;
	v42 =	vor.u32 v0, v18;
	v3 =	vld.idx.msk [tilespmem:v46+s3+$0x0], $0xffff  }
0x3c5: {  	v24 =	vld [tilespmem:$0x1FBE0]  }
0x3c6: {  	v39 =	vor.u32 v0, v6;
	v45 =	vor.u32 v1, v22;
	v46 =	vld [tilespmem:$0x1FBC0]  }
0x3c7: {  	v20 =	vor.u32 v1, v57;
	v49 =	vor.u32 v0, v62;
	v32 =	vld [tilespmem:$0x1FBB0]  }
0x3c8: {  	v36 =	vor.u32 v0, v44;
	[tilespmem:v41+s15+$0x0] =	vst.idx.msk $0xffff, v10  }
0x3c9: {  	v10 =	vld.idx.msk [tilespmem:v42+s3+$0x0], $0xffff;
	[tilespmem:v38+s15+$0x0] =	vst.idx.msk $0xffff, v3  }
0x3ca: {  	v41 =	vor.u32 v0, v26;
	v5 =	vld [tilespmem:$0x1FBF0]  }
0x3cb: {  	v21 =	vsel vm0, v24, v46;
	v3 =	vld.idx.msk [tilespmem:v39+s3+$0x0], $0xffff;
	v39 =	vor.u32 v0, v14;
	[tilespmem:v45+s15+$0x0] =	vst.idx.msk $0xffff, v16  }
0x3cc: {  	v42 =	vor.u32 v0, v22;
	v1 =	vcombine.low v32, v21;
	[tilespmem:v20+s15+$0x0] =	vst.idx.msk $0xffff, v55;
	v16 =	vld.idx.msk [tilespmem:v49+s3+$0x0], $0xffff  }
0x3cd: {  	v46 =	vor.u32 v0, v57;
	v45 =	vor.u32 v0, v63;
	v24 =	vld.idx.msk [tilespmem:v36+s3+$0x0], $0xffff  }
0x3ce: {  	v49 =	vor.u32 v0, v43;
	v37 =	vor.u32 v1, v11  }
0x3cf: {  	[tilespmem:$0x1F820] =	vst v0;
	v38 =	vor.u32 v5, v12  }
0x3d0: {  	[tilespmem:v39+s15+$0x0] =	vst.idx.msk $0xffff, v10  }
0x3d1: {  	v13 =	vld.idx.msk [tilespmem:v41+s3+$0x0], $0xffff;
	[tilespmem:v42+s15+$0x0] =	vst.idx.msk $0xffff, v16  }
0x3d2: {  	[tilespmem:v46+s15+$0x0] =	vst.idx.msk $0xffff, v24;
	v17 =	vld.idx.msk [tilespmem:v45+s3+$0x0], $0xffff  }
0x3d3: {  	v15 =	vor.u32 v1, v14;
	[tilespmem:v37+s15+$0x0] =	vst.idx.msk $0xffff, v3;
	v29 =	vld.idx.msk [tilespmem:v49+s3+$0x0], $0xffff  }
0x3d4: {  	v8 =	vor.u32 v5, v11;
	v7 =	vld.idx.msk [tilespmem:v38+s3+$0x0], $0xffff  }
0x3d5: {  	v3 =	vld [tilespmem:$0x1FC20]  }
0x3d6: {  	v36 =	vld [tilespmem:$0x1FC30]  }
0x3d7: {  	v45 =	vld [tilespmem:$0x1FC10];
	[tilespmem:$0x1F830] =	vst v1  }
0x3d8: {  	[tilespmem:v15+s15+$0x0] =	vst.idx.msk $0xffff, v13  }
0x3d9: {  	v10 =	vor.u32 v5, v6;
	[tilespmem:v8+s15+$0x0] =	vst.idx.msk $0xffff, v7  }
0x3da: {  	v19 =	vor.u32 v1, v22;
	v55 =	vor.u32 v5, v18;
	v42 =	vor.u32 v1, v57;
	v1 =	vld [tilespmem:$0x1F9D0]  }
0x3db: {  	v41 =	vor.u32 v5, v62;
	v3 =	vsel vm0, v36, v3  }
0x3dc: {  	v46 =	vor.u32 v5, v44;
	v49 =	vcombine.low v45, v3;
	_ =	sdelay $0x1  }
0x3dd: {  	v7 =	vld.idx.msk [tilespmem:v10+s3+$0x0], $0xffff;
	v8 =	vor.u32 v49, v11  }
0x3de: {  	v13 =	vld.idx.msk [tilespmem:v55+s3+$0x0], $0xffff;
	v55 =	vor.u32 v5, v14;
	[tilespmem:v19+s15+$0x0] =	vst.idx.msk $0xffff, v17;
	v10 =	vor.u32 v1, v12  }
0x3df: {  	[tilespmem:v42+s15+$0x0] =	vst.idx.msk $0xffff, v29;
	v17 =	vld.idx.msk [tilespmem:v41+s3+$0x0], $0xffff;
	v41 =	vor.u32 v5, v22  }
0x3e0: {  	v0 =	vor.u32 v5, v26;
	v45 =	vor.u32 v5, v57;
	v29 =	vld.idx.msk [tilespmem:v46+s3+$0x0], $0xffff  }
0x3e1: {  	[tilespmem:v50+s15+$0x0] =	vst.idx.msk $0xffff, v31  }
0x3e2: {  	v42 =	vor.u32 v5, v63;
	[tilespmem:v8+s15+$0x0] =	vst.idx.msk $0xffff, v7  }
0x3e3: {  	v46 =	vor.u32 v5, v43;
	[tilespmem:v55+s15+$0x0] =	vst.idx.msk $0xffff, v13;
	v8 =	vor.u32 v1, v11;
	v7 =	vld.idx.msk [tilespmem:v10+s3+$0x0], $0xffff  }
0x3e4: {  	[tilespmem:v41+s15+$0x0] =	vst.idx.msk $0xffff, v17  }
0x3e5: {  	v13 =	vld.idx.msk [tilespmem:v0+s3+$0x0], $0xffff;
	[tilespmem:v45+s15+$0x0] =	vst.idx.msk $0xffff, v29  }
0x3e6: {  	v55 =	vor.u32 v49, v14;
	v50 =	vld [tilespmem:$0x1FA00]  }
0x3e7: {  	v19 =	vor.u32 v49, v22;
	v0 =	vor.u32 v1, v18;
	v17 =	vld.idx.msk [tilespmem:v42+s3+$0x0], $0xffff  }
0x3e8: {  	v20 =	vor.u32 v1, v62;
	v29 =	vld.idx.msk [tilespmem:v46+s3+$0x0], $0xffff;
	[tilespmem:v8+s15+$0x0] =	vst.idx.msk $0xffff, v7  }
0x3e9: {  	v5 =	vor.u32 v1, v6;
	v45 =	vor.u32 v49, v57;
	v39 =	vld [tilespmem:$0x1F9F0]  }
0x3ea: {  	v46 =	vor.u32 v1, v44  }
0x3eb: {  	v53 =	vld.idx.msk [tilespmem:v53+s3+$0x0], $0xffff;
	v41 =	vor.u32 v50, v23;
	[tilespmem:v55+s15+$0x0] =	vst.idx.msk $0xffff, v13  }
0x3ec: {  	[tilespmem:v19+s15+$0x0] =	vst.idx.msk $0xffff, v17;
	v13 =	vld.idx.msk [tilespmem:v0+s3+$0x0], $0xffff;
	v0 =	vor.u32 v1, v14  }
0x3ed: {  	v42 =	vor.u32 v1, v22;
	v17 =	vld.idx.msk [tilespmem:v20+s3+$0x0], $0xffff  }
0x3ee: {  	v7 =	vld.idx.msk [tilespmem:v5+s3+$0x0], $0xffff;
	[tilespmem:v45+s15+$0x0] =	vst.idx.msk $0xffff, v29;
	v5 =	vor.u32 v39, v11  }
0x3ef: {  	v55 =	vor.u32 v50, v12;
	v29 =	vld.idx.msk [tilespmem:v46+s3+$0x0], $0xffff;
	v46 =	vor.u32 v1, v57  }
0x3f0: {  	[tilespmem:v41+s15+$0x0] =	vst.idx.msk $0xffff, v53  }
0x3f1: {  	[tilespmem:v0+s15+$0x0] =	vst.idx.msk $0xffff, v13  }
0x3f2: {  	[tilespmem:v42+s15+$0x0] =	vst.idx.msk $0xffff, v17  }
0x3f3: {  	[tilespmem:v5+s15+$0x0] =	vst.idx.msk $0xffff, v7  }
0x3f4: {  	v37 =	vor.u32 v1, v26;
	[tilespmem:v46+s15+$0x0] =	vst.idx.msk $0xffff, v29;
	v8 =	vld.idx.msk [tilespmem:v55+s3+$0x0], $0xffff  }
0x3f5: {  	v45 =	vor.u32 v1, v63;
	v55 =	vld [tilespmem:$0x1FE10]  }
0x3f6: {  	v10 =	vor.u32 v50, v11;
	v5 =	vld [tilespmem:$0x1FB50]  }
0x3f7: {  	v42 =	vld [tilespmem:$0x1FE20]  }
0x3f8: {  	v53 =	vor.u32 v1, v43;
	v0 =	vld [tilespmem:$0x1FA40]  }
0x3f9: {  	v15 =	vld.idx.msk [tilespmem:v37+s3+$0x0], $0xffff  }
0x3fa: {  	v13 =	vor.u32 v50, v6;
	v19 =	vld.idx.msk [tilespmem:v45+s3+$0x0], $0xffff  }
0x3fb: {  	v7 =	vor.u32 v50, v4;
	v20 =	vsel vm0, v5, v55;
	v55 =	vld [tilespmem:$0x1F8F0];
	[tilespmem:v10+s15+$0x0] =	vst.idx.msk $0xffff, v8  }
0x3fc: {  	v16 =	vor.u32 v39, v14;
	v24 =	vor.u32 v39, v22;
	v5 =	vld [tilespmem:$0x1F900]  }
0x3fd: {  	v17 =	vor.u32 v50, v18;
	v31 =	vld.idx.msk [tilespmem:v53+s3+$0x0], $0xffff;
	v45 =	vsel vm0, v27, v42;
	v53 =	vcombine.low v20, v0  }
0x3fe: {  	v25 =	vor.u32 v50, v62;
	v38 =	vor.u32 v39, v57;
	v20 =	vcombine.low v45, v54  }
0x3ff: {  	v46 =	vor.u32 v50, v44;
	v10 =	vld.idx.msk [tilespmem:v13+s3+$0x0], $0xffff;
	v13 =	vor.u32 v53, v11  }
0x400: {  	v7 =	vld.idx.msk [tilespmem:v7+s3+$0x0], $0xffff;
	v54 =	vor.u32 v20, v12;
	v1 =	vor.u32 v55, v23  }
0x401: {  	[tilespmem:v16+s15+$0x0] =	vst.idx.msk $0xffff, v15;
	v41 =	vor.u32 v5, v9  }
0x402: {  	[tilespmem:v24+s15+$0x0] =	vst.idx.msk $0xffff, v19;
	v16 =	vld.idx.msk [tilespmem:v17+s3+$0x0], $0xffff;
	v55 =	vor.u32 v50, v14  }
0x403: {  	v19 =	vor.u32 v50, v26;
	[tilespmem:v38+s15+$0x0] =	vst.idx.msk $0xffff, v31;
	v24 =	vld.idx.msk [tilespmem:v25+s3+$0x0], $0xffff;
	v25 =	vor.u32 v50, v22  }
0x404: {  	v29 =	vld.idx.msk [tilespmem:v46+s3+$0x0], $0xffff;
	v46 =	vor.u32 v50, v57;
	[tilespmem:v13+s15+$0x0] =	vst.idx.msk $0xffff, v10  }
0x405: {  	v45 =	vor.u32 v50, v63;
	v10 =	vld.idx.msk [tilespmem:v54+s3+$0x0], $0xffff;
	v54 =	vor.u32 v20, v11;
	[tilespmem:v1+s15+$0x0] =	vst.idx.msk $0xffff, v7  }
0x406: {  	v37 =	vor.u32 v5, v23;
	v1 =	vor.u32 v50, v43;
	v8 =	vld.idx.msk [tilespmem:v41+s3+$0x0], $0xffff  }
0x407: {  	[tilespmem:v55+s15+$0x0] =	vst.idx.msk $0xffff, v16  }
0x408: {  	v17 =	vor.u32 v53, v14;
	[tilespmem:v25+s15+$0x0] =	vst.idx.msk $0xffff, v24;
	v16 =	vld.idx.msk [tilespmem:v19+s3+$0x0], $0xffff  }
0x409: {  	[tilespmem:v46+s15+$0x0] =	vst.idx.msk $0xffff, v29  }
0x40a: {  	v24 =	vld.idx.msk [tilespmem:v45+s3+$0x0], $0xffff;
	[tilespmem:v54+s15+$0x0] =	vst.idx.msk $0xffff, v10  }
0x40b: {  	v45 =	vor.u32 v53, v22;
	v7 =	vld.idx.msk [tilespmem:v1+s3+$0x0], $0xffff;
	[tilespmem:v37+s15+$0x0] =	vst.idx.msk $0xffff, v8  }
0x40c: {  	v46 =	vor.u32 v20, v62;
	v1 =	vor.u32 v53, v57;
	v54 =	vld [tilespmem:$0x1F930]  }
0x40d: {  	v55 =	vor.u32 v5, v4;
	v5 =	vld [tilespmem:$0x1F940];
	[tilespmem:v17+s15+$0x0] =	vst.idx.msk $0xffff, v16  }
0x40e: {  	v16 =	vld [tilespmem:$0x1FCA0]  }
0x40f: {  	v50 =	vor.u32 v20, v18;
	v17 =	vld [tilespmem:$0x1FBD0]  }
0x410: {  	[tilespmem:v45+s15+$0x0] =	vst.idx.msk $0xffff, v24  }
0x411: {  	v29 =	vld.idx.msk [tilespmem:v46+s3+$0x0], $0xffff;
	[tilespmem:v1+s15+$0x0] =	vst.idx.msk $0xffff, v7  }
0x412: {  	v42 =	vor.u32 v20, v6;
	v46 =	vld [tilespmem:$0x1FE70]  }
0x413: {  	v41 =	vor.u32 v20, v44;
	v10 =	vld.idx.msk [tilespmem:v55+s3+$0x0], $0xffff;
	v13 =	vor.u32 v54, v23  }
0x414: {  	v19 =	vor.u32 v20, v14;
	v15 =	vor.u32 v5, v9;
	v16 =	vsel vm0, v16, v17;
	v17 =	vld.idx.msk [tilespmem:v50+s3+$0x0], $0xffff  }
0x415: {  	v50 =	vor.u32 v20, v26  }
0x416: {  	v30 =	vor.u32 v20, v22  }
0x417: {  	v31 =	vld.idx.msk [tilespmem:v42+s3+$0x0], $0xffff;
	v1 =	vor.u32 v54, v11;
	v32 =	vcombine.low v16, v46  }
0x418: {  	v8 =	vld.idx.msk [tilespmem:v41+s3+$0x0], $0xffff;
	v16 =	vor.u32 v20, v57;
	[tilespmem:v13+s15+$0x0] =	vst.idx.msk $0xffff, v10  }
0x419: {  	v46 =	vor.u32 v5, v23;
	v45 =	vor.u32 v32, v12;
	v13 =	vld.idx.msk [tilespmem:v15+s3+$0x0], $0xffff;
	[tilespmem:v19+s15+$0x0] =	vst.idx.msk $0xffff, v17  }
0x41a: {  	v19 =	vld.idx.msk [tilespmem:v50+s3+$0x0], $0xffff;
	v50 =	vor.u32 v54, v14  }
0x41b: {  	[tilespmem:v30+s15+$0x0] =	vst.idx.msk $0xffff, v29  }
0x41c: {  	[tilespmem:v1+s15+$0x0] =	vst.idx.msk $0xffff, v31  }
0x41d: {  	v55 =	vor.u32 v20, v63;
	[tilespmem:v16+s15+$0x0] =	vst.idx.msk $0xffff, v8  }
0x41e: {  	v37 =	vor.u32 v20, v43;
	v10 =	vld.idx.msk [tilespmem:v45+s3+$0x0], $0xffff;
	[tilespmem:v46+s15+$0x0] =	vst.idx.msk $0xffff, v13  }
0x41f: {  	v45 =	vld [tilespmem:$0x1F970];
	[tilespmem:v50+s15+$0x0] =	vst.idx.msk $0xffff, v19  }
0x420: {  	v17 =	vor.u32 v5, v4;
	v24 =	vld [tilespmem:$0x1FCC0]  }
0x421: {  	v29 =	vor.u32 v32, v18;
	v50 =	vld [tilespmem:$0x1F950]  }
0x422: {  	v7 =	vld.idx.msk [tilespmem:v55+s3+$0x0], $0xffff;
	v55 =	vor.u32 v54, v22  }
0x423: {  	v31 =	vor.u32 v54, v57;
	v8 =	vor.u32 v32, v62;
	v16 =	vld.idx.msk [tilespmem:v37+s3+$0x0], $0xffff  }
0x424: {  	v1 =	vor.u32 v32, v11;
	v41 =	vor.u32 v32, v44  }
0x425: {  	v46 =	vor.u32 v32, v6;
	v17 =	vld.idx.msk [tilespmem:v17+s3+$0x0], $0xffff;
	v13 =	vor.u32 v45, v23;
	v24 =	vsel vm0, v24, v36  }
0x426: {  	v54 =	vor.u32 v32, v14;
	v19 =	vor.u32 v34, v9;
	v37 =	vcombine.low v50, v24;
	v24 =	vld.idx.msk [tilespmem:v29+s3+$0x0], $0xffff  }
0x427: {  	[tilespmem:v55+s15+$0x0] =	vst.idx.msk $0xffff, v7;
	v55 =	vor.u32 v32, v26  }
0x428: {  	v30 =	vor.u32 v32, v22;
	v8 =	vld.idx.msk [tilespmem:v8+s3+$0x0], $0xffff;
	[tilespmem:v31+s15+$0x0] =	vst.idx.msk $0xffff, v16  }
0x429: {  	v31 =	vor.u32 v32, v57;
	[tilespmem:v1+s15+$0x0] =	vst.idx.msk $0xffff, v10;
	v16 =	vld.idx.msk [tilespmem:v41+s3+$0x0], $0xffff  }
0x42a: {  	v15 =	vld.idx.msk [tilespmem:v46+s3+$0x0], $0xffff;
	v38 =	vor.u32 v37, v11;
	[tilespmem:v13+s15+$0x0] =	vst.idx.msk $0xffff, v17  }
0x42b: {  	v1 =	vor.u32 v32, v63;
	v50 =	vor.u32 v34, v23;
	v17 =	vld.idx.msk [tilespmem:v19+s3+$0x0], $0xffff;
	[tilespmem:v54+s15+$0x0] =	vst.idx.msk $0xffff, v24  }
0x42c: {  	v7 =	vld.idx.msk [tilespmem:v55+s3+$0x0], $0xffff;
	v55 =	vor.u32 v37, v14  }
0x42d: {  	[tilespmem:v30+s15+$0x0] =	vst.idx.msk $0xffff, v8  }
0x42e: {  	v45 =	vor.u32 v32, v43;
	[tilespmem:v31+s15+$0x0] =	vst.idx.msk $0xffff, v16  }
0x42f: {  	[tilespmem:v38+s15+$0x0] =	vst.idx.msk $0xffff, v15  }
0x430: {  	v46 =	vor.u32 v34, v12;
	v10 =	vld.idx.msk [tilespmem:v1+s3+$0x0], $0xffff;
	[tilespmem:v50+s15+$0x0] =	vst.idx.msk $0xffff, v17  }
0x431: {  	v17 =	vld.idx.msk [tilespmem:v47+s3+$0x0], $0xffff;
	[tilespmem:v55+s15+$0x0] =	vst.idx.msk $0xffff, v7  }
0x432: {  	v54 =	vor.u32 v34, v4;
	v47 =	vld [tilespmem:$0x1F990]  }
0x433: {  	v8 =	vor.u32 v34, v18;
	v1 =	vor.u32 v37, v22;
	v16 =	vld.idx.msk [tilespmem:v45+s3+$0x0], $0xffff  }
0x434: {  	v31 =	vor.u32 v37, v57;
	v25 =	vld [tilespmem:$0x1FF50]  }
0x435: {  	v15 =	vor.u32 v34, v62;
	v38 =	vor.u32 v34, v11;
	v13 =	vld.idx.msk [tilespmem:v46+s3+$0x0], $0xffff  }
0x436: {  	v36 =	vor.u32 v34, v44;
	v19 =	vor.u32 v40, v58  }
0x437: {  	v50 =	vor.u32 v34, v6;
	v24 =	vld.idx.msk [tilespmem:v54+s3+$0x0], $0xffff;
	v54 =	vor.u32 v47, v23  }
0x438: {  	v55 =	vor.u32 v52, v9;
	[tilespmem:v1+s15+$0x0] =	vst.idx.msk $0xffff, v10;
	v8 =	vld.idx.msk [tilespmem:v8+s3+$0x0], $0xffff;
	v1 =	vor.u32 v34, v14  }
0x439: {  	[tilespmem:v31+s15+$0x0] =	vst.idx.msk $0xffff, v16;
	v7 =	vor.u32 v25, v60  }
0x43a: {  	v45 =	vor.u32 v34, v22;
	v15 =	vld.idx.msk [tilespmem:v15+s3+$0x0], $0xffff;
	[tilespmem:v38+s15+$0x0] =	vst.idx.msk $0xffff, v13  }
0x43b: {  	v46 =	vor.u32 v34, v57;
	v16 =	vor.u32 v34, v26;
	v38 =	vld.idx.msk [tilespmem:v36+s3+$0x0], $0xffff;
	[tilespmem:v19+s15+$0x0] =	vst.idx.msk $0xffff, v17  }
0x43c: {  	v13 =	vor.u32 v34, v63;
	v17 =	vld.idx.msk [tilespmem:v50+s3+$0x0], $0xffff;
	v19 =	vor.u32 v47, v11;
	[tilespmem:v54+s15+$0x0] =	vst.idx.msk $0xffff, v24  }
0x43d: {  	v50 =	vor.u32 v34, v43;
	[tilespmem:v1+s15+$0x0] =	vst.idx.msk $0xffff, v8;
	v54 =	vor.u32 v52, v23;
	v1 =	vld.idx.msk [tilespmem:v55+s3+$0x0], $0xffff  }
0x43e: {  	v5 =	vor.u32 v25, v58;
	v7 =	vld.idx.msk [tilespmem:v7+s3+$0x0], $0xffff;
	v55 =	vor.u32 v52, v4  }
0x43f: {  	[tilespmem:v45+s15+$0x0] =	vst.idx.msk $0xffff, v15  }
0x440: {  	v34 =	vor.u32 v52, v12;
	v16 =	vld.idx.msk [tilespmem:v16+s3+$0x0], $0xffff;
	v45 =	vor.u32 v47, v14;
	[tilespmem:v46+s15+$0x0] =	vst.idx.msk $0xffff, v38  }
0x441: {  	v13 =	vld.idx.msk [tilespmem:v13+s3+$0x0], $0xffff;
	[tilespmem:v19+s15+$0x0] =	vst.idx.msk $0xffff, v17  }
0x442: {  	v31 =	vor.u32 v52, v18;
	v46 =	vor.u32 v47, v22;
	v19 =	vld.idx.msk [tilespmem:v50+s3+$0x0], $0xffff;
	[tilespmem:v54+s15+$0x0] =	vst.idx.msk $0xffff, v1  }
0x443: {  	v17 =	vor.u32 v52, v62;
	v50 =	vor.u32 v47, v57;
	[tilespmem:v5+s15+$0x0] =	vst.idx.msk $0xffff, v7;
	v10 =	vld.idx.msk [tilespmem:v55+s3+$0x0], $0xffff  }
0x444: {  	v55 =	vld [tilespmem:$0x1F9C0]  }
0x445: {  	v24 =	vor.u32 v52, v11;
	v7 =	vld.idx.msk [tilespmem:v34+s3+$0x0], $0xffff;
	v34 =	vor.u32 v52, v44;
	[tilespmem:v45+s15+$0x0] =	vst.idx.msk $0xffff, v16  }
0x446: {  	v5 =	vld [tilespmem:$0x1F9E0]  }
0x447: {  	v31 =	vld.idx.msk [tilespmem:v31+s3+$0x0], $0xffff;
	[tilespmem:v46+s15+$0x0] =	vst.idx.msk $0xffff, v13;
	v46 =	vor.u32 v52, v14  }
0x448: {  	[tilespmem:v50+s15+$0x0] =	vst.idx.msk $0xffff, v19;
	v50 =	vor.u32 v52, v22;
	v17 =	vld.idx.msk [tilespmem:v17+s3+$0x0], $0xffff  }
0x449: {  	v1 =	vor.u32 v25, v59;
	v41 =	vor.u32 v55, v23  }
0x44a: {  	[tilespmem:v24+s15+$0x0] =	vst.idx.msk $0xffff, v7;
	v24 =	vld.idx.msk [tilespmem:v34+s3+$0x0], $0xffff  }
0x44b: {  	v47 =	vor.u32 v52, v26;
	v34 =	vld [tilespmem:$0x1FE80]  }
0x44c: {  	v42 =	vor.u32 v52, v6;
	[tilespmem:v46+s15+$0x0] =	vst.idx.msk $0xffff, v31  }
0x44d: {  	v45 =	vor.u32 v5, v9;
	[tilespmem:v50+s15+$0x0] =	vst.idx.msk $0xffff, v17  }
0x44e: {  	v54 =	vor.u32 v52, v57;
	v8 =	vld.idx.msk [tilespmem:v1+s3+$0x0], $0xffff;
	[tilespmem:v41+s15+$0x0] =	vst.idx.msk $0xffff, v10  }
0x44f: {  	v35 =	vor.u32 v35, v58;
	v40 =	vld [tilespmem:$0x1FE40]  }
0x450: {  	v7 =	vor.u32 v52, v63;
	v47 =	vld.idx.msk [tilespmem:v47+s3+$0x0], $0xffff;
	v50 =	vor.u32 v55, v14;
	v2 =	vcombine.low v2, v34  }
0x451: {  	v36 =	vor.u32 v52, v43;
	v15 =	vor.u32 v55, v11;
	v10 =	vld.idx.msk [tilespmem:v42+s3+$0x0], $0xffff  }
0x452: {  	v13 =	vor.u32 v5, v23;
	v16 =	vld.idx.msk [tilespmem:v45+s3+$0x0], $0xffff;
	v45 =	vor.u32 v2, v12  }
0x453: {  	[tilespmem:v54+s15+$0x0] =	vst.idx.msk $0xffff, v24  }
0x454: {  	[tilespmem:v35+s15+$0x0] =	vst.idx.msk $0xffff, v8;
	v46 =	vor.u32 v40, v60  }
0x455: {  	v7 =	vld.idx.msk [tilespmem:v7+s3+$0x0], $0xffff;
	[tilespmem:v50+s15+$0x0] =	vst.idx.msk $0xffff, v47  }
0x456: {  	v36 =	vld.idx.msk [tilespmem:v36+s3+$0x0], $0xffff;
	[tilespmem:v15+s15+$0x0] =	vst.idx.msk $0xffff, v10  }
0x457: {  	[tilespmem:v13+s15+$0x0] =	vst.idx.msk $0xffff, v16;
	v15 =	vld.idx.msk [tilespmem:v45+s3+$0x0], $0xffff  }
0x458: {  	v45 =	vld [tilespmem:$0x1FA20]  }
0x459: {  	v52 =	vor.u32 v2, v18;
	v54 =	vor.u32 v55, v22;
	v17 =	vld.idx.msk [tilespmem:v46+s3+$0x0], $0xffff  }
0x45a: {  	v38 =	vor.u32 v55, v57;
	v1 =	vor.u32 v2, v62;
	v46 =	vld [tilespmem:$0x1FA30]  }
0x45b: {  	v39 =	vor.u32 v2, v44  }
0x45c: {  	v13 =	vor.u32 v5, v4;
	v16 =	vor.u32 v2, v11  }
0x45d: {  	v42 =	vor.u32 v2, v6;
	v41 =	vor.u32 v40, v58  }
0x45e: {  	v50 =	vor.u32 v2, v14;
	v24 =	vld.idx.msk [tilespmem:v52+s3+$0x0], $0xffff;
	v52 =	vor.u32 v2, v26;
	[tilespmem:v54+s15+$0x0] =	vst.idx.msk $0xffff, v7  }
0x45f: {  	[tilespmem:v38+s15+$0x0] =	vst.idx.msk $0xffff, v36;
	v54 =	vor.u32 v2, v22;
	v8 =	vld.idx.msk [tilespmem:v1+s3+$0x0], $0xffff;
	v47 =	vcombine.low v45, v46  }
0x460: {  	v55 =	vor.u32 v2, v63;
	v10 =	vld.idx.msk [tilespmem:v39+s3+$0x0], $0xffff;
	v1 =	vor.u32 v2, v57;
	v27 =	vcombine.low v21, v46  }
0x461: {  	[tilespmem:v16+s15+$0x0] =	vst.idx.msk $0xffff, v15;
	v13 =	vld.idx.msk [tilespmem:v13+s3+$0x0], $0xffff;
	v38 =	vor.u32 v2, v43;
	v21 =	vor.u32 v47, v23  }
0x462: {  	v39 =	vor.u32 v25, v9;
	[tilespmem:v41+s15+$0x0] =	vst.idx.msk $0xffff, v17;
	v41 =	vld.idx.msk [tilespmem:v42+s3+$0x0], $0xffff;
	v42 =	vor.u32 v27, v11  }
0x463: {  	[tilespmem:v50+s15+$0x0] =	vst.idx.msk $0xffff, v24  }
0x464: {  	v24 =	vld.idx.msk [tilespmem:v52+s3+$0x0], $0xffff;
	[tilespmem:v54+s15+$0x0] =	vst.idx.msk $0xffff, v8  }
0x465: {  	[tilespmem:v1+s15+$0x0] =	vst.idx.msk $0xffff, v10;
	v29 =	vor.u32 v27, v14;
	v31 =	vld.idx.msk [tilespmem:v55+s3+$0x0], $0xffff  }
0x466: {  	v8 =	vor.u32 v25, v18;
	v45 =	vor.u32 v27, v22;
	[tilespmem:v21+s15+$0x0] =	vst.idx.msk $0xffff, v13;
	v13 =	vld.idx.msk [tilespmem:v38+s3+$0x0], $0xffff  }
0x467: {  	v10 =	vor.u32 v25, v62;
	v46 =	vor.u32 v27, v57;
	[tilespmem:v42+s15+$0x0] =	vst.idx.msk $0xffff, v41;
	v16 =	vld.idx.msk [tilespmem:v39+s3+$0x0], $0xffff  }
0x468: {  	v7 =	vor.u32 v25, v12;
	v21 =	vld [tilespmem:$0x1FCF0]  }
0x469: {  	v1 =	vor.u32 v25, v23;
	v47 =	vor.u32 v25, v44;
	v54 =	vld [tilespmem:$0x1FA10]  }
0x46a: {  	v41 =	vld [tilespmem:$0x1FCD0];
	[tilespmem:v29+s15+$0x0] =	vst.idx.msk $0xffff, v24  }
0x46b: {  	v50 =	vor.u32 v40, v59;
	[tilespmem:v45+s15+$0x0] =	vst.idx.msk $0xffff, v31;
	v39 =	vor.u32 v25, v14;
	v8 =	vld.idx.msk [tilespmem:v8+s3+$0x0], $0xffff  }
0x46c: {  	v45 =	vor.u32 v25, v26;
	v10 =	vld.idx.msk [tilespmem:v10+s3+$0x0], $0xffff;
	[tilespmem:v46+s15+$0x0] =	vst.idx.msk $0xffff, v13;
	v46 =	vor.u32 v25, v22  }
0x46d: {  	v38 =	vor.u32 v25, v4;
	v7 =	vld.idx.msk [tilespmem:v7+s3+$0x0], $0xffff;
	v52 =	vcombine.low v61, v21;
	v61 =	vor.u32 v25, v11  }
0x46e: {  	v15 =	vor.u32 v25, v63;
	[tilespmem:v1+s15+$0x0] =	vst.idx.msk $0xffff, v16;
	v16 =	vld.idx.msk [tilespmem:v47+s3+$0x0], $0xffff;
	v47 =	vor.u32 v25, v57  }
0x46f: {  	v29 =	vor.u32 v25, v6;
	v55 =	vcombine.low v54, v41;
	v42 =	vcombine.low v3, v41  }
0x470: {  	v50 =	vld.idx.msk [tilespmem:v50+s3+$0x0], $0xffff;
	v54 =	vor.u32 v25, v43;
	[tilespmem:v39+s15+$0x0] =	vst.idx.msk $0xffff, v8;
	v52 =	vor.u32 v52, v58  }
0x471: {  	v41 =	vor.u32 v42, v14;
	v45 =	vld.idx.msk [tilespmem:v45+s3+$0x0], $0xffff;
	[tilespmem:v46+s15+$0x0] =	vst.idx.msk $0xffff, v10  }
0x472: {  	v55 =	vor.u32 v55, v23;
	[tilespmem:v61+s15+$0x0] =	vst.idx.msk $0xffff, v7;
	v61 =	vld.idx.msk [tilespmem:v38+s3+$0x0], $0xffff  }
0x473: {  	[tilespmem:v47+s15+$0x0] =	vst.idx.msk $0xffff, v16;
	v47 =	vor.u32 v42, v22;
	v15 =	vld.idx.msk [tilespmem:v15+s3+$0x0], $0xffff  }
0x474: {  	v38 =	vor.u32 v42, v11;
	v29 =	vld.idx.msk [tilespmem:v29+s3+$0x0], $0xffff  }
0x475: {  	v3 =	vld.idx.msk [tilespmem:v54+s3+$0x0], $0xffff;
	[tilespmem:v52+s15+$0x0] =	vst.idx.msk $0xffff, v50;
	v52 =	vor.u32 v42, v57  }
0x476: {  	[tilespmem:v41+s15+$0x0] =	vst.idx.msk $0xffff, v45  }
0x477: {  	v36 =	vor.u32 v40, v9;
	[tilespmem:v55+s15+$0x0] =	vst.idx.msk $0xffff, v61  }
0x478: {  	v46 =	vor.u32 v40, v18;
	[tilespmem:v47+s15+$0x0] =	vst.idx.msk $0xffff, v15  }
0x479: {  	v39 =	vor.u32 v40, v12;
	[tilespmem:v38+s15+$0x0] =	vst.idx.msk $0xffff, v29  }
0x47a: {  	v50 =	vor.u32 v40, v62;
	[tilespmem:v52+s15+$0x0] =	vst.idx.msk $0xffff, v3  }
0x47b: {  	v54 =	vor.u32 v40, v44;
	v3 =	vld [tilespmem:$0x1FA50]  }
0x47c: {  	v55 =	vor.u32 v33, v60;
	v61 =	vld.idx.msk [tilespmem:v36+s3+$0x0], $0xffff;
	v36 =	vor.u32 v40, v23  }
0x47d: {  	v45 =	vor.u32 v40, v14;
	v13 =	vld.idx.msk [tilespmem:v46+s3+$0x0], $0xffff;
	v38 =	vor.u32 v40, v4  }
0x47e: {  	v29 =	vld.idx.msk [tilespmem:v39+s3+$0x0], $0xffff;
	v39 =	vor.u32 v40, v11  }
0x47f: {  	v41 =	vor.u32 v40, v6;
	v47 =	vor.u32 v40, v22;
	v16 =	vld.idx.msk [tilespmem:v50+s3+$0x0], $0xffff  }
0x480: {  	v46 =	vor.u32 v40, v26;
	v52 =	vor.u32 v40, v57;
	v7 =	vld.idx.msk [tilespmem:v54+s3+$0x0], $0xffff;
	v21 =	vcombine.low v3, v21  }
0x481: {  	v50 =	vor.u32 v40, v63;
	v54 =	vor.u32 v33, v58;
	v24 =	vld.idx.msk [tilespmem:v55+s3+$0x0], $0xffff;
	[tilespmem:v36+s15+$0x0] =	vst.idx.msk $0xffff, v61  }
0x482: {  	[tilespmem:v45+s15+$0x0] =	vst.idx.msk $0xffff, v13;
	v55 =	vor.u32 v40, v43;
	v8 =	vld.idx.msk [tilespmem:v38+s3+$0x0], $0xffff;
	v61 =	vor.u32 v21, v23  }
0x483: {  	[tilespmem:v39+s15+$0x0] =	vst.idx.msk $0xffff, v29  }
0x484: {  	v36 =	vor.u32 v33, v9;
	[tilespmem:v47+s15+$0x0] =	vst.idx.msk $0xffff, v16;
	v10 =	vld.idx.msk [tilespmem:v41+s3+$0x0], $0xffff;
	v38 =	vor.u32 v21, v11  }
0x485: {  	v15 =	vld.idx.msk [tilespmem:v46+s3+$0x0], $0xffff;
	v39 =	vor.u32 v33, v12;
	[tilespmem:v52+s15+$0x0] =	vst.idx.msk $0xffff, v7;
	v40 =	vor.u32 v21, v14  }
0x486: {  	v41 =	vor.u32 v33, v18;
	v3 =	vld.idx.msk [tilespmem:v50+s3+$0x0], $0xffff;
	[tilespmem:v54+s15+$0x0] =	vst.idx.msk $0xffff, v24  }
0x487: {  	v45 =	vor.u32 v21, v22;
	v24 =	vld.idx.msk [tilespmem:v55+s3+$0x0], $0xffff;
	[tilespmem:v61+s15+$0x0] =	vst.idx.msk $0xffff, v8  }
0x488: {  	v46 =	vor.u32 v33, v62;
	v47 =	vor.u32 v21, v57;
	v52 =	vld [tilespmem:$0x1FD10]  }
0x489: {  	v50 =	vor.u32 v33, v44;
	v54 =	vor.u32 v33, v23;
	v29 =	vld.idx.msk [tilespmem:v36+s3+$0x0], $0xffff;
	[tilespmem:v38+s15+$0x0] =	vst.idx.msk $0xffff, v10  }
0x48a: {  	v35 =	vor.u32 v33, v59;
	v61 =	vor.u32 v33, v11;
	[tilespmem:v40+s15+$0x0] =	vst.idx.msk $0xffff, v15;
	v13 =	vld.idx.msk [tilespmem:v39+s3+$0x0], $0xffff  }
0x48b: {  	v55 =	vor.u32 v33, v4;
	v16 =	vld.idx.msk [tilespmem:v41+s3+$0x0], $0xffff;
	v41 =	vor.u32 v33, v14  }
0x48c: {  	v40 =	vor.u32 v33, v6;
	[tilespmem:v45+s15+$0x0] =	vst.idx.msk $0xffff, v3  }
0x48d: {  	v45 =	vor.u32 v33, v26;
	[tilespmem:v47+s15+$0x0] =	vst.idx.msk $0xffff, v24;
	v47 =	vor.u32 v33, v63;
	v7 =	vld.idx.msk [tilespmem:v46+s3+$0x0], $0xffff  }
0x48e: {  	v46 =	vor.u32 v33, v22;
	v8 =	vld.idx.msk [tilespmem:v50+s3+$0x0], $0xffff;
	v28 =	vcombine.low v28, v52;
	[tilespmem:v54+s15+$0x0] =	vst.idx.msk $0xffff, v29  }
0x48f: {  	v50 =	vor.u32 v33, v57;
	v5 =	vcombine.low v0, v52;
	v52 =	vld.idx.msk [tilespmem:v35+s3+$0x0], $0xffff;
	[tilespmem:v61+s15+$0x0] =	vst.idx.msk $0xffff, v13  }
0x490: {  	v54 =	vor.u32 v33, v43;
	v10 =	vld.idx.msk [tilespmem:v55+s3+$0x0], $0xffff;
	[tilespmem:v41+s15+$0x0] =	vst.idx.msk $0xffff, v16;
	v28 =	vor.u32 v28, v58  }
0x491: {  	v55 =	vor.u32 v5, v23;
	v31 =	vld [tilespmem:$0x1FE60]  }
0x492: {  	v15 =	vld.idx.msk [tilespmem:v40+s3+$0x0], $0xffff;
	v61 =	vor.u32 v5, v11  }
0x493: {  	[tilespmem:v46+s15+$0x0] =	vst.idx.msk $0xffff, v7;
	v3 =	vld.idx.msk [tilespmem:v45+s3+$0x0], $0xffff;
	v35 =	vor.u32 v5, v14  }
0x494: {  	[tilespmem:v50+s15+$0x0] =	vst.idx.msk $0xffff, v8;
	v39 =	vor.u32 v5, v22;
	v38 =	vld.idx.msk [tilespmem:v47+s3+$0x0], $0xffff  }
0x495: {  	v45 =	vor.u32 v5, v57;
	v41 =	vld.idx.msk [tilespmem:v54+s3+$0x0], $0xffff;
	[tilespmem:v28+s15+$0x0] =	vst.idx.msk $0xffff, v52  }
0x496: {  	[tilespmem:v55+s15+$0x0] =	vst.idx.msk $0xffff, v10  }
0x497: {  	[tilespmem:v61+s15+$0x0] =	vst.idx.msk $0xffff, v15  }
0x498: {  	v60 =	vor.u32 v31, v60;
	[tilespmem:v35+s15+$0x0] =	vst.idx.msk $0xffff, v3  }
0x499: {  	v33 =	vor.u32 v31, v9;
	[tilespmem:v39+s15+$0x0] =	vst.idx.msk $0xffff, v38  }
0x49a: {  	v36 =	vor.u32 v31, v12;
	[tilespmem:v45+s15+$0x0] =	vst.idx.msk $0xffff, v41  }
0x49b: {  	v40 =	vor.u32 v31, v18;
	v29 =	vld [tilespmem:$0x1F910]  }
0x49c: {  	v46 =	vor.u32 v31, v62;
	v19 =	vld [tilespmem:$0x1FD30]  }
0x49d: {  	v50 =	vor.u32 v31, v58;
	v52 =	vor.u32 v31, v44;
	v47 =	vld.idx.msk [tilespmem:v60+s3+$0x0], $0xffff  }
0x49e: {  	v54 =	vor.u32 v31, v59;
	v55 =	vor.u32 v31, v23;
	v7 =	vld.idx.msk [tilespmem:v33+s3+$0x0], $0xffff  }
0x49f: {  	v59 =	vor.u32 v31, v4;
	v8 =	vld.idx.msk [tilespmem:v36+s3+$0x0], $0xffff;
	v60 =	vor.u32 v31, v11  }
0x4a0: {  	v61 =	vor.u32 v31, v6;
	v28 =	vor.u32 v31, v14;
	v62 =	vld.idx.msk [tilespmem:v40+s3+$0x0], $0xffff  }
0x4a1: {  	v44 =	vor.u32 v31, v26;
	v45 =	vor.u32 v31, v22;
	v10 =	vld.idx.msk [tilespmem:v46+s3+$0x0], $0xffff;
	v30 =	vcombine.low v29, v19  }
0x4a2: {  	v46 =	vor.u32 v31, v63;
	[tilespmem:v50+s15+$0x0] =	vst.idx.msk $0xffff, v47;
	v47 =	vld.idx.msk [tilespmem:v52+s3+$0x0], $0xffff;
	v50 =	vor.u32 v31, v57  }
0x4a3: {  	[tilespmem:v55+s15+$0x0] =	vst.idx.msk $0xffff, v7;
	v3 =	vld.idx.msk [tilespmem:v54+s3+$0x0], $0xffff;
	v52 =	vor.u32 v30, v58;
	v54 =	vor.u32 v31, v43  }
0x4a4: {  	[tilespmem:v60+s15+$0x0] =	vst.idx.msk $0xffff, v8;
	v4 =	vld.idx.msk [tilespmem:v59+s3+$0x0], $0xffff;
	v55 =	vor.u32 v30, v23  }
0x4a5: {  	[tilespmem:v28+s15+$0x0] =	vst.idx.msk $0xffff, v62;
	v6 =	vld.idx.msk [tilespmem:v61+s3+$0x0], $0xffff;
	v58 =	vor.u32 v30, v11  }
0x4a6: {  	[tilespmem:v45+s15+$0x0] =	vst.idx.msk $0xffff, v10;
	v59 =	vld.idx.msk [tilespmem:v44+s3+$0x0], $0xffff;
	v60 =	vor.u32 v30, v14  }
0x4a7: {  	v13 =	vld.idx.msk [tilespmem:v46+s3+$0x0], $0xffff;
	v61 =	vor.u32 v30, v22;
	[tilespmem:v50+s15+$0x0] =	vst.idx.msk $0xffff, v47  }
0x4a8: {  	v63 =	vor.u32 v30, v57;
	[tilespmem:v52+s15+$0x0] =	vst.idx.msk $0xffff, v3;
	v62 =	vld.idx.msk [tilespmem:v54+s3+$0x0], $0xffff  }
0x4a9: {  	[tilespmem:v55+s15+$0x0] =	vst.idx.msk $0xffff, v4  }
0x4aa: {  	[tilespmem:v58+s15+$0x0] =	vst.idx.msk $0xffff, v6  }
0x4ab: {  	[tilespmem:v60+s15+$0x0] =	vst.idx.msk $0xffff, v59  }
0x4ac: {  	s0 =	sshll.u32 s25, $0x4;
	[tilespmem:v61+s15+$0x0] =	vst.idx.msk $0xffff, v13  }
0x4ad: {  	s0 =	sadd.s32 s6, s0;
	[tilespmem:v63+s15+$0x0] =	vst.idx.msk $0xffff, v62  }
0x4ae: {  	[hbm4b:s0+s3] =	stream.linear.scatter [tilespmem:s15], [sflag:$0x3], $0xA000, $0x38;
	[tilespmem:$0x19D00] =	vst v63  }
0x4af: {  	[tilespmem:$0x1F840] =	vst v2  }
0x4b0: {  	[tilespmem:$0x1F850] =	vst v5  }
0x4b1: {  	[tilespmem:$0x1F860] =	vst v21  }
0x4b2: {  	p1 =	sne.s32 s22, $0x9F;
	v33 =	vld [tilespmem:$0x1FA70];
	[tilespmem:$0x1F870] =	vst v30  }
.Ltmp2:
0x4b3: {  	v40 =	vld [tilespmem:$0x1FA80];
	[tilespmem:$0x1F880] =	vst v27;
	(pc) =	sbr.rel @p1 .LBB2_8-.Ltmp2, $4  }
0x4b4: {  	v38 =	vld [tilespmem:$0x1FA90];
	[tilespmem:$0x1F890] =	vst v37  }
0x4b5: {  	v58 =	vld [tilespmem:$0x1FAB0];
	[tilespmem:$0x1F8A0] =	vst v42  }
0x4b6: {  	v36 =	vld [tilespmem:$0x1FD50];
	[tilespmem:$0x1F8B0] =	vst v32  }
0x4b7: {  	v41 =	vmov v56;
	v60 =	vld [tilespmem:$0x1FD70];
	[tilespmem:$0x1F8C0] =	vst v20  }
0x4b8: {  	_ =	swait.ge [sflag:s17], $0x1400  }
.Ltmp3:
0x4b9: {  	v2 =	vld [tilespmem:$0x1FED0];
	(pc) =	sbr.rel .LBB2_9-.Ltmp3, $3  }
0x4ba: {  	v0 =	vld [tilespmem:$0x1FEA0];
	_ =	sdelay $0x1  }
0x4bb: {  	[sflag:s17] =	ssyncset.done $0x0  }
0x4bc: {  	v1 =	vld [tilespmem:$0x1FEB0];
	[sflag:s17] =	ssyncadd.s32 $0xFFFFEC00  }
.LBB2_8:
0x4bd: {  	s0 =	rddreg [dreg:$0x7]  }
0x4be: {  	s0 =	sadd.s32 s24, s0  }
0x4bf: {  	s0 =	sshll.u32 s0, $0x1  }
0x4c0: {  	s1 =	rddreg [dreg:$0x0];
	s0 =	sand.u32 $0x1FFFFF00, s0  }
0x4c1: {  	s31 =	simm.s32 $0x3200;
	s0 =	sadd.s32 s1, s0  }
0x4c2: {  	[tilespmem:s31], [sflag:$0x1] =	stream.linear.gather [hbm4b:s0+s3], $0x1400, $0x38;
	[tilespmem:$0x19D00] =	vst v63  }
0x4c3: {  	_ =	swait.ge [sflag:s17], $0x1400  }
.Ltmp4:
0x4c4: {  	v2 =	vld [tilespmem:$0x1FED0];
	(pc) =	sbr.rel @p0 .LBB2_10-.Ltmp4, $3  }
0x4c5: {  	v0 =	vld [tilespmem:$0x1FEA0];
	_ =	sdelay $0x1  }
0x4c6: {  	[sflag:s17] =	ssyncset.done $0x0  }
0x4c7: {  	v1 =	vld [tilespmem:$0x1FEB0];
	[sflag:s17] =	ssyncadd.s32 $0xFFFFEC00  }
.LBB2_9:
0x4c8: {  	_ =	swait.ge [sflag:s18], $0xA000  }
0x4c9: {  	[sflag:s18] =	ssyncset.done $0x0  }
0x4ca: {  	[sflag:s18] =	ssyncadd.s32 $0xFFFF6000  }
.LBB2_10:
0x4cb: {  	s0 =	simm.s32 $0x0  }
0x4cc: {  	v3 =	vmov s0  }
0x4cd: {  	v3 =	vshrl.u32 v3, $0x7  }
0x4ce: {  	s1 =	simm.s32 $0x80;
	s26 =	simm.s32 $0x100;
	v3 =	vshll.u32 v3, v0  }
0x4cf: {  	[tilespmem:$0x1F800] =	vst v49;
	s24 =	simm.s32 $0x0;
	s30 =	simm.s32 $0x200;
	s31 =	simm.s32 $0x280;
	v4 =	vmov s1;
	v6 =	vmov s26;
	v3 =	vbroadcast v3, $0x0  }
0x4d0: {  	[tilespmem:$0x1F810] =	vst v53;
	s2 =	simm.s32 $0x300;
	v7 =	vadd.s32 s24, v2;
	v8 =	vmov s30;
	v9 =	vmov s31;
	s1 =	simm.s32 $0x4620  }
0x4d1: {  	s25 =	simm.s32 $0x8;
	s7 =	simm.s32 $0x1;
	v10 =	vmov s2;
	v8 =	vshrl.u32 v8, $0x7;
	v12 =	vld [tilespmem:s1+$0xFFFFFFE0];
	v3 =	vor.u32 v1, v3  }
0x4d2: {  	v15 =	vadd.s32 s25, v2;
	v17 =	vadd.s32 s7, v2;
	v8 =	vshll.u32 v8, v0  }
0x4d3: {  	s2 =	simm.s32 $0x500;
	v4 =	vshrl.u32 v4, $0x7;
	v6 =	vshrl.u32 v6, $0x7;
	v8 =	vbroadcast v8, $0x0  }
0x4d4: {  	v10 =	vshrl.u32 v10, $0x7;
	v16 =	vmov s2;
	s2 =	simm.s32 $0x4660;
	v4 =	vshll.u32 v4, v0  }
0x4d5: {  	s4 =	simm.s32 $0x400;
	s26 =	simm.s32 $0x4;
	v10 =	vshll.u32 v10, v0;
	v18 =	vld [tilespmem:s2+$0xFFFFFFE0];
	v4 =	vbroadcast v4, $0x0;
	v8 =	vor.u32 v1, v8  }
0x4d6: {  	s5 =	simm.s32 $0x480;
	v11 =	vadd.s32 s26, v2;
	v13 =	vbroadcast v10, $0x0;
	v10 =	vmov s4;
	[tilespmem:v3+s19+$0x0] =	vst.idx.msk vm1, v12  }
0x4d7: {  	v14 =	vor.u32 v1, v4;
	v4 =	vshrl.u32 v10, $0x7;
	v10 =	vmov s5;
	[tilespmem:v7+s16+$0x0] =	vst.idx.msk vm2, v12  }
0x4d8: {  	v9 =	vshrl.u32 v9, $0x7;
	v4 =	vshll.u32 v4, v0;
	v10 =	vshrl.u32 v10, $0x7;
	v12 =	vld [tilespmem:s1+$0xFFFFFFF0]  }
0x4d9: {  	v9 =	vshll.u32 v9, v0;
	s5 =	simm.s32 $0x680;
	v4 =	vbroadcast v4, $0x0;
	v10 =	vshll.u32 v10, v0  }
0x4da: {  	v9 =	vbroadcast v9, $0x0;
	v19 =	vbroadcast v10, $0x0;
	v10 =	vmov s5;
	s5 =	simm.s32 $0x46A0;
	[tilespmem:v8+s19+$0x0] =	vst.idx.msk vm1, v18  }
0x4db: {  	v6 =	vshll.u32 v6, v0;
	v16 =	vshrl.u32 v16, $0x7;
	v21 =	vor.u32 v1, v4;
	[tilespmem:v11+s16+$0x0] =	vst.idx.msk vm2, v18;
	v18 =	vld [tilespmem:s5+$0xFFFFFFE0]  }
0x4dc: {  	s9 =	simm.s32 $0x700;
	v6 =	vbroadcast v6, $0x0;
	v16 =	vshll.u32 v16, v0;
	v7 =	vor.u32 v1, v9;
	v22 =	vld [tilespmem:s2+$0xFFFFFFF0]  }
0x4dd: {  	s10 =	simm.s32 $0x5;
	v10 =	vshrl.u32 v10, $0x7;
	v3 =	vbroadcast v16, $0x0;
	v16 =	vmov s9;
	[tilespmem:v14+s19+$0x0] =	vst.idx.msk vm1, v12  }
0x4de: {  	v8 =	vshll.u32 v10, v0;
	v10 =	vshrl.u32 v16, $0x7;
	v16 =	vadd.s32 s10, v2;
	[tilespmem:v17+s16+$0x0] =	vst.idx.msk vm2, v12  }
0x4df: {  	s4 =	simm.s32 $0x2;
	v24 =	vor.u32 v1, v6;
	v11 =	vor.u32 v1, v19;
	v19 =	vld [tilespmem:s1+$0x0]  }
0x4e0: {  	v30 =	vadd.s32 s4, v2;
	[tilespmem:v21+s19+$0x0] =	vst.idx.msk vm1, v18  }
0x4e1: {  	[tilespmem:v7+s19+$0x0] =	vst.idx.msk vm1, v22  }
0x4e2: {  	s8 =	simm.s32 $0x600;
	s7 =	simm.s32 $0x880;
	[tilespmem:v15+s16+$0x0] =	vst.idx.msk vm2, v18  }
0x4e3: {  	v9 =	vmov s8;
	v17 =	vmov s7;
	s7 =	simm.s32 $0x46E0;
	[tilespmem:v16+s16+$0x0] =	vst.idx.msk vm2, v22;
	v22 =	vld [tilespmem:s5+$0xFFFFFFF0]  }
0x4e4: {  	v9 =	vshrl.u32 v9, $0x7;
	v18 =	vld [tilespmem:s7+$0xFFFFFFE0];
	[tilespmem:v24+s19+$0x0] =	vst.idx.msk vm1, v19  }
0x4e5: {  	v9 =	vshll.u32 v9, v0;
	v16 =	vld [tilespmem:s2+$0x0];
	[tilespmem:v30+s16+$0x0] =	vst.idx.msk vm2, v19  }
0x4e6: {  	s28 =	simm.s32 $0xC;
	v9 =	vbroadcast v9, $0x0;
	v44 =	vld [tilespmem:$0x1FAA0]  }
0x4e7: {  	s11 =	simm.s32 $0x180;
	v4 =	vadd.s32 s28, v2;
	v26 =	vbroadcast v8, $0x0;
	v8 =	vshll.u32 v10, v0;
	v37 =	vld [tilespmem:$0x1FD40]  }
0x4e8: {  	s12 =	simm.s32 $0x6;
	v6 =	vbroadcast v8, $0x0;
	v10 =	vor.u32 v1, v9;
	v9 =	vmov s11;
	v56 =	vld [tilespmem:$0x1FFA0]  }
0x4e9: {  	s29 =	simm.s32 $0x10;
	s13 =	simm.s32 $0x800;
	v8 =	vadd.s32 s12, v2;
	v26 =	vor.u32 v1, v26;
	v14 =	vshrl.u32 v9, $0x7;
	v31 =	vld [tilespmem:$0x1FFC0]  }
0x4ea: {  	v9 =	vadd.s32 s29, v2;
	v12 =	vshll.u32 v14, v0;
	v14 =	vmov s13;
	v52 =	vld [tilespmem:$0x1FD90]  }
0x4eb: {  	s20 =	simm.s32 $0x9;
	v29 =	vbroadcast v12, $0x0;
	v14 =	vshrl.u32 v14, $0x7;
	v17 =	vshrl.u32 v17, $0x7;
	v32 =	vld [tilespmem:$0x1FDA0]  }
0x4ec: {  	s21 =	simm.s32 $0x900;
	v12 =	vadd.s32 s20, v2;
	v7 =	vshll.u32 v14, v0;
	v14 =	vshll.u32 v17, v0;
	v46 =	vld [tilespmem:$0x1FDB0]  }
0x4ed: {  	v17 =	vmov s21;
	v7 =	vbroadcast v7, $0x0;
	v23 =	vbroadcast v14, $0x0;
	v43 =	vld [tilespmem:$0x1FDC0]  }
0x4ee: {  	s30 =	simm.s32 $0x3;
	s31 =	simm.s32 $0x380;
	s0 =	simm.s32 $0x14;
	v14 =	vshrl.u32 v17, $0x7;
	v17 =	vor.u32 v1, v13;
	v21 =	vor.u32 v1, v29;
	v42 =	vld [tilespmem:$0x1FDD0]  }
0x4ef: {  	s10 =	simm.s32 $0x4720;
	s12 =	simm.s32 $0xB80;
	s11 =	simm.s32 $0x980;
	v15 =	vshll.u32 v14, v0;
	v28 =	vor.u32 v1, v7;
	v7 =	vmov s31;
	v27 =	vld [tilespmem:$0x1FDE0]  }
0x4f0: {  	s13 =	simm.s32 $0xA;
	s20 =	simm.s32 $0x780;
	s21 =	simm.s32 $0x580;
	v14 =	vadd.s32 s30, v2;
	v24 =	vbroadcast v15, $0x0;
	v29 =	vshrl.u32 v7, $0x7;
	v20 =	vld [tilespmem:$0x1FFD0]  }
.LBB2_11:
0x4f1: {  	s4 =	sadd.s32 $0xFFFFFE80, s12;
	v7 =	vadd.s32 s0, v2;
	s8 =	sadd.s32 $0xFFFFFF00, s12;
	[tilespmem:v10+s19+$0x0] =	vst.idx.msk vm1, v18;
	v13 =	vadd.s32 s13, v2;
	s13 =	smov.u32 s0  }
0x4f2: {  	v15 =	vshll.u32 v29, v0;
	v19 =	vld [tilespmem:s1+$0x10];
	v29 =	vmovc v23;
	v10 =	vmovc v28;
	v28 =	vmov v3;
	v3 =	vmov v6;
	s9 =	sadd.s32 $0x4, s0;
	s1 =	smov.u32 s2;
	s2 =	smov.u32 s5  }
0x4f3: {  	p0 =	slt.u32 s0, $0x13C;
	s0 =	sadd.s32 $0x1, s28;
	v23 =	vmov s4;
	v30 =	vmov s8;
	s4 =	sadd.s32 $0xFFFFFF80, s12;
	[tilespmem:v11+s19+$0x0] =	vst.idx.msk vm1, v22;
	v15 =	vbroadcast v15, $0x0;
	v6 =	vmovc v24;
	v11 =	vmovc v26  }
0x4f4: {  	s5 =	smov.u32 s7;
	s7 =	smov.u32 s10;
	v26 =	vadd.s32 s0, v2;
	v23 =	vshrl.u32 v23, $0x7;
	v24 =	vshrl.u32 v30, $0x7;
	[tilespmem:v4+s16+$0x0] =	vst.idx.msk vm2, v18;
	v4 =	vmovc v9;
	v9 =	vmovc v7  }
.Ltmp5:
0x4f5: {  	v7 =	vshll.u32 v23, v0;
	v23 =	vshll.u32 v24, v0;
	v24 =	vmov s4;
	v18 =	vld [tilespmem:s10+$0xFFFFFFE0];
	[tilespmem:v12+s16+$0x0] =	vst.idx.msk vm2, v22;
	v12 =	vmovc v26;
	(pc) =	sbr.rel @p0 .LBB2_11-.Ltmp5, $4  }
0x4f6: {  	s0 =	sadd.s32 $0x3, s26;
	s26 =	smov.u32 s25;
	s25 =	smov.u32 s28;
	v7 =	vbroadcast v7, $0x0;
	v23 =	vbroadcast v23, $0x0;
	v24 =	vshrl.u32 v24, $0x7;
	v22 =	vld [tilespmem:s5+$0xFFFFFFF0];
	[tilespmem:v17+s19+$0x0] =	vst.idx.msk vm1, v16;
	v30 =	vmovc v16  }
0x4f7: {  	s28 =	smov.u32 s29;
	s29 =	smov.u32 s13;
	s10 =	sadd.s32 $0x40, s10;
	v26 =	vadd.s32 s0, v2;
	v17 =	vor.u32 v1, v28;
	v24 =	vshll.u32 v24, v0;
	[tilespmem:v21+s19+$0x0] =	vst.idx.msk vm1, v19  }
0x4f8: {  	v21 =	vor.u32 v1, v15;
	v28 =	vor.u32 v1, v7;
	v16 =	vld [tilespmem:s2+$0x0];
	v7 =	vmov s21;
	[tilespmem:v14+s16+$0x0] =	vst.idx.msk vm2, v19;
	v14 =	vmovc v26;
	s21 =	smov.u32 s20;
	s20 =	smov.u32 s11;
	s11 =	smov.u32 s12  }
0x4f9: {  	s13 =	sadd.s32 $0x2, s25;
	s0 =	smov.u32 s9;
	v24 =	vbroadcast v24, $0x0;
	s12 =	sadd.s32 $0x200, s12;
	v26 =	vor.u32 v1, v29;
	v29 =	vshrl.u32 v7, $0x7;
	[tilespmem:v8+s16+$0x0] =	vst.idx.msk vm2, v30;
	v8 =	vmovc v13  }
0x4fa: {  	_ =	sdelay $0x4  }
0x4fb: {  	[tilespmem:v10+s19+$0x0] =	vst.idx.msk vm1, v18;
	v7 =	vld [tilespmem:s10+$0xFFFFFFE0]  }
0x4fc: {  	[tilespmem:v11+s19+$0x0] =	vst.idx.msk vm1, v22  }
0x4fd: {  	[tilespmem:v4+s16+$0x0] =	vst.idx.msk vm2, v18;
	v10 =	vld [tilespmem:s1+$0x10]  }
0x4fe: {  	[tilespmem:v12+s16+$0x0] =	vst.idx.msk vm2, v22  }
0x4ff: {  	[tilespmem:v17+s19+$0x0] =	vst.idx.msk vm1, v16  }
0x500: {  	s0 =	sadd.s32 $0x1, s28;
	v4 =	vld [tilespmem:s7+$0xFFFFFFF0];
	[tilespmem:v28+s19+$0x0] =	vst.idx.msk vm1, v7  }
0x501: {  	v11 =	vadd.s32 s0, v2;
	[tilespmem:v9+s16+$0x0] =	vst.idx.msk vm2, v7  }
0x502: {  	s30 =	sadd.s32 $0x1, s29;
	v7 =	vshll.u32 v29, v0;
	v9 =	vor.u32 v1, v23;
	[tilespmem:v21+s19+$0x0] =	vst.idx.msk vm1, v10;
	v12 =	vld [tilespmem:s10+$0xFFFFFFF0]  }
0x503: {  	v7 =	vbroadcast v7, $0x0;
	[tilespmem:v14+s16+$0x0] =	vst.idx.msk vm2, v10;
	v10 =	vadd.s32 s30, v2  }
0x504: {  	v3 =	vor.u32 v1, v3;
	v13 =	vld [tilespmem:s5+$0x0];
	[tilespmem:v8+s16+$0x0] =	vst.idx.msk vm2, v16  }
0x505: {  	v8 =	vld [tilespmem:s2+$0x10];
	[tilespmem:v26+s19+$0x0] =	vst.idx.msk vm1, v4;
	v7 =	vor.u32 v1, v7  }
0x506: {  	v14 =	vadd.s32 s13, v2;
	[tilespmem:v11+s16+$0x0] =	vst.idx.msk vm2, v4  }
0x507: {  	s31 =	sadd.s32 $0x2, s28;
	v6 =	vor.u32 v1, v6;
	v4 =	vmov s21;
	v11 =	vld [tilespmem:s7+$0x0];
	[tilespmem:v9+s19+$0x0] =	vst.idx.msk vm1, v12  }
0x508: {  	v4 =	vshrl.u32 v4, $0x7;
	v9 =	vadd.s32 s31, v2;
	[tilespmem:v10+s16+$0x0] =	vst.idx.msk vm2, v12  }
0x509: {  	s1 =	sadd.s32 $0x2, s29;
	[tilespmem:v3+s19+$0x0] =	vst.idx.msk vm1, v13;
	v3 =	vmov s20;
	v4 =	vshll.u32 v4, v0;
	v10 =	vor.u32 v1, v24;
	v12 =	vld [tilespmem:s10+$0x0]  }
0x50a: {  	s2 =	sadd.s32 $0x3, s26;
	v3 =	vshrl.u32 v3, $0x7;
	v4 =	vbroadcast v4, $0x0;
	[tilespmem:v7+s19+$0x0] =	vst.idx.msk vm1, v8;
	v7 =	vadd.s32 s1, v2  }
0x50b: {  	v15 =	vadd.s32 s2, v2;
	v3 =	vshll.u32 v3, v0;
	[tilespmem:v14+s16+$0x0] =	vst.idx.msk vm2, v13;
	v13 =	vmov s11  }
0x50c: {  	s4 =	sadd.s32 $0x3, s25;
	v3 =	vbroadcast v3, $0x0;
	v4 =	vor.u32 v1, v4;
	v14 =	vld [tilespmem:s5+$0x10];
	[tilespmem:v6+s19+$0x0] =	vst.idx.msk vm1, v11;
	v6 =	vshrl.u32 v13, $0x7  }
0x50d: {  	v13 =	vadd.s32 s4, v2;
	v6 =	vshll.u32 v6, v0;
	[tilespmem:v9+s16+$0x0] =	vst.idx.msk vm2, v11  }
0x50e: {  	s8 =	sadd.s32 $0x3, s28;
	v3 =	vor.u32 v1, v3;
	v6 =	vbroadcast v6, $0x0;
	v9 =	vld [tilespmem:s7+$0x10];
	[tilespmem:v10+s19+$0x0] =	vst.idx.msk vm1, v12  }
0x50f: {  	v10 =	vadd.s32 s8, v2;
	[tilespmem:v7+s16+$0x0] =	vst.idx.msk vm2, v12  }
0x510: {  	s9 =	sadd.s32 $0x3, s29;
	[tilespmem:v15+s16+$0x0] =	vst.idx.msk vm2, v8;
	v6 =	vor.u32 v1, v6;
	v7 =	vld [tilespmem:s10+$0x10]  }
0x511: {  	[tilespmem:v4+s19+$0x0] =	vst.idx.msk vm1, v14;
	v4 =	vadd.s32 s9, v2  }
0x512: {  	[tilespmem:v13+s16+$0x0] =	vst.idx.msk vm2, v14  }
0x513: {  	[tilespmem:v3+s19+$0x0] =	vst.idx.msk vm1, v9  }
0x514: {  	[tilespmem:v10+s16+$0x0] =	vst.idx.msk vm2, v9  }
0x515: {  	[tilespmem:v6+s19+$0x0] =	vst.idx.msk vm1, v7  }
0x516: {  	s11 =	simm.s32 $0x5B48;
	[tilespmem:v4+s16+$0x0] =	vst.idx.msk vm2, v7  }
0x517: {  	v3 =	vld [tilespmem:s11+$0xFFFFFEB8];
	_ =	sdelay $0x4  }
0x518: {  	v3 =	vmax.f32 v3, $0.0e+00  }
0x519: {  	v4 =	vld [tilespmem:s11+$0x0];
	v3 =	vmin.f32 v3, $3.990000000e+02  }
0x51a: {  	v3 =	vtrunc.f32 v3  }
0x51b: {  	v3 =	vcvt.f32.s32 v3;
	_ =	sdelay $0x1  }
0x51c: {  	v8 =	vlaneseq.u32;
	v21 =	vld [tilespmem:$0x1FA60];
	v6 =	vshll.u32 v3, $0x5  }
0x51d: {  	v4 =	vmax.f32 v4, $0.0e+00;
	v3 =	vor.u32 v8, v6  }
0x51e: {  	v4 =	vmin.f32 v4, $3.990000000e+02  }
0x51f: {  	v7 =	vmov s24;
	v4 =	vtrunc.f32 v4  }
0x520: {  	v7 =	vshll.u32 v7, $0x7;
	v4 =	vcvt.f32.s32 v4  }
0x521: {  	v23 =	vor.u32 v21, v7  }
0x522: {  	v7 =	vor.u32 v8, v23;
	v4 =	vshll.u32 v4, $0x5;
	v3 =	vld.idx.msk [tilespmem:v3+s3+$0x0], $0xffff  }
0x523: {  	v8 =	vor.u32 v8, v4;
	_ =	sdelay $0x3  }
0x524: {  	[tilespmem:v7+s19+$0x0] =	vst.idx.msk $0xffff, v3  }
0x525: {  	v7 =	vor.u32 v33, v23;
	v3 =	vld.idx.msk [tilespmem:v8+s3+$0x0], $0xffff  }
0x526: {  	v8 =	vor.u32 v40, v6;
	_ =	sdelay $0x3  }
0x527: {  	[tilespmem:v7+s19+$0x0] =	vst.idx.msk $0xffff, v3  }
0x528: {  	v7 =	vor.u32 v40, v23;
	v3 =	vld.idx.msk [tilespmem:v8+s3+$0x0], $0xffff  }
0x529: {  	v8 =	vor.u32 v40, v4;
	_ =	sdelay $0x3  }
0x52a: {  	[tilespmem:v7+s19+$0x0] =	vst.idx.msk $0xffff, v3  }
0x52b: {  	v7 =	vor.u32 v38, v23;
	v3 =	vld.idx.msk [tilespmem:v8+s3+$0x0], $0xffff  }
0x52c: {  	v8 =	vor.u32 v44, v6;
	_ =	sdelay $0x3  }
0x52d: {  	[tilespmem:v7+s19+$0x0] =	vst.idx.msk $0xffff, v3  }
0x52e: {  	v7 =	vor.u32 v44, v23;
	v3 =	vld.idx.msk [tilespmem:v8+s3+$0x0], $0xffff  }
0x52f: {  	v8 =	vor.u32 v44, v4;
	_ =	sdelay $0x3  }
0x530: {  	[tilespmem:v7+s19+$0x0] =	vst.idx.msk $0xffff, v3  }
0x531: {  	v7 =	vor.u32 v58, v23;
	v3 =	vld.idx.msk [tilespmem:v8+s3+$0x0], $0xffff  }
0x532: {  	v8 =	vor.u32 v51, v6;
	_ =	sdelay $0x3  }
0x533: {  	[tilespmem:v7+s19+$0x0] =	vst.idx.msk $0xffff, v3  }
0x534: {  	v7 =	vor.u32 v51, v23;
	v3 =	vld.idx.msk [tilespmem:v8+s3+$0x0], $0xffff;
	_ =	sdelay $0x4  }
0x535: {  	v8 =	vor.u32 v51, v4;
	[tilespmem:v7+s19+$0x0] =	vst.idx.msk $0xffff, v3  }
0x536: {  	v55 =	vld [tilespmem:$0x1FF80];
	_ =	sdelay $0x3  }
0x537: {  	s12 =	simm.s32 $0x5B58;
	v7 =	vor.u32 v37, v23;
	v3 =	vld.idx.msk [tilespmem:v8+s3+$0x0], $0xffff  }
0x538: {  	v9 =	vld [tilespmem:s12+$0xFFFFFEB8];
	v8 =	vor.u32 v55, v6;
	_ =	sdelay $0x3  }
0x539: {  	[tilespmem:v7+s19+$0x0] =	vst.idx.msk $0xffff, v3  }
0x53a: {  	v3 =	vmax.f32 v9, $0.0e+00;
	v7 =	vld.idx.msk [tilespmem:v8+s3+$0x0], $0xffff;
	v8 =	vor.u32 v55, v23  }
0x53b: {  	v9 =	vor.u32 v55, v4;
	v3 =	vmin.f32 v3, $3.990000000e+02  }
0x53c: {  	v3 =	vtrunc.f32 v3  }
0x53d: {  	v10 =	vld [tilespmem:s12+$0x0];
	v3 =	vcvt.f32.s32 v3;
	_ =	sdelay $0x1  }
0x53e: {  	v13 =	vlaneseq.u32;
	v63 =	vshll.u32 v3, $0x5;
	[tilespmem:v8+s19+$0x0] =	vst.idx.msk $0xffff, v7  }
0x53f: {  	v3 =	vor.u32 v13, v63;
	v8 =	vld.idx.msk [tilespmem:v9+s3+$0x0], $0xffff;
	v9 =	vor.u32 v36, v23  }
0x540: {  	s13 =	simm.s32 $0x10;
	v11 =	vor.u32 v56, v6  }
0x541: {  	v7 =	vmax.f32 v10, $0.0e+00;
	v10 =	vmov s13  }
0x542: {  	v10 =	vshll.u32 v10, $0x7  }
0x543: {  	v35 =	vmov v58;
	v58 =	vor.u32 v21, v10  }
0x544: {  	v3 =	vld.idx.msk [tilespmem:v3+s3+$0x0], $0xffff;
	v10 =	vor.u32 v13, v58;
	[tilespmem:v9+s19+$0x0] =	vst.idx.msk $0xffff, v8  }
0x545: {  	v7 =	vmin.f32 v7, $3.990000000e+02;
	v9 =	vor.u32 v56, v23;
	v8 =	vld.idx.msk [tilespmem:v11+s3+$0x0], $0xffff  }
0x546: {  	v7 =	vtrunc.f32 v7  }
0x547: {  	v7 =	vcvt.f32.s32 v7;
	_ =	sdelay $0x1  }
0x548: {  	v59 =	vshll.u32 v7, $0x5;
	[tilespmem:v10+s19+$0x0] =	vst.idx.msk $0xffff, v3  }
0x549: {  	v7 =	vor.u32 v13, v59;
	[tilespmem:v9+s19+$0x0] =	vst.idx.msk $0xffff, v8  }
0x54a: {  	v11 =	vor.u32 v56, v4;
	v1 =	vld [tilespmem:$0x1FD60]  }
0x54b: {  	v14 =	vmov v36;
	v36 =	vld [tilespmem:$0x1FEF0];
	_ =	sdelay $0x2  }
0x54c: {  	v3 =	vld.idx.msk [tilespmem:v7+s3+$0x0], $0xffff;
	v7 =	vor.u32 v33, v58  }
0x54d: {  	v8 =	vor.u32 v40, v63;
	v9 =	vld.idx.msk [tilespmem:v11+s3+$0x0], $0xffff;
	v10 =	vor.u32 v1, v23  }
0x54e: {  	v11 =	vor.u32 v36, v6;
	_ =	sdelay $0x2  }
0x54f: {  	[tilespmem:v7+s19+$0x0] =	vst.idx.msk $0xffff, v3  }
0x550: {  	v7 =	vor.u32 v40, v58;
	v3 =	vld.idx.msk [tilespmem:v8+s3+$0x0], $0xffff;
	[tilespmem:v10+s19+$0x0] =	vst.idx.msk $0xffff, v9  }
0x551: {  	v10 =	vor.u32 v36, v23;
	v9 =	vld.idx.msk [tilespmem:v11+s3+$0x0], $0xffff;
	_ =	sdelay $0x3  }
0x552: {  	[tilespmem:v7+s19+$0x0] =	vst.idx.msk $0xffff, v3  }
0x553: {  	v8 =	vor.u32 v40, v59;
	[tilespmem:v10+s19+$0x0] =	vst.idx.msk $0xffff, v9  }
0x554: {  	v11 =	vor.u32 v36, v4;
	v53 =	vld [tilespmem:$0x1FEE0];
	_ =	sdelay $0x3  }
0x555: {  	v7 =	vor.u32 v38, v58;
	v3 =	vld.idx.msk [tilespmem:v8+s3+$0x0], $0xffff  }
0x556: {  	v8 =	vor.u32 v44, v63;
	v9 =	vld.idx.msk [tilespmem:v11+s3+$0x0], $0xffff;
	v10 =	vor.u32 v53, v23  }
0x557: {  	v11 =	vor.u32 v31, v6;
	_ =	sdelay $0x2  }
0x558: {  	[tilespmem:v7+s19+$0x0] =	vst.idx.msk $0xffff, v3  }
0x559: {  	v7 =	vor.u32 v44, v58;
	v3 =	vld.idx.msk [tilespmem:v8+s3+$0x0], $0xffff;
	[tilespmem:v10+s19+$0x0] =	vst.idx.msk $0xffff, v9  }
0x55a: {  	v10 =	vor.u32 v31, v23;
	v9 =	vld.idx.msk [tilespmem:v11+s3+$0x0], $0xffff;
	_ =	sdelay $0x3  }
0x55b: {  	v8 =	vor.u32 v44, v59;
	[tilespmem:v7+s19+$0x0] =	vst.idx.msk $0xffff, v3  }
0x55c: {  	v11 =	vor.u32 v31, v4;
	[tilespmem:v10+s19+$0x0] =	vst.idx.msk $0xffff, v9  }
0x55d: {  	v49 =	vld [tilespmem:$0x1FF70];
	_ =	sdelay $0x2  }
0x55e: {  	v7 =	vor.u32 v35, v58;
	v3 =	vld.idx.msk [tilespmem:v8+s3+$0x0], $0xffff  }
0x55f: {  	v8 =	vor.u32 v51, v63;
	v10 =	vor.u32 v60, v23;
	v9 =	vld.idx.msk [tilespmem:v11+s3+$0x0], $0xffff  }
0x560: {  	v11 =	vor.u32 v49, v6;
	_ =	sdelay $0x2  }
0x561: {  	[tilespmem:v7+s19+$0x0] =	vst.idx.msk $0xffff, v3  }
0x562: {  	v7 =	vor.u32 v51, v58;
	v3 =	vld.idx.msk [tilespmem:v8+s3+$0x0], $0xffff;
	[tilespmem:v10+s19+$0x0] =	vst.idx.msk $0xffff, v9  }
0x563: {  	v10 =	vor.u32 v49, v23;
	v9 =	vld.idx.msk [tilespmem:v11+s3+$0x0], $0xffff;
	_ =	sdelay $0x3  }
0x564: {  	v8 =	vor.u32 v51, v59;
	[tilespmem:v7+s19+$0x0] =	vst.idx.msk $0xffff, v3  }
0x565: {  	[tilespmem:v10+s19+$0x0] =	vst.idx.msk $0xffff, v9  }
0x566: {  	v11 =	vor.u32 v49, v4;
	v24 =	vld [tilespmem:$0x1FD80];
	_ =	sdelay $0x2  }
0x567: {  	s20 =	simm.s32 $0x5B68;
	v3 =	vld.idx.msk [tilespmem:v8+s3+$0x0], $0xffff  }
0x568: {  	v7 =	vor.u32 v37, v58;
	v8 =	vld [tilespmem:s20+$0xFFFFFEB8]  }
0x569: {  	v9 =	vor.u32 v55, v63;
	v10 =	vld.idx.msk [tilespmem:v11+s3+$0x0], $0xffff;
	v11 =	vor.u32 v24, v23  }
0x56a: {  	v12 =	vor.u32 v52, v6;
	_ =	sdelay $0x2  }
0x56b: {  	[tilespmem:v7+s19+$0x0] =	vst.idx.msk $0xffff, v3  }
0x56c: {  	v8 =	vmax.f32 v8, $0.0e+00;
	v7 =	vor.u32 v55, v58;
	v3 =	vld.idx.msk [tilespmem:v9+s3+$0x0], $0xffff;
	[tilespmem:v11+s19+$0x0] =	vst.idx.msk $0xffff, v10  }
0x56d: {  	v8 =	vmin.f32 v8, $3.990000000e+02;
	v10 =	vor.u32 v55, v59;
	v11 =	vor.u32 v52, v23;
	v12 =	vld.idx.msk [tilespmem:v12+s3+$0x0], $0xffff  }
0x56e: {  	v13 =	vor.u32 v52, v4;
	v8 =	vtrunc.f32 v8;
	v9 =	vld [tilespmem:s20+$0x0]  }
0x56f: {  	v8 =	vcvt.f32.s32 v8;
	_ =	sdelay $0x1  }
0x570: {  	v22 =	vlaneseq.u32;
	v62 =	vshll.u32 v8, $0x5;
	[tilespmem:v7+s19+$0x0] =	vst.idx.msk $0xffff, v3  }
0x571: {  	v8 =	vor.u32 v14, v58;
	v3 =	vor.u32 v22, v62;
	v7 =	vld.idx.msk [tilespmem:v10+s3+$0x0], $0xffff;
	[tilespmem:v11+s19+$0x0] =	vst.idx.msk $0xffff, v12  }
0x572: {  	s21 =	simm.s32 $0x20;
	v9 =	vmax.f32 v9, $0.0e+00;
	v10 =	vor.u32 v56, v63;
	v12 =	vor.u32 v48, v23;
	v13 =	vld.idx.msk [tilespmem:v13+s3+$0x0], $0xffff  }
0x573: {  	v18 =	vmovc v14;
	v14 =	vor.u32 v41, v6;
	v9 =	vmin.f32 v9, $3.990000000e+02;
	v11 =	vmov s21  }
0x574: {  	v9 =	vtrunc.f32 v9;
	v11 =	vshll.u32 v11, $0x7  }
0x575: {  	v9 =	vcvt.f32.s32 v9;
	v61 =	vor.u32 v21, v11  }
0x576: {  	v3 =	vld.idx.msk [tilespmem:v3+s3+$0x0], $0xffff;
	v11 =	vor.u32 v22, v61;
	[tilespmem:v8+s19+$0x0] =	vst.idx.msk $0xffff, v7  }
0x577: {  	v15 =	vmov v60;
	v60 =	vshll.u32 v9, $0x5;
	v9 =	vor.u32 v56, v58;
	v8 =	vld.idx.msk [tilespmem:v10+s3+$0x0], $0xffff;
	[tilespmem:v12+s19+$0x0] =	vst.idx.msk $0xffff, v13  }
0x578: {  	v13 =	vor.u32 v41, v23;
	v12 =	vld.idx.msk [tilespmem:v14+s3+$0x0], $0xffff;
	_ =	sdelay $0x2  }
0x579: {  	v7 =	vor.u32 v22, v60;
	[tilespmem:v11+s19+$0x0] =	vst.idx.msk $0xffff, v3  }
0x57a: {  	v10 =	vor.u32 v56, v59;
	[tilespmem:v9+s19+$0x0] =	vst.idx.msk $0xffff, v8  }
0x57b: {  	v14 =	vor.u32 v41, v4;
	[tilespmem:v13+s19+$0x0] =	vst.idx.msk $0xffff, v12  }
0x57c: {  	v39 =	vld [tilespmem:$0x1FF20];
	_ =	sdelay $0x1  }
0x57d: {  	v3 =	vld.idx.msk [tilespmem:v7+s3+$0x0], $0xffff;
	v7 =	vor.u32 v33, v61  }
0x57e: {  	v8 =	vor.u32 v40, v62;
	v9 =	vld.idx.msk [tilespmem:v10+s3+$0x0], $0xffff;
	v10 =	vor.u32 v1, v58  }
0x57f: {  	v11 =	vor.u32 v36, v63;
	v13 =	vor.u32 v32, v23;
	v12 =	vld.idx.msk [tilespmem:v14+s3+$0x0], $0xffff  }
0x580: {  	v14 =	vor.u32 v39, v6;
	_ =	sdelay $0x1  }
0x581: {  	[tilespmem:v7+s19+$0x0] =	vst.idx.msk $0xffff, v3  }
0x582: {  	v7 =	vor.u32 v40, v61;
	v3 =	vld.idx.msk [tilespmem:v8+s3+$0x0], $0xffff;
	[tilespmem:v10+s19+$0x0] =	vst.idx.msk $0xffff, v9  }
0x583: {  	v10 =	vor.u32 v36, v58;
	v9 =	vld.idx.msk [tilespmem:v11+s3+$0x0], $0xffff;
	[tilespmem:v13+s19+$0x0] =	vst.idx.msk $0xffff, v12  }
0x584: {  	v13 =	vor.u32 v39, v23;
	v12 =	vld.idx.msk [tilespmem:v14+s3+$0x0], $0xffff;
	_ =	sdelay $0x2  }
0x585: {  	[tilespmem:v7+s19+$0x0] =	vst.idx.msk $0xffff, v3  }
0x586: {  	v8 =	vor.u32 v40, v60;
	[tilespmem:v10+s19+$0x0] =	vst.idx.msk $0xffff, v9  }
0x587: {  	v11 =	vor.u32 v36, v59;
	[tilespmem:v13+s19+$0x0] =	vst.idx.msk $0xffff, v12  }
0x588: {  	v14 =	vor.u32 v39, v4;
	v34 =	vld [tilespmem:$0x1FF00];
	_ =	sdelay $0x2  }
0x589: {  	v7 =	vor.u32 v38, v61;
	v3 =	vld.idx.msk [tilespmem:v8+s3+$0x0], $0xffff  }
0x58a: {  	v8 =	vor.u32 v44, v62;
	v10 =	vor.u32 v53, v58;
	v9 =	vld.idx.msk [tilespmem:v11+s3+$0x0], $0xffff  }
0x58b: {  	v11 =	vor.u32 v31, v63;
	v12 =	vld.idx.msk [tilespmem:v14+s3+$0x0], $0xffff;
	v13 =	vor.u32 v34, v23  }
0x58c: {  	v14 =	vor.u32 v46, v6;
	_ =	sdelay $0x1  }
0x58d: {  	[tilespmem:v7+s19+$0x0] =	vst.idx.msk $0xffff, v3  }
0x58e: {  	v7 =	vor.u32 v44, v61;
	[tilespmem:v10+s19+$0x0] =	vst.idx.msk $0xffff, v9;
	v3 =	vld.idx.msk [tilespmem:v8+s3+$0x0], $0xffff  }
0x58f: {  	v10 =	vor.u32 v31, v58;
	v9 =	vld.idx.msk [tilespmem:v11+s3+$0x0], $0xffff;
	[tilespmem:v13+s19+$0x0] =	vst.idx.msk $0xffff, v12  }
0x590: {  	v13 =	vor.u32 v46, v23;
	v12 =	vld.idx.msk [tilespmem:v14+s3+$0x0], $0xffff;
	_ =	sdelay $0x2  }
0x591: {  	v8 =	vor.u32 v44, v60;
	[tilespmem:v7+s19+$0x0] =	vst.idx.msk $0xffff, v3  }
0x592: {  	v11 =	vor.u32 v31, v59;
	[tilespmem:v10+s19+$0x0] =	vst.idx.msk $0xffff, v9  }
0x593: {  	v14 =	vor.u32 v46, v4;
	[tilespmem:v13+s19+$0x0] =	vst.idx.msk $0xffff, v12  }
0x594: {  	v19 =	vmov v32;
	v32 =	vld [tilespmem:$0x1FF10];
	_ =	sdelay $0x1  }
0x595: {  	v7 =	vor.u32 v35, v61;
	v3 =	vld.idx.msk [tilespmem:v8+s3+$0x0], $0xffff  }
0x596: {  	v10 =	vor.u32 v15, v58;
	v8 =	vor.u32 v51, v62;
	v9 =	vld.idx.msk [tilespmem:v11+s3+$0x0], $0xffff  }
0x597: {  	v11 =	vor.u32 v49, v63;
	v13 =	vor.u32 v43, v23;
	v12 =	vld.idx.msk [tilespmem:v14+s3+$0x0], $0xffff  }
0x598: {  	v14 =	vor.u32 v32, v6;
	_ =	sdelay $0x1  }
0x599: {  	[tilespmem:v7+s19+$0x0] =	vst.idx.msk $0xffff, v3  }
0x59a: {  	v7 =	vor.u32 v51, v61;
	[tilespmem:v10+s19+$0x0] =	vst.idx.msk $0xffff, v9;
	v3 =	vld.idx.msk [tilespmem:v8+s3+$0x0], $0xffff  }
0x59b: {  	v10 =	vor.u32 v49, v58;
	v8 =	vor.u32 v51, v60;
	v9 =	vld.idx.msk [tilespmem:v11+s3+$0x0], $0xffff;
	[tilespmem:v13+s19+$0x0] =	vst.idx.msk $0xffff, v12  }
0x59c: {  	v11 =	vor.u32 v49, v59;
	v13 =	vor.u32 v32, v23;
	v12 =	vld.idx.msk [tilespmem:v14+s3+$0x0], $0xffff  }
0x59d: {  	v14 =	vor.u32 v32, v4  }
0x59e: {  	s24 =	simm.s32 $0x5B78  }
0x59f: {  	v29 =	vmov v15;
	v15 =	vld [tilespmem:s24+$0xFFFFFEB8];
	[tilespmem:v7+s19+$0x0] =	vst.idx.msk $0xffff, v3  }
0x5a0: {  	v7 =	vor.u32 v37, v61;
	[tilespmem:v10+s19+$0x0] =	vst.idx.msk $0xffff, v9;
	v3 =	vld.idx.msk [tilespmem:v8+s3+$0x0], $0xffff  }
0x5a1: {  	v10 =	vor.u32 v24, v58;
	v8 =	vor.u32 v55, v62;
	v9 =	vld.idx.msk [tilespmem:v11+s3+$0x0], $0xffff;
	[tilespmem:v13+s19+$0x0] =	vst.idx.msk $0xffff, v12  }
0x5a2: {  	v11 =	vor.u32 v52, v63;
	v13 =	vor.u32 v42, v23;
	v12 =	vld.idx.msk [tilespmem:v14+s3+$0x0], $0xffff  }
0x5a3: {  	v14 =	vor.u32 v27, v6;
	_ =	sdelay $0x1  }
0x5a4: {  	v16 =	vld [tilespmem:s24+$0x0];
	[tilespmem:v7+s19+$0x0] =	vst.idx.msk $0xffff, v3  }
0x5a5: {  	v3 =	vmax.f32 v15, $0.0e+00;
	[tilespmem:v10+s19+$0x0] =	vst.idx.msk $0xffff, v9;
	v7 =	vld.idx.msk [tilespmem:v8+s3+$0x0], $0xffff;
	v8 =	vor.u32 v55, v61  }
0x5a6: {  	v10 =	vor.u32 v52, v58;
	v3 =	vmin.f32 v3, $3.990000000e+02;
	v11 =	vld.idx.msk [tilespmem:v11+s3+$0x0], $0xffff;
	[tilespmem:v13+s19+$0x0] =	vst.idx.msk $0xffff, v12  }
0x5a7: {  	v15 =	vor.u32 v55, v60;
	v3 =	vtrunc.f32 v3;
	v13 =	vld.idx.msk [tilespmem:v14+s3+$0x0], $0xffff;
	v14 =	vor.u32 v27, v23  }
0x5a8: {  	v3 =	vcvt.f32.s32 v3;
	_ =	sdelay $0x1  }
0x5a9: {  	v9 =	vshll.u32 v3, $0x5;
	[tilespmem:v8+s19+$0x0] =	vst.idx.msk $0xffff, v7;
	v12 =	vor.u32 v52, v59  }
0x5aa: {  	v17 =	vor.u32 v18, v61;
	v7 =	vor.u32 v22, v9;
	v8 =	vmax.f32 v16, $0.0e+00;
	[tilespmem:v10+s19+$0x0] =	vst.idx.msk $0xffff, v11  }
0x5ab: {  	s25 =	simm.s32 $0x30;
	v3 =	vor.u32 v27, v4;
	v15 =	vld.idx.msk [tilespmem:v15+s3+$0x0], $0xffff;
	v8 =	vmin.f32 v8, $3.990000000e+02;
	[tilespmem:v14+s19+$0x0] =	vst.idx.msk $0xffff, v13  }
0x5ac: {  	v16 =	vmov s25;
	v8 =	vtrunc.f32 v8;
	v54 =	vld [tilespmem:$0x1FF30]  }
0x5ad: {  	v28 =	vmov v18;
	v11 =	vshll.u32 v16, $0x7;
	v8 =	vcvt.f32.s32 v8  }
0x5ae: {  	v18 =	vor.u32 v56, v62;
	v10 =	vor.u32 v48, v58;
	v26 =	vor.u32 v21, v11;
	v12 =	vld.idx.msk [tilespmem:v12+s3+$0x0], $0xffff  }
0x5af: {  	v16 =	vor.u32 v22, v26;
	v7 =	vld.idx.msk [tilespmem:v7+s3+$0x0], $0xffff;
	v11 =	vshll.u32 v8, $0x5;
	v13 =	vor.u32 v41, v63  }
0x5b0: {  	v14 =	vor.u32 v20, v23;
	v3 =	vld.idx.msk [tilespmem:v3+s3+$0x0], $0xffff;
	[tilespmem:v17+s19+$0x0] =	vst.idx.msk $0xffff, v15;
	v15 =	vor.u32 v22, v11  }
0x5b1: {  	v8 =	vor.u32 v54, v6;
	_ =	sdelay $0x1  }
0x5b2: {  	v17 =	vld.idx.msk [tilespmem:v18+s3+$0x0], $0xffff;
	v18 =	vor.u32 v56, v61;
	[tilespmem:v10+s19+$0x0] =	vst.idx.msk $0xffff, v12  }
0x5b3: {  	[tilespmem:v16+s19+$0x0] =	vst.idx.msk $0xffff, v7;
	v12 =	vld.idx.msk [tilespmem:v13+s3+$0x0], $0xffff;
	v13 =	vor.u32 v41, v58  }
0x5b4: {  	[tilespmem:v14+s19+$0x0] =	vst.idx.msk $0xffff, v3;
	v14 =	vld.idx.msk [tilespmem:v15+s3+$0x0], $0xffff;
	v15 =	vor.u32 v33, v26  }
0x5b5: {  	v10 =	vor.u32 v56, v60;
	v7 =	vld.idx.msk [tilespmem:v8+s3+$0x0], $0xffff;
	v8 =	vor.u32 v54, v23;
	_ =	sdelay $0x1  }
0x5b6: {  	[tilespmem:v18+s19+$0x0] =	vst.idx.msk $0xffff, v17  }
0x5b7: {  	v3 =	vor.u32 v41, v59;
	[tilespmem:v13+s19+$0x0] =	vst.idx.msk $0xffff, v12  }
0x5b8: {  	v17 =	vor.u32 v40, v9;
	[tilespmem:v15+s19+$0x0] =	vst.idx.msk $0xffff, v14  }
0x5b9: {  	v16 =	vor.u32 v54, v4;
	v10 =	vld.idx.msk [tilespmem:v10+s3+$0x0], $0xffff;
	[tilespmem:v8+s19+$0x0] =	vst.idx.msk $0xffff, v7  }
0x5ba: {  	v18 =	vor.u32 v1, v61;
	v50 =	vld [tilespmem:$0x1FDF0]  }
0x5bb: {  	v45 =	vld [tilespmem:$0x1FE00]  }
0x5bc: {  	v3 =	vld.idx.msk [tilespmem:v3+s3+$0x0], $0xffff  }
0x5bd: {  	v12 =	vor.u32 v36, v62;
	v13 =	vor.u32 v19, v58;
	v15 =	vld.idx.msk [tilespmem:v17+s3+$0x0], $0xffff  }
0x5be: {  	v7 =	vor.u32 v39, v63;
	v8 =	vld.idx.msk [tilespmem:v16+s3+$0x0], $0xffff;
	v16 =	vor.u32 v40, v26  }
0x5bf: {  	[tilespmem:v18+s19+$0x0] =	vst.idx.msk $0xffff, v10;
	v10 =	vor.u32 v40, v11;
	v14 =	vor.u32 v50, v23  }
0x5c0: {  	v17 =	vor.u32 v45, v6;
	_ =	sdelay $0x1  }
0x5c1: {  	v18 =	vor.u32 v36, v61;
	[tilespmem:v13+s19+$0x0] =	vst.idx.msk $0xffff, v3;
	v12 =	vld.idx.msk [tilespmem:v12+s3+$0x0], $0xffff  }
0x5c2: {  	v57 =	vmov v38;
	v13 =	vor.u32 v39, v58;
	v7 =	vld.idx.msk [tilespmem:v7+s3+$0x0], $0xffff;
	[tilespmem:v16+s19+$0x0] =	vst.idx.msk $0xffff, v15  }
0x5c3: {  	v16 =	vor.u32 v57, v26;
	v10 =	vld.idx.msk [tilespmem:v10+s3+$0x0], $0xffff;
	[tilespmem:v14+s19+$0x0] =	vst.idx.msk $0xffff, v8  }
0x5c4: {  	v3 =	vor.u32 v36, v60;
	v15 =	vor.u32 v45, v23;
	v14 =	vld.idx.msk [tilespmem:v17+s3+$0x0], $0xffff;
	_ =	sdelay $0x1  }
0x5c5: {  	[tilespmem:v18+s19+$0x0] =	vst.idx.msk $0xffff, v12  }
0x5c6: {  	[tilespmem:v13+s19+$0x0] =	vst.idx.msk $0xffff, v7  }
0x5c7: {  	v8 =	vor.u32 v39, v59;
	[tilespmem:v16+s19+$0x0] =	vst.idx.msk $0xffff, v10  }
0x5c8: {  	v12 =	vor.u32 v44, v9;
	v3 =	vld.idx.msk [tilespmem:v3+s3+$0x0], $0xffff;
	[tilespmem:v15+s19+$0x0] =	vst.idx.msk $0xffff, v14  }
0x5c9: {  	v18 =	vor.u32 v53, v61;
	v17 =	vor.u32 v45, v4;
	v5 =	vld [tilespmem:$0x1FF40]  }
0x5ca: {  	v25 =	vmovc v51;
	v51 =	vmov v20;
	v20 =	vmov v19;
	v19 =	vmov v43;
	v43 =	vld [tilespmem:$0x1FEC0]  }
0x5cb: {  	v38 =	vmov v31  }
0x5cc: {  	v7 =	vor.u32 v38, v62;
	v13 =	vor.u32 v34, v58;
	v8 =	vld.idx.msk [tilespmem:v8+s3+$0x0], $0xffff  }
0x5cd: {  	v16 =	vor.u32 v44, v26;
	v12 =	vld.idx.msk [tilespmem:v12+s3+$0x0], $0xffff;
	v14 =	vor.u32 v46, v63  }
0x5ce: {  	v10 =	vld.idx.msk [tilespmem:v17+s3+$0x0], $0xffff;
	[tilespmem:v18+s19+$0x0] =	vst.idx.msk $0xffff, v3;
	v3 =	vor.u32 v44, v11;
	v15 =	vor.u32 v5, v23  }
0x5cf: {  	v17 =	vor.u32 v43, v6;
	_ =	sdelay $0x1  }
0x5d0: {  	v18 =	vor.u32 v38, v61;
	v7 =	vld.idx.msk [tilespmem:v7+s3+$0x0], $0xffff;
	[tilespmem:v13+s19+$0x0] =	vst.idx.msk $0xffff, v8  }
0x5d1: {  	[tilespmem:v16+s19+$0x0] =	vst.idx.msk $0xffff, v12;
	v13 =	vld.idx.msk [tilespmem:v14+s3+$0x0], $0xffff;
	v14 =	vor.u32 v46, v58  }
0x5d2: {  	v16 =	vor.u32 v35, v26;
	v3 =	vld.idx.msk [tilespmem:v3+s3+$0x0], $0xffff;
	[tilespmem:v15+s19+$0x0] =	vst.idx.msk $0xffff, v10  }
0x5d3: {  	v8 =	vor.u32 v38, v60;
	v15 =	vor.u32 v43, v23;
	v12 =	vld.idx.msk [tilespmem:v17+s3+$0x0], $0xffff;
	_ =	sdelay $0x1  }
0x5d4: {  	[tilespmem:v18+s19+$0x0] =	vst.idx.msk $0xffff, v7  }
0x5d5: {  	[tilespmem:v14+s19+$0x0] =	vst.idx.msk $0xffff, v13  }
0x5d6: {  	v10 =	vor.u32 v46, v59;
	[tilespmem:v16+s19+$0x0] =	vst.idx.msk $0xffff, v3  }
0x5d7: {  	v7 =	vor.u32 v25, v9;
	v8 =	vld.idx.msk [tilespmem:v8+s3+$0x0], $0xffff;
	[tilespmem:v15+s19+$0x0] =	vst.idx.msk $0xffff, v12  }
0x5d8: {  	v18 =	vor.u32 v29, v61;
	v17 =	vor.u32 v43, v4;
	v15 =	vld [tilespmem:$0x1FB40]  }
0x5d9: {  	v31 =	vmov v21;
	v21 =	vld [tilespmem:$0x1FFF0];
	_ =	sdelay $0x1  }
0x5da: {  	v13 =	vor.u32 v49, v62;
	v14 =	vor.u32 v19, v58;
	v10 =	vld.idx.msk [tilespmem:v10+s3+$0x0], $0xffff  }
0x5db: {  	v16 =	vor.u32 v25, v26;
	v7 =	vld.idx.msk [tilespmem:v7+s3+$0x0], $0xffff;
	v12 =	vor.u32 v32, v63  }
0x5dc: {  	v3 =	vld.idx.msk [tilespmem:v17+s3+$0x0], $0xffff;
	[tilespmem:v18+s19+$0x0] =	vst.idx.msk $0xffff, v8;
	v8 =	vor.u32 v25, v11;
	v15 =	vor.u32 v15, v23  }
0x5dd: {  	v17 =	vor.u32 v21, v6;
	_ =	sdelay $0x1  }
0x5de: {  	v18 =	vor.u32 v49, v61;
	v13 =	vld.idx.msk [tilespmem:v13+s3+$0x0], $0xffff;
	[tilespmem:v14+s19+$0x0] =	vst.idx.msk $0xffff, v10  }
0x5df: {  	[tilespmem:v16+s19+$0x0] =	vst.idx.msk $0xffff, v7;
	v14 =	vor.u32 v32, v58;
	v12 =	vld.idx.msk [tilespmem:v12+s3+$0x0], $0xffff  }
0x5e0: {  	v16 =	vor.u32 v37, v26;
	v8 =	vld.idx.msk [tilespmem:v8+s3+$0x0], $0xffff;
	[tilespmem:v15+s19+$0x0] =	vst.idx.msk $0xffff, v3  }
0x5e1: {  	v10 =	vor.u32 v49, v60;
	v15 =	vor.u32 v21, v23;
	v7 =	vld.idx.msk [tilespmem:v17+s3+$0x0], $0xffff;
	_ =	sdelay $0x1  }
0x5e2: {  	[tilespmem:v18+s19+$0x0] =	vst.idx.msk $0xffff, v13  }
0x5e3: {  	s26 =	simm.s32 $0x5B88;
	[tilespmem:v14+s19+$0x0] =	vst.idx.msk $0xffff, v12  }
0x5e4: {  	v19 =	vld [tilespmem:s26+$0xFFFFFEB8];
	v3 =	vor.u32 v32, v59;
	[tilespmem:v16+s19+$0x0] =	vst.idx.msk $0xffff, v8  }
0x5e5: {  	v13 =	vor.u32 v55, v9;
	v10 =	vld.idx.msk [tilespmem:v10+s3+$0x0], $0xffff;
	[tilespmem:v15+s19+$0x0] =	vst.idx.msk $0xffff, v7  }
0x5e6: {  	v17 =	vor.u32 v21, v4;
	v15 =	vld [tilespmem:$0x1FE90]  }
0x5e7: {  	v18 =	vor.u32 v24, v61;
	v24 =	vld [tilespmem:$0x1F820]  }
0x5e8: {  	v12 =	vor.u32 v52, v62  }
0x5e9: {  	v14 =	vor.u32 v42, v58;
	v3 =	vld.idx.msk [tilespmem:v3+s3+$0x0], $0xffff  }
0x5ea: {  	v13 =	vld.idx.msk [tilespmem:v13+s3+$0x0], $0xffff;
	v7 =	vor.u32 v27, v63  }
0x5eb: {  	v16 =	vmax.f32 v19, $0.0e+00;
	v8 =	vld.idx.msk [tilespmem:v17+s3+$0x0], $0xffff;
	v15 =	vor.u32 v15, v23  }
0x5ec: {  	v21 =	vld [tilespmem:s26+$0x0];
	v16 =	vmin.f32 v16, $3.990000000e+02;
	v17 =	vor.u32 v55, v26;
	[tilespmem:v18+s19+$0x0] =	vst.idx.msk $0xffff, v10;
	v19 =	vor.u32 v24, v6  }
0x5ed: {  	v16 =	vtrunc.f32 v16;
	v10 =	vor.u32 v55, v11;
	v18 =	vor.u32 v52, v61;
	v12 =	vld.idx.msk [tilespmem:v12+s3+$0x0], $0xffff  }
0x5ee: {  	[tilespmem:v14+s19+$0x0] =	vst.idx.msk $0xffff, v3;
	v3 =	vcvt.f32.s32 v16;
	v16 =	vor.u32 v52, v60  }
0x5ef: {  	v22 =	vor.u32 v27, v58;
	v7 =	vld.idx.msk [tilespmem:v7+s3+$0x0], $0xffff  }
0x5f0: {  	v30 =	vlaneseq.u32;
	v14 =	vshll.u32 v3, $0x5;
	v3 =	vor.u32 v27, v59;
	[tilespmem:v15+s19+$0x0] =	vst.idx.msk $0xffff, v8  }
0x5f1: {  	[tilespmem:v17+s19+$0x0] =	vst.idx.msk $0xffff, v13;
	v15 =	vor.u32 v30, v14;
	v13 =	vld.idx.msk [tilespmem:v19+s3+$0x0], $0xffff;
	v19 =	vor.u32 v24, v23  }
0x5f2: {  	s28 =	simm.s32 $0x40;
	v17 =	vmax.f32 v21, $0.0e+00;
	v29 =	vmov v24;
	v10 =	vld.idx.msk [tilespmem:v10+s3+$0x0], $0xffff;
	[tilespmem:v18+s19+$0x0] =	vst.idx.msk $0xffff, v12;
	v24 =	vor.u32 v28, v26  }
0x5f3: {  	v21 =	vor.u32 v48, v61;
	v17 =	vmin.f32 v17, $3.990000000e+02;
	v16 =	vld.idx.msk [tilespmem:v16+s3+$0x0], $0xffff;
	v8 =	vmov s28  }
0x5f4: {  	v12 =	vtrunc.f32 v17;
	v17 =	vor.u32 v56, v9;
	[tilespmem:v22+s19+$0x0] =	vst.idx.msk $0xffff, v7;
	v8 =	vshll.u32 v8, $0x7  }
0x5f5: {  	v37 =	vmovc v29;
	v7 =	vcvt.f32.s32 v12;
	v22 =	vor.u32 v51, v58;
	v3 =	vld.idx.msk [tilespmem:v3+s3+$0x0], $0xffff;
	v12 =	vor.u32 v31, v8  }
0x5f6: {  	v28 =	vor.u32 v29, v4;
	v29 =	vor.u32 v30, v12;
	v15 =	vld.idx.msk [tilespmem:v15+s3+$0x0], $0xffff;
	[tilespmem:v19+s19+$0x0] =	vst.idx.msk $0xffff, v13  }
0x5f7: {  	[tilespmem:v24+s19+$0x0] =	vst.idx.msk $0xffff, v10  }
0x5f8: {  	v47 =	vld [tilespmem:$0x1F830];
	[tilespmem:v21+s19+$0x0] =	vst.idx.msk $0xffff, v16  }
0x5f9: {  	v33 =	vmov v53;
	v8 =	vor.u32 v41, v62;
	v53 =	vld [tilespmem:$0x1FBF0]  }
0x5fa: {  	[tilespmem:v22+s19+$0x0] =	vst.idx.msk $0xffff, v3  }
0x5fb: {  	v18 =	vshll.u32 v7, $0x5;
	v7 =	vor.u32 v54, v63;
	v17 =	vld.idx.msk [tilespmem:v17+s3+$0x0], $0xffff;
	[tilespmem:v29+s19+$0x0] =	vst.idx.msk $0xffff, v15  }
0x5fc: {  	v13 =	vor.u32 v30, v18;
	v24 =	vor.u32 v56, v26;
	v30 =	vld [tilespmem:$0x1FA70]  }
0x5fd: {  	v10 =	vld.idx.msk [tilespmem:v28+s3+$0x0], $0xffff;
	v21 =	vor.u32 v56, v11;
	v19 =	vor.u32 v47, v23  }
0x5fe: {  	v28 =	vor.u32 v41, v61;
	v8 =	vld.idx.msk [tilespmem:v8+s3+$0x0], $0xffff;
	v16 =	vor.u32 v53, v6  }
0x5ff: {  	v3 =	vor.u32 v41, v60  }
0x600: {  	v7 =	vld.idx.msk [tilespmem:v7+s3+$0x0], $0xffff;
	v15 =	vor.u32 v54, v58  }
0x601: {  	v13 =	vld.idx.msk [tilespmem:v13+s3+$0x0], $0xffff;
	[tilespmem:v24+s19+$0x0] =	vst.idx.msk $0xffff, v17;
	v22 =	vor.u32 v30, v12  }
0x602: {  	[tilespmem:v19+s19+$0x0] =	vst.idx.msk $0xffff, v10;
	v19 =	vld.idx.msk [tilespmem:v21+s3+$0x0], $0xffff;
	v21 =	vor.u32 v1, v26  }
0x603: {  	v17 =	vor.u32 v53, v23;
	[tilespmem:v28+s19+$0x0] =	vst.idx.msk $0xffff, v8;
	v16 =	vld.idx.msk [tilespmem:v16+s3+$0x0], $0xffff  }
0x604: {  	v28 =	vor.u32 v20, v61;
	v3 =	vld.idx.msk [tilespmem:v3+s3+$0x0], $0xffff  }
0x605: {  	[tilespmem:v15+s19+$0x0] =	vst.idx.msk $0xffff, v7  }
0x606: {  	v29 =	vor.u32 v54, v59;
	[tilespmem:v22+s19+$0x0] =	vst.idx.msk $0xffff, v13  }
0x607: {  	v10 =	vor.u32 v40, v14;
	[tilespmem:v21+s19+$0x0] =	vst.idx.msk $0xffff, v19  }
0x608: {  	v24 =	vor.u32 v36, v9;
	[tilespmem:v17+s19+$0x0] =	vst.idx.msk $0xffff, v16  }
0x609: {  	v8 =	vor.u32 v53, v4;
	v17 =	vld [tilespmem:$0x1F800];
	[tilespmem:v28+s19+$0x0] =	vst.idx.msk $0xffff, v3  }
0x60a: {  	v20 =	vmov v57;
	v57 =	vld [tilespmem:$0x1F9D0]  }
0x60b: {  	v7 =	vor.u32 v39, v62;
	v15 =	vor.u32 v50, v58;
	v13 =	vld.idx.msk [tilespmem:v29+s3+$0x0], $0xffff  }
0x60c: {  	v22 =	vor.u32 v40, v12;
	v29 =	vor.u32 v45, v63;
	v10 =	vld.idx.msk [tilespmem:v10+s3+$0x0], $0xffff  }
0x60d: {  	v21 =	vor.u32 v36, v26;
	v16 =	vor.u32 v40, v18;
	v19 =	vld.idx.msk [tilespmem:v24+s3+$0x0], $0xffff  }
0x60e: {  	v24 =	vor.u32 v36, v11;
	v8 =	vld.idx.msk [tilespmem:v8+s3+$0x0], $0xffff;
	v17 =	vor.u32 v17, v23  }
0x60f: {  	v3 =	vor.u32 v57, v6  }
0x610: {  	v28 =	vor.u32 v39, v61;
	v7 =	vld.idx.msk [tilespmem:v7+s3+$0x0], $0xffff;
	[tilespmem:v15+s19+$0x0] =	vst.idx.msk $0xffff, v13  }
0x611: {  	v15 =	vor.u32 v45, v58;
	[tilespmem:v22+s19+$0x0] =	vst.idx.msk $0xffff, v10;
	v13 =	vld.idx.msk [tilespmem:v29+s3+$0x0], $0xffff  }
0x612: {  	v22 =	vor.u32 v20, v12;
	v16 =	vld.idx.msk [tilespmem:v16+s3+$0x0], $0xffff;
	[tilespmem:v21+s19+$0x0] =	vst.idx.msk $0xffff, v19  }
0x613: {  	v21 =	vor.u32 v33, v26;
	v19 =	vld.idx.msk [tilespmem:v24+s3+$0x0], $0xffff;
	[tilespmem:v17+s19+$0x0] =	vst.idx.msk $0xffff, v8  }
0x614: {  	v17 =	vor.u32 v57, v23;
	v3 =	vld.idx.msk [tilespmem:v3+s3+$0x0], $0xffff  }
0x615: {  	[tilespmem:v28+s19+$0x0] =	vst.idx.msk $0xffff, v7  }
0x616: {  	v10 =	vor.u32 v39, v60;
	[tilespmem:v15+s19+$0x0] =	vst.idx.msk $0xffff, v13  }
0x617: {  	v29 =	vor.u32 v45, v59;
	[tilespmem:v22+s19+$0x0] =	vst.idx.msk $0xffff, v16  }
0x618: {  	v24 =	vor.u32 v38, v9;
	[tilespmem:v21+s19+$0x0] =	vst.idx.msk $0xffff, v19  }
0x619: {  	v8 =	vor.u32 v44, v14;
	[tilespmem:v17+s19+$0x0] =	vst.idx.msk $0xffff, v3  }
0x61a: {  	v7 =	vor.u32 v57, v4;
	v16 =	vor.u32 v5, v58;
	v5 =	vld [tilespmem:$0x1F9F0]  }
0x61b: {  	v28 =	vor.u32 v34, v61;
	v10 =	vld.idx.msk [tilespmem:v10+s3+$0x0], $0xffff  }
0x61c: {  	v15 =	vld.idx.msk [tilespmem:v29+s3+$0x0], $0xffff  }
0x61d: {  	v21 =	vor.u32 v38, v26;
	v19 =	vld.idx.msk [tilespmem:v24+s3+$0x0], $0xffff  }
0x61e: {  	v22 =	vor.u32 v44, v12;
	v8 =	vld.idx.msk [tilespmem:v8+s3+$0x0], $0xffff  }
0x61f: {  	v13 =	vor.u32 v46, v62;
	v7 =	vld.idx.msk [tilespmem:v7+s3+$0x0], $0xffff;
	v17 =	vor.u32 v5, v23  }
0x620: {  	[tilespmem:v28+s19+$0x0] =	vst.idx.msk $0xffff, v10  }
0x621: {  	v34 =	vld [tilespmem:$0x1FA00];
	[tilespmem:v16+s19+$0x0] =	vst.idx.msk $0xffff, v15  }
0x622: {  	[tilespmem:v21+s19+$0x0] =	vst.idx.msk $0xffff, v19  }
0x623: {  	v29 =	vor.u32 v43, v63;
	[tilespmem:v22+s19+$0x0] =	vst.idx.msk $0xffff, v8  }
0x624: {  	v3 =	vor.u32 v44, v18;
	v28 =	vor.u32 v46, v61;
	v13 =	vld.idx.msk [tilespmem:v13+s3+$0x0], $0xffff;
	[tilespmem:v17+s19+$0x0] =	vst.idx.msk $0xffff, v7  }
0x625: {  	v5 =	vld [tilespmem:$0x1FD70];
	_ =	sdelay $0x2  }
0x626: {  	v16 =	vor.u32 v43, v58;
	v15 =	vld.idx.msk [tilespmem:v29+s3+$0x0], $0xffff;
	v10 =	vor.u32 v34, v6  }
0x627: {  	v24 =	vor.u32 v38, v11;
	v22 =	vor.u32 v35, v12;
	v3 =	vld.idx.msk [tilespmem:v3+s3+$0x0], $0xffff;
	[tilespmem:v28+s19+$0x0] =	vst.idx.msk $0xffff, v13  }
0x628: {  	v21 =	vor.u32 v5, v26;
	v5 =	vld [tilespmem:$0x1FDC0];
	_ =	sdelay $0x2  }
0x629: {  	v17 =	vor.u32 v34, v23;
	v10 =	vld.idx.msk [tilespmem:v10+s3+$0x0], $0xffff;
	[tilespmem:v16+s19+$0x0] =	vst.idx.msk $0xffff, v15  }
0x62a: {  	v19 =	vld.idx.msk [tilespmem:v24+s3+$0x0], $0xffff;
	v8 =	vor.u32 v46, v60;
	[tilespmem:v22+s19+$0x0] =	vst.idx.msk $0xffff, v3  }
0x62b: {  	v28 =	vor.u32 v5, v61;
	v5 =	vld [tilespmem:$0x1FB40]  }
0x62c: {  	v29 =	vor.u32 v43, v59  }
0x62d: {  	v7 =	vor.u32 v25, v14  }
0x62e: {  	v13 =	vor.u32 v34, v4;
	v20 =	vld [tilespmem:$0x1FFF0];
	[tilespmem:v17+s19+$0x0] =	vst.idx.msk $0xffff, v10  }
0x62f: {  	v24 =	vor.u32 v49, v9;
	v8 =	vld.idx.msk [tilespmem:v8+s3+$0x0], $0xffff;
	[tilespmem:v21+s19+$0x0] =	vst.idx.msk $0xffff, v19  }
0x630: {  	v16 =	vor.u32 v5, v58;
	v5 =	vld [tilespmem:$0x1F810]  }
0x631: {  	v15 =	vld.idx.msk [tilespmem:v29+s3+$0x0], $0xffff  }
0x632: {  	v7 =	vld.idx.msk [tilespmem:v7+s3+$0x0], $0xffff  }
0x633: {  	v3 =	vor.u32 v32, v62;
	v22 =	vor.u32 v25, v12;
	v13 =	vld.idx.msk [tilespmem:v13+s3+$0x0], $0xffff  }
0x634: {  	v21 =	vor.u32 v49, v26;
	v29 =	vor.u32 v20, v63;
	v19 =	vld.idx.msk [tilespmem:v24+s3+$0x0], $0xffff;
	[tilespmem:v28+s19+$0x0] =	vst.idx.msk $0xffff, v8  }
0x635: {  	v10 =	vor.u32 v25, v18;
	v17 =	vor.u32 v5, v23;
	v5 =	vld [tilespmem:$0x1F8C0]  }
0x636: {  	v30 =	vld [tilespmem:$0x1FD40]  }
0x637: {  	[tilespmem:v16+s19+$0x0] =	vst.idx.msk $0xffff, v15  }
0x638: {  	v24 =	vor.u32 v49, v11;
	v28 =	vor.u32 v32, v61;
	v3 =	vld.idx.msk [tilespmem:v3+s3+$0x0], $0xffff;
	[tilespmem:v22+s19+$0x0] =	vst.idx.msk $0xffff, v7  }
0x639: {  	v7 =	vor.u32 v32, v60;
	[tilespmem:v21+s19+$0x0] =	vst.idx.msk $0xffff, v19;
	v15 =	vld.idx.msk [tilespmem:v29+s3+$0x0], $0xffff  }
0x63a: {  	v16 =	vor.u32 v20, v58;
	v10 =	vld.idx.msk [tilespmem:v10+s3+$0x0], $0xffff;
	v8 =	vor.u32 v5, v6;
	[tilespmem:v17+s19+$0x0] =	vst.idx.msk $0xffff, v13  }
0x63b: {  	v22 =	vor.u32 v30, v12;
	v29 =	vor.u32 v20, v59;
	v20 =	vld [tilespmem:$0x1FD80];
	_ =	sdelay $0x1  }
0x63c: {  	v19 =	vld.idx.msk [tilespmem:v24+s3+$0x0], $0xffff;
	[tilespmem:v28+s19+$0x0] =	vst.idx.msk $0xffff, v3  }
0x63d: {  	v28 =	vor.u32 v42, v61;
	v7 =	vld.idx.msk [tilespmem:v7+s3+$0x0], $0xffff  }
0x63e: {  	v17 =	vor.u32 v5, v23;
	[tilespmem:v16+s19+$0x0] =	vst.idx.msk $0xffff, v15;
	v8 =	vld.idx.msk [tilespmem:v8+s3+$0x0], $0xffff  }
0x63f: {  	v13 =	vor.u32 v55, v14;
	v15 =	vld [tilespmem:$0x1F930];
	[tilespmem:v22+s19+$0x0] =	vst.idx.msk $0xffff, v10;
	v21 =	vor.u32 v20, v26  }
0x640: {  	v20 =	vld [tilespmem:$0x1FE90]  }
0x641: {  	s29 =	simm.s32 $0x5B98;
	v10 =	vor.u32 v27, v62  }
0x642: {  	v30 =	vld [tilespmem:s29+$0xFFFFFEB8];
	v3 =	vor.u32 v5, v4;
	[tilespmem:v28+s19+$0x0] =	vst.idx.msk $0xffff, v7  }
0x643: {  	v24 =	vor.u32 v52, v9;
	v16 =	vld.idx.msk [tilespmem:v29+s3+$0x0], $0xffff;
	[tilespmem:v17+s19+$0x0] =	vst.idx.msk $0xffff, v8  }
0x644: {  	v29 =	vor.u32 v55, v12;
	v13 =	vld.idx.msk [tilespmem:v13+s3+$0x0], $0xffff;
	[tilespmem:v21+s19+$0x0] =	vst.idx.msk $0xffff, v19  }
0x645: {  	v22 =	vor.u32 v20, v58;
	v20 =	vld [tilespmem:$0x1F8B0]  }
0x646: {  	v10 =	vld.idx.msk [tilespmem:v10+s3+$0x0], $0xffff  }
0x647: {  	v15 =	vor.u32 v15, v23;
	v3 =	vld.idx.msk [tilespmem:v3+s3+$0x0], $0xffff;
	v19 =	vor.u32 v55, v18  }
0x648: {  	v33 =	vor.u32 v52, v26;
	v30 =	vmax.f32 v30, $0.0e+00;
	v8 =	vor.u32 v37, v63;
	v21 =	vld.idx.msk [tilespmem:v24+s3+$0x0], $0xffff  }
0x649: {  	v17 =	vmin.f32 v30, $3.990000000e+02;
	v30 =	vor.u32 v27, v61;
	v24 =	vor.u32 v52, v11;
	[tilespmem:v29+s19+$0x0] =	vst.idx.msk $0xffff, v13  }
0x64a: {  	v31 =	vld [tilespmem:s29+$0x0];
	v17 =	vtrunc.f32 v17;
	[tilespmem:v22+s19+$0x0] =	vst.idx.msk $0xffff, v16;
	v7 =	vor.u32 v20, v6  }
0x64b: {  	v17 =	vcvt.f32.s32 v17;
	v22 =	vld [tilespmem:$0x1FD50]  }
0x64c: {  	v19 =	vld.idx.msk [tilespmem:v19+s3+$0x0], $0xffff;
	[tilespmem:v15+s19+$0x0] =	vst.idx.msk $0xffff, v3  }
0x64d: {  	v50 =	vmovc v37;
	v28 =	vshll.u32 v17, $0x5;
	v17 =	vor.u32 v37, v58;
	v37 =	vlaneseq.u32;
	v8 =	vld.idx.msk [tilespmem:v8+s3+$0x0], $0xffff;
	[tilespmem:v33+s19+$0x0] =	vst.idx.msk $0xffff, v21  }
0x64e: {  	v13 =	vor.u32 v37, v28;
	[tilespmem:v30+s19+$0x0] =	vst.idx.msk $0xffff, v10;
	v10 =	vor.u32 v48, v26;
	v24 =	vld.idx.msk [tilespmem:v24+s3+$0x0], $0xffff  }
0x64f: {  	v16 =	vor.u32 v27, v60;
	v35 =	vor.u32 v20, v23;
	v7 =	vld.idx.msk [tilespmem:v7+s3+$0x0], $0xffff  }
0x650: {  	v21 =	vor.u32 v50, v59;
	v30 =	vor.u32 v20, v4;
	v50 =	vld [tilespmem:$0x1FA60];
	v29 =	vor.u32 v22, v12;
	_ =	sdelay $0x1  }
0x651: {  	s30 =	simm.s32 $0x50;
	[tilespmem:v17+s19+$0x0] =	vst.idx.msk $0xffff, v8  }
0x652: {  	v3 =	vmax.f32 v31, $0.0e+00;
	v15 =	vmov s30;
	v31 =	vor.u32 v56, v14;
	v13 =	vld.idx.msk [tilespmem:v13+s3+$0x0], $0xffff;
	[tilespmem:v10+s19+$0x0] =	vst.idx.msk $0xffff, v24  }
0x653: {  	v33 =	vor.u32 v51, v61;
	v15 =	vshll.u32 v15, $0x7;
	v16 =	vld.idx.msk [tilespmem:v16+s3+$0x0], $0xffff;
	[tilespmem:v35+s19+$0x0] =	vst.idx.msk $0xffff, v7  }
0x654: {  	v22 =	vor.u32 v50, v15;
	v15 =	vor.u32 v41, v9;
	[tilespmem:v29+s19+$0x0] =	vst.idx.msk $0xffff, v19;
	v10 =	vld.idx.msk [tilespmem:v30+s3+$0x0], $0xffff  }
0x655: {  	v37 =	vor.u32 v37, v22;
	v30 =	vld [tilespmem:$0x1F890]  }
0x656: {  	v3 =	vmin.f32 v3, $3.990000000e+02;
	v8 =	vld.idx.msk [tilespmem:v21+s3+$0x0], $0xffff;
	v19 =	vor.u32 v47, v58  }
0x657: {  	v3 =	vtrunc.f32 v3  }
0x658: {  	v3 =	vcvt.f32.s32 v3;
	v7 =	vor.u32 v56, v12;
	v21 =	vld.idx.msk [tilespmem:v31+s3+$0x0], $0xffff  }
0x659: {  	v15 =	vld.idx.msk [tilespmem:v15+s3+$0x0], $0xffff;
	v31 =	vor.u32 v41, v26;
	[tilespmem:v33+s19+$0x0] =	vst.idx.msk $0xffff, v16  }
0x65a: {  	v42 =	vshll.u32 v3, $0x5;
	v3 =	vor.u32 v54, v62;
	v47 =	vld [tilespmem:$0x1FC90];
	[tilespmem:v37+s19+$0x0] =	vst.idx.msk $0xffff, v13;
	v30 =	vor.u32 v30, v23  }
0x65b: {  	v51 =	vlaneseq.u32;
	[tilespmem:v19+s19+$0x0] =	vst.idx.msk $0xffff, v8  }
0x65c: {  	v17 =	vor.u32 v51, v42;
	v8 =	vld [tilespmem:$0x1FA70]  }
0x65d: {  	v29 =	vor.u32 v53, v63;
	[tilespmem:v7+s19+$0x0] =	vst.idx.msk $0xffff, v21  }
0x65e: {  	v24 =	vor.u32 v56, v18;
	[tilespmem:v31+s19+$0x0] =	vst.idx.msk $0xffff, v15  }
0x65f: {  	v3 =	vld.idx.msk [tilespmem:v3+s3+$0x0], $0xffff;
	v16 =	vor.u32 v47, v6;
	[tilespmem:v30+s19+$0x0] =	vst.idx.msk $0xffff, v10  }
0x660: {  	v13 =	vor.u32 v41, v11;
	v37 =	vor.u32 v54, v61;
	v35 =	vld [tilespmem:$0x1FDA0]  }
0x661: {  	v17 =	vld.idx.msk [tilespmem:v17+s3+$0x0], $0xffff;
	v19 =	vor.u32 v54, v60;
	v8 =	vor.u32 v8, v22  }
0x662: {  	v7 =	vld.idx.msk [tilespmem:v29+s3+$0x0], $0xffff;
	v29 =	vor.u32 v53, v58  }
0x663: {  	v24 =	vld.idx.msk [tilespmem:v24+s3+$0x0], $0xffff;
	v10 =	vor.u32 v1, v12;
	v30 =	vor.u32 v53, v59  }
0x664: {  	v31 =	vor.u32 v47, v23;
	v15 =	vld.idx.msk [tilespmem:v16+s3+$0x0], $0xffff  }
0x665: {  	v13 =	vld.idx.msk [tilespmem:v13+s3+$0x0], $0xffff;
	[tilespmem:v37+s19+$0x0] =	vst.idx.msk $0xffff, v3;
	v35 =	vor.u32 v35, v26  }
0x666: {  	[tilespmem:v8+s19+$0x0] =	vst.idx.msk $0xffff, v17;
	v17 =	vld.idx.msk [tilespmem:v19+s3+$0x0], $0xffff  }
0x667: {  	v19 =	vld [tilespmem:$0x1FDF0];
	[tilespmem:v29+s19+$0x0] =	vst.idx.msk $0xffff, v7  }
0x668: {  	v21 =	vor.u32 v40, v28;
	[tilespmem:v10+s19+$0x0] =	vst.idx.msk $0xffff, v24;
	v10 =	vld.idx.msk [tilespmem:v30+s3+$0x0], $0xffff  }
0x669: {  	v30 =	vld [tilespmem:$0x1F800];
	[tilespmem:v31+s19+$0x0] =	vst.idx.msk $0xffff, v15  }
0x66a: {  	v16 =	vor.u32 v36, v14;
	[tilespmem:v35+s19+$0x0] =	vst.idx.msk $0xffff, v13  }
0x66b: {  	v3 =	vor.u32 v47, v4;
	v33 =	vld [tilespmem:$0x1F990]  }
0x66c: {  	v19 =	vor.u32 v19, v61  }
0x66d: {  	v21 =	vld.idx.msk [tilespmem:v21+s3+$0x0], $0xffff;
	v7 =	vor.u32 v40, v22  }
0x66e: {  	v8 =	vor.u32 v39, v9;
	v30 =	vor.u32 v30, v58  }
0x66f: {  	v16 =	vld.idx.msk [tilespmem:v16+s3+$0x0], $0xffff;
	v15 =	vor.u32 v36, v12  }
0x670: {  	v3 =	vld.idx.msk [tilespmem:v3+s3+$0x0], $0xffff;
	v33 =	vor.u32 v33, v23  }
0x671: {  	[tilespmem:v19+s19+$0x0] =	vst.idx.msk $0xffff, v17  }
0x672: {  	v29 =	vor.u32 v45, v62;
	v56 =	vld [tilespmem:$0x1FF60];
	[tilespmem:v7+s19+$0x0] =	vst.idx.msk $0xffff, v21  }
0x673: {  	v41 =	vor.u32 v39, v26;
	v24 =	vor.u32 v40, v42;
	v8 =	vld.idx.msk [tilespmem:v8+s3+$0x0], $0xffff;
	[tilespmem:v30+s19+$0x0] =	vst.idx.msk $0xffff, v10  }
0x674: {  	v10 =	vld [tilespmem:$0x1FA90];
	[tilespmem:v15+s19+$0x0] =	vst.idx.msk $0xffff, v16  }
0x675: {  	v31 =	vor.u32 v57, v63;
	[tilespmem:v33+s19+$0x0] =	vst.idx.msk $0xffff, v3  }
0x676: {  	v13 =	vor.u32 v36, v18;
	v3 =	vld [tilespmem:$0x1FEE0]  }
0x677: {  	v19 =	vld.idx.msk [tilespmem:v29+s3+$0x0], $0xffff  }
0x678: {  	v21 =	vor.u32 v45, v61;
	v24 =	vld.idx.msk [tilespmem:v24+s3+$0x0], $0xffff;
	v17 =	vor.u32 v56, v6;
	[tilespmem:v41+s19+$0x0] =	vst.idx.msk $0xffff, v8  }
0x679: {  	v7 =	vor.u32 v39, v11;
	v10 =	vor.u32 v10, v22;
	v35 =	vld [tilespmem:$0x1FF00]  }
0x67a: {  	v30 =	vor.u32 v57, v58;
	v15 =	vld.idx.msk [tilespmem:v31+s3+$0x0], $0xffff  }
0x67b: {  	v13 =	vld.idx.msk [tilespmem:v13+s3+$0x0], $0xffff;
	v3 =	vor.u32 v3, v12;
	_ =	sdelay $0x1  }
0x67c: {  	v39 =	vor.u32 v56, v23;
	[tilespmem:v21+s19+$0x0] =	vst.idx.msk $0xffff, v19;
	v8 =	vld.idx.msk [tilespmem:v17+s3+$0x0], $0xffff  }
0x67d: {  	v29 =	vor.u32 v45, v60;
	v7 =	vld.idx.msk [tilespmem:v7+s3+$0x0], $0xffff;
	[tilespmem:v10+s19+$0x0] =	vst.idx.msk $0xffff, v24;
	v35 =	vor.u32 v35, v26  }
0x67e: {  	v24 =	vld [tilespmem:$0x1FF40];
	[tilespmem:v30+s19+$0x0] =	vst.idx.msk $0xffff, v15  }
0x67f: {  	v16 =	vor.u32 v44, v28;
	[tilespmem:v3+s19+$0x0] =	vst.idx.msk $0xffff, v13  }
0x680: {  	v31 =	vor.u32 v57, v59;
	v30 =	vld [tilespmem:$0x1F9F0]  }
0x681: {  	[tilespmem:v39+s19+$0x0] =	vst.idx.msk $0xffff, v8  }
0x682: {  	v21 =	vld.idx.msk [tilespmem:v29+s3+$0x0], $0xffff;
	v17 =	vor.u32 v38, v14;
	[tilespmem:v35+s19+$0x0] =	vst.idx.msk $0xffff, v7  }
0x683: {  	v19 =	vor.u32 v56, v4;
	v24 =	vor.u32 v24, v61;
	v33 =	vld [tilespmem:$0x1F9C0]  }
0x684: {  	v16 =	vld.idx.msk [tilespmem:v16+s3+$0x0], $0xffff;
	v15 =	vor.u32 v44, v22  }
0x685: {  	v10 =	vor.u32 v46, v9;
	v3 =	vld.idx.msk [tilespmem:v31+s3+$0x0], $0xffff;
	v30 =	vor.u32 v30, v58;
	_ =	sdelay $0x1  }
0x686: {  	v17 =	vld.idx.msk [tilespmem:v17+s3+$0x0], $0xffff;
	v8 =	vor.u32 v38, v12  }
0x687: {  	v29 =	vor.u32 v43, v62;
	v7 =	vld.idx.msk [tilespmem:v19+s3+$0x0], $0xffff;
	[tilespmem:v24+s19+$0x0] =	vst.idx.msk $0xffff, v21;
	v33 =	vor.u32 v33, v23  }
0x688: {  	v48 =	vmov v52;
	v52 =	vmov v40;
	v41 =	vld [tilespmem:$0x1F840];
	[tilespmem:v15+s19+$0x0] =	vst.idx.msk $0xffff, v16  }
0x689: {  	v40 =	vor.u32 v46, v26;
	v13 =	vor.u32 v44, v42;
	v10 =	vld.idx.msk [tilespmem:v10+s3+$0x0], $0xffff;
	[tilespmem:v30+s19+$0x0] =	vst.idx.msk $0xffff, v3  }
0x68a: {  	v3 =	vld [tilespmem:$0x1FAB0]  }
0x68b: {  	v31 =	vor.u32 v34, v63;
	[tilespmem:v8+s19+$0x0] =	vst.idx.msk $0xffff, v17  }
0x68c: {  	v19 =	vor.u32 v38, v18;
	v16 =	vld.idx.msk [tilespmem:v29+s3+$0x0], $0xffff;
	[tilespmem:v33+s19+$0x0] =	vst.idx.msk $0xffff, v7  }
0x68d: {  	v15 =	vor.u32 v46, v11;
	v7 =	vld [tilespmem:$0x1FD70]  }
0x68e: {  	v24 =	vor.u32 v43, v61;
	v13 =	vld.idx.msk [tilespmem:v13+s3+$0x0], $0xffff;
	v21 =	vor.u32 v41, v6;
	[tilespmem:v40+s19+$0x0] =	vst.idx.msk $0xffff, v10  }
0x68f: {  	v8 =	vor.u32 v43, v60;
	v37 =	vld [tilespmem:$0x1FDC0];
	v3 =	vor.u32 v3, v22  }
0x690: {  	v30 =	vor.u32 v34, v58;
	v17 =	vld.idx.msk [tilespmem:v31+s3+$0x0], $0xffff  }
0x691: {  	v19 =	vld.idx.msk [tilespmem:v19+s3+$0x0], $0xffff  }
0x692: {  	v10 =	vor.u32 v34, v59;
	v15 =	vld.idx.msk [tilespmem:v15+s3+$0x0], $0xffff;
	v7 =	vor.u32 v7, v12  }
0x693: {  	[tilespmem:v24+s19+$0x0] =	vst.idx.msk $0xffff, v16;
	v21 =	vld.idx.msk [tilespmem:v21+s3+$0x0], $0xffff  }
0x694: {  	v8 =	vld.idx.msk [tilespmem:v8+s3+$0x0], $0xffff;
	v37 =	vor.u32 v37, v26;
	[tilespmem:v3+s19+$0x0] =	vst.idx.msk $0xffff, v13  }
0x695: {  	v53 =	vor.u32 v41, v23;
	v3 =	vor.u32 v32, v9;
	v54 =	vld [tilespmem:$0x1FB40];
	[tilespmem:v30+s19+$0x0] =	vst.idx.msk $0xffff, v17  }
0x696: {  	v56 =	vld [tilespmem:$0x1FE40]  }
0x697: {  	v29 =	vor.u32 v25, v28;
	[tilespmem:v7+s19+$0x0] =	vst.idx.msk $0xffff, v19;
	v19 =	vld.idx.msk [tilespmem:v10+s3+$0x0], $0xffff  }
0x698: {  	v43 =	vor.u32 v49, v14;
	v36 =	vld [tilespmem:$0x1FFF0]  }
0x699: {  	v10 =	vld [tilespmem:$0x1F810];
	[tilespmem:v37+s19+$0x0] =	vst.idx.msk $0xffff, v15  }
0x69a: {  	v16 =	vor.u32 v41, v4;
	[tilespmem:v53+s19+$0x0] =	vst.idx.msk $0xffff, v21;
	v41 =	vld.idx.msk [tilespmem:v3+s3+$0x0], $0xffff  }
0x69b: {  	v3 =	vld [tilespmem:$0x1F880];
	v24 =	vor.u32 v54, v61  }
0x69c: {  	v13 =	vld.idx.msk [tilespmem:v29+s3+$0x0], $0xffff;
	v17 =	vor.u32 v25, v22  }
0x69d: {  	v30 =	vld.idx.msk [tilespmem:v43+s3+$0x0], $0xffff;
	v21 =	vor.u32 v49, v12  }
0x69e: {  	s31 =	simm.s32 $0x60;
	v7 =	vor.u32 v36, v62;
	v38 =	vor.u32 v10, v58  }
0x69f: {  	v31 =	vmov s31  }
0x6a0: {  	v31 =	vshll.u32 v31, $0x7;
	v40 =	vor.u32 v49, v18;
	v49 =	vor.u32 v3, v23;
	v3 =	vld [tilespmem:$0x1F8A0];
	[tilespmem:v24+s19+$0x0] =	vst.idx.msk $0xffff, v8  }
0x6a1: {  	v50 =	vor.u32 v50, v31;
	v31 =	vor.u32 v56, v23;
	v56 =	vld [tilespmem:$0x1FF50];
	[tilespmem:v17+s19+$0x0] =	vst.idx.msk $0xffff, v13  }
0x6a2: {  	v37 =	vld.idx.msk [tilespmem:v16+s3+$0x0], $0xffff;
	[tilespmem:v21+s19+$0x0] =	vst.idx.msk $0xffff, v30  }
0x6a3: {  	v24 =	vld.idx.msk [tilespmem:v7+s3+$0x0], $0xffff;
	[tilespmem:v38+s19+$0x0] =	vst.idx.msk $0xffff, v19  }
0x6a4: {  	v7 =	vld [tilespmem:$0x1FD40]  }
0x6a5: {  	v29 =	vor.u32 v25, v42  }
0x6a6: {  	v15 =	vor.u32 v5, v63  }
0x6a7: {  	s24 =	simm.s32 $0x5BA8  }
0x6a8: {  	v51 =	vor.u32 v32, v26;
	v10 =	vld [tilespmem:s24+$0xFFFFFEB8];
	[tilespmem:v49+s19+$0x0] =	vst.idx.msk $0xffff, v37;
	v54 =	vor.u32 v56, v6  }
0x6a9: {  	v39 =	vmov v47;
	v47 =	vor.u32 v7, v22;
	v7 =	vld [tilespmem:$0x1FD80]  }
0x6aa: {  	v16 =	vld.idx.msk [tilespmem:v29+s3+$0x0], $0xffff  }
0x6ab: {  	v35 =	vor.u32 v20, v58;
	v53 =	vor.u32 v55, v28;
	v43 =	vor.u32 v36, v61;
	v17 =	vld.idx.msk [tilespmem:v15+s3+$0x0], $0xffff  }
0x6ac: {  	v29 =	vor.u32 v36, v60;
	v33 =	vor.u32 v3, v23;
	v3 =	vor.u32 v32, v11;
	v37 =	vld.idx.msk [tilespmem:v40+s3+$0x0], $0xffff  }
0x6ad: {  	v25 =	vmov v44;
	v36 =	vmov v55;
	v38 =	vor.u32 v5, v58;
	[tilespmem:v51+s19+$0x0] =	vst.idx.msk $0xffff, v41;
	v40 =	vld.idx.msk [tilespmem:v54+s3+$0x0], $0xffff  }
0x6ae: {  	s25 =	simm.s32 $0x70;
	v8 =	vor.u32 v56, v23;
	v41 =	vor.u32 v5, v59;
	v5 =	vmovc v46;
	v54 =	vld [tilespmem:$0x1F820];
	v30 =	vor.u32 v7, v12  }
.LBB2_13:
0x6af: {  	_ =	sdelay $0x1  }
0x6b0: {  	v13 =	vld.idx.msk [tilespmem:v3+s3+$0x0], $0xffff  }
0x6b1: {  	v3 =	vld [tilespmem:$0x1F930]  }
0x6b2: {  	v20 =	vld [tilespmem:$0x1FDD0];
	_ =	sdelay $0x1  }
0x6b3: {  	v49 =	vld [tilespmem:s24+$0x0];
	[tilespmem:v43+s19+$0x0] =	vst.idx.msk $0xffff, v24  }
0x6b4: {  	[tilespmem:v47+s19+$0x0] =	vst.idx.msk $0xffff, v16  }
0x6b5: {  	v7 =	vor.u32 v48, v14;
	v43 =	vld.idx.msk [tilespmem:v29+s3+$0x0], $0xffff  }
0x6b6: {  	v19 =	vor.u32 v3, v58;
	v3 =	vmovc v9;
	v9 =	vmovc v14;
	v14 =	vmov v28;
	v28 =	vor.u32 v20, v26;
	v20 =	vld [tilespmem:$0x1FE90]  }
0x6b7: {  	v51 =	vld.idx.msk [tilespmem:v53+s3+$0x0], $0xffff  }
0x6b8: {  	[tilespmem:v38+s19+$0x0] =	vst.idx.msk $0xffff, v17;
	v17 =	vld [tilespmem:$0x1F820]  }
0x6b9: {  	v21 =	vmov v4;
	v44 =	vld [tilespmem:$0x1FE40]  }
0x6ba: {  	v55 =	vld [tilespmem:$0x1FFA0];
	v24 =	vor.u32 v56, v21;
	[tilespmem:v30+s19+$0x0] =	vst.idx.msk $0xffff, v37  }
0x6bb: {  	v30 =	vld.idx.msk [tilespmem:v41+s3+$0x0], $0xffff;
	v16 =	vor.u32 v27, v3;
	v47 =	vor.u32 v20, v61  }
0x6bc: {  	v53 =	vor.u32 v36, v22;
	v7 =	vld.idx.msk [tilespmem:v7+s3+$0x0], $0xffff  }
0x6bd: {  	[tilespmem:v8+s19+$0x0] =	vst.idx.msk $0xffff, v40;
	v17 =	vor.u32 v17, v62;
	v20 =	vld [tilespmem:$0x1F8B0]  }
0x6be: {  	v32 =	vor.u32 v36, v42;
	v29 =	vmov v23;
	v23 =	vld [tilespmem:$0x1FF90];
	[tilespmem:v28+s19+$0x0] =	vst.idx.msk $0xffff, v13  }
0x6bf: {  	v15 =	vor.u32 v54, v61;
	v4 =	vmov v59;
	v54 =	vor.u32 v48, v12;
	v13 =	vld.idx.msk [tilespmem:v24+s3+$0x0], $0xffff  }
0x6c0: {  	v59 =	vmovc v60;
	v10 =	vmax.f32 v10, $0.0e+00;
	v60 =	vmov v11;
	v11 =	vmov v18;
	v16 =	vld.idx.msk [tilespmem:v16+s3+$0x0], $0xffff;
	[tilespmem:v47+s19+$0x0] =	vst.idx.msk $0xffff, v43  }
0x6c1: {  	v10 =	vmin.f32 v10, $3.990000000e+02;
	v24 =	vor.u32 v48, v11;
	[tilespmem:v53+s19+$0x0] =	vst.idx.msk $0xffff, v51;
	v51 =	vld [tilespmem:$0x1FD50]  }
0x6c2: {  	v8 =	vtrunc.f32 v10;
	v10 =	vor.u32 v20, v63;
	v17 =	vld.idx.msk [tilespmem:v17+s3+$0x0], $0xffff  }
0x6c3: {  	v37 =	vld.idx.msk [tilespmem:v32+s3+$0x0], $0xffff  }
0x6c4: {  	v38 =	vor.u32 v27, v26;
	v8 =	vcvt.f32.s32 v8;
	[tilespmem:v19+s19+$0x0] =	vst.idx.msk $0xffff, v30;
	v19 =	vmax.f32 v49, $0.0e+00;
	v49 =	vld [tilespmem:$0x1FFB0]  }
0x6c5: {  	v46 =	vor.u32 v44, v6;
	[tilespmem:v54+s19+$0x0] =	vst.idx.msk $0xffff, v7;
	v54 =	vld [tilespmem:$0x1F820]  }
0x6c6: {  	v28 =	vshll.u32 v8, $0x5;
	v8 =	vor.u32 v27, v60;
	v53 =	vlaneseq.u32;
	v24 =	vld.idx.msk [tilespmem:v24+s3+$0x0], $0xffff  }
0x6c7: {  	v40 =	vor.u32 v23, v12;
	v23 =	vmovc v58;
	v58 =	vmov v61;
	v47 =	vor.u32 v53, v28;
	v10 =	vld.idx.msk [tilespmem:v10+s3+$0x0], $0xffff  }
0x6c8: {  	v61 =	vmovc v26;
	v26 =	vmov v12;
	v12 =	vmov v22;
	[tilespmem:v33+s19+$0x0] =	vst.idx.msk $0xffff, v13;
	v43 =	vor.u32 v51, v22;
	v22 =	vld [tilespmem:$0x1FFD0]  }
0x6c9: {  	v32 =	vld [tilespmem:$0x1F890];
	v19 =	vmin.f32 v19, $3.990000000e+02;
	[tilespmem:v38+s19+$0x0] =	vst.idx.msk $0xffff, v16  }
0x6ca: {  	v13 =	vtrunc.f32 v19;
	v19 =	vld.idx.msk [tilespmem:v46+s3+$0x0], $0xffff  }
0x6cb: {  	v30 =	vor.u32 v55, v14;
	v13 =	vcvt.f32.s32 v13;
	v8 =	vld.idx.msk [tilespmem:v8+s3+$0x0], $0xffff  }
0x6cc: {  	v41 =	vld.idx.msk [tilespmem:v47+s3+$0x0], $0xffff;
	[tilespmem:v15+s19+$0x0] =	vst.idx.msk $0xffff, v17;
	v7 =	vor.u32 v54, v59  }
0x6cd: {  	v18 =	vmovc v42;
	v42 =	vshll.u32 v13, $0x5;
	v38 =	vor.u32 v22, v61;
	v22 =	vmov v50;
	[tilespmem:v43+s19+$0x0] =	vst.idx.msk $0xffff, v37;
	v43 =	vld [tilespmem:$0x1FF30]  }
0x6ce: {  	v16 =	vor.u32 v20, v4;
	v17 =	vor.u32 v53, v42;
	v47 =	vor.u32 v53, v22;
	v53 =	vld [tilespmem:$0x1F830]  }
0x6cf: {  	v33 =	vor.u32 v49, v9;
	v50 =	vld [tilespmem:$0x1FBF0]  }
0x6d0: {  	v30 =	vld.idx.msk [tilespmem:v30+s3+$0x0], $0xffff  }
0x6d1: {  	v15 =	vor.u32 v44, v21;
	v7 =	vld.idx.msk [tilespmem:v7+s3+$0x0], $0xffff;
	[tilespmem:v35+s19+$0x0] =	vst.idx.msk $0xffff, v10  }
0x6d2: {  	v51 =	vld [tilespmem:$0x1FA70];
	[tilespmem:v40+s19+$0x0] =	vst.idx.msk $0xffff, v24  }
0x6d3: {  	v16 =	vld.idx.msk [tilespmem:v16+s3+$0x0], $0xffff;
	v13 =	vor.u32 v43, v3;
	v37 =	vor.u32 v53, v58  }
0x6d4: {  	v10 =	vor.u32 v55, v12;
	v33 =	vld.idx.msk [tilespmem:v33+s3+$0x0], $0xffff;
	[tilespmem:v31+s19+$0x0] =	vst.idx.msk $0xffff, v19  }
0x6d5: {  	v46 =	vld [tilespmem:$0x1F860];
	v24 =	vor.u32 v50, v62;
	[tilespmem:v38+s19+$0x0] =	vst.idx.msk $0xffff, v8  }
0x6d6: {  	v55 =	vor.u32 v55, v18;
	v40 =	vor.u32 v32, v23;
	v15 =	vld.idx.msk [tilespmem:v15+s3+$0x0], $0xffff;
	[tilespmem:v47+s19+$0x0] =	vst.idx.msk $0xffff, v41  }
0x6d7: {  	v19 =	vor.u32 v49, v26;
	v17 =	vld.idx.msk [tilespmem:v17+s3+$0x0], $0xffff  }
0x6d8: {  	v8 =	vor.u32 v39, v63;
	v13 =	vld.idx.msk [tilespmem:v13+s3+$0x0], $0xffff;
	[tilespmem:v37+s19+$0x0] =	vst.idx.msk $0xffff, v7  }
0x6d9: {  	v31 =	vor.u32 v49, v11;
	v49 =	vld [tilespmem:$0x1FE50];
	[tilespmem:v10+s19+$0x0] =	vst.idx.msk $0xffff, v30  }
0x6da: {  	v38 =	vor.u32 v46, v29;
	v24 =	vld.idx.msk [tilespmem:v24+s3+$0x0], $0xffff  }
0x6db: {  	v35 =	vld.idx.msk [tilespmem:v55+s3+$0x0], $0xffff;
	[tilespmem:v40+s19+$0x0] =	vst.idx.msk $0xffff, v16  }
0x6dc: {  	v16 =	vor.u32 v1, v12;
	v1 =	vld [tilespmem:$0x1FEF0];
	[tilespmem:v19+s19+$0x0] =	vst.idx.msk $0xffff, v33  }
0x6dd: {  	v47 =	vor.u32 v43, v61;
	v8 =	vld.idx.msk [tilespmem:v8+s3+$0x0], $0xffff  }
0x6de: {  	v7 =	vor.u32 v49, v6;
	v37 =	vor.u32 v51, v22;
	v31 =	vld.idx.msk [tilespmem:v31+s3+$0x0], $0xffff  }
0x6df: {  	v10 =	vor.u32 v43, v60;
	[tilespmem:v38+s19+$0x0] =	vst.idx.msk $0xffff, v15;
	v15 =	vld [tilespmem:$0x1FDA0]  }
0x6e0: {  	v53 =	vor.u32 v50, v58;
	v30 =	vor.u32 v52, v28;
	_ =	sdelay $0x1  }
0x6e1: {  	v19 =	vor.u32 v50, v59;
	[tilespmem:v47+s19+$0x0] =	vst.idx.msk $0xffff, v13  }
0x6e2: {  	v50 =	vor.u32 v39, v23;
	v7 =	vld.idx.msk [tilespmem:v7+s3+$0x0], $0xffff;
	[tilespmem:v37+s19+$0x0] =	vst.idx.msk $0xffff, v17;
	v55 =	vor.u32 v1, v14  }
0x6e3: {  	v10 =	vld.idx.msk [tilespmem:v10+s3+$0x0], $0xffff;
	v15 =	vor.u32 v15, v26  }
0x6e4: {  	v30 =	vld.idx.msk [tilespmem:v30+s3+$0x0], $0xffff;
	[tilespmem:v53+s19+$0x0] =	vst.idx.msk $0xffff, v24  }
0x6e5: {  	v47 =	vld [tilespmem:$0x1FF20];
	[tilespmem:v16+s19+$0x0] =	vst.idx.msk $0xffff, v35  }
0x6e6: {  	v19 =	vld.idx.msk [tilespmem:v19+s3+$0x0], $0xffff  }
0x6e7: {  	v33 =	vld.idx.msk [tilespmem:v55+s3+$0x0], $0xffff;
	[tilespmem:v50+s19+$0x0] =	vst.idx.msk $0xffff, v8  }
0x6e8: {  	v8 =	vor.u32 v1, v12;
	[tilespmem:v15+s19+$0x0] =	vst.idx.msk $0xffff, v31;
	v31 =	vor.u32 v1, v18;
	v1 =	vld [tilespmem:$0x1F990]  }
0x6e9: {  	v41 =	vld [tilespmem:$0x1FDF0];
	_ =	sdelay $0x1  }
0x6ea: {  	v13 =	vor.u32 v39, v4  }
0x6eb: {  	v53 =	vld [tilespmem:$0x1F800];
	v17 =	vor.u32 v47, v9  }
0x6ec: {  	v51 =	vor.u32 v49, v29;
	v55 =	vor.u32 v1, v23;
	v1 =	vld [tilespmem:$0x1F850]  }
0x6ed: {  	v38 =	vor.u32 v41, v61  }
0x6ee: {  	v41 =	vor.u32 v52, v22;
	v24 =	vor.u32 v49, v21  }
0x6ef: {  	v16 =	vor.u32 v45, v3;
	v13 =	vld.idx.msk [tilespmem:v13+s3+$0x0], $0xffff  }
0x6f0: {  	v46 =	vor.u32 v52, v42;
	v17 =	vld.idx.msk [tilespmem:v17+s3+$0x0], $0xffff  }
0x6f1: {  	v43 =	vor.u32 v53, v58;
	[tilespmem:v51+s19+$0x0] =	vst.idx.msk $0xffff, v7;
	v37 =	vor.u32 v1, v29;
	v1 =	vld [tilespmem:$0x1FA90]  }
0x6f2: {  	v49 =	vld [tilespmem:$0x1FF60];
	[tilespmem:v38+s19+$0x0] =	vst.idx.msk $0xffff, v10  }
0x6f3: {  	v24 =	vld.idx.msk [tilespmem:v24+s3+$0x0], $0xffff;
	[tilespmem:v41+s19+$0x0] =	vst.idx.msk $0xffff, v30  }
0x6f4: {  	v15 =	vor.u32 v57, v62;
	v16 =	vld.idx.msk [tilespmem:v16+s3+$0x0], $0xffff  }
0x6f5: {  	v35 =	vld.idx.msk [tilespmem:v46+s3+$0x0], $0xffff  }
0x6f6: {  	[tilespmem:v43+s19+$0x0] =	vst.idx.msk $0xffff, v19;
	v19 =	vor.u32 v1, v22;
	v1 =	vld [tilespmem:$0x1FEE0]  }
0x6f7: {  	v7 =	vor.u32 v47, v26;
	v30 =	vor.u32 v47, v11;
	v47 =	vld [tilespmem:$0x1FE60]  }
0x6f8: {  	[tilespmem:v8+s19+$0x0] =	vst.idx.msk $0xffff, v33  }
0x6f9: {  	v10 =	vor.u32 v49, v63;
	v15 =	vld.idx.msk [tilespmem:v15+s3+$0x0], $0xffff  }
0x6fa: {  	v31 =	vld.idx.msk [tilespmem:v31+s3+$0x0], $0xffff  }
0x6fb: {  	v50 =	vor.u32 v45, v61;
	[tilespmem:v55+s19+$0x0] =	vst.idx.msk $0xffff, v13;
	v13 =	vor.u32 v1, v12;
	v1 =	vld [tilespmem:$0x1FF00]  }
0x6fc: {  	v6 =	vor.u32 v47, v6  }
0x6fd: {  	v8 =	vor.u32 v45, v60;
	v55 =	vld [tilespmem:$0x1FFC0];
	[tilespmem:v7+s19+$0x0] =	vst.idx.msk $0xffff, v17  }
0x6fe: {  	v51 =	vor.u32 v25, v28;
	v10 =	vld.idx.msk [tilespmem:v10+s3+$0x0], $0xffff  }
0x6ff: {  	v53 =	vor.u32 v57, v58;
	v30 =	vld.idx.msk [tilespmem:v30+s3+$0x0], $0xffff;
	[tilespmem:v37+s19+$0x0] =	vst.idx.msk $0xffff, v24  }
0x700: {  	[tilespmem:v50+s19+$0x0] =	vst.idx.msk $0xffff, v16;
	v24 =	vor.u32 v1, v26;
	v1 =	vld [tilespmem:$0x1FF40]  }
0x701: {  	v7 =	vor.u32 v57, v59;
	v6 =	vld.idx.msk [tilespmem:v6+s3+$0x0], $0xffff;
	[tilespmem:v19+s19+$0x0] =	vst.idx.msk $0xffff, v35  }
0x702: {  	v46 =	vor.u32 v49, v23;
	v17 =	vor.u32 v55, v14;
	v8 =	vld.idx.msk [tilespmem:v8+s3+$0x0], $0xffff  }
0x703: {  	v33 =	vld.idx.msk [tilespmem:v51+s3+$0x0], $0xffff  }
0x704: {  	v16 =	vor.u32 v49, v4;
	[tilespmem:v53+s19+$0x0] =	vst.idx.msk $0xffff, v15;
	v51 =	vld [tilespmem:$0x1F9F0]  }
0x705: {  	v19 =	vor.u32 v5, v9;
	[tilespmem:v13+s19+$0x0] =	vst.idx.msk $0xffff, v31;
	v50 =	vor.u32 v1, v61;
	v1 =	vld [tilespmem:$0x1FEC0]  }
0x706: {  	v49 =	vor.u32 v47, v29;
	v7 =	vld.idx.msk [tilespmem:v7+s3+$0x0], $0xffff  }
0x707: {  	v17 =	vld.idx.msk [tilespmem:v17+s3+$0x0], $0xffff;
	[tilespmem:v46+s19+$0x0] =	vst.idx.msk $0xffff, v10  }
0x708: {  	v15 =	vor.u32 v47, v21;
	v21 =	vor.u32 v25, v22;
	v53 =	vld [tilespmem:$0x1F9C0];
	[tilespmem:v24+s19+$0x0] =	vst.idx.msk $0xffff, v30  }
0x709: {  	v31 =	vor.u32 v25, v42;
	v16 =	vld.idx.msk [tilespmem:v16+s3+$0x0], $0xffff  }
0x70a: {  	v38 =	vor.u32 v51, v58;
	v19 =	vld.idx.msk [tilespmem:v19+s3+$0x0], $0xffff;
	v13 =	vor.u32 v1, v3  }
0x70b: {  	v10 =	vor.u32 v55, v12;
	[tilespmem:v49+s19+$0x0] =	vst.idx.msk $0xffff, v6;
	v49 =	vld [tilespmem:$0x1F840]  }
0x70c: {  	v6 =	vld [tilespmem:$0x1F870];
	[tilespmem:v50+s19+$0x0] =	vst.idx.msk $0xffff, v8  }
0x70d: {  	v15 =	vld.idx.msk [tilespmem:v15+s3+$0x0], $0xffff;
	[tilespmem:v21+s19+$0x0] =	vst.idx.msk $0xffff, v33  }
0x70e: {  	v24 =	vor.u32 v34, v62;
	v31 =	vld.idx.msk [tilespmem:v31+s3+$0x0], $0xffff  }
0x70f: {  	v40 =	vor.u32 v53, v23;
	v30 =	vor.u32 v55, v18;
	v13 =	vld.idx.msk [tilespmem:v13+s3+$0x0], $0xffff;
	[tilespmem:v38+s19+$0x0] =	vst.idx.msk $0xffff, v7  }
0x710: {  	v50 =	vor.u32 v1, v61;
	[tilespmem:v10+s19+$0x0] =	vst.idx.msk $0xffff, v17;
	v10 =	vor.u32 v1, v60;
	v1 =	vld [tilespmem:$0x1FD70];
	_ =	sdelay $0x1  }
0x711: {  	v55 =	vor.u32 v5, v26;
	v7 =	vld [tilespmem:$0x1FAB0]  }
0x712: {  	v8 =	vor.u32 v49, v63;
	v17 =	vld.idx.msk [tilespmem:v24+s3+$0x0], $0xffff  }
0x713: {  	v21 =	vor.u32 v5, v11;
	v30 =	vld.idx.msk [tilespmem:v30+s3+$0x0], $0xffff  }
0x714: {  	v29 =	vor.u32 v6, v29;
	[tilespmem:v40+s19+$0x0] =	vst.idx.msk $0xffff, v16;
	v16 =	vor.u32 v1, v12;
	v1 =	vld [tilespmem:$0x1FDC0];
	_ =	sdelay $0x1  }
0x715: {  	v47 =	vld [tilespmem:$0x1FFE0];
	[tilespmem:v55+s19+$0x0] =	vst.idx.msk $0xffff, v19  }
0x716: {  	v8 =	vld.idx.msk [tilespmem:v8+s3+$0x0], $0xffff  }
0x717: {  	v21 =	vld.idx.msk [tilespmem:v21+s3+$0x0], $0xffff;
	v7 =	vor.u32 v7, v22  }
0x718: {  	[tilespmem:v29+s19+$0x0] =	vst.idx.msk $0xffff, v15;
	v29 =	vor.u32 v1, v26;
	v1 =	vld [tilespmem:$0x1FA60]  }
0x719: {  	v41 =	vld [tilespmem:$0x1FF70];
	_ =	sdelay $0x1  }
0x71a: {  	v43 =	vld [tilespmem:$0x1FF10];
	v37 =	vor.u32 v34, v58;
	v51 =	vmov s25;
	v24 =	vor.u32 v47, v28;
	[tilespmem:v50+s19+$0x0] =	vst.idx.msk $0xffff, v13  }
0x71b: {  	v15 =	vshll.u32 v51, $0x7;
	[tilespmem:v7+s19+$0x0] =	vst.idx.msk $0xffff, v31;
	v31 =	vor.u32 v44, v23;
	v44 =	vld [tilespmem:$0x1FFF0]  }
0x71c: {  	v19 =	vor.u32 v34, v59;
	v50 =	vor.u32 v1, v15;
	v15 =	vld.idx.msk [tilespmem:v10+s3+$0x0], $0xffff  }
0x71d: {  	v53 =	vor.u32 v41, v14;
	v10 =	vld [tilespmem:$0x1FB40]  }
0x71e: {  	v55 =	vor.u32 v49, v23;
	v1 =	vld [tilespmem:$0x1F810]  }
0x71f: {  	v24 =	vld.idx.msk [tilespmem:v24+s3+$0x0], $0xffff;
	[tilespmem:v37+s19+$0x0] =	vst.idx.msk $0xffff, v17  }
0x720: {  	v46 =	vld [tilespmem:$0x1FD60];
	v13 =	vor.u32 v49, v4;
	[tilespmem:v16+s19+$0x0] =	vst.idx.msk $0xffff, v30  }
0x721: {  	v7 =	vor.u32 v43, v9;
	v19 =	vld.idx.msk [tilespmem:v19+s3+$0x0], $0xffff  }
0x722: {  	v6 =	vmovc v63;
	v63 =	vmov v62;
	v17 =	vor.u32 v47, v22;
	v37 =	vld.idx.msk [tilespmem:v53+s3+$0x0], $0xffff;
	v62 =	vor.u32 v10, v61  }
0x723: {  	v30 =	vor.u32 v47, v42;
	[tilespmem:v55+s19+$0x0] =	vst.idx.msk $0xffff, v8;
	v47 =	vor.u32 v1, v58;
	v1 =	vld [tilespmem:$0x1F8C0]  }
0x724: {  	v16 =	vor.u32 v44, v3;
	v8 =	vld [tilespmem:$0x1F880];
	[tilespmem:v29+s19+$0x0] =	vst.idx.msk $0xffff, v21  }
0x725: {  	v13 =	vld.idx.msk [tilespmem:v13+s3+$0x0], $0xffff  }
0x726: {  	s24 =	sadd.s32 $0x10, s24;
	v55 =	vor.u32 v41, v12;
	v7 =	vld.idx.msk [tilespmem:v7+s3+$0x0], $0xffff  }
0x727: {  	v41 =	vor.u32 v41, v18;
	v10 =	vld [tilespmem:s24+$0xFFFFFEB8];
	[tilespmem:v62+s19+$0x0] =	vst.idx.msk $0xffff, v15  }
0x728: {  	v21 =	vor.u32 v1, v63;
	[tilespmem:v17+s19+$0x0] =	vst.idx.msk $0xffff, v24;
	v17 =	vld [tilespmem:$0x1FD40]  }
0x729: {  	v49 =	vor.u32 v8, v23;
	v24 =	vld.idx.msk [tilespmem:v16+s3+$0x0], $0xffff  }
0x72a: {  	v16 =	vld.idx.msk [tilespmem:v30+s3+$0x0], $0xffff;
	[tilespmem:v47+s19+$0x0] =	vst.idx.msk $0xffff, v19  }
0x72b: {  	v8 =	vld [tilespmem:$0x1F8A0];
	[tilespmem:v55+s19+$0x0] =	vst.idx.msk $0xffff, v37  }
0x72c: {  	v37 =	vld.idx.msk [tilespmem:v41+s3+$0x0], $0xffff  }
0x72d: {  	v51 =	vor.u32 v43, v26;
	v47 =	vor.u32 v17, v22;
	v17 =	vld.idx.msk [tilespmem:v21+s3+$0x0], $0xffff  }
0x72e: {  	p0 =	sne.s32 s25, $0x130;
	v15 =	vor.u32 v56, v6;
	[tilespmem:v49+s19+$0x0] =	vst.idx.msk $0xffff, v13;
	v49 =	vld [tilespmem:$0x1FD80]  }
.Ltmp6:
0x72f: {  	_ = 	snop;
	(pc) =	sbr.rel @p0 .LBB2_13-.Ltmp6, $4  }
0x730: {  	v35 =	vor.u32 v20, v58;
	v53 =	vor.u32 v36, v28;
	v29 =	vor.u32 v44, v60  }
0x731: {  	v62 =	vmovc v3;
	v3 =	vor.u32 v43, v11;
	v43 =	vor.u32 v44, v61;
	v38 =	vor.u32 v1, v58  }
0x732: {  	v33 =	vor.u32 v8, v23;
	v8 =	vor.u32 v56, v23;
	[tilespmem:v51+s19+$0x0] =	vst.idx.msk $0xffff, v7  }
0x733: {  	s25 =	sadd.s32 $0x10, s25;
	v41 =	vor.u32 v1, v59;
	v1 =	vmov v46;
	v40 =	vld.idx.msk [tilespmem:v15+s3+$0x0], $0xffff;
	v30 =	vor.u32 v49, v12  }
0x734: {  	_ =	sdelay $0x3  }
0x735: {  	v32 =	vld [tilespmem:$0x1FDD0];
	[tilespmem:v43+s19+$0x0] =	vst.idx.msk $0xffff, v24  }
0x736: {  	v7 =	vmax.f32 v10, $0.0e+00;
	v10 =	vld [tilespmem:s24+$0x0];
	[tilespmem:v47+s19+$0x0] =	vst.idx.msk $0xffff, v16  }
0x737: {  	v55 =	vmov v56;
	v19 =	vor.u32 v56, v4;
	v7 =	vmin.f32 v7, $3.990000000e+02;
	v56 =	vld [tilespmem:$0x1FE90]  }
0x738: {  	v7 =	vtrunc.f32 v7  }
0x739: {  	v7 =	vcvt.f32.s32 v7;
	_ =	sdelay $0x1  }
0x73a: {  	v21 =	vld.idx.msk [tilespmem:v29+s3+$0x0], $0xffff;
	[tilespmem:v38+s19+$0x0] =	vst.idx.msk $0xffff, v17;
	v17 =	vlaneseq.u32;
	v29 =	vshll.u32 v7, $0x5  }
0x73b: {  	v10 =	vmax.f32 v10, $0.0e+00;
	v24 =	vor.u32 v56, v61;
	v7 =	vor.u32 v17, v29  }
0x73c: {  	[tilespmem:v8+s19+$0x0] =	vst.idx.msk $0xffff, v40;
	v8 =	vmin.f32 v10, $3.990000000e+02  }
0x73d: {  	v8 =	vtrunc.f32 v8  }
0x73e: {  	v8 =	vcvt.f32.s32 v8  }
0x73f: {  	v51 =	vld.idx.msk [tilespmem:v53+s3+$0x0], $0xffff;
	v53 =	vor.u32 v36, v22  }
0x740: {  	v38 =	vor.u32 v17, v50;
	[tilespmem:v24+s19+$0x0] =	vst.idx.msk $0xffff, v21;
	v7 =	vld.idx.msk [tilespmem:v7+s3+$0x0], $0xffff;
	v21 =	vshll.u32 v8, $0x5  }
0x741: {  	v3 =	vld.idx.msk [tilespmem:v3+s3+$0x0], $0xffff;
	v15 =	vor.u32 v32, v26;
	v8 =	vor.u32 v17, v21;
	_ =	sdelay $0x1  }
0x742: {  	[tilespmem:v30+s19+$0x0] =	vst.idx.msk $0xffff, v37  }
0x743: {  	[tilespmem:v53+s19+$0x0] =	vst.idx.msk $0xffff, v51  }
0x744: {  	[tilespmem:v38+s19+$0x0] =	vst.idx.msk $0xffff, v7  }
0x745: {  	[tilespmem:v15+s19+$0x0] =	vst.idx.msk $0xffff, v3;
	v7 =	vld.idx.msk [tilespmem:v8+s3+$0x0], $0xffff  }
0x746: {  	v8 =	vld [tilespmem:$0x1FA70];
	_ =	sdelay $0x4  }
0x747: {  	v8 =	vor.u32 v8, v50  }
0x748: {  	v37 =	vld.idx.msk [tilespmem:v41+s3+$0x0], $0xffff;
	v41 =	vor.u32 v52, v29;
	_ =	sdelay $0x3  }
0x749: {  	[tilespmem:v8+s19+$0x0] =	vst.idx.msk $0xffff, v7  }
0x74a: {  	v8 =	vor.u32 v52, v50;
	v7 =	vld.idx.msk [tilespmem:v41+s3+$0x0], $0xffff;
	_ =	sdelay $0x4  }
0x74b: {  	[tilespmem:v8+s19+$0x0] =	vst.idx.msk $0xffff, v7  }
0x74c: {  	v43 =	vor.u32 v52, v21;
	v8 =	vld [tilespmem:$0x1FA90];
	_ =	sdelay $0x4  }
0x74d: {  	v7 =	vld.idx.msk [tilespmem:v43+s3+$0x0], $0xffff;
	v8 =	vor.u32 v8, v50  }
0x74e: {  	v44 =	vor.u32 v25, v29;
	_ =	sdelay $0x3  }
0x74f: {  	[tilespmem:v8+s19+$0x0] =	vst.idx.msk $0xffff, v7  }
0x750: {  	v8 =	vor.u32 v25, v50;
	v7 =	vld.idx.msk [tilespmem:v44+s3+$0x0], $0xffff;
	_ =	sdelay $0x4  }
0x751: {  	[tilespmem:v8+s19+$0x0] =	vst.idx.msk $0xffff, v7  }
0x752: {  	v46 =	vor.u32 v25, v21;
	v8 =	vld [tilespmem:$0x1FAB0]  }
0x753: {  	v20 =	vmov v36;
	v36 =	vld [tilespmem:$0x1FFE0];
	_ =	sdelay $0x3  }
0x754: {  	v7 =	vld.idx.msk [tilespmem:v46+s3+$0x0], $0xffff;
	v8 =	vor.u32 v8, v50  }
0x755: {  	v47 =	vor.u32 v36, v29;
	_ =	sdelay $0x3  }
0x756: {  	[tilespmem:v8+s19+$0x0] =	vst.idx.msk $0xffff, v7  }
0x757: {  	v8 =	vor.u32 v36, v50;
	v7 =	vld.idx.msk [tilespmem:v47+s3+$0x0], $0xffff;
	_ =	sdelay $0x4  }
0x758: {  	[tilespmem:v8+s19+$0x0] =	vst.idx.msk $0xffff, v7  }
0x759: {  	v51 =	vor.u32 v36, v21;
	v8 =	vld [tilespmem:$0x1FD40];
	_ =	sdelay $0x4  }
0x75a: {  	v7 =	vld.idx.msk [tilespmem:v51+s3+$0x0], $0xffff;
	v8 =	vor.u32 v8, v50  }
0x75b: {  	v52 =	vor.u32 v20, v29;
	_ =	sdelay $0x3  }
0x75c: {  	[tilespmem:v8+s19+$0x0] =	vst.idx.msk $0xffff, v7  }
0x75d: {  	v53 =	vor.u32 v20, v50;
	v8 =	vld.idx.msk [tilespmem:v52+s3+$0x0], $0xffff;
	_ =	sdelay $0x3  }
0x75e: {  	v16 =	vor.u32 v27, v9  }
0x75f: {  	v7 =	vor.u32 v20, v42;
	v17 =	vld [tilespmem:$0x1FD50];
	[tilespmem:v53+s19+$0x0] =	vst.idx.msk $0xffff, v8  }
0x760: {  	v15 =	vor.u32 v20, v21;
	v52 =	vld [tilespmem:$0x1FFA0];
	_ =	sdelay $0x2  }
0x761: {  	v40 =	vld.idx.msk [tilespmem:v16+s3+$0x0], $0xffff  }
0x762: {  	v7 =	vld.idx.msk [tilespmem:v7+s3+$0x0], $0xffff;
	v16 =	vor.u32 v17, v22  }
0x763: {  	v10 =	vld.idx.msk [tilespmem:v15+s3+$0x0], $0xffff;
	v15 =	vor.u32 v17, v50;
	v8 =	vor.u32 v52, v28  }
0x764: {  	v17 =	vor.u32 v52, v29;
	_ =	sdelay $0x2  }
0x765: {  	[tilespmem:v16+s19+$0x0] =	vst.idx.msk $0xffff, v7  }
0x766: {  	[tilespmem:v15+s19+$0x0] =	vst.idx.msk $0xffff, v10;
	v7 =	vld.idx.msk [tilespmem:v8+s3+$0x0], $0xffff;
	v8 =	vor.u32 v52, v22  }
0x767: {  	v16 =	vor.u32 v52, v50;
	v15 =	vld.idx.msk [tilespmem:v17+s3+$0x0], $0xffff;
	_ =	sdelay $0x3  }
0x768: {  	[tilespmem:v8+s19+$0x0] =	vst.idx.msk $0xffff, v7  }
0x769: {  	v30 =	vor.u32 v52, v42;
	[tilespmem:v16+s19+$0x0] =	vst.idx.msk $0xffff, v15  }
0x76a: {  	v17 =	vor.u32 v52, v21;
	v53 =	vld [tilespmem:$0x1FEF0];
	_ =	sdelay $0x3  }
0x76b: {  	v8 =	vor.u32 v1, v22;
	v7 =	vld.idx.msk [tilespmem:v30+s3+$0x0], $0xffff  }
0x76c: {  	v16 =	vor.u32 v1, v50;
	v15 =	vld.idx.msk [tilespmem:v17+s3+$0x0], $0xffff;
	v38 =	vor.u32 v53, v28  }
0x76d: {  	v17 =	vor.u32 v53, v29;
	_ =	sdelay $0x2  }
0x76e: {  	[tilespmem:v8+s19+$0x0] =	vst.idx.msk $0xffff, v7  }
0x76f: {  	v8 =	vor.u32 v53, v22;
	[tilespmem:v16+s19+$0x0] =	vst.idx.msk $0xffff, v15;
	v7 =	vld.idx.msk [tilespmem:v38+s3+$0x0], $0xffff  }
0x770: {  	v16 =	vor.u32 v53, v50;
	v15 =	vld.idx.msk [tilespmem:v17+s3+$0x0], $0xffff;
	_ =	sdelay $0x3  }
0x771: {  	v3 =	vld.idx.msk [tilespmem:v19+s3+$0x0], $0xffff;
	[tilespmem:v8+s19+$0x0] =	vst.idx.msk $0xffff, v7  }
0x772: {  	v41 =	vor.u32 v53, v42;
	v19 =	vld [tilespmem:$0x1FEE0];
	[tilespmem:v16+s19+$0x0] =	vst.idx.msk $0xffff, v15  }
0x773: {  	v17 =	vor.u32 v53, v21;
	v47 =	vld [tilespmem:$0x1FFC0];
	_ =	sdelay $0x3  }
0x774: {  	v7 =	vld.idx.msk [tilespmem:v41+s3+$0x0], $0xffff;
	v8 =	vor.u32 v19, v22  }
0x775: {  	v15 =	vld.idx.msk [tilespmem:v17+s3+$0x0], $0xffff;
	v16 =	vor.u32 v19, v50;
	v43 =	vor.u32 v47, v28  }
0x776: {  	v17 =	vor.u32 v47, v29;
	_ =	sdelay $0x2  }
0x777: {  	[tilespmem:v8+s19+$0x0] =	vst.idx.msk $0xffff, v7  }
0x778: {  	v8 =	vor.u32 v47, v22;
	[tilespmem:v16+s19+$0x0] =	vst.idx.msk $0xffff, v15;
	v7 =	vld.idx.msk [tilespmem:v43+s3+$0x0], $0xffff  }
0x779: {  	v16 =	vor.u32 v47, v50;
	v15 =	vld.idx.msk [tilespmem:v17+s3+$0x0], $0xffff;
	_ =	sdelay $0x3  }
0x77a: {  	[tilespmem:v8+s19+$0x0] =	vst.idx.msk $0xffff, v7  }
0x77b: {  	v44 =	vor.u32 v47, v42;
	v19 =	vld [tilespmem:$0x1FD70];
	[tilespmem:v16+s19+$0x0] =	vst.idx.msk $0xffff, v15  }
0x77c: {  	v20 =	vld [tilespmem:$0x1FF70];
	_ =	sdelay $0x2  }
0x77d: {  	v13 =	vor.u32 v48, v14  }
0x77e: {  	v17 =	vor.u32 v47, v21;
	v7 =	vld.idx.msk [tilespmem:v44+s3+$0x0], $0xffff;
	v8 =	vor.u32 v19, v22  }
0x77f: {  	v46 =	vor.u32 v20, v28;
	_ =	sdelay $0x2  }
0x780: {  	v13 =	vld.idx.msk [tilespmem:v13+s3+$0x0], $0xffff  }
0x781: {  	v15 =	vld.idx.msk [tilespmem:v17+s3+$0x0], $0xffff;
	v16 =	vor.u32 v19, v50;
	[tilespmem:v8+s19+$0x0] =	vst.idx.msk $0xffff, v7  }
0x782: {  	v17 =	vor.u32 v20, v29;
	v8 =	vor.u32 v20, v22;
	v7 =	vld.idx.msk [tilespmem:v46+s3+$0x0], $0xffff  }
0x783: {  	v51 =	vor.u32 v20, v42;
	_ =	sdelay $0x2  }
0x784: {  	[tilespmem:v16+s19+$0x0] =	vst.idx.msk $0xffff, v15  }
0x785: {  	v16 =	vor.u32 v20, v50;
	v15 =	vld.idx.msk [tilespmem:v17+s3+$0x0], $0xffff;
	[tilespmem:v8+s19+$0x0] =	vst.idx.msk $0xffff, v7  }
0x786: {  	v17 =	vor.u32 v20, v21;
	v8 =	vor.u32 v49, v22;
	v7 =	vld.idx.msk [tilespmem:v51+s3+$0x0], $0xffff  }
0x787: {  	v30 =	vor.u32 v48, v28;
	_ =	sdelay $0x2  }
0x788: {  	v19 =	vor.u32 v48, v12;
	[tilespmem:v16+s19+$0x0] =	vst.idx.msk $0xffff, v15  }
0x789: {  	v16 =	vor.u32 v49, v50;
	v15 =	vld.idx.msk [tilespmem:v17+s3+$0x0], $0xffff;
	[tilespmem:v8+s19+$0x0] =	vst.idx.msk $0xffff, v7  }
0x78a: {  	v8 =	vor.u32 v48, v22;
	v10 =	vld.idx.msk [tilespmem:v30+s3+$0x0], $0xffff;
	_ =	sdelay $0x1  }
0x78b: {  	v17 =	vor.u32 v48, v29  }
0x78c: {  	[tilespmem:v19+s19+$0x0] =	vst.idx.msk $0xffff, v13  }
0x78d: {  	[tilespmem:v16+s19+$0x0] =	vst.idx.msk $0xffff, v15  }
0x78e: {  	v7 =	vor.u32 v48, v18;
	v19 =	vld [tilespmem:$0x1FF90];
	[tilespmem:v8+s19+$0x0] =	vst.idx.msk $0xffff, v10  }
0x78f: {  	v15 =	vor.u32 v48, v42;
	v51 =	vld [tilespmem:$0x1FFB0]  }
0x790: {  	v16 =	vor.u32 v48, v50;
	v17 =	vld.idx.msk [tilespmem:v17+s3+$0x0], $0xffff;
	_ =	sdelay $0x2  }
0x791: {  	v24 =	vor.u32 v48, v21;
	v7 =	vld.idx.msk [tilespmem:v7+s3+$0x0], $0xffff;
	v13 =	vor.u32 v19, v12  }
0x792: {  	v38 =	vor.u32 v19, v22;
	v15 =	vld.idx.msk [tilespmem:v15+s3+$0x0], $0xffff;
	v8 =	vor.u32 v51, v14  }
0x793: {  	[tilespmem:v16+s19+$0x0] =	vst.idx.msk $0xffff, v17;
	v16 =	vor.u32 v51, v28;
	_ =	sdelay $0x2  }
0x794: {  	v17 =	vor.u32 v19, v50;
	v19 =	vld.idx.msk [tilespmem:v24+s3+$0x0], $0xffff;
	[tilespmem:v13+s19+$0x0] =	vst.idx.msk $0xffff, v7  }
0x795: {  	[tilespmem:v38+s19+$0x0] =	vst.idx.msk $0xffff, v15;
	v7 =	vld.idx.msk [tilespmem:v8+s3+$0x0], $0xffff;
	v8 =	vor.u32 v51, v12  }
0x796: {  	v15 =	vor.u32 v51, v22;
	v13 =	vld.idx.msk [tilespmem:v16+s3+$0x0], $0xffff;
	_ =	sdelay $0x2  }
0x797: {  	[tilespmem:v17+s19+$0x0] =	vst.idx.msk $0xffff, v19  }
0x798: {  	v24 =	vor.u32 v51, v29;
	[tilespmem:v8+s19+$0x0] =	vst.idx.msk $0xffff, v7  }
0x799: {  	v41 =	vor.u32 v51, v18;
	v20 =	vld [tilespmem:$0x1FDA0];
	[tilespmem:v15+s19+$0x0] =	vst.idx.msk $0xffff, v13  }
0x79a: {  	v49 =	vld [tilespmem:$0x1FF20];
	_ =	sdelay $0x2  }
0x79b: {  	v19 =	vor.u32 v51, v50;
	v16 =	vor.u32 v51, v42;
	v17 =	vld.idx.msk [tilespmem:v24+s3+$0x0], $0xffff  }
0x79c: {  	v24 =	vor.u32 v51, v21;
	v7 =	vld.idx.msk [tilespmem:v41+s3+$0x0], $0xffff;
	v8 =	vor.u32 v20, v12  }
0x79d: {  	v43 =	vor.u32 v49, v14;
	_ =	sdelay $0x2  }
0x79e: {  	v13 =	vld.idx.msk [tilespmem:v16+s3+$0x0], $0xffff;
	[tilespmem:v19+s19+$0x0] =	vst.idx.msk $0xffff, v17;
	v15 =	vor.u32 v20, v22  }
0x79f: {  	v17 =	vld.idx.msk [tilespmem:v24+s3+$0x0], $0xffff;
	v19 =	vor.u32 v20, v50;
	[tilespmem:v8+s19+$0x0] =	vst.idx.msk $0xffff, v7  }
0x7a0: {  	v16 =	vor.u32 v49, v28;
	v8 =	vor.u32 v49, v12;
	v7 =	vld.idx.msk [tilespmem:v43+s3+$0x0], $0xffff;
	_ =	sdelay $0x2  }
0x7a1: {  	[tilespmem:v15+s19+$0x0] =	vst.idx.msk $0xffff, v13  }
0x7a2: {  	[tilespmem:v19+s19+$0x0] =	vst.idx.msk $0xffff, v17  }
0x7a3: {  	v24 =	vor.u32 v49, v29;
	v13 =	vld.idx.msk [tilespmem:v16+s3+$0x0], $0xffff;
	[tilespmem:v8+s19+$0x0] =	vst.idx.msk $0xffff, v7  }
0x7a4: {  	v44 =	vor.u32 v49, v18;
	v15 =	vor.u32 v49, v22;
	v20 =	vld [tilespmem:$0x1FF00]  }
0x7a5: {  	v16 =	vor.u32 v49, v42;
	_ =	sdelay $0x2  }
0x7a6: {  	v19 =	vor.u32 v49, v50;
	v17 =	vld.idx.msk [tilespmem:v24+s3+$0x0], $0xffff  }
0x7a7: {  	v24 =	vor.u32 v49, v21;
	v7 =	vld.idx.msk [tilespmem:v44+s3+$0x0], $0xffff;
	[tilespmem:v15+s19+$0x0] =	vst.idx.msk $0xffff, v13;
	v8 =	vor.u32 v20, v12  }
0x7a8: {  	v46 =	vor.u32 v5, v14;
	v13 =	vld.idx.msk [tilespmem:v16+s3+$0x0], $0xffff;
	v15 =	vor.u32 v20, v22  }
0x7a9: {  	v16 =	vor.u32 v5, v28;
	_ =	sdelay $0x1  }
0x7aa: {  	[tilespmem:v19+s19+$0x0] =	vst.idx.msk $0xffff, v17  }
0x7ab: {  	v17 =	vld.idx.msk [tilespmem:v24+s3+$0x0], $0xffff;
	v19 =	vor.u32 v20, v50;
	[tilespmem:v8+s19+$0x0] =	vst.idx.msk $0xffff, v7  }
0x7ac: {  	v24 =	vor.u32 v5, v29;
	v8 =	vor.u32 v5, v12;
	[tilespmem:v15+s19+$0x0] =	vst.idx.msk $0xffff, v13;
	v7 =	vld.idx.msk [tilespmem:v46+s3+$0x0], $0xffff  }
0x7ad: {  	v15 =	vor.u32 v5, v22;
	v13 =	vld.idx.msk [tilespmem:v16+s3+$0x0], $0xffff;
	_ =	sdelay $0x2  }
0x7ae: {  	[tilespmem:v19+s19+$0x0] =	vst.idx.msk $0xffff, v17  }
0x7af: {  	v48 =	vor.u32 v5, v18;
	v19 =	vor.u32 v5, v50;
	v17 =	vld.idx.msk [tilespmem:v24+s3+$0x0], $0xffff;
	[tilespmem:v8+s19+$0x0] =	vst.idx.msk $0xffff, v7  }
0x7b0: {  	v16 =	vor.u32 v5, v42;
	v24 =	vor.u32 v5, v21;
	v5 =	vld [tilespmem:$0x1FDC0];
	[tilespmem:v15+s19+$0x0] =	vst.idx.msk $0xffff, v13  }
0x7b1: {  	v25 =	vld [tilespmem:$0x1FF10];
	_ =	sdelay $0x3  }
0x7b2: {  	v7 =	vld.idx.msk [tilespmem:v48+s3+$0x0], $0xffff;
	v8 =	vor.u32 v5, v12  }
0x7b3: {  	v30 =	vor.u32 v25, v14;
	_ =	sdelay $0x1  }
0x7b4: {  	v13 =	vld.idx.msk [tilespmem:v16+s3+$0x0], $0xffff;
	[tilespmem:v19+s19+$0x0] =	vst.idx.msk $0xffff, v17;
	v15 =	vor.u32 v5, v22  }
0x7b5: {  	v17 =	vld.idx.msk [tilespmem:v24+s3+$0x0], $0xffff;
	v19 =	vor.u32 v5, v50;
	v16 =	vor.u32 v25, v28  }
0x7b6: {  	v24 =	vor.u32 v25, v29;
	[tilespmem:v8+s19+$0x0] =	vst.idx.msk $0xffff, v7  }
0x7b7: {  	v8 =	vor.u32 v25, v12;
	v7 =	vld.idx.msk [tilespmem:v30+s3+$0x0], $0xffff  }
0x7b8: {  	v38 =	vor.u32 v25, v18  }
0x7b9: {  	[tilespmem:v15+s19+$0x0] =	vst.idx.msk $0xffff, v13  }
0x7ba: {  	v15 =	vor.u32 v25, v22;
	[tilespmem:v19+s19+$0x0] =	vst.idx.msk $0xffff, v17;
	v13 =	vld.idx.msk [tilespmem:v16+s3+$0x0], $0xffff  }
0x7bb: {  	v19 =	vor.u32 v25, v50;
	v16 =	vor.u32 v25, v42;
	v17 =	vld.idx.msk [tilespmem:v24+s3+$0x0], $0xffff  }
0x7bc: {  	v24 =	vor.u32 v25, v21;
	[tilespmem:v8+s19+$0x0] =	vst.idx.msk $0xffff, v7  }
0x7bd: {  	v8 =	vor.u32 v32, v12;
	v7 =	vld.idx.msk [tilespmem:v38+s3+$0x0], $0xffff  }
0x7be: {  	v41 =	vor.u32 v27, v14  }
0x7bf: {  	[tilespmem:v15+s19+$0x0] =	vst.idx.msk $0xffff, v13  }
0x7c0: {  	v15 =	vor.u32 v32, v22;
	[tilespmem:v19+s19+$0x0] =	vst.idx.msk $0xffff, v17;
	v13 =	vld.idx.msk [tilespmem:v16+s3+$0x0], $0xffff  }
0x7c1: {  	v19 =	vor.u32 v32, v50;
	v16 =	vor.u32 v27, v28;
	v17 =	vld.idx.msk [tilespmem:v24+s3+$0x0], $0xffff  }
0x7c2: {  	v43 =	vor.u32 v27, v26;
	v24 =	vor.u32 v27, v29;
	[tilespmem:v8+s19+$0x0] =	vst.idx.msk $0xffff, v7  }
0x7c3: {  	v44 =	vor.u32 v27, v12;
	v8 =	vld.idx.msk [tilespmem:v41+s3+$0x0], $0xffff;
	_ =	sdelay $0x1  }
0x7c4: {  	[tilespmem:v15+s19+$0x0] =	vst.idx.msk $0xffff, v13  }
0x7c5: {  	[tilespmem:v19+s19+$0x0] =	vst.idx.msk $0xffff, v17;
	v15 =	vld.idx.msk [tilespmem:v16+s3+$0x0], $0xffff  }
0x7c6: {  	v46 =	vor.u32 v27, v21;
	[tilespmem:v43+s19+$0x0] =	vst.idx.msk $0xffff, v40;
	v19 =	vld.idx.msk [tilespmem:v24+s3+$0x0], $0xffff  }
0x7c7: {  	v7 =	vor.u32 v27, v11;
	v13 =	vor.u32 v27, v18;
	v5 =	vld [tilespmem:$0x1FFD0];
	[tilespmem:v44+s19+$0x0] =	vst.idx.msk $0xffff, v8  }
0x7c8: {  	v17 =	vor.u32 v27, v42;
	v16 =	vor.u32 v27, v22;
	v24 =	vor.u32 v27, v50;
	v27 =	vld [tilespmem:$0x1FF30];
	_ =	sdelay $0x3  }
0x7c9: {  	v7 =	vld.idx.msk [tilespmem:v7+s3+$0x0], $0xffff;
	v48 =	vor.u32 v5, v26  }
0x7ca: {  	v8 =	vor.u32 v27, v9;
	_ =	sdelay $0x1  }
0x7cb: {  	v10 =	vld.idx.msk [tilespmem:v13+s3+$0x0], $0xffff;
	v13 =	vor.u32 v5, v12;
	[tilespmem:v16+s19+$0x0] =	vst.idx.msk $0xffff, v15  }
0x7cc: {  	[tilespmem:v24+s19+$0x0] =	vst.idx.msk $0xffff, v19;
	v16 =	vld.idx.msk [tilespmem:v17+s3+$0x0], $0xffff;
	v17 =	vor.u32 v5, v22  }
0x7cd: {  	v44 =	vor.u32 v5, v50;
	v24 =	vld.idx.msk [tilespmem:v46+s3+$0x0], $0xffff;
	[tilespmem:v48+s19+$0x0] =	vst.idx.msk $0xffff, v7  }
0x7ce: {  	v15 =	vor.u32 v27, v14;
	v7 =	vld.idx.msk [tilespmem:v8+s3+$0x0], $0xffff;
	v8 =	vor.u32 v27, v26;
	_ =	sdelay $0x1  }
0x7cf: {  	[tilespmem:v13+s19+$0x0] =	vst.idx.msk $0xffff, v10  }
0x7d0: {  	[tilespmem:v17+s19+$0x0] =	vst.idx.msk $0xffff, v16  }
0x7d1: {  	v19 =	vor.u32 v27, v28;
	[tilespmem:v44+s19+$0x0] =	vst.idx.msk $0xffff, v24  }
0x7d2: {  	v46 =	vor.u32 v27, v29;
	v13 =	vld.idx.msk [tilespmem:v15+s3+$0x0], $0xffff;
	[tilespmem:v8+s19+$0x0] =	vst.idx.msk $0xffff, v7  }
0x7d3: {  	v48 =	vor.u32 v27, v11;
	v15 =	vor.u32 v27, v12;
	v5 =	vld [tilespmem:$0x1FDF0]  }
0x7d4: {  	v16 =	vor.u32 v27, v18;
	_ =	sdelay $0x1  }
0x7d5: {  	v17 =	vld.idx.msk [tilespmem:v19+s3+$0x0], $0xffff;
	v19 =	vor.u32 v27, v22  }
0x7d6: {  	v24 =	vor.u32 v27, v42;
	v44 =	vor.u32 v27, v50;
	v30 =	vld.idx.msk [tilespmem:v46+s3+$0x0], $0xffff  }
0x7d7: {  	v46 =	vor.u32 v27, v21;
	v7 =	vld.idx.msk [tilespmem:v48+s3+$0x0], $0xffff;
	[tilespmem:v15+s19+$0x0] =	vst.idx.msk $0xffff, v13;
	v8 =	vor.u32 v5, v26  }
0x7d8: {  	v48 =	vor.u32 v45, v9;
	v13 =	vld.idx.msk [tilespmem:v16+s3+$0x0], $0xffff;
	v15 =	vor.u32 v5, v12  }
0x7d9: {  	v16 =	vor.u32 v45, v14  }
0x7da: {  	[tilespmem:v19+s19+$0x0] =	vst.idx.msk $0xffff, v17  }
0x7db: {  	[tilespmem:v44+s19+$0x0] =	vst.idx.msk $0xffff, v30;
	v17 =	vld.idx.msk [tilespmem:v24+s3+$0x0], $0xffff;
	v19 =	vor.u32 v5, v22  }
0x7dc: {  	v30 =	vld.idx.msk [tilespmem:v46+s3+$0x0], $0xffff;
	v44 =	vor.u32 v5, v50;
	[tilespmem:v8+s19+$0x0] =	vst.idx.msk $0xffff, v7  }
0x7dd: {  	v24 =	vor.u32 v45, v28;
	v8 =	vor.u32 v45, v26;
	[tilespmem:v15+s19+$0x0] =	vst.idx.msk $0xffff, v13;
	v7 =	vld.idx.msk [tilespmem:v48+s3+$0x0], $0xffff  }
0x7de: {  	v15 =	vor.u32 v45, v12;
	v13 =	vld.idx.msk [tilespmem:v16+s3+$0x0], $0xffff;
	_ =	sdelay $0x1  }
0x7df: {  	[tilespmem:v19+s19+$0x0] =	vst.idx.msk $0xffff, v17  }
0x7e0: {  	[tilespmem:v44+s19+$0x0] =	vst.idx.msk $0xffff, v30  }
0x7e1: {  	v32 =	vor.u32 v45, v21;
	v38 =	vor.u32 v45, v50;
	v17 =	vld.idx.msk [tilespmem:v24+s3+$0x0], $0xffff;
	[tilespmem:v8+s19+$0x0] =	vst.idx.msk $0xffff, v7  }
0x7e2: {  	v46 =	vor.u32 v45, v29;
	v48 =	vor.u32 v45, v11;
	v5 =	vld [tilespmem:$0x1FF40];
	[tilespmem:v15+s19+$0x0] =	vst.idx.msk $0xffff, v13  }
0x7e3: {  	v19 =	vor.u32 v45, v22;
	v16 =	vor.u32 v45, v18;
	v24 =	vor.u32 v45, v42;
	v45 =	vld [tilespmem:$0x1FEC0];
	_ =	sdelay $0x3  }
0x7e4: {  	v7 =	vld.idx.msk [tilespmem:v48+s3+$0x0], $0xffff;
	v8 =	vor.u32 v5, v26  }
0x7e5: {  	v30 =	vld.idx.msk [tilespmem:v46+s3+$0x0], $0xffff;
	v48 =	vor.u32 v45, v9  }
0x7e6: {  	v13 =	vld.idx.msk [tilespmem:v16+s3+$0x0], $0xffff;
	v15 =	vor.u32 v5, v12  }
0x7e7: {  	v16 =	vor.u32 v45, v14  }
0x7e8: {  	[tilespmem:v19+s19+$0x0] =	vst.idx.msk $0xffff, v17  }
0x7e9: {  	v17 =	vld.idx.msk [tilespmem:v24+s3+$0x0], $0xffff;
	v19 =	vor.u32 v5, v22;
	[tilespmem:v8+s19+$0x0] =	vst.idx.msk $0xffff, v7  }
0x7ea: {  	[tilespmem:v38+s19+$0x0] =	vst.idx.msk $0xffff, v30;
	v8 =	vor.u32 v45, v26;
	v7 =	vld.idx.msk [tilespmem:v48+s3+$0x0], $0xffff  }
0x7eb: {  	v30 =	vld.idx.msk [tilespmem:v32+s3+$0x0], $0xffff;
	v44 =	vor.u32 v5, v50;
	[tilespmem:v15+s19+$0x0] =	vst.idx.msk $0xffff, v13;
	v48 =	vor.u32 v45, v11  }
0x7ec: {  	v15 =	vor.u32 v45, v12;
	v13 =	vld.idx.msk [tilespmem:v16+s3+$0x0], $0xffff;
	_ =	sdelay $0x1  }
0x7ed: {  	v24 =	vor.u32 v45, v28;
	[tilespmem:v19+s19+$0x0] =	vst.idx.msk $0xffff, v17  }
0x7ee: {  	v46 =	vor.u32 v45, v29;
	[tilespmem:v8+s19+$0x0] =	vst.idx.msk $0xffff, v7  }
0x7ef: {  	[tilespmem:v44+s19+$0x0] =	vst.idx.msk $0xffff, v30;
	v7 =	vld.idx.msk [tilespmem:v48+s3+$0x0], $0xffff  }
0x7f0: {  	v5 =	vld [tilespmem:$0x1FB40];
	[tilespmem:v15+s19+$0x0] =	vst.idx.msk $0xffff, v13  }
0x7f1: {  	v48 =	vld [tilespmem:$0x1FFF0]  }
0x7f2: {  	v19 =	vor.u32 v45, v22;
	v16 =	vor.u32 v45, v18;
	v17 =	vld.idx.msk [tilespmem:v24+s3+$0x0], $0xffff  }
0x7f3: {  	v44 =	vor.u32 v45, v50;
	v24 =	vor.u32 v45, v42;
	v30 =	vld.idx.msk [tilespmem:v46+s3+$0x0], $0xffff  }
0x7f4: {  	v45 =	vor.u32 v45, v21  }
0x7f5: {  	v8 =	vor.u32 v5, v26  }
0x7f6: {  	v46 =	vor.u32 v48, v9  }
0x7f7: {  	v13 =	vld.idx.msk [tilespmem:v16+s3+$0x0], $0xffff;
	[tilespmem:v19+s19+$0x0] =	vst.idx.msk $0xffff, v17;
	v15 =	vor.u32 v5, v12  }
0x7f8: {  	[tilespmem:v44+s19+$0x0] =	vst.idx.msk $0xffff, v30;
	v17 =	vld.idx.msk [tilespmem:v24+s3+$0x0], $0xffff;
	v19 =	vor.u32 v5, v22;
	v16 =	vor.u32 v48, v14  }
0x7f9: {  	v30 =	vld.idx.msk [tilespmem:v45+s3+$0x0], $0xffff;
	v44 =	vor.u32 v5, v50;
	v24 =	vor.u32 v48, v28  }
0x7fa: {  	v45 =	vor.u32 v48, v29;
	[tilespmem:v8+s19+$0x0] =	vst.idx.msk $0xffff, v7  }
0x7fb: {  	v8 =	vor.u32 v48, v26;
	v7 =	vld.idx.msk [tilespmem:v46+s3+$0x0], $0xffff  }
0x7fc: {  	[tilespmem:v15+s19+$0x0] =	vst.idx.msk $0xffff, v13;
	v46 =	vor.u32 v48, v11  }
0x7fd: {  	v15 =	vor.u32 v48, v12;
	[tilespmem:v19+s19+$0x0] =	vst.idx.msk $0xffff, v17;
	v13 =	vld.idx.msk [tilespmem:v16+s3+$0x0], $0xffff  }
0x7fe: {  	v19 =	vor.u32 v48, v22;
	[tilespmem:v44+s19+$0x0] =	vst.idx.msk $0xffff, v30;
	v16 =	vor.u32 v48, v18;
	v17 =	vld.idx.msk [tilespmem:v24+s3+$0x0], $0xffff  }
0x7ff: {  	v32 =	vor.u32 v48, v50;
	v24 =	vor.u32 v48, v42;
	v30 =	vld.idx.msk [tilespmem:v45+s3+$0x0], $0xffff  }
0x800: {  	v44 =	vor.u32 v48, v21;
	[tilespmem:v8+s19+$0x0] =	vst.idx.msk $0xffff, v7  }
0x801: {  	v45 =	vor.u32 v56, v26;
	v7 =	vor.u32 v54, v62;
	v8 =	vld.idx.msk [tilespmem:v46+s3+$0x0], $0xffff  }
0x802: {  	[tilespmem:v15+s19+$0x0] =	vst.idx.msk $0xffff, v13;
	v13 =	vor.u32 v54, v9  }
0x803: {  	[tilespmem:v19+s19+$0x0] =	vst.idx.msk $0xffff, v17;
	v15 =	vld.idx.msk [tilespmem:v16+s3+$0x0], $0xffff;
	v16 =	vor.u32 v56, v12  }
0x804: {  	[tilespmem:v32+s19+$0x0] =	vst.idx.msk $0xffff, v30;
	v19 =	vld.idx.msk [tilespmem:v24+s3+$0x0], $0xffff;
	v24 =	vor.u32 v56, v22  }
0x805: {  	v38 =	vld.idx.msk [tilespmem:v44+s3+$0x0], $0xffff;
	v56 =	vor.u32 v56, v50  }
0x806: {  	v43 =	vor.u32 v54, v61;
	v7 =	vld.idx.msk [tilespmem:v7+s3+$0x0], $0xffff;
	[tilespmem:v45+s19+$0x0] =	vst.idx.msk $0xffff, v8  }
0x807: {  	v45 =	vor.u32 v54, v26;
	v13 =	vld.idx.msk [tilespmem:v13+s3+$0x0], $0xffff  }
0x808: {  	[tilespmem:v16+s19+$0x0] =	vst.idx.msk $0xffff, v15  }
0x809: {  	v17 =	vor.u32 v54, v14;
	[tilespmem:v24+s19+$0x0] =	vst.idx.msk $0xffff, v19  }
0x80a: {  	v46 =	vor.u32 v54, v28;
	[tilespmem:v56+s19+$0x0] =	vst.idx.msk $0xffff, v38  }
0x80b: {  	v41 =	vor.u32 v54, v29;
	[tilespmem:v43+s19+$0x0] =	vst.idx.msk $0xffff, v7  }
0x80c: {  	[tilespmem:v45+s19+$0x0] =	vst.idx.msk $0xffff, v13  }
0x80d: {  	v8 =	vor.u32 v54, v60;
	v20 =	vld [tilespmem:$0x1F830]  }
0x80e: {  	v17 =	vld.idx.msk [tilespmem:v17+s3+$0x0], $0xffff  }
0x80f: {  	v16 =	vor.u32 v54, v12;
	v30 =	vld.idx.msk [tilespmem:v46+s3+$0x0], $0xffff  }
0x810: {  	v24 =	vor.u32 v54, v22;
	v41 =	vld.idx.msk [tilespmem:v41+s3+$0x0], $0xffff  }
0x811: {  	v15 =	vor.u32 v54, v11;
	v56 =	vor.u32 v54, v50;
	v32 =	vld [tilespmem:$0x1FBF0]  }
0x812: {  	v19 =	vor.u32 v54, v18;
	v7 =	vld.idx.msk [tilespmem:v8+s3+$0x0], $0xffff;
	v8 =	vor.u32 v20, v61;
	_ =	sdelay $0x1  }
0x813: {  	v46 =	vor.u32 v54, v42;
	[tilespmem:v16+s19+$0x0] =	vst.idx.msk $0xffff, v17  }
0x814: {  	v5 =	vor.u32 v54, v21;
	[tilespmem:v24+s19+$0x0] =	vst.idx.msk $0xffff, v30  }
0x815: {  	v13 =	vld.idx.msk [tilespmem:v15+s3+$0x0], $0xffff;
	[tilespmem:v56+s19+$0x0] =	vst.idx.msk $0xffff, v41;
	v10 =	vor.u32 v32, v62;
	v15 =	vor.u32 v20, v26  }
0x816: {  	v17 =	vld.idx.msk [tilespmem:v19+s3+$0x0], $0xffff;
	v16 =	vor.u32 v32, v9;
	v19 =	vor.u32 v20, v12;
	[tilespmem:v8+s19+$0x0] =	vst.idx.msk $0xffff, v7  }
0x817: {  	v54 =	vld [tilespmem:$0x1F930]  }
0x818: {  	v30 =	vld.idx.msk [tilespmem:v46+s3+$0x0], $0xffff;
	v44 =	vor.u32 v20, v22  }
0x819: {  	v5 =	vld.idx.msk [tilespmem:v5+s3+$0x0], $0xffff;
	v46 =	vor.u32 v20, v50  }
0x81a: {  	[tilespmem:v15+s19+$0x0] =	vst.idx.msk $0xffff, v13;
	v10 =	vld.idx.msk [tilespmem:v10+s3+$0x0], $0xffff;
	v13 =	vor.u32 v32, v61  }
0x81b: {  	[tilespmem:v19+s19+$0x0] =	vst.idx.msk $0xffff, v17;
	v17 =	vor.u32 v32, v26;
	v16 =	vld.idx.msk [tilespmem:v16+s3+$0x0], $0xffff  }
0x81c: {  	v24 =	vor.u32 v32, v14;
	v7 =	vor.u32 v54, v58  }
0x81d: {  	[tilespmem:v44+s19+$0x0] =	vst.idx.msk $0xffff, v30  }
0x81e: {  	[tilespmem:v46+s19+$0x0] =	vst.idx.msk $0xffff, v5  }
0x81f: {  	v45 =	vor.u32 v32, v28;
	[tilespmem:v13+s19+$0x0] =	vst.idx.msk $0xffff, v10  }
0x820: {  	v8 =	vor.u32 v32, v29;
	[tilespmem:v17+s19+$0x0] =	vst.idx.msk $0xffff, v16  }
0x821: {  	v24 =	vld.idx.msk [tilespmem:v24+s3+$0x0], $0xffff;
	[tilespmem:v7+s19+$0x0] =	vst.idx.msk $0xffff, v37  }
0x822: {  	v15 =	vor.u32 v32, v60;
	v46 =	vld [tilespmem:$0x1F800]  }
0x823: {  	v19 =	vor.u32 v32, v11;
	v30 =	vor.u32 v32, v12;
	v20 =	vld [tilespmem:$0x1F8B0]  }
0x824: {  	v56 =	vor.u32 v32, v22;
	v38 =	vld.idx.msk [tilespmem:v45+s3+$0x0], $0xffff  }
0x825: {  	v5 =	vor.u32 v32, v18;
	v44 =	vor.u32 v32, v50;
	v8 =	vld.idx.msk [tilespmem:v8+s3+$0x0], $0xffff  }
0x826: {  	v45 =	vor.u32 v32, v21  }
0x827: {  	v15 =	vld.idx.msk [tilespmem:v15+s3+$0x0], $0xffff;
	v7 =	vor.u32 v32, v42;
	v16 =	vor.u32 v46, v61  }
0x828: {  	v19 =	vld.idx.msk [tilespmem:v19+s3+$0x0], $0xffff;
	[tilespmem:v30+s19+$0x0] =	vst.idx.msk $0xffff, v24;
	v13 =	vor.u32 v20, v63;
	v24 =	vor.u32 v46, v26  }
0x829: {  	[tilespmem:v56+s19+$0x0] =	vst.idx.msk $0xffff, v38  }
0x82a: {  	v17 =	vor.u32 v57, v62;
	[tilespmem:v44+s19+$0x0] =	vst.idx.msk $0xffff, v8;
	v5 =	vld.idx.msk [tilespmem:v5+s3+$0x0], $0xffff  }
0x82b: {  	v41 =	vor.u32 v57, v9;
	[tilespmem:v33+s19+$0x0] =	vst.idx.msk $0xffff, v3;
	v10 =	vld.idx.msk [tilespmem:v45+s3+$0x0], $0xffff;
	v43 =	vor.u32 v46, v12  }
0x82c: {  	v7 =	vld.idx.msk [tilespmem:v7+s3+$0x0], $0xffff;
	v56 =	vor.u32 v46, v22;
	[tilespmem:v16+s19+$0x0] =	vst.idx.msk $0xffff, v15  }
0x82d: {  	v40 =	vor.u32 v46, v50;
	v13 =	vld.idx.msk [tilespmem:v13+s3+$0x0], $0xffff;
	[tilespmem:v24+s19+$0x0] =	vst.idx.msk $0xffff, v19  }
0x82e: {  	v46 =	vld [tilespmem:$0x1FE40]  }
0x82f: {  	v19 =	vor.u32 v57, v61;
	v17 =	vld.idx.msk [tilespmem:v17+s3+$0x0], $0xffff  }
0x830: {  	[tilespmem:v43+s19+$0x0] =	vst.idx.msk $0xffff, v5;
	v24 =	vld.idx.msk [tilespmem:v41+s3+$0x0], $0xffff;
	v41 =	vor.u32 v57, v26  }
0x831: {  	[tilespmem:v56+s19+$0x0] =	vst.idx.msk $0xffff, v7  }
0x832: {  	v8 =	vor.u32 v57, v14;
	[tilespmem:v40+s19+$0x0] =	vst.idx.msk $0xffff, v10  }
0x833: {  	v3 =	vor.u32 v57, v28;
	[tilespmem:v35+s19+$0x0] =	vst.idx.msk $0xffff, v13  }
0x834: {  	v15 =	vor.u32 v57, v29;
	[tilespmem:v19+s19+$0x0] =	vst.idx.msk $0xffff, v17  }
0x835: {  	v16 =	vor.u32 v46, v6;
	[tilespmem:v41+s19+$0x0] =	vst.idx.msk $0xffff, v24  }
0x836: {  	v5 =	vor.u32 v57, v60;
	v38 =	vld [tilespmem:$0x1F9F0]  }
0x837: {  	v43 =	vor.u32 v57, v12;
	v8 =	vld.idx.msk [tilespmem:v8+s3+$0x0], $0xffff  }
0x838: {  	v45 =	vor.u32 v57, v22;
	v3 =	vld.idx.msk [tilespmem:v3+s3+$0x0], $0xffff  }
0x839: {  	v56 =	vor.u32 v57, v50;
	v15 =	vld.idx.msk [tilespmem:v15+s3+$0x0], $0xffff  }
0x83a: {  	v16 =	vld.idx.msk [tilespmem:v16+s3+$0x0], $0xffff  }
0x83b: {  	v7 =	vor.u32 v57, v11;
	v5 =	vld.idx.msk [tilespmem:v5+s3+$0x0], $0xffff;
	v24 =	vor.u32 v38, v61  }
0x83c: {  	[tilespmem:v43+s19+$0x0] =	vst.idx.msk $0xffff, v8  }
0x83d: {  	v44 =	vor.u32 v57, v18;
	[tilespmem:v45+s19+$0x0] =	vst.idx.msk $0xffff, v3  }
0x83e: {  	v13 =	vor.u32 v57, v42;
	[tilespmem:v56+s19+$0x0] =	vst.idx.msk $0xffff, v15  }
0x83f: {  	v17 =	vor.u32 v57, v21;
	[tilespmem:v31+s19+$0x0] =	vst.idx.msk $0xffff, v16  }
0x840: {  	v8 =	vor.u32 v34, v62;
	v7 =	vld.idx.msk [tilespmem:v7+s3+$0x0], $0xffff;
	[tilespmem:v24+s19+$0x0] =	vst.idx.msk $0xffff, v5  }
0x841: {  	v19 =	vor.u32 v20, v59;
	v40 =	vor.u32 v38, v26;
	v37 =	vld [tilespmem:$0x1F890]  }
0x842: {  	v3 =	vor.u32 v34, v9;
	v10 =	vld.idx.msk [tilespmem:v44+s3+$0x0], $0xffff;
	v41 =	vor.u32 v38, v12  }
0x843: {  	v13 =	vld.idx.msk [tilespmem:v13+s3+$0x0], $0xffff;
	v43 =	vor.u32 v38, v22  }
0x844: {  	v17 =	vld.idx.msk [tilespmem:v17+s3+$0x0], $0xffff;
	v44 =	vor.u32 v38, v50  }
0x845: {  	v45 =	vor.u32 v34, v61;
	v15 =	vor.u32 v34, v14;
	v8 =	vld.idx.msk [tilespmem:v8+s3+$0x0], $0xffff  }
0x846: {  	v56 =	vor.u32 v34, v60;
	v19 =	vld.idx.msk [tilespmem:v19+s3+$0x0], $0xffff;
	[tilespmem:v40+s19+$0x0] =	vst.idx.msk $0xffff, v7;
	v5 =	vor.u32 v37, v58  }
0x847: {  	v57 =	vor.u32 v34, v26;
	[tilespmem:v41+s19+$0x0] =	vst.idx.msk $0xffff, v10;
	v3 =	vld.idx.msk [tilespmem:v3+s3+$0x0], $0xffff  }
0x848: {  	[tilespmem:v43+s19+$0x0] =	vst.idx.msk $0xffff, v13  }
0x849: {  	[tilespmem:v44+s19+$0x0] =	vst.idx.msk $0xffff, v17  }
0x84a: {  	v16 =	vor.u32 v34, v28;
	v15 =	vld.idx.msk [tilespmem:v15+s3+$0x0], $0xffff;
	[tilespmem:v45+s19+$0x0] =	vst.idx.msk $0xffff, v8  }
0x84b: {  	v24 =	vor.u32 v34, v29;
	v10 =	vld.idx.msk [tilespmem:v56+s3+$0x0], $0xffff;
	[tilespmem:v5+s19+$0x0] =	vst.idx.msk $0xffff, v19  }
0x84c: {  	v38 =	vor.u32 v34, v12;
	v7 =	vor.u32 v46, v4;
	v40 =	vld [tilespmem:$0x1F860];
	[tilespmem:v57+s19+$0x0] =	vst.idx.msk $0xffff, v3  }
0x84d: {  	v56 =	vld [tilespmem:$0x1F810]  }
0x84e: {  	v13 =	vor.u32 v34, v11  }
0x84f: {  	v44 =	vor.u32 v34, v22;
	v16 =	vld.idx.msk [tilespmem:v16+s3+$0x0], $0xffff  }
0x850: {  	v19 =	vld.idx.msk [tilespmem:v24+s3+$0x0], $0xffff;
	v24 =	vor.u32 v34, v50  }
0x851: {  	v7 =	vld.idx.msk [tilespmem:v7+s3+$0x0], $0xffff;
	[tilespmem:v38+s19+$0x0] =	vst.idx.msk $0xffff, v15;
	v8 =	vor.u32 v40, v23  }
0x852: {  	v1 =	vld [tilespmem:$0x1F8C0];
	v57 =	vor.u32 v56, v61  }
0x853: {  	v17 =	vor.u32 v34, v18;
	v13 =	vld.idx.msk [tilespmem:v13+s3+$0x0], $0xffff;
	v38 =	vor.u32 v56, v26  }
0x854: {  	[tilespmem:v44+s19+$0x0] =	vst.idx.msk $0xffff, v16  }
0x855: {  	v5 =	vor.u32 v34, v42;
	[tilespmem:v24+s19+$0x0] =	vst.idx.msk $0xffff, v19  }
0x856: {  	v45 =	vor.u32 v34, v21;
	[tilespmem:v8+s19+$0x0] =	vst.idx.msk $0xffff, v7  }
0x857: {  	v15 =	vor.u32 v1, v62;
	[tilespmem:v57+s19+$0x0] =	vst.idx.msk $0xffff, v10  }
0x858: {  	v3 =	vor.u32 v39, v63;
	v17 =	vld.idx.msk [tilespmem:v17+s3+$0x0], $0xffff;
	v41 =	vor.u32 v56, v12;
	[tilespmem:v38+s19+$0x0] =	vst.idx.msk $0xffff, v13  }
0x859: {  	v16 =	vor.u32 v1, v9;
	v34 =	vld [tilespmem:$0x1FE50]  }
0x85a: {  	v5 =	vld.idx.msk [tilespmem:v5+s3+$0x0], $0xffff;
	v24 =	vor.u32 v56, v22;
	v19 =	vor.u32 v1, v14  }
0x85b: {  	v43 =	vor.u32 v56, v50;
	v7 =	vor.u32 v1, v28;
	v8 =	vld.idx.msk [tilespmem:v45+s3+$0x0], $0xffff  }
0x85c: {  	v56 =	vor.u32 v1, v61;
	v45 =	vor.u32 v1, v29;
	v15 =	vld.idx.msk [tilespmem:v15+s3+$0x0], $0xffff  }
0x85d: {  	v44 =	vor.u32 v39, v58;
	v3 =	vld.idx.msk [tilespmem:v3+s3+$0x0], $0xffff;
	[tilespmem:v41+s19+$0x0] =	vst.idx.msk $0xffff, v17;
	v17 =	vor.u32 v1, v60  }
0x85e: {  	v57 =	vor.u32 v1, v26;
	v16 =	vld.idx.msk [tilespmem:v16+s3+$0x0], $0xffff;
	v13 =	vor.u32 v34, v6  }
0x85f: {  	[tilespmem:v24+s19+$0x0] =	vst.idx.msk $0xffff, v5;
	v24 =	vor.u32 v1, v12;
	v19 =	vld.idx.msk [tilespmem:v19+s3+$0x0], $0xffff  }
0x860: {  	v38 =	vor.u32 v1, v22;
	[tilespmem:v43+s19+$0x0] =	vst.idx.msk $0xffff, v8;
	v7 =	vld.idx.msk [tilespmem:v7+s3+$0x0], $0xffff  }
0x861: {  	v43 =	vor.u32 v1, v50;
	v41 =	vld.idx.msk [tilespmem:v45+s3+$0x0], $0xffff;
	[tilespmem:v56+s19+$0x0] =	vst.idx.msk $0xffff, v15  }
0x862: {  	[tilespmem:v44+s19+$0x0] =	vst.idx.msk $0xffff, v3;
	v45 =	vor.u32 v54, v61;
	v17 =	vld.idx.msk [tilespmem:v17+s3+$0x0], $0xffff  }
0x863: {  	v5 =	vor.u32 v1, v11;
	v15 =	vor.u32 v34, v23;
	[tilespmem:v57+s19+$0x0] =	vst.idx.msk $0xffff, v16;
	v13 =	vld.idx.msk [tilespmem:v13+s3+$0x0], $0xffff  }
0x864: {  	[tilespmem:v24+s19+$0x0] =	vst.idx.msk $0xffff, v19  }
0x865: {  	v8 =	vor.u32 v1, v18;
	[tilespmem:v38+s19+$0x0] =	vst.idx.msk $0xffff, v7  }
0x866: {  	v3 =	vor.u32 v1, v42;
	[tilespmem:v43+s19+$0x0] =	vst.idx.msk $0xffff, v41  }
0x867: {  	v44 =	vor.u32 v1, v21;
	[tilespmem:v45+s19+$0x0] =	vst.idx.msk $0xffff, v17  }
0x868: {  	v19 =	vor.u32 v20, v62;
	v24 =	vor.u32 v54, v26;
	v5 =	vld.idx.msk [tilespmem:v5+s3+$0x0], $0xffff;
	[tilespmem:v15+s19+$0x0] =	vst.idx.msk $0xffff, v13  }
0x869: {  	v16 =	vor.u32 v39, v59;
	v41 =	vld [tilespmem:$0x1F990]  }
0x86a: {  	v56 =	vor.u32 v54, v12;
	v8 =	vld.idx.msk [tilespmem:v8+s3+$0x0], $0xffff  }
0x86b: {  	v38 =	vor.u32 v54, v22;
	v3 =	vld.idx.msk [tilespmem:v3+s3+$0x0], $0xffff  }
0x86c: {  	v7 =	vor.u32 v20, v9;
	v35 =	vld.idx.msk [tilespmem:v44+s3+$0x0], $0xffff;
	v15 =	vor.u32 v54, v50  }
0x86d: {  	v57 =	vor.u32 v20, v14;
	v19 =	vld.idx.msk [tilespmem:v19+s3+$0x0], $0xffff;
	[tilespmem:v24+s19+$0x0] =	vst.idx.msk $0xffff, v5;
	v24 =	vor.u32 v20, v61  }
0x86e: {  	v16 =	vld.idx.msk [tilespmem:v16+s3+$0x0], $0xffff;
	v13 =	vor.u32 v20, v28;
	v17 =	vor.u32 v41, v58  }
0x86f: {  	[tilespmem:v56+s19+$0x0] =	vst.idx.msk $0xffff, v8  }
0x870: {  	v44 =	vor.u32 v20, v29;
	[tilespmem:v38+s19+$0x0] =	vst.idx.msk $0xffff, v3  }
0x871: {  	v8 =	vor.u32 v20, v60;
	v7 =	vld.idx.msk [tilespmem:v7+s3+$0x0], $0xffff;
	[tilespmem:v15+s19+$0x0] =	vst.idx.msk $0xffff, v35  }
0x872: {  	v45 =	vor.u32 v20, v26;
	v5 =	vor.u32 v34, v4;
	v10 =	vld.idx.msk [tilespmem:v57+s3+$0x0], $0xffff;
	[tilespmem:v24+s19+$0x0] =	vst.idx.msk $0xffff, v19  }
0x873: {  	v3 =	vor.u32 v20, v11;
	v13 =	vld.idx.msk [tilespmem:v13+s3+$0x0], $0xffff;
	[tilespmem:v17+s19+$0x0] =	vst.idx.msk $0xffff, v16  }
0x874: {  	v54 =	vor.u32 v20, v12;
	v38 =	vld [tilespmem:$0x1F850]  }
0x875: {  	v56 =	vor.u32 v20, v22;
	v31 =	vld.idx.msk [tilespmem:v44+s3+$0x0], $0xffff  }
0x876: {  	v57 =	vor.u32 v37, v61;
	v8 =	vld.idx.msk [tilespmem:v8+s3+$0x0], $0xffff  }
0x877: {  	v5 =	vld.idx.msk [tilespmem:v5+s3+$0x0], $0xffff;
	v17 =	vor.u32 v20, v50;
	[tilespmem:v45+s19+$0x0] =	vst.idx.msk $0xffff, v7  }
0x878: {  	v15 =	vor.u32 v20, v18;
	v44 =	vor.u32 v37, v26;
	v3 =	vld.idx.msk [tilespmem:v3+s3+$0x0], $0xffff  }
0x879: {  	v24 =	vor.u32 v20, v21;
	v32 =	vld [tilespmem:$0x1FF60];
	[tilespmem:v54+s19+$0x0] =	vst.idx.msk $0xffff, v10;
	v19 =	vor.u32 v38, v23  }
0x87a: {  	[tilespmem:v56+s19+$0x0] =	vst.idx.msk $0xffff, v13  }
0x87b: {  	v16 =	vor.u32 v20, v42;
	[tilespmem:v57+s19+$0x0] =	vst.idx.msk $0xffff, v8  }
0x87c: {  	[tilespmem:v17+s19+$0x0] =	vst.idx.msk $0xffff, v31  }
0x87d: {  	v15 =	vld.idx.msk [tilespmem:v15+s3+$0x0], $0xffff;
	[tilespmem:v44+s19+$0x0] =	vst.idx.msk $0xffff, v3  }
0x87e: {  	v43 =	vor.u32 v39, v62;
	v7 =	vor.u32 v32, v63;
	[tilespmem:v19+s19+$0x0] =	vst.idx.msk $0xffff, v5;
	v19 =	vld.idx.msk [tilespmem:v24+s3+$0x0], $0xffff  }
0x87f: {  	v45 =	vor.u32 v37, v12;
	v54 =	vor.u32 v37, v22;
	v24 =	vor.u32 v37, v50;
	v37 =	vld [tilespmem:$0x1FE60]  }
0x880: {  	v17 =	vor.u32 v39, v14;
	v16 =	vld.idx.msk [tilespmem:v16+s3+$0x0], $0xffff  }
0x881: {  	v5 =	vor.u32 v39, v28  }
0x882: {  	v13 =	vor.u32 v39, v9  }
0x883: {  	v56 =	vor.u32 v39, v29;
	v8 =	vor.u32 v32, v58;
	v7 =	vld.idx.msk [tilespmem:v7+s3+$0x0], $0xffff  }
0x884: {  	v57 =	vor.u32 v39, v61;
	[tilespmem:v45+s19+$0x0] =	vst.idx.msk $0xffff, v15;
	v3 =	vor.u32 v37, v6;
	v6 =	vld.idx.msk [tilespmem:v43+s3+$0x0], $0xffff  }
0x885: {  	v44 =	vor.u32 v39, v12;
	v15 =	vor.u32 v39, v60;
	[tilespmem:v54+s19+$0x0] =	vst.idx.msk $0xffff, v16;
	v17 =	vld.idx.msk [tilespmem:v17+s3+$0x0], $0xffff  }
0x886: {  	[tilespmem:v24+s19+$0x0] =	vst.idx.msk $0xffff, v19;
	v5 =	vld.idx.msk [tilespmem:v5+s3+$0x0], $0xffff;
	v24 =	vor.u32 v39, v22  }
0x887: {  	v13 =	vld.idx.msk [tilespmem:v13+s3+$0x0], $0xffff;
	v43 =	vor.u32 v39, v26  }
0x888: {  	v45 =	vor.u32 v39, v50;
	[tilespmem:v8+s19+$0x0] =	vst.idx.msk $0xffff, v7;
	v8 =	vld.idx.msk [tilespmem:v56+s3+$0x0], $0xffff  }
0x889: {  	v3 =	vld.idx.msk [tilespmem:v3+s3+$0x0], $0xffff;
	[tilespmem:v57+s19+$0x0] =	vst.idx.msk $0xffff, v6;
	v6 =	vor.u32 v37, v23  }
0x88a: {  	v16 =	vor.u32 v39, v11;
	v56 =	vor.u32 v41, v61;
	[tilespmem:v44+s19+$0x0] =	vst.idx.msk $0xffff, v17;
	v15 =	vld.idx.msk [tilespmem:v15+s3+$0x0], $0xffff  }
0x88b: {  	[tilespmem:v24+s19+$0x0] =	vst.idx.msk $0xffff, v5  }
0x88c: {  	v19 =	vor.u32 v39, v18;
	[tilespmem:v43+s19+$0x0] =	vst.idx.msk $0xffff, v13  }
0x88d: {  	v7 =	vor.u32 v39, v42;
	[tilespmem:v45+s19+$0x0] =	vst.idx.msk $0xffff, v8  }
0x88e: {  	v54 =	vor.u32 v39, v21;
	[tilespmem:v6+s19+$0x0] =	vst.idx.msk $0xffff, v3  }
0x88f: {  	v17 =	vor.u32 v32, v62;
	v57 =	vor.u32 v41, v26;
	v16 =	vld.idx.msk [tilespmem:v16+s3+$0x0], $0xffff;
	[tilespmem:v56+s19+$0x0] =	vst.idx.msk $0xffff, v15  }
0x890: {  	v13 =	vor.u32 v32, v59;
	v35 =	vld [tilespmem:$0x1F9C0]  }
0x891: {  	v5 =	vor.u32 v32, v9;
	v19 =	vld.idx.msk [tilespmem:v19+s3+$0x0], $0xffff;
	v24 =	vor.u32 v41, v12  }
0x892: {  	v39 =	vor.u32 v41, v22;
	v7 =	vld.idx.msk [tilespmem:v7+s3+$0x0], $0xffff  }
0x893: {  	v41 =	vor.u32 v41, v50;
	v6 =	vld.idx.msk [tilespmem:v54+s3+$0x0], $0xffff  }
0x894: {  	[tilespmem:v57+s19+$0x0] =	vst.idx.msk $0xffff, v16;
	v16 =	vld.idx.msk [tilespmem:v17+s3+$0x0], $0xffff;
	v17 =	vor.u32 v32, v61  }
0x895: {  	v13 =	vld.idx.msk [tilespmem:v13+s3+$0x0], $0xffff;
	v15 =	vor.u32 v35, v58  }
0x896: {  	[tilespmem:v24+s19+$0x0] =	vst.idx.msk $0xffff, v19;
	v24 =	vor.u32 v32, v26;
	v5 =	vld.idx.msk [tilespmem:v5+s3+$0x0], $0xffff  }
0x897: {  	[tilespmem:v39+s19+$0x0] =	vst.idx.msk $0xffff, v7  }
0x898: {  	v8 =	vor.u32 v32, v14;
	[tilespmem:v41+s19+$0x0] =	vst.idx.msk $0xffff, v6  }
0x899: {  	v3 =	vor.u32 v32, v28;
	[tilespmem:v17+s19+$0x0] =	vst.idx.msk $0xffff, v16  }
0x89a: {  	v43 =	vor.u32 v32, v29;
	[tilespmem:v15+s19+$0x0] =	vst.idx.msk $0xffff, v13  }
0x89b: {  	v4 =	vor.u32 v37, v4;
	v33 =	vld [tilespmem:$0x1F870];
	[tilespmem:v24+s19+$0x0] =	vst.idx.msk $0xffff, v5  }
0x89c: {  	v19 =	vor.u32 v32, v60;
	v20 =	vld [tilespmem:$0x1F840]  }
0x89d: {  	v44 =	vor.u32 v32, v12;
	v7 =	vor.u32 v32, v11;
	v8 =	vld.idx.msk [tilespmem:v8+s3+$0x0], $0xffff  }
0x89e: {  	v45 =	vor.u32 v32, v22;
	v6 =	vor.u32 v32, v18;
	v3 =	vld.idx.msk [tilespmem:v3+s3+$0x0], $0xffff  }
0x89f: {  	v54 =	vor.u32 v32, v50;
	v13 =	vor.u32 v32, v42;
	v15 =	vld.idx.msk [tilespmem:v43+s3+$0x0], $0xffff  }
0x8a0: {  	v4 =	vld.idx.msk [tilespmem:v4+s3+$0x0], $0xffff;
	v17 =	vor.u32 v32, v21;
	v16 =	vor.u32 v33, v23  }
0x8a1: {  	v19 =	vld.idx.msk [tilespmem:v19+s3+$0x0], $0xffff;
	v23 =	vor.u32 v35, v61;
	v5 =	vor.u32 v20, v63  }
0x8a2: {  	v24 =	vor.u32 v35, v26;
	[tilespmem:v44+s19+$0x0] =	vst.idx.msk $0xffff, v8;
	v7 =	vld.idx.msk [tilespmem:v7+s3+$0x0], $0xffff;
	v8 =	vor.u32 v20, v62  }
0x8a3: {  	v56 =	vor.u32 v35, v12;
	[tilespmem:v45+s19+$0x0] =	vst.idx.msk $0xffff, v3;
	v6 =	vld.idx.msk [tilespmem:v6+s3+$0x0], $0xffff  }
0x8a4: {  	v57 =	vor.u32 v35, v22;
	[tilespmem:v54+s19+$0x0] =	vst.idx.msk $0xffff, v15;
	v13 =	vld.idx.msk [tilespmem:v13+s3+$0x0], $0xffff  }
0x8a5: {  	[tilespmem:v16+s19+$0x0] =	vst.idx.msk $0xffff, v4;
	v16 =	vld.idx.msk [tilespmem:v17+s3+$0x0], $0xffff;
	v17 =	vor.u32 v35, v50  }
0x8a6: {  	[tilespmem:v23+s19+$0x0] =	vst.idx.msk $0xffff, v19;
	v19 =	vor.u32 v20, v58;
	v5 =	vld.idx.msk [tilespmem:v5+s3+$0x0], $0xffff  }
0x8a7: {  	[tilespmem:v24+s19+$0x0] =	vst.idx.msk $0xffff, v7;
	v24 =	vor.u32 v20, v61;
	v8 =	vld.idx.msk [tilespmem:v8+s3+$0x0], $0xffff  }
0x8a8: {  	[tilespmem:v56+s19+$0x0] =	vst.idx.msk $0xffff, v6  }
0x8a9: {  	v3 =	vor.u32 v20, v9;
	[tilespmem:v57+s19+$0x0] =	vst.idx.msk $0xffff, v13  }
0x8aa: {  	v15 =	vor.u32 v20, v14;
	[tilespmem:v17+s19+$0x0] =	vst.idx.msk $0xffff, v16  }
0x8ab: {  	v4 =	vor.u32 v20, v28;
	[tilespmem:v19+s19+$0x0] =	vst.idx.msk $0xffff, v5  }
0x8ac: {  	v23 =	vor.u32 v20, v29;
	[tilespmem:v24+s19+$0x0] =	vst.idx.msk $0xffff, v8  }
0x8ad: {  	v7 =	vor.u32 v20, v59;
	v31 =	vld [tilespmem:$0x1F880]  }
0x8ae: {  	v39 =	vor.u32 v20, v26;
	v6 =	vor.u32 v20, v60;
	v3 =	vld.idx.msk [tilespmem:v3+s3+$0x0], $0xffff  }
0x8af: {  	v41 =	vor.u32 v20, v12;
	v13 =	vor.u32 v20, v11;
	v15 =	vld.idx.msk [tilespmem:v15+s3+$0x0], $0xffff  }
0x8b0: {  	v16 =	vor.u32 v20, v18;
	v4 =	vld.idx.msk [tilespmem:v4+s3+$0x0], $0xffff;
	v17 =	vor.u32 v20, v22  }
0x8b1: {  	v5 =	vor.u32 v20, v42;
	v19 =	vld.idx.msk [tilespmem:v23+s3+$0x0], $0xffff;
	v23 =	vor.u32 v20, v50  }
0x8b2: {  	v24 =	vor.u32 v20, v21;
	v7 =	vld.idx.msk [tilespmem:v7+s3+$0x0], $0xffff;
	v8 =	vor.u32 v31, v58  }
0x8b3: {  	[tilespmem:v39+s19+$0x0] =	vst.idx.msk $0xffff, v3;
	v3 =	vor.u32 v55, v63;
	v6 =	vld.idx.msk [tilespmem:v6+s3+$0x0], $0xffff;
	v43 =	vor.u32 v31, v61  }
0x8b4: {  	[tilespmem:v41+s19+$0x0] =	vst.idx.msk $0xffff, v15;
	v15 =	vor.u32 v55, v62;
	v13 =	vld.idx.msk [tilespmem:v13+s3+$0x0], $0xffff;
	v44 =	vor.u32 v31, v26  }
0x8b5: {  	[tilespmem:v17+s19+$0x0] =	vst.idx.msk $0xffff, v4;
	v16 =	vld.idx.msk [tilespmem:v16+s3+$0x0], $0xffff;
	v17 =	vor.u32 v31, v12  }
0x8b6: {  	[tilespmem:v23+s19+$0x0] =	vst.idx.msk $0xffff, v19;
	v5 =	vld.idx.msk [tilespmem:v5+s3+$0x0], $0xffff;
	v23 =	vor.u32 v31, v22  }
0x8b7: {  	[tilespmem:v8+s19+$0x0] =	vst.idx.msk $0xffff, v7;
	v8 =	vld.idx.msk [tilespmem:v24+s3+$0x0], $0xffff;
	v24 =	vor.u32 v31, v50  }
0x8b8: {  	[tilespmem:v43+s19+$0x0] =	vst.idx.msk $0xffff, v6;
	v6 =	vor.u32 v55, v58;
	v3 =	vld.idx.msk [tilespmem:v3+s3+$0x0], $0xffff  }
0x8b9: {  	v54 =	vor.u32 v55, v61;
	[tilespmem:v44+s19+$0x0] =	vst.idx.msk $0xffff, v13;
	v15 =	vld.idx.msk [tilespmem:v15+s3+$0x0], $0xffff  }
0x8ba: {  	[tilespmem:v17+s19+$0x0] =	vst.idx.msk $0xffff, v16  }
0x8bb: {  	v4 =	vor.u32 v55, v9;
	[tilespmem:v23+s19+$0x0] =	vst.idx.msk $0xffff, v5  }
0x8bc: {  	v19 =	vor.u32 v55, v14;
	[tilespmem:v24+s19+$0x0] =	vst.idx.msk $0xffff, v8  }
0x8bd: {  	v7 =	vor.u32 v55, v28;
	[tilespmem:v6+s19+$0x0] =	vst.idx.msk $0xffff, v3  }
0x8be: {  	v45 =	vor.u32 v55, v29;
	[tilespmem:v54+s19+$0x0] =	vst.idx.msk $0xffff, v15  }
0x8bf: {  	v13 =	vor.u32 v55, v59;
	v20 =	vld [tilespmem:$0x1F8A0]  }
0x8c0: {  	v16 =	vor.u32 v55, v60;
	v17 =	vor.u32 v55, v26;
	v4 =	vld.idx.msk [tilespmem:v4+s3+$0x0], $0xffff  }
0x8c1: {  	v5 =	vor.u32 v55, v11;
	v23 =	vor.u32 v55, v12;
	v19 =	vld.idx.msk [tilespmem:v19+s3+$0x0], $0xffff  }
0x8c2: {  	v8 =	vor.u32 v55, v18;
	v24 =	vor.u32 v55, v22;
	v7 =	vld.idx.msk [tilespmem:v7+s3+$0x0], $0xffff  }
0x8c3: {  	v3 =	vor.u32 v55, v42;
	v6 =	vor.u32 v55, v50;
	v10 =	vld.idx.msk [tilespmem:v45+s3+$0x0], $0xffff  }
0x8c4: {  	v56 =	vor.u32 v55, v21;
	v13 =	vld.idx.msk [tilespmem:v13+s3+$0x0], $0xffff;
	v15 =	vor.u32 v20, v58  }
0x8c5: {  	[tilespmem:v17+s19+$0x0] =	vst.idx.msk $0xffff, v4;
	v4 =	vor.u32 v46, v63;
	v16 =	vld.idx.msk [tilespmem:v16+s3+$0x0], $0xffff;
	v17 =	vor.u32 v20, v61  }
0x8c6: {  	[tilespmem:v23+s19+$0x0] =	vst.idx.msk $0xffff, v19;
	v19 =	vor.u32 v46, v62;
	v5 =	vld.idx.msk [tilespmem:v5+s3+$0x0], $0xffff;
	v23 =	vor.u32 v20, v26  }
0x8c7: {  	[tilespmem:v24+s19+$0x0] =	vst.idx.msk $0xffff, v7;
	v7 =	vor.u32 v46, v9;
	v8 =	vld.idx.msk [tilespmem:v8+s3+$0x0], $0xffff;
	v24 =	vor.u32 v20, v12  }
0x8c8: {  	[tilespmem:v6+s19+$0x0] =	vst.idx.msk $0xffff, v10;
	v6 =	vor.u32 v46, v14;
	v3 =	vld.idx.msk [tilespmem:v3+s3+$0x0], $0xffff;
	v57 =	vor.u32 v20, v22  }
0x8c9: {  	v30 =	vld.idx.msk [tilespmem:v56+s3+$0x0], $0xffff;
	[tilespmem:v15+s19+$0x0] =	vst.idx.msk $0xffff, v13;
	v13 =	vor.u32 v46, v28;
	v15 =	vor.u32 v20, v50  }
0x8ca: {  	[tilespmem:v17+s19+$0x0] =	vst.idx.msk $0xffff, v16;
	v16 =	vor.u32 v46, v58;
	v17 =	vor.u32 v46, v29;
	v4 =	vld.idx.msk [tilespmem:v4+s3+$0x0], $0xffff  }
0x8cb: {  	[tilespmem:v23+s19+$0x0] =	vst.idx.msk $0xffff, v5;
	v5 =	vor.u32 v46, v59;
	v23 =	vor.u32 v46, v61;
	v19 =	vld.idx.msk [tilespmem:v19+s3+$0x0], $0xffff  }
0x8cc: {  	[tilespmem:v24+s19+$0x0] =	vst.idx.msk $0xffff, v8;
	v8 =	vor.u32 v46, v60;
	v24 =	vor.u32 v46, v26;
	v7 =	vld.idx.msk [tilespmem:v7+s3+$0x0], $0xffff  }
0x8cd: {  	v35 =	vor.u32 v46, v12;
	[tilespmem:v57+s19+$0x0] =	vst.idx.msk $0xffff, v3;
	v3 =	vor.u32 v46, v11;
	v6 =	vld.idx.msk [tilespmem:v6+s3+$0x0], $0xffff  }
0x8ce: {  	v39 =	vor.u32 v46, v22;
	[tilespmem:v15+s19+$0x0] =	vst.idx.msk $0xffff, v30;
	v15 =	vor.u32 v46, v18;
	v13 =	vld.idx.msk [tilespmem:v13+s3+$0x0], $0xffff  }
0x8cf: {  	[tilespmem:v16+s19+$0x0] =	vst.idx.msk $0xffff, v4;
	v4 =	vor.u32 v46, v42;
	v16 =	vor.u32 v46, v50;
	v17 =	vld.idx.msk [tilespmem:v17+s3+$0x0], $0xffff  }
0x8d0: {  	[tilespmem:v23+s19+$0x0] =	vst.idx.msk $0xffff, v19;
	v19 =	vor.u32 v40, v58;
	v23 =	vor.u32 v46, v21;
	v5 =	vld.idx.msk [tilespmem:v5+s3+$0x0], $0xffff  }
0x8d1: {  	[tilespmem:v24+s19+$0x0] =	vst.idx.msk $0xffff, v7;
	v7 =	vor.u32 v34, v63;
	v24 =	vor.u32 v40, v61;
	v8 =	vld.idx.msk [tilespmem:v8+s3+$0x0], $0xffff  }
0x8d2: {  	v41 =	vor.u32 v40, v26;
	[tilespmem:v35+s19+$0x0] =	vst.idx.msk $0xffff, v6;
	v6 =	vor.u32 v34, v62;
	v3 =	vld.idx.msk [tilespmem:v3+s3+$0x0], $0xffff  }
0x8d3: {  	v43 =	vor.u32 v40, v12;
	[tilespmem:v39+s19+$0x0] =	vst.idx.msk $0xffff, v13;
	v13 =	vor.u32 v34, v9;
	v15 =	vld.idx.msk [tilespmem:v15+s3+$0x0], $0xffff  }
0x8d4: {  	[tilespmem:v16+s19+$0x0] =	vst.idx.msk $0xffff, v17;
	v16 =	vor.u32 v34, v14;
	v4 =	vld.idx.msk [tilespmem:v4+s3+$0x0], $0xffff;
	v17 =	vor.u32 v40, v22  }
0x8d5: {  	[tilespmem:v19+s19+$0x0] =	vst.idx.msk $0xffff, v5;
	v5 =	vor.u32 v34, v28;
	v19 =	vld.idx.msk [tilespmem:v23+s3+$0x0], $0xffff;
	v23 =	vor.u32 v40, v50  }
0x8d6: {  	[tilespmem:v24+s19+$0x0] =	vst.idx.msk $0xffff, v8;
	v8 =	vor.u32 v34, v58;
	v24 =	vor.u32 v34, v29;
	v7 =	vld.idx.msk [tilespmem:v7+s3+$0x0], $0xffff  }
0x8d7: {  	v44 =	vor.u32 v34, v61;
	[tilespmem:v41+s19+$0x0] =	vst.idx.msk $0xffff, v3;
	v3 =	vor.u32 v34, v59;
	v6 =	vld.idx.msk [tilespmem:v6+s3+$0x0], $0xffff  }
0x8d8: {  	v45 =	vor.u32 v34, v26;
	[tilespmem:v43+s19+$0x0] =	vst.idx.msk $0xffff, v15;
	v15 =	vor.u32 v34, v60;
	v13 =	vld.idx.msk [tilespmem:v13+s3+$0x0], $0xffff  }
0x8d9: {  	[tilespmem:v17+s19+$0x0] =	vst.idx.msk $0xffff, v4;
	v4 =	vor.u32 v34, v11;
	v16 =	vld.idx.msk [tilespmem:v16+s3+$0x0], $0xffff;
	v17 =	vor.u32 v34, v12  }
0x8da: {  	[tilespmem:v23+s19+$0x0] =	vst.idx.msk $0xffff, v19;
	v19 =	vor.u32 v34, v18;
	v5 =	vld.idx.msk [tilespmem:v5+s3+$0x0], $0xffff;
	v23 =	vor.u32 v34, v22  }
0x8db: {  	[tilespmem:v8+s19+$0x0] =	vst.idx.msk $0xffff, v7;
	v7 =	vor.u32 v34, v42;
	v8 =	vld.idx.msk [tilespmem:v24+s3+$0x0], $0xffff;
	v24 =	vor.u32 v34, v50  }
0x8dc: {  	v46 =	vor.u32 v34, v21;
	[tilespmem:v44+s19+$0x0] =	vst.idx.msk $0xffff, v6;
	v6 =	vor.u32 v38, v58;
	v3 =	vld.idx.msk [tilespmem:v3+s3+$0x0], $0xffff  }
0x8dd: {  	v54 =	vor.u32 v38, v61;
	[tilespmem:v45+s19+$0x0] =	vst.idx.msk $0xffff, v13;
	v13 =	vor.u32 v37, v63;
	v15 =	vld.idx.msk [tilespmem:v15+s3+$0x0], $0xffff  }
0x8de: {  	[tilespmem:v17+s19+$0x0] =	vst.idx.msk $0xffff, v16;
	v16 =	vor.u32 v37, v62;
	v4 =	vld.idx.msk [tilespmem:v4+s3+$0x0], $0xffff;
	v17 =	vor.u32 v38, v26  }
0x8df: {  	[tilespmem:v23+s19+$0x0] =	vst.idx.msk $0xffff, v5;
	v5 =	vor.u32 v37, v9;
	v55 =	vld.idx.msk [tilespmem:v19+s3+$0x0], $0xffff;
	v19 =	vor.u32 v38, v12  }
0x8e0: {  	[tilespmem:v24+s19+$0x0] =	vst.idx.msk $0xffff, v8;
	v8 =	vor.u32 v37, v14;
	v7 =	vld.idx.msk [tilespmem:v7+s3+$0x0], $0xffff;
	v14 =	vor.u32 v38, v22  }
0x8e1: {  	v56 =	vor.u32 v38, v50;
	[tilespmem:v6+s19+$0x0] =	vst.idx.msk $0xffff, v3;
	v3 =	vor.u32 v37, v28;
	v6 =	vld.idx.msk [tilespmem:v46+s3+$0x0], $0xffff  }
0x8e2: {  	v23 =	vor.u32 v37, v29;
	[tilespmem:v54+s19+$0x0] =	vst.idx.msk $0xffff, v15;
	v13 =	vld.idx.msk [tilespmem:v13+s3+$0x0], $0xffff;
	v15 =	vor.u32 v37, v58  }
0x8e3: {  	[tilespmem:v17+s19+$0x0] =	vst.idx.msk $0xffff, v4;
	v4 =	vor.u32 v37, v59;
	v16 =	vld.idx.msk [tilespmem:v16+s3+$0x0], $0xffff;
	v17 =	vor.u32 v37, v61  }
0x8e4: {  	v57 =	vor.u32 v37, v60;
	[tilespmem:v19+s19+$0x0] =	vst.idx.msk $0xffff, v55;
	v5 =	vld.idx.msk [tilespmem:v5+s3+$0x0], $0xffff;
	v19 =	vor.u32 v37, v26  }
0x8e5: {  	v59 =	vor.u32 v37, v12;
	[tilespmem:v14+s19+$0x0] =	vst.idx.msk $0xffff, v7;
	v7 =	vor.u32 v37, v11;
	v8 =	vld.idx.msk [tilespmem:v8+s3+$0x0], $0xffff  }
0x8e6: {  	v60 =	vor.u32 v37, v22;
	[tilespmem:v56+s19+$0x0] =	vst.idx.msk $0xffff, v6;
	v6 =	vor.u32 v37, v18;
	v3 =	vld.idx.msk [tilespmem:v3+s3+$0x0], $0xffff  }
0x8e7: {  	[tilespmem:v15+s19+$0x0] =	vst.idx.msk $0xffff, v13;
	v13 =	vor.u32 v37, v42;
	v14 =	vld.idx.msk [tilespmem:v23+s3+$0x0], $0xffff;
	v15 =	vor.u32 v37, v50  }
0x8e8: {  	[tilespmem:v17+s19+$0x0] =	vst.idx.msk $0xffff, v16;
	v4 =	vld.idx.msk [tilespmem:v4+s3+$0x0], $0xffff;
	v16 =	vor.u32 v33, v58;
	v17 =	vor.u32 v37, v21  }
0x8e9: {  	v62 =	vor.u32 v33, v61;
	[tilespmem:v19+s19+$0x0] =	vst.idx.msk $0xffff, v5;
	v5 =	vld.idx.msk [tilespmem:v57+s3+$0x0], $0xffff  }
0x8ea: {  	[tilespmem:v59+s19+$0x0] =	vst.idx.msk $0xffff, v8;
	v7 =	vld.idx.msk [tilespmem:v7+s3+$0x0], $0xffff;
	v8 =	vor.u32 v33, v26  }
0x8eb: {  	[tilespmem:v60+s19+$0x0] =	vst.idx.msk $0xffff, v3;
	v3 =	vld.idx.msk [tilespmem:v6+s3+$0x0], $0xffff;
	v6 =	vor.u32 v33, v12  }
0x8ec: {  	v63 =	vor.u32 v33, v22;
	[tilespmem:v15+s19+$0x0] =	vst.idx.msk $0xffff, v14;
	v10 =	vld.idx.msk [tilespmem:v13+s3+$0x0], $0xffff  }
0x8ed: {  	[tilespmem:v16+s19+$0x0] =	vst.idx.msk $0xffff, v4;
	v4 =	vor.u32 v33, v50;
	v12 =	vld.idx.msk [tilespmem:v17+s3+$0x0], $0xffff  }
0x8ee: {  	[tilespmem:v62+s19+$0x0] =	vst.idx.msk $0xffff, v5  }
0x8ef: {  	[tilespmem:v8+s19+$0x0] =	vst.idx.msk $0xffff, v7  }
0x8f0: {  	[tilespmem:v6+s19+$0x0] =	vst.idx.msk $0xffff, v3  }
0x8f1: {  	[tilespmem:v63+s19+$0x0] =	vst.idx.msk $0xffff, v10  }
0x8f2: {  	[tilespmem:v4+s19+$0x0] =	vst.idx.msk $0xffff, v12  }
0x8f3: {  	v54 =	vld [tilespmem:$0x1FE30]  }
0x8f4: {  	v42 =	vld [tilespmem:$0x1FF80]  }
0x8f5: {  	s22 =	sadd.s32 $0x1, s22;
	v20 =	vld [tilespmem:$0x1FEB0]  }
0x8f6: {  	p0 =	sne.s32 s22, $0xA0;
	v38 =	vld [tilespmem:$0x1FEE0]  }
.Ltmp7:
0x8f7: {  	v41 =	vmov v48;
	v48 =	vld [tilespmem:$0x1FF70];
	(pc) =	sbr.rel @p0 .LBB2_2-.Ltmp7, $4  }
0x8f8: {  	s0 =	sshll.u32 s23, $0x4;
	v40 =	vld [tilespmem:$0x1FF90]  }
0x8f9: {  	s0 =	sand.u32 $0x1FFFFC00, s0;
	v1 =	vmov v52;
	v52 =	vld [tilespmem:$0x1FF00]  }
0x8fa: {  	s0 =	sadd.s32 s6, s0;
	v44 =	vld [tilespmem:$0x1FFD0]  }
0x8fb: {  	v39 =	vmovc v36;
	v19 =	vmovc v53;
	v15 =	vmov v51;
	v7 =	vmov v25;
	v25 =	vlaneseq.u32;
	[hbm4b:s0+s3] =	stream.linear.scatter [tilespmem:s19], [sflag:$0x4], $0xA000, $0x38;
	v61 =	vld [tilespmem:$0x1FF40]  }
0x8fc: {  	s0 =	simm.s32 $0x3  }
0x8fd: {  	_ =	swait.ge [sflag:s0], $0xA000  }
0x8fe: {  	[sflag:s0] =	ssyncset.done $0x0  }
0x8ff: {  	[sflag:s0] =	ssyncadd.s32 $0xFFFF6000  }
0x900: {  	_ =	swait.ge [sflag:s18], $0xA000  }
0x901: {  	s1 =	rddreg [dreg:$0x9]  }
0x902: {  	s31 =	rddreg [dreg:$0x8];
	s1 =	sadd.s32 $0x1, s1  }
0x903: {  	p0 =	sne.s32 s1, s31  }
.Ltmp8:
0x904: {  	_ = 	snop;
	(pc) =	sbr.rel @p0 .LBB2_1-.Ltmp8, $3  }
0x905: {  	_ =	sdelay $0x1  }
0x906: {  	[sflag:s18] =	ssyncset.done $0x0  }
0x907: {  	[sflag:s18] =	ssyncadd.s32 $0xFFFF6000  }
0x908: {  	_ =	sfence.sel $0x180000  }
0x909: {  	[bflag:$0x0] =	sbarrier.arrive $0xFFFF  }
0x90a: {  	_ =	strace $0x90000047  }
0x90b: {  	s0 =	stileid.u32;
	[bflag:$0x2] =	sbarrier.arrive $0xFFFF  }
0x90c: {  	p0 =	sne.s32 s0, $0x0;
	s0 =	rddreg [dreg:$0x2]  }
0x90d: {  	s0 =	sadd.s32 @!p0 $0x100000, s0  }
0x90e: {  	[sflag:s0] =	ssyncadd.tile.s32 @!p0 $0x1;
	_ =	shalt  }
.Lfunc_end2:
_tile_overlayer_lowered:
.L_overlay_start_2:
0x90f: {  	(tag) =	ssettag $0x2  }
0x910: {  	s0 =	rddreg [dreg:$0x0];
	s2 =	stileid.u32  }
0x911: {  	s1 =	rddreg [dreg:$0x1];
	p0 =	sne.s32 s2, $0x0  }
0x912: {  	s3 =	rddreg [dreg:$0x2];
	[bflag:$0x3] =	sbarrier.arrive $0xFFFF;
	s2 =	simm.s32 @!p0 $0x1C05  }
0x913: {  	[timem:s3], [sflag:s2] =	dma.local @!p0 [hbm:s0], s1  }
0x914: {  	s0 =	simm.s32 @!p0 $0x5  }
0x915: {  	_ =	swait.ge @!p0 [sflag:s0], s1  }
0x916: {  	s1 =	ssub.s32 @!p0 $0x0, s1;
	[sflag:s0] =	ssyncset.done @!p0 $0x0  }
0x917: {  	[sflag:s0] =	ssyncadd.s32 @!p0 s1  }
0x918: {  	[bflag:$0x3] =	sbarrier.arrive $0xFFFF  }
0x919: {  	_ =	shalt  }

// kernel: sparse-core-data-format-call.cloned.1.call-start
scs
called_computation_lowered:
.L_overlay_start_0:
0x0: {  	s2 =	sld [smem:$0x3FD9]  }
0x1: {  	s3 =	sld [smem:$0x3FFE];
	_ =	sdelay $0x1  }
0x2: {  	s1 =	srdreg.scid  }
0x3: {  	s0 =	sand.u32 $0x1, s1  }
0x4: {  	s18 =	sshll.u32 s0, $0xA;
	s2 =	sadd.s32 s3, s2  }
0x5: {  	s2 =	sadd.s32 s2, s18  }
0x6: {  	[smem:$0x3FC6] =	sst s2  }
0x7: {  	_ = 	snop  }
0x8: {  	s2 =	sld [smem:$0x3FD0];
	(tm) =	ssettm $0x1  }
0x9: {  	s19 =	sld [smem:$0x3FFB];
	_ =	sdelay $0x3  }
0xa: {  	_ =	strace s19  }
0xb: {  	s3 =	sld [smem:$0x3FFC];
	_ =	sdelay $0x3  }
0xc: {  	_ =	strace s3  }
0xd: {  	s3 =	sld [smem:$0x3FFD];
	_ =	sdelay $0x3  }
0xe: {  	_ =	strace s3  }
0xf: {  	_ =	strace $0x8FFFFFFF  }
0x10: {  	s20 =	sld [smem:$0x3FDB];
	_ =	sdelay $0x1  }
0x11: {  	s4 =	simm.s32 $_scs_section_size  }
0x12: {  	s5 =	simm.s32 $_size__tile_overlayer_lowered;
	s6 =	simm.s32 $_tile_overlayer_lowered  }
0x13: {  	s23 =	simm.s32 $0x1BFF;
	s22 =	sshll.u32 s6, $0x1;
	s3 =	sadd.s32 s4, s20  }
0x14: {  	s7 =	simm.s32 $0x0;
	s21 =	sshll.u32 s5, $0x1;
	s5 =	sadd.s32 s22, s3  }
0x15: {  	[timem:s7], [sflag:s23] =	dma.local [hbm:s5], s21  }
0x16: {  	_ =	swait.ge [sflag:s23], s21  }
0x17: {  	s4 =	ssub.s32 $0x0, s21;
	[sflag:s23] =	ssyncset.done $0x0  }
0x18: {  	[sflag:s23] =	ssyncadd.s32 s4;
	_ =	sdelay $0x1  }
0x19: {  	s24 =	simm.s32 $0x1B8B  }
0x1a: {  	_ =	swait.ge [sflag:s24], $0x1  }
0x1b: {  	[sflag:s24] =	ssyncset.done $0x0  }
0x1c: {  	s26 =	simm.s32 $0x1B8E;
	s25 =	sld [smem:$0x3FFE];
	[sflag:s24] =	ssyncadd.s32 $0xFFFFFFFF  }
0x1d: {  	s27 =	simm.s32 $execute0_lowered;
	[smem:$0x3FD2] =	sst s26  }
0x1e: {  	s5 =	sshll.u32 s27, $0x1;
	_ =	strace $0x80000049;
	[dreg:$0x1] =	wrdreg $0xFFFFFFFF  }
0x1f: {  	s28 =	simm.s32 $_size_execute0_lowered;
	s3 =	sadd.s32 s3, s5;
	[dreg:$0x0] =	wrdreg $0x0  }
0x20: {  	s5 =	sshll.u32 s28, $0x1;
	[dreg:$0x2] =	wrdreg s3  }
0x21: {  	[dreg:$0x3] =	wrdreg s5  }
0x22: {  	[dreg:$0x4] =	wrdreg $0xC0  }
0x23: {  	_ =	task [dreg:s7], $0x5FFFF  }
0x24: {  	[dreg:$0x1] =	wrdreg $0xFFFFFFFF  }
0x25: {  	[dreg:$0x0] =	wrdreg $0x60  }
0x26: {  	[dreg:$0x2] =	wrdreg s25  }
0x27: {  	[dreg:$0x3] =	wrdreg s2  }
0x28: {  	[dreg:$0x4] =	wrdreg $0x9  }
0x29: {  	_ =	task.clear_ibuf [dreg:s7], $0x5FFFF;
	_ =	strace $0x90000049  }
0x2a: {  	s29 =	simm.s32 $0x9;
	_ =	strace $0x8000004B  }
0x2b: {  	_ =	swait.ge [sflag:s29], $0x1  }
0x2c: {  	[sflag:s29] =	ssyncadd.s32 $0xFFFFFFFF  }
0x2d: {  	_ =	strace $0x9000004B  }
0x2e: {  	_ =	sfence  }
0x2f: {  	s30 =	sld [smem:$0x0];
	_ =	sdelay $0x2  }
0x30: {  	s31 =	sshll.u32 s1, $0xD;
	s1 =	sshrl.u32 s1, $0x2  }
0x31: {  	s3 =	sand.u32 $0x4000, s31;
	s1 =	sadd.s32 s1, s30  }
0x32: {  	s0 =	sor.u32 s3, s0;
	s1 =	sshll.u32 s1, $0x11  }
0x33: {  	s0 =	sor.u32 s1, s0  }
0x34: {  	s0 =	sadd.s32 $0x8F2B, s0  }
0x35: {  	[sflag:s0] =	ssyncadd.remote.s32 $0x1  }
0x36: {  	_ =	sfence.sel $0xFFFF  }
0x37: {  	[dreg:$0x0] =	wrdreg $0xFFFFFFFF;
	(pc) =	sbr.abs _section_cstart, $3  }
0x38: {  	[dreg:$0x1] =	wrdreg $0xFFFFFFFF  }
0x39: {  	_ =	task.clear_ibuf [dreg:s7], $0x2FFFF;
	_ =	strace $0x9FFFFFFF  }
0x3a: {  	(tm) =	ssettm $0x7FFFFFFF  }
0x3b: {  	_ =	shalt  }
tec
execute0_lowered:
.L_overlay_start_1:
0x0: {  	(tag) =	ssettag $0x1  }
0x1: {  	s0 =	srdreg.scid  }
0x2: {  	s1 =	sshll.u32 s0, $0x4  }
0x3: {  	s6 =	rddreg [dreg:$0x0];
	s0 =	stileid.u32;
	s1 =	sand.u32 $0x10, s1  }
0x4: {  	s3 =	rddreg [dreg:$0x1];
	s1 =	sor.u32 s0, s1  }
0x5: {  	s5 =	simm.s32 $0x1;
	s31 =	simm.s32 $0x2;
	s2 =	sshll.u32 s1, $0x7  }
0x6: {  	s15 =	simm.s32 $0x0;
	s8 =	simm.s32 $0x320000;
	s4 =	ssub.s32 $0x4000, s2  }
0x7: {  	s14 =	simm.s32 $0x0;
	s9 =	simm.s32 $0x0;
	s30 =	sand.u32 $0xF80, s4  }
0x8: {  	s10 =	simm.s32 $0x0;
	s11 =	simm.s32 $0x0;
	p0 =	sne.s32 s30, $0x0  }
.Ltmp0:
0x9: {  	s7 =	sshrl.u32 s4, $0xC;
	s5 =	simm.s32 @!p0 $0x0;
	(pc) =	sbr.rel .LBB1_1-.Ltmp0, $4  }
0xa: {  	s13 =	simm.s32 $0x0;
	s1 =	rddreg [dreg:$0x2];
	s5 =	sadd.s32 s5, s7  }
0xb: {  	_ =	strace $0x8000004A;
	s4 =	simm.s32 $0x1;
	s5 =	smul.u32 $0xC8, s5  }
0xc: {  	s6 =	sadd.s32 $0x1000, s6;
	s12 =	smov.u32 s2;
	[sflag:s4] =	ssyncpa.u1 $0x0  }
0xd: {  	[sflag:s31] =	ssyncpa.u1 $0x0;
	p0 =	por $0x0, $0x0;
	s7 =	sor.u32 $0x1, s5  }
.LBB1_4:
0xe: {  	s20 =	sshra.s32 s20, $0x2;
	s27 =	sshll.u32 s9, $0xE  }
0xf: {  	s21 =	sand.u32 $0x78, s10;
	s22 =	sshll.u32 s10, $0x3;
	s24 =	sshll.u32 s9, $0x7  }
0x10: {  	p1 =	sgt.s32 s9, $0xC7;
	s30 =	sshra.s32 s9, $0x1F;
	s25 =	sshra.s32 s10, $0x1F  }
0x11: {  	s19 =	sadd.s32 s20, s19;
	s20 =	sand.u32 $0xFFFE0000, s27;
	s23 =	sand.u32 $0xFFFFFC00, s22  }
0x12: {  	v5 =	vld [tilespmem:s17+$0xFFFFFFD0];
	[tilespmem:s18+$0x2040 ss:$0x81] =	vst.msk $0xffff, v4;
	s22 =	sand.u32 $0x3C00, s22;
	s28 =	sand.u32 $0x380, s24;
	s31 =	sand.u32 s30, s9  }
0x13: {  	v58 =	vld [tilespmem:s17+$0xFFFFFFE0];
	[tilespmem:s18+$0x2850 ss:$0x81] =	vst.msk $0xffff, v3;
	s24 =	smov.u32 s10;
	s25 =	sand.u32 s25, s10;
	s20 =	sadd.s32 s23, s20  }
0x14: {  	v59 =	vld [tilespmem:s17+$0xFFFFFFF0];
	[tilespmem:s18+$0x3060 ss:$0x81] =	vst.msk $0xffff, v2;
	s21 =	sor.u32 s21, s22;
	s22 =	smov.u32 s9;
	s20 =	sshrl.u32 s20, $0xE  }
0x15: {  	v60 =	vld [tilespmem:s17+$0x0];
	[tilespmem:s18+$0x0 ss:$0x81] =	vst.msk $0xffff, v1;
	s22 =	simm.s32 @!p1 $0xC7;
	p1 =	sgt.s32 s10, $0x3F80;
	s29 =	smulhi.u32 $0x147AE15, s20  }
0x16: {  	v61 =	vld [tilespmem:s17+$0x10];
	[tilespmem:s19+$0x3870 ss:$0x81] =	vst.msk $0xffff, v0;
	s21 =	sor.u32 s28, s21;
	s18 =	ssub.s32 s22, s31;
	s24 =	simm.s32 @!p1 $0x3F80  }
0x17: {  	v62 =	vld [tilespmem:s17+$0x20];
	[tilespmem:s19+$0x810 ss:$0x81] =	vst.msk $0xffff, v5;
	s22 =	ssub.s32 s24, s25;
	s26 =	ssub.s32 $0xC8, s18;
	s23 =	smul.u32 $0xC8, s29  }
0x18: {  	v63 =	vld [tilespmem:s17+$0xFFFFFFC0];
	[tilespmem:s19+$0x1020 ss:$0x81] =	vst.msk $0xffff, v58;
	s27 =	sadd.s32 $0xFFFFFF39, s18;
	s18 =	smul.u32 $0x4E, s26;
	s28 =	sadd.s32 $0xFFFFC080, s22  }
0x19: {  	[tilespmem:s19+$0x1830 ss:$0x81] =	vst.msk $0xffff, v59;
	p1 =	sgt.s32 s27, $0x0;
	s17 =	ssub.s32 $0x4000, s22;
	p2 =	sgt.s32 s28, $0x7F  }
0x1a: {  	s30 =	sand.u32 $0x7, s10;
	[tilespmem:s19+$0x2040 ss:$0x81] =	vst.msk $0xffff, v60;
	s18 =	simm.s32 @p1 $0x0;
	s17 =	simm.s32 @p2 $0x0  }
0x1b: {  	[tilespmem:s19+$0x2850 ss:$0x81] =	vst.msk $0xffff, v61;
	s29 =	sshrl.u32 s21, $0x3;
	s20 =	ssub.s32 s20, s23;
	s17 =	smul.u32 s17, s18  }
0x1c: {  	[tilespmem:s19+$0x3060 ss:$0x81] =	vst.msk $0xffff, v62;
	s21 =	sshll.u32 s30, $0x12;
	s20 =	sshll.u32 s20, $0xB;
	s18 =	sadd.s32 s3, s29  }
0x1d: {  	[tilespmem:s19+$0x0 ss:$0x81] =	vst.msk $0xffff, v63;
	s31 =	sor.u32 $0x80, s21;
	s18 =	sadd.s32 s20, s18;
	s17 =	sand.u32 $0x3FFFFFFE, s17  }
0x1e: {  	[hbm4b:s18+s31] =	stream.strided.scatter [tilespmem:s16], [sflag:$0x2], s17, s8, s31, $0x20;
	[tilespmem:$0x10100] =	vst v63  }
.LBB1_5:
0x1f: {  	p1 =	slt.u32 s13, $0x2  }
0x20: {  	s17 =	smov.u32 s15;
	p2 =	sgt.s32 @!p1 s15, $0xC7;
	s16 =	sshra.s32 @!p1 s15, $0x1F  }
0x21: {  	p3 =	sgt.s32 @!p1 s14, $0x3F80;
	s18 =	sshra.s32 @!p1 s14, $0x1F;
	p2 =	por !p2, p1  }
0x22: {  	s15 =	sand.u32 @!p1 s16, s15;
	p3 =	por !p3, p1;
	s16 =	smov.u32 s14  }
0x23: {  	s14 =	sand.u32 @!p1 s18, s14;
	s17 =	simm.s32 @p2 $0xC7;
	s16 =	simm.s32 @p3 $0x3F80  }
0x24: {  	s18 =	smov.u32 s12;
	s15 =	ssub.s32 @!p1 s17, s15;
	s14 =	ssub.s32 @!p1 s16, s14  }
0x25: {  	s16 =	sadd.s32 @!p1 $0xFFFFFF39, s15;
	s15 =	ssub.s32 @!p1 $0xC8, s15;
	s17 =	sadd.s32 @!p1 $0xFFFFC080, s14  }
0x26: {  	p2 =	sgt.s32 @!p1 s16, $0x0;
	s15 =	smul.u32 @!p1 $0x4E, s15;
	p3 =	sgt.s32 @!p1 s17, $0x7F  }
0x27: {  	s14 =	ssub.s32 @!p1 $0x4000, s14;
	p2 =	por !p2, p1;
	p3 =	por !p3, p1  }
0x28: {  	s16 =	sadd.s32 $0x1, s11;
	s15 =	simm.s32 @!p2 $0x0;
	s14 =	simm.s32 @!p3 $0x0  }
0x29: {  	p2 =	sgt.s32 s16, $0xC7;
	s14 =	smul.u32 @!p1 s14, s15;
	s15 =	sadd.s32 $0x1000, s12  }
0x2a: {  	s18 =	smov.u32 @p2 s15  }
0x2b: {  	s16 =	simm.s32 @p2 $0x0;
	p2 =	sgt.s32 s18, $0x3FFF  }
0x2c: {  	s18 =	smov.u32 @p2 s2;
	p2 =	sne.s32 s13, s7  }
.Ltmp1:
0x2d: {  	p0 =	por !p0, !p0;
	s17 =	simm.s32 @!p1 $0x2;
	(pc) =	sbr.rel @!p2 .LBB1_6-.Ltmp1, $4  }
0x2e: {  	s15 =	smov.u32 s9;
	s9 =	smov.u32 s11;
	s14 =	sand.u32 @!p1 $0x3FFFFFFE, s14  }
0x2f: {  	s11 =	smov.u32 s16;
	_ =	swait.ge @!p1 [sflag:s17], s14;
	s19 =	ssub.s32 @!p1 $0x0, s14  }
0x30: {  	s14 =	smov.u32 s10;
	s13 =	sadd.s32 $0x1, s13;
	[sflag:s17] =	ssyncset.done @!p1 $0x0  }
0x31: {  	s10 =	smov.u32 s12;
	s12 =	smov.u32 s18;
	[sflag:s17] =	ssyncadd.s32 @!p1 s19  }
.LBB1_1:
0x32: {  	p1 =	sge.u32 s13, s5  }
0x33: {  	s16 =	sand.u32 @!p1 $0x1FFFFFF, s11  }
0x34: {  	s17 =	smulhi.u32 @!p1 $0x147AE15, s16;
	_ =	sdelay $0x1  }
0x35: {  	s17 =	smul.u32 @!p1 $0xC8, s17  }
0x36: {  	s18 =	sxor.u32 @!p1 $0xFFFFFFFF, s13;
	s19 =	smul.u32 @!p1 $0xC80, s12  }
0x37: {  	s31 =	sadd.s32 $0xFFFFFFFF, s13;
	s18 =	sshll.u32 @!p1 s18, $0xE;
	s16 =	ssub.s32 @!p1 s16, s17  }
0x38: {  	s17 =	sand.u32 @!p1 $0x4000, s18;
	s18 =	sadd.s32 @!p1 s6, s19;
	s16 =	sshll.u32 @!p1 s16, $0x4  }
0x39: {  	s19 =	simm.s32 @!p1 $0x6400;
	s16 =	sadd.s32 @!p1 s16, s18;
	s18 =	simm.s32 @!p1 $0x80  }
0x3a: {  	[tilespmem:s17], [sflag:$0x1] =	stream.strided.gather @!p1 [hbm4b:s16+s18], $0x4000, s19, s18, $0x38;
	[tilespmem:$0x10100] =	vst v63  }
0x3b: {  	p1 =	sge.u32 s31, s5  }
.Ltmp2:
0x3c: {  	_ = 	snop;
	(pc) =	sbr.rel @p1 .LBB1_5-.Ltmp2, $1  }
0x3d: {  	_ =	sdelay $0x3  }
0x3e: {  	s16 =	simm.s32 $0x1  }
0x3f: {  	_ =	swait.ge [sflag:s4], $0x4000;
	s16 =	simm.s32 @!p0 $0x0  }
0x40: {  	[sflag:s4] =	ssyncset.done $0x0;
	s17 =	sshll.u32 s16, $0xE  }
0x41: {  	[sflag:s4] =	ssyncadd.s32 $0xFFFFC000;
	s17 =	sor.u32 $0x40, s17  }
0x42: {  	s16 =	smul.u32 $0x10200, s16;
	v0 =	vld [tilespmem:s17+$0x30]  }
0x43: {  	v1 =	vld [tilespmem:s17+$0xFFFFFFD0]  }
0x44: {  	s16 =	sshrl.u32 s16, $0x2;
	v5 =	vld [tilespmem:s17+$0xFFFFFFE0]  }
0x45: {  	v6 =	vld [tilespmem:s17+$0xFFFFFFF0];
	s19 =	sor.u32 $0x8000, s16  }
0x46: {  	s31 =	sand.u32 $0x1, s13;
	v4 =	vld [tilespmem:s17+$0x0];
	s18 =	sadd.s32 $0x0, s19  }
0x47: {  	v3 =	vld [tilespmem:s17+$0x10];
	s16 =	smul.u32 $0x10200, s31;
	[tilespmem:s18+$0x3870 ss:$0x81] =	vst.msk $0xffff, v0  }
0x48: {  	v2 =	vld [tilespmem:s17+$0x20];
	[tilespmem:s18+$0x810 ss:$0x81] =	vst.msk $0xffff, v1  }
0x49: {  	s16 =	sshrl.u32 s16, $0x2;
	v1 =	vld [tilespmem:s17+$0xFFFFFFC0];
	[tilespmem:s18+$0x1020 ss:$0x81] =	vst.msk $0xffff, v5;
	s17 =	sadd.s32 $0x80, s17  }
0x4a: {  	s20 =	simm.s32 $0x4;
	s21 =	simm.s32 $0x8;
	s16 =	sor.u32 $0x8000, s16;
	[tilespmem:s18+$0x1830 ss:$0x81] =	vst.msk $0xffff, v6;
	v0 =	vld [tilespmem:s17+$0x30]  }
.LBB1_3:
0x4b: {  	p1 =	sne.s32 s21, $0x1FC;
	v5 =	vld [tilespmem:s17+$0xFFFFFFD0];
	[tilespmem:s18+$0x2040 ss:$0x81] =	vst.msk $0xffff, v4  }
0x4c: {  	v6 =	vld [tilespmem:s17+$0xFFFFFFE0];
	[tilespmem:s18+$0x2850 ss:$0x81] =	vst.msk $0xffff, v3  }
0x4d: {  	s22 =	sshra.s32 s20, $0x2;
	s20 =	smov.u32 s21;
	v7 =	vld [tilespmem:s17+$0xFFFFFFF0];
	[tilespmem:s18+$0x3060 ss:$0x81] =	vst.msk $0xffff, v2  }
.Ltmp3:
0x4e: {  	v4 =	vld [tilespmem:s17+$0x0];
	[tilespmem:s18+$0x0 ss:$0x81] =	vst.msk $0xffff, v1;
	s18 =	sadd.s32 s22, s19;
	(pc) =	sbr.rel @p1 .LBB1_3-.Ltmp3, $4  }
0x4f: {  	v3 =	vld [tilespmem:s17+$0x10];
	[tilespmem:s18+$0x3870 ss:$0x81] =	vst.msk $0xffff, v0  }
0x50: {  	[tilespmem:s18+$0x810 ss:$0x81] =	vst.msk $0xffff, v5;
	v2 =	vld [tilespmem:s17+$0x20]  }
0x51: {  	v1 =	vld [tilespmem:s17+$0xFFFFFFC0];
	[tilespmem:s18+$0x1020 ss:$0x81] =	vst.msk $0xffff, v6;
	s17 =	sadd.s32 $0x80, s17  }
0x52: {  	s21 =	sadd.s32 $0x4, s21;
	v0 =	vld [tilespmem:s17+$0x30];
	[tilespmem:s18+$0x1830 ss:$0x81] =	vst.msk $0xffff, v7  }
.Ltmp4:
0x53: {  	_ = 	snop;
	(pc) =	sbr.rel .LBB1_4-.Ltmp4, $1  }
0x54: {  	_ =	sdelay $0x3  }
.LBB1_6:
0x55: {  	_ =	sfence.sel $0x180000  }
0x56: {  	s2 =	simm.s32 $0x1;
	[bflag:$0x0] =	sbarrier.arrive $0xFFFF  }
0x57: {  	s31 =	simm.s32 $0x2;
	[sflag:s2] =	ssyncpa.u1 $0x1  }
0x58: {  	[sflag:s31] =	ssyncpa.u1 $0x1  }
0x59: {  	p0 =	sne.s32 s0, $0x0;
	_ =	strace $0x9000004A  }
0x5a: {  	s0 =	sadd.s32 @!p0 $0x100000, s1;
	[bflag:$0x2] =	sbarrier.arrive $0xFFFF  }
0x5b: {  	[sflag:s0] =	ssyncadd.tile.s32 @!p0 $0x1;
	_ =	shalt  }
.Lfunc_end1:
_tile_overlayer_lowered:
.L_overlay_start_2:
0x5c: {  	(tag) =	ssettag $0x2  }
0x5d: {  	s0 =	rddreg [dreg:$0x0];
	s2 =	stileid.u32  }
0x5e: {  	s1 =	rddreg [dreg:$0x1];
	p0 =	sne.s32 s2, $0x0  }
0x5f: {  	s3 =	rddreg [dreg:$0x2];
	[bflag:$0x3] =	sbarrier.arrive $0xFFFF;
	s2 =	simm.s32 @!p0 $0x1C01  }
0x60: {  	[timem:s3], [sflag:s2] =	dma.local @!p0 [hbm:s0], s1  }
0x61: {  	s0 =	simm.s32 @!p0 $0x1  }
0x62: {  	_ =	swait.ge @!p0 [sflag:s0], s1  }
0x63: {  	s1 =	ssub.s32 @!p0 $0x0, s1;
	[sflag:s0] =	ssyncset.done @!p0 $0x0  }
0x64: {  	[sflag:s0] =	ssyncadd.s32 @!p0 s1  }
0x65: {  	[bflag:$0x3] =	sbarrier.arrive $0xFFFF  }
0x66: {  	_ =	shalt  }

</sc_bundles>
